<compile_context>
chip_gen: v7x
topology: tpu7x:2x2x1
jax: 0.10.2.dev20260603
libtpu: 0.0.44.dev20260713+nightly
codegen_flags: <defaults>
</compile_context>

<pallas_src>
import functools

import jax
import jax.numpy as jnp
from jax import lax
from jax.experimental import pallas as pl
from jax.experimental.pallas import tpu as pltpu
from jax.experimental.pallas import tpu_sc as plsc

B, H, W = 64, 512, 512
SIZE = H * W
CH = 16384
NCH = SIZE // CH
L = 16

_NC = 2
_NS = 16
_NW = _NC * _NS
_RPW = B // _NW


def _make_roll_kernel():
    mesh = plsc.VectorSubcoreMesh(core_axis_name="c", subcore_axis_name="s")

    @functools.partial(
        pl.kernel,
        out_type=jax.ShapeDtypeStruct((B * SIZE,), jnp.float32),
        mesh=mesh,
        scratch_types=[
            pltpu.MemorySpace.VMEM((L,), jnp.int32),
            pltpu.MemorySpace.VMEM((2 * CH,), jnp.float32),
            pltpu.MemorySpace.VMEM((CH,), jnp.float32),
        ],
    )
    def roll_k(x_hbm, svec_hbm, out_hbm, svec_v, buf, obuf):
        wid = lax.axis_index("s") * _NC + lax.axis_index("c")
        pltpu.sync_copy(svec_hbm, svec_v)
        s = svec_v[...][0]

        for r in range(_RPW):
            b = wid * _RPW + r
            row0 = b * SIZE
            for c in range(NCH):
                o0 = c * CH
                g = lax.rem(o0 - s + SIZE, SIZE)
                start1 = (g // CH) * CH
                start2 = lax.rem(start1 + CH, SIZE)
                d = g - start1
                pltpu.sync_copy(x_hbm.at[pl.ds(row0 + start1, CH)],
                                buf.at[pl.ds(0, CH)])
                pltpu.sync_copy(x_hbm.at[pl.ds(row0 + start2, CH)],
                                buf.at[pl.ds(CH, CH)])

                def shift_copy(j, carry):
                    obuf[pl.ds(j * L, L)] = buf[pl.ds(d + j * L, L)]
                    return carry

                lax.fori_loop(0, CH // L, shift_copy, 0)
                pltpu.sync_copy(obuf, out_hbm.at[pl.ds(row0 + o0, CH)])

    return roll_k


_roll = _make_roll_kernel()


@jax.jit
def kernel(x, weights_row, weights_column):
    b, h, w = x.shape
    size = h * w
    shift = jnp.round(weights_row + h * weights_column).astype(jnp.int32)
    s = jnp.mod(shift, size).astype(jnp.int32)
    svec = jnp.where(jnp.arange(L) == 0, s, 0).astype(jnp.int32)
    out = _roll(x.reshape(-1), svec)
    return out.reshape(b, h, w)

# --- scband reference (transcript-rebuilt; emitter-appended) ---
"""Pipeline reference for scband-shift-pixels-nn-4990751997953 (READ-ONLY COPY).

The authoritative reference and input builder live on the scoring server;
editing this copy changes nothing except your own understanding.
"""

import jax, jax.numpy as jnp
import numpy as np


def setup_inputs(seed: int = 0) -> dict:
    key = jax.random.key(seed)
    x = jax.random.normal(key, (64, 512, 512), dtype=jnp.float32)
    # learned scalar shift parameters (original inits both to float(size)=262144,
    # which is identity under mod; use small nontrivial values for a meaningful scatter)
    weights_row = jnp.asarray(7.0, dtype=jnp.float32)
    weights_column = jnp.asarray(13.0, dtype=jnp.float32)
    return {"x": x, "weights_row": weights_row, "weights_column": weights_column}


def reference(x, weights_row, weights_column):
    # Faithful translation of ShiftPixelsNN:
    #   flatten -> shifted[i + w_row + row_length * w_col] = x[i] -> unflatten
    # Target indices are wrapped mod size to stay in range (the original torch
    # code indexes out of bounds otherwise). Scatter-overwrite into zeros.
    B, H, W = x.shape
    size = H * W
    row_length = H
    flat = x.reshape(B, size)
    shift = jnp.round(weights_row + row_length * weights_column).astype(jnp.int32)
    idx = jnp.arange(size, dtype=jnp.int32)
    tgt = jnp.mod(idx + shift, size)
    out = jnp.zeros_like(flat).at[:, tgt].set(flat)
    return out.reshape(B, H, W)

if __name__ == "__main__":
    import jax
    _d = setup_inputs()
    print(jax.jit(kernel)(*tuple(_d.values())))

</pallas_src>

<mosaic_0001>
#map = affine_map<(d0, d1) -> (0)>
module attributes {stable_mosaic.version = 14 : i64} {
  func.func @roll_k(%arg0: i32, %arg1: i32, %arg2: memref<16777216xf32, #tpu.memory_space<hbm>>, %arg3: memref<16xi32, #tpu.memory_space<hbm>>, %arg4: memref<16777216xf32, #tpu.memory_space<hbm>>, %arg5: memref<16xi32, #tpu.memory_space<vmem>>, %arg6: memref<32768xf32, #tpu.memory_space<vmem>>, %arg7: memref<16384xf32, #tpu.memory_space<vmem>>) attributes {dimension_semantics = [#tpu.dimension_semantics<core_parallel>, #tpu.dimension_semantics<subcore_parallel>], iteration_bounds = array<i64: 2, 16>, scalar_prefetch = 0 : i64, scratch_operands = 3 : i64, tpu.core_type = #tpu.core_type<sc_vector_subcore>, window_params = [{transform_indices = #map}, {transform_indices = #map}, {transform_indices = #map}]} {
    %mul3A = arith.constant 2 : i32
    %mul3A_0 = arith.muli %arg1, %mul3A : i32
    %add3A = arith.addi %mul3A_0, %arg0 : i32
    "tpu.region"() ({
      %run_scoped3A = tpu.sem_alloc : memref<!tpu.dma_semaphore, #tpu.memory_space<semaphore_mem>>
      tpu.enqueue_dma source(%arg3 : memref<16xi32, #tpu.memory_space<hbm>>) target(%arg5 : memref<16xi32, #tpu.memory_space<vmem>>) target_semaphore(%run_scoped3A : memref<!tpu.dma_semaphore, #tpu.memory_space<semaphore_mem>>)
      tpu.wait_dma2 semaphore(%run_scoped3A : memref<!tpu.dma_semaphore, #tpu.memory_space<semaphore_mem>>) src(%arg3 : memref<16xi32, #tpu.memory_space<hbm>>) dst(%arg5 : memref<16xi32, #tpu.memory_space<vmem>>)
      tpu.yield
    }) : () -> ()
    %get3A = arith.constant 0 : index
    %get3A_1 = tpu.vector_load %arg5[%get3A] {strides = array<i32>} : memref<16xi32, #tpu.memory_space<vmem>>, vector<16xi32>,
    %get3A_2 = vector.shape_cast %get3A_1 : vector<16xi32> to vector<16xi32>
    %slice3A = vector.extract_strided_slice %get3A_2 {offsets = [0], sizes = [1], strides = [1]} : vector<16xi32> to vector<1xi32>
    %squeeze3A = vector.extract %slice3A[0] : i32 from vector<1xi32>
    %mul3A_3 = arith.constant 2 : i32
    %mul3A_4 = arith.muli %add3A, %mul3A_3 : i32
    %add3A_5 = arith.constant 0 : i32
    %add3A_6 = arith.addi %mul3A_4, %add3A_5 : i32
    %mul3A_7 = arith.constant 262144 : i32
    %mul3A_8 = arith.muli %add3A_6, %mul3A_7 : i32
    %sub3A = arith.constant 0 : i32
    %sub3A_9 = arith.subi %sub3A, %squeeze3A : i32
    %add3A_10 = arith.constant 262144 : i32
    %add3A_11 = arith.addi %sub3A_9, %add3A_10 : i32
    %rem3A = arith.constant 262144 : i32
    %rem3A_12 = arith.remsi %add3A_11, %rem3A : i32
    %jit3A = arith.constant 16384 : i32
    %div3A = arith.divsi %rem3A_12, %jit3A : i32
    %sign3A = arith.constant 0 : i32
    %sign3A_13 = arith.cmpi sgt, %rem3A_12, %sign3A : i32
    %sign3A_14 = arith.extui %sign3A_13 : i1 to i32
    %sign3A_15 = arith.constant 0 : i32
    %sign3A_16 = arith.cmpi slt, %rem3A_12, %sign3A_15 : i32
    %sign3A_17 = arith.extui %sign3A_16 : i1 to i32
    %sign3A_18 = arith.subi %sign3A_14, %sign3A_17 : i32
    %sign3A_19 = arith.constant 0 : i32
    %sign3A_20 = arith.cmpi sgt, %jit3A, %sign3A_19 : i32
    %sign3A_21 = arith.extui %sign3A_20 : i1 to i32
    %sign3A_22 = arith.constant 0 : i32
    %sign3A_23 = arith.cmpi slt, %jit3A, %sign3A_22 : i32
    %sign3A_24 = arith.extui %sign3A_23 : i1 to i32
    %sign3A_25 = arith.subi %sign3A_21, %sign3A_24 : i32
    %ne3A = arith.cmpi ne, %sign3A_18, %sign3A_25 : i32
    %rem3A_26 = arith.remsi %rem3A_12, %jit3A : i32
    %ne3A_27 = arith.constant 0 : i32
    %ne3A_28 = arith.cmpi ne, %rem3A_26, %ne3A_27 : i32
    %and3A = arith.andi %ne3A, %ne3A_28 : i1
    %sub3A_29 = arith.constant 1 : i32
    %sub3A_30 = arith.subi %div3A, %sub3A_29 : i32
    %select_n3A = arith.select %and3A, %sub3A_30, %div3A : i32
    %mul3A_31 = arith.constant 16384 : i32
    %mul3A_32 = arith.muli %select_n3A, %mul3A_31 : i32
    %add3A_33 = arith.constant 16384 : i32
    %add3A_34 = arith.addi %mul3A_32, %add3A_33 : i32
    %rem3A_35 = arith.constant 262144 : i32
    %rem3A_36 = arith.remsi %add3A_34, %rem3A_35 : i32
    %sub3A_37 = arith.subi %rem3A_12, %mul3A_32 : i32
    %add3A_38 = arith.addi %mul3A_8, %mul3A_32 : i32
    "tpu.region"() ({
      %run_scoped3A = tpu.sem_alloc : memref<!tpu.dma_semaphore, #tpu.memory_space<semaphore_mem>>
      %dma_start3A = arith.constant 0 : i32
      %dma_start3A_1510 = tpu.memref_slice %arg6[%dma_start3A] : memref<32768xf32, #tpu.memory_space<vmem>> -> memref<16384xf32, #tpu.memory_space<vmem>>
      %dma_start3A_1511 = tpu.memref_slice %arg2[%add3A_38] : memref<16777216xf32, #tpu.memory_space<hbm>> -> memref<16384xf32, #tpu.memory_space<hbm>>
      %dma_start3A_1512 = arith.constant 0 : i32
      %dma_start3A_1513 = tpu.memref_slice %arg6[%dma_start3A_1512] : memref<32768xf32, #tpu.memory_space<vmem>> -> memref<16384xf32, #tpu.memory_space<vmem>>
      %dma_start3A_1514 = tpu.memref_slice %arg2[%add3A_38] : memref<16777216xf32, #tpu.memory_space<hbm>> -> memref<16384xf32, #tpu.memory_space<hbm>>
      tpu.enqueue_dma source(%dma_start3A_1514 : memref<16384xf32, #tpu.memory_space<hbm>>) target(%dma_start3A_1513 : memref<16384xf32, #tpu.memory_space<vmem>>) target_semaphore(%run_scoped3A : memref<!tpu.dma_semaphore, #tpu.memory_space<semaphore_mem>>)
      %dma_wait3A = arith.constant 0 : i32
      %dma_wait3A_1515 = tpu.memref_slice %arg6[%dma_wait3A] : memref<32768xf32, #tpu.memory_space<vmem>> -> memref<16384xf32, #tpu.memory_space<vmem>>
      %dma_wait3A_1516 = tpu.memref_slice %arg2[%add3A_38] : memref<16777216xf32, #tpu.memory_space<hbm>> -> memref<16384xf32, #tpu.memory_space<hbm>>
      %dma_wait3A_1517 = arith.constant 0 : i32
      %dma_wait3A_1518 = tpu.memref_slice %arg6[%dma_wait3A_1517] : memref<32768xf32, #tpu.memory_space<vmem>> -> memref<16384xf32, #tpu.memory_space<vmem>>
      %dma_wait3A_1519 = tpu.memref_slice %arg2[%add3A_38] : memref<16777216xf32, #tpu.memory_space<hbm>> -> memref<16384xf32, #tpu.memory_space<hbm>>
      tpu.wait_dma2 semaphore(%run_scoped3A : memref<!tpu.dma_semaphore, #tpu.memory_space<semaphore_mem>>) src(%dma_wait3A_1519 : memref<16384xf32, #tpu.memory_space<hbm>>) dst(%dma_wait3A_1518 : memref<16384xf32, #tpu.memory_space<vmem>>)
      tpu.yield
    }) : () -> ()
    %add3A_39 = arith.addi %mul3A_8, %rem3A_36 : i32
    "tpu.region"() ({
      %run_scoped3A = tpu.sem_alloc : memref<!tpu.dma_semaphore, #tpu.memory_space<semaphore_mem>>
      %dma_start3A = arith.constant 16384 : i32
      %dma_start3A_1510 = tpu.memref_slice %arg6[%dma_start3A] : memref<32768xf32, #tpu.memory_space<vmem>> -> memref<16384xf32, #tpu.memory_space<vmem>>
      %dma_start3A_1511 = tpu.memref_slice %arg2[%add3A_39] : memref<16777216xf32, #tpu.memory_space<hbm>> -> memref<16384xf32, #tpu.memory_space<hbm>>
      %dma_start3A_1512 = arith.constant 16384 : i32
      %dma_start3A_1513 = tpu.memref_slice %arg6[%dma_start3A_1512] : memref<32768xf32, #tpu.memory_space<vmem>> -> memref<16384xf32, #tpu.memory_space<vmem>>
      %dma_start3A_1514 = tpu.memref_slice %arg2[%add3A_39] : memref<16777216xf32, #tpu.memory_space<hbm>> -> memref<16384xf32, #tpu.memory_space<hbm>>
      tpu.enqueue_dma source(%dma_start3A_1514 : memref<16384xf32, #tpu.memory_space<hbm>>) target(%dma_start3A_1513 : memref<16384xf32, #tpu.memory_space<vmem>>) target_semaphore(%run_scoped3A : memref<!tpu.dma_semaphore, #tpu.memory_space<semaphore_mem>>)
      %dma_wait3A = arith.constant 16384 : i32
      %dma_wait3A_1515 = tpu.memref_slice %arg6[%dma_wait3A] : memref<32768xf32, #tpu.memory_space<vmem>> -> memref<16384xf32, #tpu.memory_space<vmem>>
      %dma_wait3A_1516 = tpu.memref_slice %arg2[%add3A_39] : memref<16777216xf32, #tpu.memory_space<hbm>> -> memref<16384xf32, #tpu.memory_space<hbm>>
      %dma_wait3A_1517 = arith.constant 16384 : i32
      %dma_wait3A_1518 = tpu.memref_slice %arg6[%dma_wait3A_1517] : memref<32768xf32, #tpu.memory_space<vmem>> -> memref<16384xf32, #tpu.memory_space<vmem>>
      %dma_wait3A_1519 = tpu.memref_slice %arg2[%add3A_39] : memref<16777216xf32, #tpu.memory_space<hbm>> -> memref<16384xf32, #tpu.memory_space<hbm>>
      tpu.wait_dma2 semaphore(%run_scoped3A : memref<!tpu.dma_semaphore, #tpu.memory_space<semaphore_mem>>) src(%dma_wait3A_1519 : memref<16384xf32, #tpu.memory_space<hbm>>) dst(%dma_wait3A_1518 : memref<16384xf32, #tpu.memory_space<vmem>>)
      tpu.yield
    }) : () -> ()
    %scan3A = arith.constant 0 : i32
    %scan3A_40 = arith.constant 0 : i32
    %scan3A_41 = arith.constant 1024 : i32
    %scan3A_42 = arith.addi %scan3A_40, %scan3A_41 : i32
    %scan3A_43 = arith.constant 1 : i32
    scf.for %scan3A_1510 = %scan3A_40 to %scan3A_42 step %scan3A_43  : i32 {
      %mul3A_1511 = arith.constant 16 : i32
      %mul3A_1512 = arith.muli %scan3A_1510, %mul3A_1511 : i32
      %add3A_1513 = arith.addi %sub3A_37, %mul3A_1512 : i32
      %get3A_1514 = arith.index_cast %add3A_1513 : i32 to index
      %get3A_1515 = tpu.vector_load %arg6[%get3A_1514] {strides = array<i32>} : memref<32768xf32, #tpu.memory_space<vmem>>, vector<16xf32>,
      %get3A_1516 = vector.shape_cast %get3A_1515 : vector<16xf32> to vector<16xf32>
      %mul3A_1517 = arith.constant 16 : i32
      %mul3A_1518 = arith.muli %scan3A_1510, %mul3A_1517 : i32
      %swap3A = arith.index_cast %mul3A_1518 : i32 to index
      %swap3A_1519 = tpu.vector_load %arg7[%swap3A] {strides = array<i32>} : memref<16384xf32, #tpu.memory_space<vmem>>, vector<16xf32>,
      %swap3A_1520 = vector.shape_cast %swap3A_1519 : vector<16xf32> to vector<16xf32>
      %swap3A_1521 = vector.shape_cast %get3A_1516 : vector<16xf32> to vector<16xf32>
      tpu.vector_store %arg7[%swap3A], %swap3A_1521 {strides = array<i32>} : memref<16384xf32, #tpu.memory_space<vmem>>, vector<16xf32>,
    }
    %scan3A_44 = arith.constant 1024 : i32
    %add3A_45 = arith.constant 0 : i32
    %add3A_46 = arith.addi %mul3A_8, %add3A_45 : i32
    "tpu.region"() ({
      %run_scoped3A = tpu.sem_alloc : memref<!tpu.dma_semaphore, #tpu.memory_space<semaphore_mem>>
      %dma_start3A = tpu.memref_slice %arg4[%add3A_46] : memref<16777216xf32, #tpu.memory_space<hbm>> -> memref<16384xf32, #tpu.memory_space<hbm>>
      %dma_start3A_1510 = tpu.memref_slice %arg4[%add3A_46] : memref<16777216xf32, #tpu.memory_space<hbm>> -> memref<16384xf32, #tpu.memory_space<hbm>>
      tpu.enqueue_dma source(%arg7 : memref<16384xf32, #tpu.memory_space<vmem>>) target(%dma_start3A_1510 : memref<16384xf32, #tpu.memory_space<hbm>>) target_semaphore(%run_scoped3A : memref<!tpu.dma_semaphore, #tpu.memory_space<semaphore_mem>>)
      %dma_wait3A = tpu.memref_slice %arg4[%add3A_46] : memref<16777216xf32, #tpu.memory_space<hbm>> -> memref<16384xf32, #tpu.memory_space<hbm>>
      %dma_wait3A_1511 = tpu.memref_slice %arg4[%add3A_46] : memref<16777216xf32, #tpu.memory_space<hbm>> -> memref<16384xf32, #tpu.memory_space<hbm>>
      tpu.wait_dma2 semaphore(%run_scoped3A : memref<!tpu.dma_semaphore, #tpu.memory_space<semaphore_mem>>) src(%arg7 : memref<16384xf32, #tpu.memory_space<vmem>>) dst(%dma_wait3A_1511 : memref<16384xf32, #tpu.memory_space<hbm>>)
      tpu.yield
    }) : () -> ()
    %sub3A_47 = arith.constant 16384 : i32
    %sub3A_48 = arith.subi %sub3A_47, %squeeze3A : i32
    %add3A_49 = arith.constant 262144 : i32
    %add3A_50 = arith.addi %sub3A_48, %add3A_49 : i32
    %rem3A_51 = arith.constant 262144 : i32
    %rem3A_52 = arith.remsi %add3A_50, %rem3A_51 : i32
    %jit3A_53 = arith.constant 16384 : i32
    %div3A_54 = arith.divsi %rem3A_52, %jit3A_53 : i32
    %sign3A_55 = arith.constant 0 : i32
    %sign3A_56 = arith.cmpi sgt, %rem3A_52, %sign3A_55 : i32
    %sign3A_57 = arith.extui %sign3A_56 : i1 to i32
    %sign3A_58 = arith.constant 0 : i32
    %sign3A_59 = arith.cmpi slt, %rem3A_52, %sign3A_58 : i32
    %sign3A_60 = arith.extui %sign3A_59 : i1 to i32
    %sign3A_61 = arith.subi %sign3A_57, %sign3A_60 : i32
    %sign3A_62 = arith.constant 0 : i32
    %sign3A_63 = arith.cmpi sgt, %jit3A_53, %sign3A_62 : i32
    %sign3A_64 = arith.extui %sign3A_63 : i1 to i32
    %sign3A_65 = arith.constant 0 : i32
    %sign3A_66 = arith.cmpi slt, %jit3A_53, %sign3A_65 : i32
    %sign3A_67 = arith.extui %sign3A_66 : i1 to i32
    %sign3A_68 = arith.subi %sign3A_64, %sign3A_67 : i32
    %ne3A_69 = arith.cmpi ne, %sign3A_61, %sign3A_68 : i32
    %rem3A_70 = arith.remsi %rem3A_52, %jit3A_53 : i32
    %ne3A_71 = arith.constant 0 : i32
    %ne3A_72 = arith.cmpi ne, %rem3A_70, %ne3A_71 : i32
    %and3A_73 = arith.andi %ne3A_69, %ne3A_72 : i1
    %sub3A_74 = arith.constant 1 : i32
    %sub3A_75 = arith.subi %div3A_54, %sub3A_74 : i32
    %select_n3A_76 = arith.select %and3A_73, %sub3A_75, %div3A_54 : i32
    %mul3A_77 = arith.constant 16384 : i32
    %mul3A_78 = arith.muli %select_n3A_76, %mul3A_77 : i32
    %add3A_79 = arith.constant 16384 : i32
    %add3A_80 = arith.addi %mul3A_78, %add3A_79 : i32
    %rem3A_81 = arith.constant 262144 : i32
    %rem3A_82 = arith.remsi %add3A_80, %rem3A_81 : i32
    %sub3A_83 = arith.subi %rem3A_52, %mul3A_78 : i32
    %add3A_84 = arith.addi %mul3A_8, %mul3A_78 : i32
    "tpu.region"() ({
      %run_scoped3A = tpu.sem_alloc : memref<!tpu.dma_semaphore, #tpu.memory_space<semaphore_mem>>
      %dma_start3A = arith.constant 0 : i32
      %dma_start3A_1510 = tpu.memref_slice %arg6[%dma_start3A] : memref<32768xf32, #tpu.memory_space<vmem>> -> memref<16384xf32, #tpu.memory_space<vmem>>
      %dma_start3A_1511 = tpu.memref_slice %arg2[%add3A_84] : memref<16777216xf32, #tpu.memory_space<hbm>> -> memref<16384xf32, #tpu.memory_space<hbm>>
      %dma_start3A_1512 = arith.constant 0 : i32
      %dma_start3A_1513 = tpu.memref_slice %arg6[%dma_start3A_1512] : memref<32768xf32, #tpu.memory_space<vmem>> -> memref<16384xf32, #tpu.memory_space<vmem>>
      %dma_start3A_1514 = tpu.memref_slice %arg2[%add3A_84] : memref<16777216xf32, #tpu.memory_space<hbm>> -> memref<16384xf32, #tpu.memory_space<hbm>>
      tpu.enqueue_dma source(%dma_start3A_1514 : memref<16384xf32, #tpu.memory_space<hbm>>) target(%dma_start3A_1513 : memref<16384xf32, #tpu.memory_space<vmem>>) target_semaphore(%run_scoped3A : memref<!tpu.dma_semaphore, #tpu.memory_space<semaphore_mem>>)
      %dma_wait3A = arith.constant 0 : i32
      %dma_wait3A_1515 = tpu.memref_slice %arg6[%dma_wait3A] : memref<32768xf32, #tpu.memory_space<vmem>> -> memref<16384xf32, #tpu.memory_space<vmem>>
      %dma_wait3A_1516 = tpu.memref_slice %arg2[%add3A_84] : memref<16777216xf32, #tpu.memory_space<hbm>> -> memref<16384xf32, #tpu.memory_space<hbm>>
      %dma_wait3A_1517 = arith.constant 0 : i32
      %dma_wait3A_1518 = tpu.memref_slice %arg6[%dma_wait3A_1517] : memref<32768xf32, #tpu.memory_space<vmem>> -> memref<16384xf32, #tpu.memory_space<vmem>>
      %dma_wait3A_1519 = tpu.memref_slice %arg2[%add3A_84] : memref<16777216xf32, #tpu.memory_space<hbm>> -> memref<16384xf32, #tpu.memory_space<hbm>>
      tpu.wait_dma2 semaphore(%run_scoped3A : memref<!tpu.dma_semaphore, #tpu.memory_space<semaphore_mem>>) src(%dma_wait3A_1519 : memref<16384xf32, #tpu.memory_space<hbm>>) dst(%dma_wait3A_1518 : memref<16384xf32, #tpu.memory_space<vmem>>)
      tpu.yield
    }) : () -> ()
    %add3A_85 = arith.addi %mul3A_8, %rem3A_82 : i32
    "tpu.region"() ({
      %run_scoped3A = tpu.sem_alloc : memref<!tpu.dma_semaphore, #tpu.memory_space<semaphore_mem>>
      %dma_start3A = arith.constant 16384 : i32
      %dma_start3A_1510 = tpu.memref_slice %arg6[%dma_start3A] : memref<32768xf32, #tpu.memory_space<vmem>> -> memref<16384xf32, #tpu.memory_space<vmem>>
      %dma_start3A_1511 = tpu.memref_slice %arg2[%add3A_85] : memref<16777216xf32, #tpu.memory_space<hbm>> -> memref<16384xf32, #tpu.memory_space<hbm>>
      %dma_start3A_1512 = arith.constant 16384 : i32
      %dma_start3A_1513 = tpu.memref_slice %arg6[%dma_start3A_1512] : memref<32768xf32, #tpu.memory_space<vmem>> -> memref<16384xf32, #tpu.memory_space<vmem>>
      %dma_start3A_1514 = tpu.memref_slice %arg2[%add3A_85] : memref<16777216xf32, #tpu.memory_space<hbm>> -> memref<16384xf32, #tpu.memory_space<hbm>>
      tpu.enqueue_dma source(%dma_start3A_1514 : memref<16384xf32, #tpu.memory_space<hbm>>) target(%dma_start3A_1513 : memref<16384xf32, #tpu.memory_space<vmem>>) target_semaphore(%run_scoped3A : memref<!tpu.dma_semaphore, #tpu.memory_space<semaphore_mem>>)
      %dma_wait3A = arith.constant 16384 : i32
      %dma_wait3A_1515 = tpu.memref_slice %arg6[%dma_wait3A] : memref<32768xf32, #tpu.memory_space<vmem>> -> memref<16384xf32, #tpu.memory_space<vmem>>
      %dma_wait3A_1516 = tpu.memref_slice %arg2[%add3A_85] : memref<16777216xf32, #tpu.memory_space<hbm>> -> memref<16384xf32, #tpu.memory_space<hbm>>
      %dma_wait3A_1517 = arith.constant 16384 : i32
      %dma_wait3A_1518 = tpu.memref_slice %arg6[%dma_wait3A_1517] : memref<32768xf32, #tpu.memory_space<vmem>> -> memref<16384xf32, #tpu.memory_space<vmem>>
      %dma_wait3A_1519 = tpu.memref_slice %arg2[%add3A_85] : memref<16777216xf32, #tpu.memory_space<hbm>> -> memref<16384xf32, #tpu.memory_space<hbm>>
      tpu.wait_dma2 semaphore(%run_scoped3A : memref<!tpu.dma_semaphore, #tpu.memory_space<semaphore_mem>>) src(%dma_wait3A_1519 : memref<16384xf32, #tpu.memory_space<hbm>>) dst(%dma_wait3A_1518 : memref<16384xf32, #tpu.memory_space<vmem>>)
      tpu.yield
    }) : () -> ()
    %scan3A_86 = arith.constant 0 : i32
    %scan3A_87 = arith.constant 0 : i32
    %scan3A_88 = arith.constant 1024 : i32
    %scan3A_89 = arith.addi %scan3A_87, %scan3A_88 : i32
    %scan3A_90 = arith.constant 1 : i32
    scf.for %scan3A_1510 = %scan3A_87 to %scan3A_89 step %scan3A_90  : i32 {
      %mul3A_1511 = arith.constant 16 : i32
      %mul3A_1512 = arith.muli %scan3A_1510, %mul3A_1511 : i32
      %add3A_1513 = arith.addi %sub3A_83, %mul3A_1512 : i32
      %get3A_1514 = arith.index_cast %add3A_1513 : i32 to index
      %get3A_1515 = tpu.vector_load %arg6[%get3A_1514] {strides = array<i32>} : memref<32768xf32, #tpu.memory_space<vmem>>, vector<16xf32>,
      %get3A_1516 = vector.shape_cast %get3A_1515 : vector<16xf32> to vector<16xf32>
      %mul3A_1517 = arith.constant 16 : i32
      %mul3A_1518 = arith.muli %scan3A_1510, %mul3A_1517 : i32
      %swap3A = arith.index_cast %mul3A_1518 : i32 to index
      %swap3A_1519 = tpu.vector_load %arg7[%swap3A] {strides = array<i32>} : memref<16384xf32, #tpu.memory_space<vmem>>, vector<16xf32>,
      %swap3A_1520 = vector.shape_cast %swap3A_1519 : vector<16xf32> to vector<16xf32>
      %swap3A_1521 = vector.shape_cast %get3A_1516 : vector<16xf32> to vector<16xf32>
      tpu.vector_store %arg7[%swap3A], %swap3A_1521 {strides = array<i32>} : memref<16384xf32, #tpu.memory_space<vmem>>, vector<16xf32>,
    }
    %scan3A_91 = arith.constant 1024 : i32
    %add3A_92 = arith.constant 16384 : i32
    %add3A_93 = arith.addi %mul3A_8, %add3A_92 : i32
    "tpu.region"() ({
      %run_scoped3A = tpu.sem_alloc : memref<!tpu.dma_semaphore, #tpu.memory_space<semaphore_mem>>
      %dma_start3A = tpu.memref_slice %arg4[%add3A_93] : memref<16777216xf32, #tpu.memory_space<hbm>> -> memref<16384xf32, #tpu.memory_space<hbm>>
      %dma_start3A_1510 = tpu.memref_slice %arg4[%add3A_93] : memref<16777216xf32, #tpu.memory_space<hbm>> -> memref<16384xf32, #tpu.memory_space<hbm>>
      tpu.enqueue_dma source(%arg7 : memref<16384xf32, #tpu.memory_space<vmem>>) target(%dma_start3A_1510 : memref<16384xf32, #tpu.memory_space<hbm>>) target_semaphore(%run_scoped3A : memref<!tpu.dma_semaphore, #tpu.memory_space<semaphore_mem>>)
      %dma_wait3A = tpu.memref_slice %arg4[%add3A_93] : memref<16777216xf32, #tpu.memory_space<hbm>> -> memref<16384xf32, #tpu.memory_space<hbm>>
      %dma_wait3A_1511 = tpu.memref_slice %arg4[%add3A_93] : memref<16777216xf32, #tpu.memory_space<hbm>> -> memref<16384xf32, #tpu.memory_space<hbm>>
      tpu.wait_dma2 semaphore(%run_scoped3A : memref<!tpu.dma_semaphore, #tpu.memory_space<semaphore_mem>>) src(%arg7 : memref<16384xf32, #tpu.memory_space<vmem>>) dst(%dma_wait3A_1511 : memref<16384xf32, #tpu.memory_space<hbm>>)
      tpu.yield
    }) : () -> ()
    %sub3A_94 = arith.constant 32768 : i32
    %sub3A_95 = arith.subi %sub3A_94, %squeeze3A : i32
    %add3A_96 = arith.constant 262144 : i32
    %add3A_97 = arith.addi %sub3A_95, %add3A_96 : i32
    %rem3A_98 = arith.constant 262144 : i32
    %rem3A_99 = arith.remsi %add3A_97, %rem3A_98 : i32
    %jit3A_100 = arith.constant 16384 : i32
    %div3A_101 = arith.divsi %rem3A_99, %jit3A_100 : i32
    %sign3A_102 = arith.constant 0 : i32
    %sign3A_103 = arith.cmpi sgt, %rem3A_99, %sign3A_102 : i32
    %sign3A_104 = arith.extui %sign3A_103 : i1 to i32
    %sign3A_105 = arith.constant 0 : i32
    %sign3A_106 = arith.cmpi slt, %rem3A_99, %sign3A_105 : i32
    %sign3A_107 = arith.extui %sign3A_106 : i1 to i32
    %sign3A_108 = arith.subi %sign3A_104, %sign3A_107 : i32
    %sign3A_109 = arith.constant 0 : i32
    %sign3A_110 = arith.cmpi sgt, %jit3A_100, %sign3A_109 : i32
    %sign3A_111 = arith.extui %sign3A_110 : i1 to i32
    %sign3A_112 = arith.constant 0 : i32
    %sign3A_113 = arith.cmpi slt, %jit3A_100, %sign3A_112 : i32
    %sign3A_114 = arith.extui %sign3A_113 : i1 to i32
    %sign3A_115 = arith.subi %sign3A_111, %sign3A_114 : i32
    %ne3A_116 = arith.cmpi ne, %sign3A_108, %sign3A_115 : i32
    %rem3A_117 = arith.remsi %rem3A_99, %jit3A_100 : i32
    %ne3A_118 = arith.constant 0 : i32
    %ne3A_119 = arith.cmpi ne, %rem3A_117, %ne3A_118 : i32
    %and3A_120 = arith.andi %ne3A_116, %ne3A_119 : i1
    %sub3A_121 = arith.constant 1 : i32
    %sub3A_122 = arith.subi %div3A_101, %sub3A_121 : i32
    %select_n3A_123 = arith.select %and3A_120, %sub3A_122, %div3A_101 : i32
    %mul3A_124 = arith.constant 16384 : i32
    %mul3A_125 = arith.muli %select_n3A_123, %mul3A_124 : i32
    %add3A_126 = arith.constant 16384 : i32
    %add3A_127 = arith.addi %mul3A_125, %add3A_126 : i32
    %rem3A_128 = arith.constant 262144 : i32
    %rem3A_129 = arith.remsi %add3A_127, %rem3A_128 : i32
    %sub3A_130 = arith.subi %rem3A_99, %mul3A_125 : i32
    %add3A_131 = arith.addi %mul3A_8, %mul3A_125 : i32
    "tpu.region"() ({
      %run_scoped3A = tpu.sem_alloc : memref<!tpu.dma_semaphore, #tpu.memory_space<semaphore_mem>>
      %dma_start3A = arith.constant 0 : i32
      %dma_start3A_1510 = tpu.memref_slice %arg6[%dma_start3A] : memref<32768xf32, #tpu.memory_space<vmem>> -> memref<16384xf32, #tpu.memory_space<vmem>>
      %dma_start3A_1511 = tpu.memref_slice %arg2[%add3A_131] : memref<16777216xf32, #tpu.memory_space<hbm>> -> memref<16384xf32, #tpu.memory_space<hbm>>
      %dma_start3A_1512 = arith.constant 0 : i32
      %dma_start3A_1513 = tpu.memref_slice %arg6[%dma_start3A_1512] : memref<32768xf32, #tpu.memory_space<vmem>> -> memref<16384xf32, #tpu.memory_space<vmem>>
      %dma_start3A_1514 = tpu.memref_slice %arg2[%add3A_131] : memref<16777216xf32, #tpu.memory_space<hbm>> -> memref<16384xf32, #tpu.memory_space<hbm>>
      tpu.enqueue_dma source(%dma_start3A_1514 : memref<16384xf32, #tpu.memory_space<hbm>>) target(%dma_start3A_1513 : memref<16384xf32, #tpu.memory_space<vmem>>) target_semaphore(%run_scoped3A : memref<!tpu.dma_semaphore, #tpu.memory_space<semaphore_mem>>)
      %dma_wait3A = arith.constant 0 : i32
      %dma_wait3A_1515 = tpu.memref_slice %arg6[%dma_wait3A] : memref<32768xf32, #tpu.memory_space<vmem>> -> memref<16384xf32, #tpu.memory_space<vmem>>
      %dma_wait3A_1516 = tpu.memref_slice %arg2[%add3A_131] : memref<16777216xf32, #tpu.memory_space<hbm>> -> memref<16384xf32, #tpu.memory_space<hbm>>
      %dma_wait3A_1517 = arith.constant 0 : i32
      %dma_wait3A_1518 = tpu.memref_slice %arg6[%dma_wait3A_1517] : memref<32768xf32, #tpu.memory_space<vmem>> -> memref<16384xf32, #tpu.memory_space<vmem>>
      %dma_wait3A_1519 = tpu.memref_slice %arg2[%add3A_131] : memref<16777216xf32, #tpu.memory_space<hbm>> -> memref<16384xf32, #tpu.memory_space<hbm>>
      tpu.wait_dma2 semaphore(%run_scoped3A : memref<!tpu.dma_semaphore, #tpu.memory_space<semaphore_mem>>) src(%dma_wait3A_1519 : memref<16384xf32, #tpu.memory_space<hbm>>) dst(%dma_wait3A_1518 : memref<16384xf32, #tpu.memory_space<vmem>>)
      tpu.yield
    }) : () -> ()
    %add3A_132 = arith.addi %mul3A_8, %rem3A_129 : i32
    "tpu.region"() ({
      %run_scoped3A = tpu.sem_alloc : memref<!tpu.dma_semaphore, #tpu.memory_space<semaphore_mem>>
      %dma_start3A = arith.constant 16384 : i32
      %dma_start3A_1510 = tpu.memref_slice %arg6[%dma_start3A] : memref<32768xf32, #tpu.memory_space<vmem>> -> memref<16384xf32, #tpu.memory_space<vmem>>
      %dma_start3A_1511 = tpu.memref_slice %arg2[%add3A_132] : memref<16777216xf32, #tpu.memory_space<hbm>> -> memref<16384xf32, #tpu.memory_space<hbm>>
      %dma_start3A_1512 = arith.constant 16384 : i32
      %dma_start3A_1513 = tpu.memref_slice %arg6[%dma_start3A_1512] : memref<32768xf32, #tpu.memory_space<vmem>> -> memref<16384xf32, #tpu.memory_space<vmem>>
      %dma_start3A_1514 = tpu.memref_slice %arg2[%add3A_132] : memref<16777216xf32, #tpu.memory_space<hbm>> -> memref<16384xf32, #tpu.memory_space<hbm>>
      tpu.enqueue_dma source(%dma_start3A_1514 : memref<16384xf32, #tpu.memory_space<hbm>>) target(%dma_start3A_1513 : memref<16384xf32, #tpu.memory_space<vmem>>) target_semaphore(%run_scoped3A : memref<!tpu.dma_semaphore, #tpu.memory_space<semaphore_mem>>)
      %dma_wait3A = arith.constant 16384 : i32
      %dma_wait3A_1515 = tpu.memref_slice %arg6[%dma_wait3A] : memref<32768xf32, #tpu.memory_space<vmem>> -> memref<16384xf32, #tpu.memory_space<vmem>>
      %dma_wait3A_1516 = tpu.memref_slice %arg2[%add3A_132] : memref<16777216xf32, #tpu.memory_space<hbm>> -> memref<16384xf32, #tpu.memory_space<hbm>>
      %dma_wait3A_1517 = arith.constant 16384 : i32
      %dma_wait3A_1518 = tpu.memref_slice %arg6[%dma_wait3A_1517] : memref<32768xf32, #tpu.memory_space<vmem>> -> memref<16384xf32, #tpu.memory_space<vmem>>
      %dma_wait3A_1519 = tpu.memref_slice %arg2[%add3A_132] : memref<16777216xf32, #tpu.memory_space<hbm>> -> memref<16384xf32, #tpu.memory_space<hbm>>
      tpu.wait_dma2 semaphore(%run_scoped3A : memref<!tpu.dma_semaphore, #tpu.memory_space<semaphore_mem>>) src(%dma_wait3A_1519 : memref<16384xf32, #tpu.memory_space<hbm>>) dst(%dma_wait3A_1518 : memref<16384xf32, #tpu.memory_space<vmem>>)
      tpu.yield
    }) : () -> ()
    %scan3A_133 = arith.constant 0 : i32
    %scan3A_134 = arith.constant 0 : i32
    %scan3A_135 = arith.constant 1024 : i32
    %scan3A_136 = arith.addi %scan3A_134, %scan3A_135 : i32
    %scan3A_137 = arith.constant 1 : i32
    scf.for %scan3A_1510 = %scan3A_134 to %scan3A_136 step %scan3A_137  : i32 {
      %mul3A_1511 = arith.constant 16 : i32
      %mul3A_1512 = arith.muli %scan3A_1510, %mul3A_1511 : i32
      %add3A_1513 = arith.addi %sub3A_130, %mul3A_1512 : i32
      %get3A_1514 = arith.index_cast %add3A_1513 : i32 to index
      %get3A_1515 = tpu.vector_load %arg6[%get3A_1514] {strides = array<i32>} : memref<32768xf32, #tpu.memory_space<vmem>>, vector<16xf32>,
      %get3A_1516 = vector.shape_cast %get3A_1515 : vector<16xf32> to vector<16xf32>
      %mul3A_1517 = arith.constant 16 : i32
      %mul3A_1518 = arith.muli %scan3A_1510, %mul3A_1517 : i32
      %swap3A = arith.index_cast %mul3A_1518 : i32 to index
      %swap3A_1519 = tpu.vector_load %arg7[%swap3A] {strides = array<i32>} : memref<16384xf32, #tpu.memory_space<vmem>>, vector<16xf32>,
      %swap3A_1520 = vector.shape_cast %swap3A_1519 : vector<16xf32> to vector<16xf32>
      %swap3A_1521 = vector.shape_cast %get3A_1516 : vector<16xf32> to vector<16xf32>
      tpu.vector_store %arg7[%swap3A], %swap3A_1521 {strides = array<i32>} : memref<16384xf32, #tpu.memory_space<vmem>>, vector<16xf32>,
    }
    %scan3A_138 = arith.constant 1024 : i32
    %add3A_139 = arith.constant 32768 : i32
    %add3A_140 = arith.addi %mul3A_8, %add3A_139 : i32
    "tpu.region"() ({
      %run_scoped3A = tpu.sem_alloc : memref<!tpu.dma_semaphore, #tpu.memory_space<semaphore_mem>>
      %dma_start3A = tpu.memref_slice %arg4[%add3A_140] : memref<16777216xf32, #tpu.memory_space<hbm>> -> memref<16384xf32, #tpu.memory_space<hbm>>
      %dma_start3A_1510 = tpu.memref_slice %arg4[%add3A_140] : memref<16777216xf32, #tpu.memory_space<hbm>> -> memref<16384xf32, #tpu.memory_space<hbm>>
      tpu.enqueue_dma source(%arg7 : memref<16384xf32, #tpu.memory_space<vmem>>) target(%dma_start3A_1510 : memref<16384xf32, #tpu.memory_space<hbm>>) target_semaphore(%run_scoped3A : memref<!tpu.dma_semaphore, #tpu.memory_space<semaphore_mem>>)
      %dma_wait3A = tpu.memref_slice %arg4[%add3A_140] : memref<16777216xf32, #tpu.memory_space<hbm>> -> memref<16384xf32, #tpu.memory_space<hbm>>
      %dma_wait3A_1511 = tpu.memref_slice %arg4[%add3A_140] : memref<16777216xf32, #tpu.memory_space<hbm>> -> memref<16384xf32, #tpu.memory_space<hbm>>
      tpu.wait_dma2 semaphore(%run_scoped3A : memref<!tpu.dma_semaphore, #tpu.memory_space<semaphore_mem>>) src(%arg7 : memref<16384xf32, #tpu.memory_space<vmem>>) dst(%dma_wait3A_1511 : memref<16384xf32, #tpu.memory_space<hbm>>)
      tpu.yield
    }) : () -> ()
    %sub3A_141 = arith.constant 49152 : i32
    %sub3A_142 = arith.subi %sub3A_141, %squeeze3A : i32
    %add3A_143 = arith.constant 262144 : i32
    %add3A_144 = arith.addi %sub3A_142, %add3A_143 : i32
    %rem3A_145 = arith.constant 262144 : i32
    %rem3A_146 = arith.remsi %add3A_144, %rem3A_145 : i32
    %jit3A_147 = arith.constant 16384 : i32
    %div3A_148 = arith.divsi %rem3A_146, %jit3A_147 : i32
    %sign3A_149 = arith.constant 0 : i32
    %sign3A_150 = arith.cmpi sgt, %rem3A_146, %sign3A_149 : i32
    %sign3A_151 = arith.extui %sign3A_150 : i1 to i32
    %sign3A_152 = arith.constant 0 : i32
    %sign3A_153 = arith.cmpi slt, %rem3A_146, %sign3A_152 : i32
    %sign3A_154 = arith.extui %sign3A_153 : i1 to i32
    %sign3A_155 = arith.subi %sign3A_151, %sign3A_154 : i32
    %sign3A_156 = arith.constant 0 : i32
    %sign3A_157 = arith.cmpi sgt, %jit3A_147, %sign3A_156 : i32
    %sign3A_158 = arith.extui %sign3A_157 : i1 to i32
    %sign3A_159 = arith.constant 0 : i32
    %sign3A_160 = arith.cmpi slt, %jit3A_147, %sign3A_159 : i32
    %sign3A_161 = arith.extui %sign3A_160 : i1 to i32
    %sign3A_162 = arith.subi %sign3A_158, %sign3A_161 : i32
    %ne3A_163 = arith.cmpi ne, %sign3A_155, %sign3A_162 : i32
    %rem3A_164 = arith.remsi %rem3A_146, %jit3A_147 : i32
    %ne3A_165 = arith.constant 0 : i32
    %ne3A_166 = arith.cmpi ne, %rem3A_164, %ne3A_165 : i32
    %and3A_167 = arith.andi %ne3A_163, %ne3A_166 : i1
    %sub3A_168 = arith.constant 1 : i32
    %sub3A_169 = arith.subi %div3A_148, %sub3A_168 : i32
    %select_n3A_170 = arith.select %and3A_167, %sub3A_169, %div3A_148 : i32
    %mul3A_171 = arith.constant 16384 : i32
    %mul3A_172 = arith.muli %select_n3A_170, %mul3A_171 : i32
    %add3A_173 = arith.constant 16384 : i32
    %add3A_174 = arith.addi %mul3A_172, %add3A_173 : i32
    %rem3A_175 = arith.constant 262144 : i32
    %rem3A_176 = arith.remsi %add3A_174, %rem3A_175 : i32
    %sub3A_177 = arith.subi %rem3A_146, %mul3A_172 : i32
    %add3A_178 = arith.addi %mul3A_8, %mul3A_172 : i32
    "tpu.region"() ({
      %run_scoped3A = tpu.sem_alloc : memref<!tpu.dma_semaphore, #tpu.memory_space<semaphore_mem>>
      %dma_start3A = arith.constant 0 : i32
      %dma_start3A_1510 = tpu.memref_slice %arg6[%dma_start3A] : memref<32768xf32, #tpu.memory_space<vmem>> -> memref<16384xf32, #tpu.memory_space<vmem>>
      %dma_start3A_1511 = tpu.memref_slice %arg2[%add3A_178] : memref<16777216xf32, #tpu.memory_space<hbm>> -> memref<16384xf32, #tpu.memory_space<hbm>>
      %dma_start3A_1512 = arith.constant 0 : i32
      %dma_start3A_1513 = tpu.memref_slice %arg6[%dma_start3A_1512] : memref<32768xf32, #tpu.memory_space<vmem>> -> memref<16384xf32, #tpu.memory_space<vmem>>
      %dma_start3A_1514 = tpu.memref_slice %arg2[%add3A_178] : memref<16777216xf32, #tpu.memory_space<hbm>> -> memref<16384xf32, #tpu.memory_space<hbm>>
      tpu.enqueue_dma source(%dma_start3A_1514 : memref<16384xf32, #tpu.memory_space<hbm>>) target(%dma_start3A_1513 : memref<16384xf32, #tpu.memory_space<vmem>>) target_semaphore(%run_scoped3A : memref<!tpu.dma_semaphore, #tpu.memory_space<semaphore_mem>>)
      %dma_wait3A = arith.constant 0 : i32
      %dma_wait3A_1515 = tpu.memref_slice %arg6[%dma_wait3A] : memref<32768xf32, #tpu.memory_space<vmem>> -> memref<16384xf32, #tpu.memory_space<vmem>>
      %dma_wait3A_1516 = tpu.memref_slice %arg2[%add3A_178] : memref<16777216xf32, #tpu.memory_space<hbm>> -> memref<16384xf32, #tpu.memory_space<hbm>>
      %dma_wait3A_1517 = arith.constant 0 : i32
      %dma_wait3A_1518 = tpu.memref_slice %arg6[%dma_wait3A_1517] : memref<32768xf32, #tpu.memory_space<vmem>> -> memref<16384xf32, #tpu.memory_space<vmem>>
      %dma_wait3A_1519 = tpu.memref_slice %arg2[%add3A_178] : memref<16777216xf32, #tpu.memory_space<hbm>> -> memref<16384xf32, #tpu.memory_space<hbm>>
      tpu.wait_dma2 semaphore(%run_scoped3A : memref<!tpu.dma_semaphore, #tpu.memory_space<semaphore_mem>>) src(%dma_wait3A_1519 : memref<16384xf32, #tpu.memory_space<hbm>>) dst(%dma_wait3A_1518 : memref<16384xf32, #tpu.memory_space<vmem>>)
      tpu.yield
    }) : () -> ()
    %add3A_179 = arith.addi %mul3A_8, %rem3A_176 : i32
    "tpu.region"() ({
      %run_scoped3A = tpu.sem_alloc : memref<!tpu.dma_semaphore, #tpu.memory_space<semaphore_mem>>
      %dma_start3A = arith.constant 16384 : i32
      %dma_start3A_1510 = tpu.memref_slice %arg6[%dma_start3A] : memref<32768xf32, #tpu.memory_space<vmem>> -> memref<16384xf32, #tpu.memory_space<vmem>>
      %dma_start3A_1511 = tpu.memref_slice %arg2[%add3A_179] : memref<16777216xf32, #tpu.memory_space<hbm>> -> memref<16384xf32, #tpu.memory_space<hbm>>
      %dma_start3A_1512 = arith.constant 16384 : i32
      %dma_start3A_1513 = tpu.memref_slice %arg6[%dma_start3A_1512] : memref<32768xf32, #tpu.memory_space<vmem>> -> memref<16384xf32, #tpu.memory_space<vmem>>
      %dma_start3A_1514 = tpu.memref_slice %arg2[%add3A_179] : memref<16777216xf32, #tpu.memory_space<hbm>> -> memref<16384xf32, #tpu.memory_space<hbm>>
      tpu.enqueue_dma source(%dma_start3A_1514 : memref<16384xf32, #tpu.memory_space<hbm>>) target(%dma_start3A_1513 : memref<16384xf32, #tpu.memory_space<vmem>>) target_semaphore(%run_scoped3A : memref<!tpu.dma_semaphore, #tpu.memory_space<semaphore_mem>>)
      %dma_wait3A = arith.constant 16384 : i32
      %dma_wait3A_1515 = tpu.memref_slice %arg6[%dma_wait3A] : memref<32768xf32, #tpu.memory_space<vmem>> -> memref<16384xf32, #tpu.memory_space<vmem>>
      %dma_wait3A_1516 = tpu.memref_slice %arg2[%add3A_179] : memref<16777216xf32, #tpu.memory_space<hbm>> -> memref<16384xf32, #tpu.memory_space<hbm>>
      %dma_wait3A_1517 = arith.constant 16384 : i32
      %dma_wait3A_1518 = tpu.memref_slice %arg6[%dma_wait3A_1517] : memref<32768xf32, #tpu.memory_space<vmem>> -> memref<16384xf32, #tpu.memory_space<vmem>>
      %dma_wait3A_1519 = tpu.memref_slice %arg2[%add3A_179] : memref<16777216xf32, #tpu.memory_space<hbm>> -> memref<16384xf32, #tpu.memory_space<hbm>>
      tpu.wait_dma2 semaphore(%run_scoped3A : memref<!tpu.dma_semaphore, #tpu.memory_space<semaphore_mem>>) src(%dma_wait3A_1519 : memref<16384xf32, #tpu.memory_space<hbm>>) dst(%dma_wait3A_1518 : memref<16384xf32, #tpu.memory_space<vmem>>)
      tpu.yield
    }) : () -> ()
    %scan3A_180 = arith.constant 0 : i32
    %scan3A_181 = arith.constant 0 : i32
    %scan3A_182 = arith.constant 1024 : i32
    %scan3A_183 = arith.addi %scan3A_181, %scan3A_182 : i32
    %scan3A_184 = arith.constant 1 : i32
    scf.for %scan3A_1510 = %scan3A_181 to %scan3A_183 step %scan3A_184  : i32 {
      %mul3A_1511 = arith.constant 16 : i32
      %mul3A_1512 = arith.muli %scan3A_1510, %mul3A_1511 : i32
      %add3A_1513 = arith.addi %sub3A_177, %mul3A_1512 : i32
      %get3A_1514 = arith.index_cast %add3A_1513 : i32 to index
      %get3A_1515 = tpu.vector_load %arg6[%get3A_1514] {strides = array<i32>} : memref<32768xf32, #tpu.memory_space<vmem>>, vector<16xf32>,
      %get3A_1516 = vector.shape_cast %get3A_1515 : vector<16xf32> to vector<16xf32>
      %mul3A_1517 = arith.constant 16 : i32
      %mul3A_1518 = arith.muli %scan3A_1510, %mul3A_1517 : i32
      %swap3A = arith.index_cast %mul3A_1518 : i32 to index
      %swap3A_1519 = tpu.vector_load %arg7[%swap3A] {strides = array<i32>} : memref<16384xf32, #tpu.memory_space<vmem>>, vector<16xf32>,
      %swap3A_1520 = vector.shape_cast %swap3A_1519 : vector<16xf32> to vector<16xf32>
      %swap3A_1521 = vector.shape_cast %get3A_1516 : vector<16xf32> to vector<16xf32>
      tpu.vector_store %arg7[%swap3A], %swap3A_1521 {strides = array<i32>} : memref<16384xf32, #tpu.memory_space<vmem>>, vector<16xf32>,
    }
    %scan3A_185 = arith.constant 1024 : i32
    %add3A_186 = arith.constant 49152 : i32
    %add3A_187 = arith.addi %mul3A_8, %add3A_186 : i32
    "tpu.region"() ({
      %run_scoped3A = tpu.sem_alloc : memref<!tpu.dma_semaphore, #tpu.memory_space<semaphore_mem>>
      %dma_start3A = tpu.memref_slice %arg4[%add3A_187] : memref<16777216xf32, #tpu.memory_space<hbm>> -> memref<16384xf32, #tpu.memory_space<hbm>>
      %dma_start3A_1510 = tpu.memref_slice %arg4[%add3A_187] : memref<16777216xf32, #tpu.memory_space<hbm>> -> memref<16384xf32, #tpu.memory_space<hbm>>
      tpu.enqueue_dma source(%arg7 : memref<16384xf32, #tpu.memory_space<vmem>>) target(%dma_start3A_1510 : memref<16384xf32, #tpu.memory_space<hbm>>) target_semaphore(%run_scoped3A : memref<!tpu.dma_semaphore, #tpu.memory_space<semaphore_mem>>)
      %dma_wait3A = tpu.memref_slice %arg4[%add3A_187] : memref<16777216xf32, #tpu.memory_space<hbm>> -> memref<16384xf32, #tpu.memory_space<hbm>>
      %dma_wait3A_1511 = tpu.memref_slice %arg4[%add3A_187] : memref<16777216xf32, #tpu.memory_space<hbm>> -> memref<16384xf32, #tpu.memory_space<hbm>>
      tpu.wait_dma2 semaphore(%run_scoped3A : memref<!tpu.dma_semaphore, #tpu.memory_space<semaphore_mem>>) src(%arg7 : memref<16384xf32, #tpu.memory_space<vmem>>) dst(%dma_wait3A_1511 : memref<16384xf32, #tpu.memory_space<hbm>>)
      tpu.yield
    }) : () -> ()
    %sub3A_188 = arith.constant 65536 : i32
    %sub3A_189 = arith.subi %sub3A_188, %squeeze3A : i32
    %add3A_190 = arith.constant 262144 : i32
    %add3A_191 = arith.addi %sub3A_189, %add3A_190 : i32
    %rem3A_192 = arith.constant 262144 : i32
    %rem3A_193 = arith.remsi %add3A_191, %rem3A_192 : i32
    %jit3A_194 = arith.constant 16384 : i32
    %div3A_195 = arith.divsi %rem3A_193, %jit3A_194 : i32
    %sign3A_196 = arith.constant 0 : i32
    %sign3A_197 = arith.cmpi sgt, %rem3A_193, %sign3A_196 : i32
    %sign3A_198 = arith.extui %sign3A_197 : i1 to i32
    %sign3A_199 = arith.constant 0 : i32
    %sign3A_200 = arith.cmpi slt, %rem3A_193, %sign3A_199 : i32
    %sign3A_201 = arith.extui %sign3A_200 : i1 to i32
    %sign3A_202 = arith.subi %sign3A_198, %sign3A_201 : i32
    %sign3A_203 = arith.constant 0 : i32
    %sign3A_204 = arith.cmpi sgt, %jit3A_194, %sign3A_203 : i32
    %sign3A_205 = arith.extui %sign3A_204 : i1 to i32
    %sign3A_206 = arith.constant 0 : i32
    %sign3A_207 = arith.cmpi slt, %jit3A_194, %sign3A_206 : i32
    %sign3A_208 = arith.extui %sign3A_207 : i1 to i32
    %sign3A_209 = arith.subi %sign3A_205, %sign3A_208 : i32
    %ne3A_210 = arith.cmpi ne, %sign3A_202, %sign3A_209 : i32
    %rem3A_211 = arith.remsi %rem3A_193, %jit3A_194 : i32
    %ne3A_212 = arith.constant 0 : i32
    %ne3A_213 = arith.cmpi ne, %rem3A_211, %ne3A_212 : i32
    %and3A_214 = arith.andi %ne3A_210, %ne3A_213 : i1
    %sub3A_215 = arith.constant 1 : i32
    %sub3A_216 = arith.subi %div3A_195, %sub3A_215 : i32
    %select_n3A_217 = arith.select %and3A_214, %sub3A_216, %div3A_195 : i32
    %mul3A_218 = arith.constant 16384 : i32
    %mul3A_219 = arith.muli %select_n3A_217, %mul3A_218 : i32
    %add3A_220 = arith.constant 16384 : i32
    %add3A_221 = arith.addi %mul3A_219, %add3A_220 : i32
    %rem3A_222 = arith.constant 262144 : i32
    %rem3A_223 = arith.remsi %add3A_221, %rem3A_222 : i32
    %sub3A_224 = arith.subi %rem3A_193, %mul3A_219 : i32
    %add3A_225 = arith.addi %mul3A_8, %mul3A_219 : i32
    "tpu.region"() ({
      %run_scoped3A = tpu.sem_alloc : memref<!tpu.dma_semaphore, #tpu.memory_space<semaphore_mem>>
      %dma_start3A = arith.constant 0 : i32
      %dma_start3A_1510 = tpu.memref_slice %arg6[%dma_start3A] : memref<32768xf32, #tpu.memory_space<vmem>> -> memref<16384xf32, #tpu.memory_space<vmem>>
      %dma_start3A_1511 = tpu.memref_slice %arg2[%add3A_225] : memref<16777216xf32, #tpu.memory_space<hbm>> -> memref<16384xf32, #tpu.memory_space<hbm>>
      %dma_start3A_1512 = arith.constant 0 : i32
      %dma_start3A_1513 = tpu.memref_slice %arg6[%dma_start3A_1512] : memref<32768xf32, #tpu.memory_space<vmem>> -> memref<16384xf32, #tpu.memory_space<vmem>>
      %dma_start3A_1514 = tpu.memref_slice %arg2[%add3A_225] : memref<16777216xf32, #tpu.memory_space<hbm>> -> memref<16384xf32, #tpu.memory_space<hbm>>
      tpu.enqueue_dma source(%dma_start3A_1514 : memref<16384xf32, #tpu.memory_space<hbm>>) target(%dma_start3A_1513 : memref<16384xf32, #tpu.memory_space<vmem>>) target_semaphore(%run_scoped3A : memref<!tpu.dma_semaphore, #tpu.memory_space<semaphore_mem>>)
      %dma_wait3A = arith.constant 0 : i32
      %dma_wait3A_1515 = tpu.memref_slice %arg6[%dma_wait3A] : memref<32768xf32, #tpu.memory_space<vmem>> -> memref<16384xf32, #tpu.memory_space<vmem>>
      %dma_wait3A_1516 = tpu.memref_slice %arg2[%add3A_225] : memref<16777216xf32, #tpu.memory_space<hbm>> -> memref<16384xf32, #tpu.memory_space<hbm>>
      %dma_wait3A_1517 = arith.constant 0 : i32
      %dma_wait3A_1518 = tpu.memref_slice %arg6[%dma_wait3A_1517] : memref<32768xf32, #tpu.memory_space<vmem>> -> memref<16384xf32, #tpu.memory_space<vmem>>
      %dma_wait3A_1519 = tpu.memref_slice %arg2[%add3A_225] : memref<16777216xf32, #tpu.memory_space<hbm>> -> memref<16384xf32, #tpu.memory_space<hbm>>
      tpu.wait_dma2 semaphore(%run_scoped3A : memref<!tpu.dma_semaphore, #tpu.memory_space<semaphore_mem>>) src(%dma_wait3A_1519 : memref<16384xf32, #tpu.memory_space<hbm>>) dst(%dma_wait3A_1518 : memref<16384xf32, #tpu.memory_space<vmem>>)
      tpu.yield
    }) : () -> ()
    %add3A_226 = arith.addi %mul3A_8, %rem3A_223 : i32
    "tpu.region"() ({
      %run_scoped3A = tpu.sem_alloc : memref<!tpu.dma_semaphore, #tpu.memory_space<semaphore_mem>>
      %dma_start3A = arith.constant 16384 : i32
      %dma_start3A_1510 = tpu.memref_slice %arg6[%dma_start3A] : memref<32768xf32, #tpu.memory_space<vmem>> -> memref<16384xf32, #tpu.memory_space<vmem>>
      %dma_start3A_1511 = tpu.memref_slice %arg2[%add3A_226] : memref<16777216xf32, #tpu.memory_space<hbm>> -> memref<16384xf32, #tpu.memory_space<hbm>>
      %dma_start3A_1512 = arith.constant 16384 : i32
      %dma_start3A_1513 = tpu.memref_slice %arg6[%dma_start3A_1512] : memref<32768xf32, #tpu.memory_space<vmem>> -> memref<16384xf32, #tpu.memory_space<vmem>>
      %dma_start3A_1514 = tpu.memref_slice %arg2[%add3A_226] : memref<16777216xf32, #tpu.memory_space<hbm>> -> memref<16384xf32, #tpu.memory_space<hbm>>
      tpu.enqueue_dma source(%dma_start3A_1514 : memref<16384xf32, #tpu.memory_space<hbm>>) target(%dma_start3A_1513 : memref<16384xf32, #tpu.memory_space<vmem>>) target_semaphore(%run_scoped3A : memref<!tpu.dma_semaphore, #tpu.memory_space<semaphore_mem>>)
      %dma_wait3A = arith.constant 16384 : i32
      %dma_wait3A_1515 = tpu.memref_slice %arg6[%dma_wait3A] : memref<32768xf32, #tpu.memory_space<vmem>> -> memref<16384xf32, #tpu.memory_space<vmem>>
      %dma_wait3A_1516 = tpu.memref_slice %arg2[%add3A_226] : memref<16777216xf32, #tpu.memory_space<hbm>> -> memref<16384xf32, #tpu.memory_space<hbm>>
      %dma_wait3A_1517 = arith.constant 16384 : i32
      %dma_wait3A_1518 = tpu.memref_slice %arg6[%dma_wait3A_1517] : memref<32768xf32, #tpu.memory_space<vmem>> -> memref<16384xf32, #tpu.memory_space<vmem>>
      %dma_wait3A_1519 = tpu.memref_slice %arg2[%add3A_226] : memref<16777216xf32, #tpu.memory_space<hbm>> -> memref<16384xf32, #tpu.memory_space<hbm>>
      tpu.wait_dma2 semaphore(%run_scoped3A : memref<!tpu.dma_semaphore, #tpu.memory_space<semaphore_mem>>) src(%dma_wait3A_1519 : memref<16384xf32, #tpu.memory_space<hbm>>) dst(%dma_wait3A_1518 : memref<16384xf32, #tpu.memory_space<vmem>>)
      tpu.yield
    }) : () -> ()
    %scan3A_227 = arith.constant 0 : i32
    %scan3A_228 = arith.constant 0 : i32
    %scan3A_229 = arith.constant 1024 : i32
    %scan3A_230 = arith.addi %scan3A_228, %scan3A_229 : i32
    %scan3A_231 = arith.constant 1 : i32
    scf.for %scan3A_1510 = %scan3A_228 to %scan3A_230 step %scan3A_231  : i32 {
      %mul3A_1511 = arith.constant 16 : i32
      %mul3A_1512 = arith.muli %scan3A_1510, %mul3A_1511 : i32
      %add3A_1513 = arith.addi %sub3A_224, %mul3A_1512 : i32
      %get3A_1514 = arith.index_cast %add3A_1513 : i32 to index
      %get3A_1515 = tpu.vector_load %arg6[%get3A_1514] {strides = array<i32>} : memref<32768xf32, #tpu.memory_space<vmem>>, vector<16xf32>,
      %get3A_1516 = vector.shape_cast %get3A_1515 : vector<16xf32> to vector<16xf32>
      %mul3A_1517 = arith.constant 16 : i32
      %mul3A_1518 = arith.muli %scan3A_1510, %mul3A_1517 : i32
      %swap3A = arith.index_cast %mul3A_1518 : i32 to index
      %swap3A_1519 = tpu.vector_load %arg7[%swap3A] {strides = array<i32>} : memref<16384xf32, #tpu.memory_space<vmem>>, vector<16xf32>,
      %swap3A_1520 = vector.shape_cast %swap3A_1519 : vector<16xf32> to vector<16xf32>
      %swap3A_1521 = vector.shape_cast %get3A_1516 : vector<16xf32> to vector<16xf32>
      tpu.vector_store %arg7[%swap3A], %swap3A_1521 {strides = array<i32>} : memref<16384xf32, #tpu.memory_space<vmem>>, vector<16xf32>,
    }
    %scan3A_232 = arith.constant 1024 : i32
    %add3A_233 = arith.constant 65536 : i32
    %add3A_234 = arith.addi %mul3A_8, %add3A_233 : i32
    "tpu.region"() ({
      %run_scoped3A = tpu.sem_alloc : memref<!tpu.dma_semaphore, #tpu.memory_space<semaphore_mem>>
      %dma_start3A = tpu.memref_slice %arg4[%add3A_234] : memref<16777216xf32, #tpu.memory_space<hbm>> -> memref<16384xf32, #tpu.memory_space<hbm>>
      %dma_start3A_1510 = tpu.memref_slice %arg4[%add3A_234] : memref<16777216xf32, #tpu.memory_space<hbm>> -> memref<16384xf32, #tpu.memory_space<hbm>>
      tpu.enqueue_dma source(%arg7 : memref<16384xf32, #tpu.memory_space<vmem>>) target(%dma_start3A_1510 : memref<16384xf32, #tpu.memory_space<hbm>>) target_semaphore(%run_scoped3A : memref<!tpu.dma_semaphore, #tpu.memory_space<semaphore_mem>>)
      %dma_wait3A = tpu.memref_slice %arg4[%add3A_234] : memref<16777216xf32, #tpu.memory_space<hbm>> -> memref<16384xf32, #tpu.memory_space<hbm>>
      %dma_wait3A_1511 = tpu.memref_slice %arg4[%add3A_234] : memref<16777216xf32, #tpu.memory_space<hbm>> -> memref<16384xf32, #tpu.memory_space<hbm>>
      tpu.wait_dma2 semaphore(%run_scoped3A : memref<!tpu.dma_semaphore, #tpu.memory_space<semaphore_mem>>) src(%arg7 : memref<16384xf32, #tpu.memory_space<vmem>>) dst(%dma_wait3A_1511 : memref<16384xf32, #tpu.memory_space<hbm>>)
      tpu.yield
    }) : () -> ()
    %sub3A_235 = arith.constant 81920 : i32
    %sub3A_236 = arith.subi %sub3A_235, %squeeze3A : i32
    %add3A_237 = arith.constant 262144 : i32
    %add3A_238 = arith.addi %sub3A_236, %add3A_237 : i32
    %rem3A_239 = arith.constant 262144 : i32
    %rem3A_240 = arith.remsi %add3A_238, %rem3A_239 : i32
    %jit3A_241 = arith.constant 16384 : i32
    %div3A_242 = arith.divsi %rem3A_240, %jit3A_241 : i32
    %sign3A_243 = arith.constant 0 : i32
    %sign3A_244 = arith.cmpi sgt, %rem3A_240, %sign3A_243 : i32
    %sign3A_245 = arith.extui %sign3A_244 : i1 to i32
    %sign3A_246 = arith.constant 0 : i32
    %sign3A_247 = arith.cmpi slt, %rem3A_240, %sign3A_246 : i32
    %sign3A_248 = arith.extui %sign3A_247 : i1 to i32
    %sign3A_249 = arith.subi %sign3A_245, %sign3A_248 : i32
    %sign3A_250 = arith.constant 0 : i32
    %sign3A_251 = arith.cmpi sgt, %jit3A_241, %sign3A_250 : i32
    %sign3A_252 = arith.extui %sign3A_251 : i1 to i32
    %sign3A_253 = arith.constant 0 : i32
    %sign3A_254 = arith.cmpi slt, %jit3A_241, %sign3A_253 : i32
    %sign3A_255 = arith.extui %sign3A_254 : i1 to i32
    %sign3A_256 = arith.subi %sign3A_252, %sign3A_255 : i32
    %ne3A_257 = arith.cmpi ne, %sign3A_249, %sign3A_256 : i32
    %rem3A_258 = arith.remsi %rem3A_240, %jit3A_241 : i32
    %ne3A_259 = arith.constant 0 : i32
    %ne3A_260 = arith.cmpi ne, %rem3A_258, %ne3A_259 : i32
    %and3A_261 = arith.andi %ne3A_257, %ne3A_260 : i1
    %sub3A_262 = arith.constant 1 : i32
    %sub3A_263 = arith.subi %div3A_242, %sub3A_262 : i32
    %select_n3A_264 = arith.select %and3A_261, %sub3A_263, %div3A_242 : i32
    %mul3A_265 = arith.constant 16384 : i32
    %mul3A_266 = arith.muli %select_n3A_264, %mul3A_265 : i32
    %add3A_267 = arith.constant 16384 : i32
    %add3A_268 = arith.addi %mul3A_266, %add3A_267 : i32
    %rem3A_269 = arith.constant 262144 : i32
    %rem3A_270 = arith.remsi %add3A_268, %rem3A_269 : i32
    %sub3A_271 = arith.subi %rem3A_240, %mul3A_266 : i32
    %add3A_272 = arith.addi %mul3A_8, %mul3A_266 : i32
    "tpu.region"() ({
      %run_scoped3A = tpu.sem_alloc : memref<!tpu.dma_semaphore, #tpu.memory_space<semaphore_mem>>
      %dma_start3A = arith.constant 0 : i32
      %dma_start3A_1510 = tpu.memref_slice %arg6[%dma_start3A] : memref<32768xf32, #tpu.memory_space<vmem>> -> memref<16384xf32, #tpu.memory_space<vmem>>
      %dma_start3A_1511 = tpu.memref_slice %arg2[%add3A_272] : memref<16777216xf32, #tpu.memory_space<hbm>> -> memref<16384xf32, #tpu.memory_space<hbm>>
      %dma_start3A_1512 = arith.constant 0 : i32
      %dma_start3A_1513 = tpu.memref_slice %arg6[%dma_start3A_1512] : memref<32768xf32, #tpu.memory_space<vmem>> -> memref<16384xf32, #tpu.memory_space<vmem>>
      %dma_start3A_1514 = tpu.memref_slice %arg2[%add3A_272] : memref<16777216xf32, #tpu.memory_space<hbm>> -> memref<16384xf32, #tpu.memory_space<hbm>>
      tpu.enqueue_dma source(%dma_start3A_1514 : memref<16384xf32, #tpu.memory_space<hbm>>) target(%dma_start3A_1513 : memref<16384xf32, #tpu.memory_space<vmem>>) target_semaphore(%run_scoped3A : memref<!tpu.dma_semaphore, #tpu.memory_space<semaphore_mem>>)
      %dma_wait3A = arith.constant 0 : i32
      %dma_wait3A_1515 = tpu.memref_slice %arg6[%dma_wait3A] : memref<32768xf32, #tpu.memory_space<vmem>> -> memref<16384xf32, #tpu.memory_space<vmem>>
      %dma_wait3A_1516 = tpu.memref_slice %arg2[%add3A_272] : memref<16777216xf32, #tpu.memory_space<hbm>> -> memref<16384xf32, #tpu.memory_space<hbm>>
      %dma_wait3A_1517 = arith.constant 0 : i32
      %dma_wait3A_1518 = tpu.memref_slice %arg6[%dma_wait3A_1517] : memref<32768xf32, #tpu.memory_space<vmem>> -> memref<16384xf32, #tpu.memory_space<vmem>>
      %dma_wait3A_1519 = tpu.memref_slice %arg2[%add3A_272] : memref<16777216xf32, #tpu.memory_space<hbm>> -> memref<16384xf32, #tpu.memory_space<hbm>>
      tpu.wait_dma2 semaphore(%run_scoped3A : memref<!tpu.dma_semaphore, #tpu.memory_space<semaphore_mem>>) src(%dma_wait3A_1519 : memref<16384xf32, #tpu.memory_space<hbm>>) dst(%dma_wait3A_1518 : memref<16384xf32, #tpu.memory_space<vmem>>)
      tpu.yield
    }) : () -> ()
    %add3A_273 = arith.addi %mul3A_8, %rem3A_270 : i32
    "tpu.region"() ({
      %run_scoped3A = tpu.sem_alloc : memref<!tpu.dma_semaphore, #tpu.memory_space<semaphore_mem>>
      %dma_start3A = arith.constant 16384 : i32
      %dma_start3A_1510 = tpu.memref_slice %arg6[%dma_start3A] : memref<32768xf32, #tpu.memory_space<vmem>> -> memref<16384xf32, #tpu.memory_space<vmem>>
      %dma_start3A_1511 = tpu.memref_slice %arg2[%add3A_273] : memref<16777216xf32, #tpu.memory_space<hbm>> -> memref<16384xf32, #tpu.memory_space<hbm>>
      %dma_start3A_1512 = arith.constant 16384 : i32
      %dma_start3A_1513 = tpu.memref_slice %arg6[%dma_start3A_1512] : memref<32768xf32, #tpu.memory_space<vmem>> -> memref<16384xf32, #tpu.memory_space<vmem>>
      %dma_start3A_1514 = tpu.memref_slice %arg2[%add3A_273] : memref<16777216xf32, #tpu.memory_space<hbm>> -> memref<16384xf32, #tpu.memory_space<hbm>>
      tpu.enqueue_dma source(%dma_start3A_1514 : memref<16384xf32, #tpu.memory_space<hbm>>) target(%dma_start3A_1513 : memref<16384xf32, #tpu.memory_space<vmem>>) target_semaphore(%run_scoped3A : memref<!tpu.dma_semaphore, #tpu.memory_space<semaphore_mem>>)
      %dma_wait3A = arith.constant 16384 : i32
      %dma_wait3A_1515 = tpu.memref_slice %arg6[%dma_wait3A] : memref<32768xf32, #tpu.memory_space<vmem>> -> memref<16384xf32, #tpu.memory_space<vmem>>
      %dma_wait3A_1516 = tpu.memref_slice %arg2[%add3A_273] : memref<16777216xf32, #tpu.memory_space<hbm>> -> memref<16384xf32, #tpu.memory_space<hbm>>
      %dma_wait3A_1517 = arith.constant 16384 : i32
      %dma_wait3A_1518 = tpu.memref_slice %arg6[%dma_wait3A_1517] : memref<32768xf32, #tpu.memory_space<vmem>> -> memref<16384xf32, #tpu.memory_space<vmem>>
      %dma_wait3A_1519 = tpu.memref_slice %arg2[%add3A_273] : memref<16777216xf32, #tpu.memory_space<hbm>> -> memref<16384xf32, #tpu.memory_space<hbm>>
      tpu.wait_dma2 semaphore(%run_scoped3A : memref<!tpu.dma_semaphore, #tpu.memory_space<semaphore_mem>>) src(%dma_wait3A_1519 : memref<16384xf32, #tpu.memory_space<hbm>>) dst(%dma_wait3A_1518 : memref<16384xf32, #tpu.memory_space<vmem>>)
      tpu.yield
    }) : () -> ()
    %scan3A_274 = arith.constant 0 : i32
    %scan3A_275 = arith.constant 0 : i32
    %scan3A_276 = arith.constant 1024 : i32
    %scan3A_277 = arith.addi %scan3A_275, %scan3A_276 : i32
    %scan3A_278 = arith.constant 1 : i32
    scf.for %scan3A_1510 = %scan3A_275 to %scan3A_277 step %scan3A_278  : i32 {
      %mul3A_1511 = arith.constant 16 : i32
      %mul3A_1512 = arith.muli %scan3A_1510, %mul3A_1511 : i32
      %add3A_1513 = arith.addi %sub3A_271, %mul3A_1512 : i32
      %get3A_1514 = arith.index_cast %add3A_1513 : i32 to index
      %get3A_1515 = tpu.vector_load %arg6[%get3A_1514] {strides = array<i32>} : memref<32768xf32, #tpu.memory_space<vmem>>, vector<16xf32>,
      %get3A_1516 = vector.shape_cast %get3A_1515 : vector<16xf32> to vector<16xf32>
      %mul3A_1517 = arith.constant 16 : i32
      %mul3A_1518 = arith.muli %scan3A_1510, %mul3A_1517 : i32
      %swap3A = arith.index_cast %mul3A_1518 : i32 to index
      %swap3A_1519 = tpu.vector_load %arg7[%swap3A] {strides = array<i32>} : memref<16384xf32, #tpu.memory_space<vmem>>, vector<16xf32>,
      %swap3A_1520 = vector.shape_cast %swap3A_1519 : vector<16xf32> to vector<16xf32>
      %swap3A_1521 = vector.shape_cast %get3A_1516 : vector<16xf32> to vector<16xf32>
      tpu.vector_store %arg7[%swap3A], %swap3A_1521 {strides = array<i32>} : memref<16384xf32, #tpu.memory_space<vmem>>, vector<16xf32>,
    }
    %scan3A_279 = arith.constant 1024 : i32
    %add3A_280 = arith.constant 81920 : i32
    %add3A_281 = arith.addi %mul3A_8, %add3A_280 : i32
    "tpu.region"() ({
      %run_scoped3A = tpu.sem_alloc : memref<!tpu.dma_semaphore, #tpu.memory_space<semaphore_mem>>
      %dma_start3A = tpu.memref_slice %arg4[%add3A_281] : memref<16777216xf32, #tpu.memory_space<hbm>> -> memref<16384xf32, #tpu.memory_space<hbm>>
      %dma_start3A_1510 = tpu.memref_slice %arg4[%add3A_281] : memref<16777216xf32, #tpu.memory_space<hbm>> -> memref<16384xf32, #tpu.memory_space<hbm>>
      tpu.enqueue_dma source(%arg7 : memref<16384xf32, #tpu.memory_space<vmem>>) target(%dma_start3A_1510 : memref<16384xf32, #tpu.memory_space<hbm>>) target_semaphore(%run_scoped3A : memref<!tpu.dma_semaphore, #tpu.memory_space<semaphore_mem>>)
      %dma_wait3A = tpu.memref_slice %arg4[%add3A_281] : memref<16777216xf32, #tpu.memory_space<hbm>> -> memref<16384xf32, #tpu.memory_space<hbm>>
      %dma_wait3A_1511 = tpu.memref_slice %arg4[%add3A_281] : memref<16777216xf32, #tpu.memory_space<hbm>> -> memref<16384xf32, #tpu.memory_space<hbm>>
      tpu.wait_dma2 semaphore(%run_scoped3A : memref<!tpu.dma_semaphore, #tpu.memory_space<semaphore_mem>>) src(%arg7 : memref<16384xf32, #tpu.memory_space<vmem>>) dst(%dma_wait3A_1511 : memref<16384xf32, #tpu.memory_space<hbm>>)
      tpu.yield
    }) : () -> ()
    %sub3A_282 = arith.constant 98304 : i32
    %sub3A_283 = arith.subi %sub3A_282, %squeeze3A : i32
    %add3A_284 = arith.constant 262144 : i32
    %add3A_285 = arith.addi %sub3A_283, %add3A_284 : i32
    %rem3A_286 = arith.constant 262144 : i32
    %rem3A_287 = arith.remsi %add3A_285, %rem3A_286 : i32
    %jit3A_288 = arith.constant 16384 : i32
    %div3A_289 = arith.divsi %rem3A_287, %jit3A_288 : i32
    %sign3A_290 = arith.constant 0 : i32
    %sign3A_291 = arith.cmpi sgt, %rem3A_287, %sign3A_290 : i32
    %sign3A_292 = arith.extui %sign3A_291 : i1 to i32
    %sign3A_293 = arith.constant 0 : i32
    %sign3A_294 = arith.cmpi slt, %rem3A_287, %sign3A_293 : i32
    %sign3A_295 = arith.extui %sign3A_294 : i1 to i32
    %sign3A_296 = arith.subi %sign3A_292, %sign3A_295 : i32
    %sign3A_297 = arith.constant 0 : i32
    %sign3A_298 = arith.cmpi sgt, %jit3A_288, %sign3A_297 : i32
    %sign3A_299 = arith.extui %sign3A_298 : i1 to i32
    %sign3A_300 = arith.constant 0 : i32
    %sign3A_301 = arith.cmpi slt, %jit3A_288, %sign3A_300 : i32
    %sign3A_302 = arith.extui %sign3A_301 : i1 to i32
    %sign3A_303 = arith.subi %sign3A_299, %sign3A_302 : i32
    %ne3A_304 = arith.cmpi ne, %sign3A_296, %sign3A_303 : i32
    %rem3A_305 = arith.remsi %rem3A_287, %jit3A_288 : i32
    %ne3A_306 = arith.constant 0 : i32
    %ne3A_307 = arith.cmpi ne, %rem3A_305, %ne3A_306 : i32
    %and3A_308 = arith.andi %ne3A_304, %ne3A_307 : i1
    %sub3A_309 = arith.constant 1 : i32
    %sub3A_310 = arith.subi %div3A_289, %sub3A_309 : i32
    %select_n3A_311 = arith.select %and3A_308, %sub3A_310, %div3A_289 : i32
    %mul3A_312 = arith.constant 16384 : i32
    %mul3A_313 = arith.muli %select_n3A_311, %mul3A_312 : i32
    %add3A_314 = arith.constant 16384 : i32
    %add3A_315 = arith.addi %mul3A_313, %add3A_314 : i32
    %rem3A_316 = arith.constant 262144 : i32
    %rem3A_317 = arith.remsi %add3A_315, %rem3A_316 : i32
    %sub3A_318 = arith.subi %rem3A_287, %mul3A_313 : i32
    %add3A_319 = arith.addi %mul3A_8, %mul3A_313 : i32
    "tpu.region"() ({
      %run_scoped3A = tpu.sem_alloc : memref<!tpu.dma_semaphore, #tpu.memory_space<semaphore_mem>>
      %dma_start3A = arith.constant 0 : i32
      %dma_start3A_1510 = tpu.memref_slice %arg6[%dma_start3A] : memref<32768xf32, #tpu.memory_space<vmem>> -> memref<16384xf32, #tpu.memory_space<vmem>>
      %dma_start3A_1511 = tpu.memref_slice %arg2[%add3A_319] : memref<16777216xf32, #tpu.memory_space<hbm>> -> memref<16384xf32, #tpu.memory_space<hbm>>
      %dma_start3A_1512 = arith.constant 0 : i32
      %dma_start3A_1513 = tpu.memref_slice %arg6[%dma_start3A_1512] : memref<32768xf32, #tpu.memory_space<vmem>> -> memref<16384xf32, #tpu.memory_space<vmem>>
      %dma_start3A_1514 = tpu.memref_slice %arg2[%add3A_319] : memref<16777216xf32, #tpu.memory_space<hbm>> -> memref<16384xf32, #tpu.memory_space<hbm>>
      tpu.enqueue_dma source(%dma_start3A_1514 : memref<16384xf32, #tpu.memory_space<hbm>>) target(%dma_start3A_1513 : memref<16384xf32, #tpu.memory_space<vmem>>) target_semaphore(%run_scoped3A : memref<!tpu.dma_semaphore, #tpu.memory_space<semaphore_mem>>)
      %dma_wait3A = arith.constant 0 : i32
      %dma_wait3A_1515 = tpu.memref_slice %arg6[%dma_wait3A] : memref<32768xf32, #tpu.memory_space<vmem>> -> memref<16384xf32, #tpu.memory_space<vmem>>
      %dma_wait3A_1516 = tpu.memref_slice %arg2[%add3A_319] : memref<16777216xf32, #tpu.memory_space<hbm>> -> memref<16384xf32, #tpu.memory_space<hbm>>
      %dma_wait3A_1517 = arith.constant 0 : i32
      %dma_wait3A_1518 = tpu.memref_slice %arg6[%dma_wait3A_1517] : memref<32768xf32, #tpu.memory_space<vmem>> -> memref<16384xf32, #tpu.memory_space<vmem>>
      %dma_wait3A_1519 = tpu.memref_slice %arg2[%add3A_319] : memref<16777216xf32, #tpu.memory_space<hbm>> -> memref<16384xf32, #tpu.memory_space<hbm>>
      tpu.wait_dma2 semaphore(%run_scoped3A : memref<!tpu.dma_semaphore, #tpu.memory_space<semaphore_mem>>) src(%dma_wait3A_1519 : memref<16384xf32, #tpu.memory_space<hbm>>) dst(%dma_wait3A_1518 : memref<16384xf32, #tpu.memory_space<vmem>>)
      tpu.yield
    }) : () -> ()
    %add3A_320 = arith.addi %mul3A_8, %rem3A_317 : i32
    "tpu.region"() ({
      %run_scoped3A = tpu.sem_alloc : memref<!tpu.dma_semaphore, #tpu.memory_space<semaphore_mem>>
      %dma_start3A = arith.constant 16384 : i32
      %dma_start3A_1510 = tpu.memref_slice %arg6[%dma_start3A] : memref<32768xf32, #tpu.memory_space<vmem>> -> memref<16384xf32, #tpu.memory_space<vmem>>
      %dma_start3A_1511 = tpu.memref_slice %arg2[%add3A_320] : memref<16777216xf32, #tpu.memory_space<hbm>> -> memref<16384xf32, #tpu.memory_space<hbm>>
      %dma_start3A_1512 = arith.constant 16384 : i32
      %dma_start3A_1513 = tpu.memref_slice %arg6[%dma_start3A_1512] : memref<32768xf32, #tpu.memory_space<vmem>> -> memref<16384xf32, #tpu.memory_space<vmem>>
      %dma_start3A_1514 = tpu.memref_slice %arg2[%add3A_320] : memref<16777216xf32, #tpu.memory_space<hbm>> -> memref<16384xf32, #tpu.memory_space<hbm>>
      tpu.enqueue_dma source(%dma_start3A_1514 : memref<16384xf32, #tpu.memory_space<hbm>>) target(%dma_start3A_1513 : memref<16384xf32, #tpu.memory_space<vmem>>) target_semaphore(%run_scoped3A : memref<!tpu.dma_semaphore, #tpu.memory_space<semaphore_mem>>)
      %dma_wait3A = arith.constant 16384 : i32
      %dma_wait3A_1515 = tpu.memref_slice %arg6[%dma_wait3A] : memref<32768xf32, #tpu.memory_space<vmem>> -> memref<16384xf32, #tpu.memory_space<vmem>>
      %dma_wait3A_1516 = tpu.memref_slice %arg2[%add3A_320] : memref<16777216xf32, #tpu.memory_space<hbm>> -> memref<16384xf32, #tpu.memory_space<hbm>>
      %dma_wait3A_1517 = arith.constant 16384 : i32
      %dma_wait3A_1518 = tpu.memref_slice %arg6[%dma_wait3A_1517] : memref<32768xf32, #tpu.memory_space<vmem>> -> memref<16384xf32, #tpu.memory_space<vmem>>
      %dma_wait3A_1519 = tpu.memref_slice %arg2[%add3A_320] : memref<16777216xf32, #tpu.memory_space<hbm>> -> memref<16384xf32, #tpu.memory_space<hbm>>
      tpu.wait_dma2 semaphore(%run_scoped3A : memref<!tpu.dma_semaphore, #tpu.memory_space<semaphore_mem>>) src(%dma_wait3A_1519 : memref<16384xf32, #tpu.memory_space<hbm>>) dst(%dma_wait3A_1518 : memref<16384xf32, #tpu.memory_space<vmem>>)
      tpu.yield
    }) : () -> ()
    %scan3A_321 = arith.constant 0 : i32
    %scan3A_322 = arith.constant 0 : i32
    %scan3A_323 = arith.constant 1024 : i32
    %scan3A_324 = arith.addi %scan3A_322, %scan3A_323 : i32
    %scan3A_325 = arith.constant 1 : i32
    scf.for %scan3A_1510 = %scan3A_322 to %scan3A_324 step %scan3A_325  : i32 {
      %mul3A_1511 = arith.constant 16 : i32
      %mul3A_1512 = arith.muli %scan3A_1510, %mul3A_1511 : i32
      %add3A_1513 = arith.addi %sub3A_318, %mul3A_1512 : i32
      %get3A_1514 = arith.index_cast %add3A_1513 : i32 to index
      %get3A_1515 = tpu.vector_load %arg6[%get3A_1514] {strides = array<i32>} : memref<32768xf32, #tpu.memory_space<vmem>>, vector<16xf32>,
      %get3A_1516 = vector.shape_cast %get3A_1515 : vector<16xf32> to vector<16xf32>
      %mul3A_1517 = arith.constant 16 : i32
      %mul3A_1518 = arith.muli %scan3A_1510, %mul3A_1517 : i32
      %swap3A = arith.index_cast %mul3A_1518 : i32 to index
      %swap3A_1519 = tpu.vector_load %arg7[%swap3A] {strides = array<i32>} : memref<16384xf32, #tpu.memory_space<vmem>>, vector<16xf32>,
      %swap3A_1520 = vector.shape_cast %swap3A_1519 : vector<16xf32> to vector<16xf32>
      %swap3A_1521 = vector.shape_cast %get3A_1516 : vector<16xf32> to vector<16xf32>
      tpu.vector_store %arg7[%swap3A], %swap3A_1521 {strides = array<i32>} : memref<16384xf32, #tpu.memory_space<vmem>>, vector<16xf32>,
    }
    %scan3A_326 = arith.constant 1024 : i32
    %add3A_327 = arith.constant 98304 : i32
    %add3A_328 = arith.addi %mul3A_8, %add3A_327 : i32
    "tpu.region"() ({
      %run_scoped3A = tpu.sem_alloc : memref<!tpu.dma_semaphore, #tpu.memory_space<semaphore_mem>>
      %dma_start3A = tpu.memref_slice %arg4[%add3A_328] : memref<16777216xf32, #tpu.memory_space<hbm>> -> memref<16384xf32, #tpu.memory_space<hbm>>
      %dma_start3A_1510 = tpu.memref_slice %arg4[%add3A_328] : memref<16777216xf32, #tpu.memory_space<hbm>> -> memref<16384xf32, #tpu.memory_space<hbm>>
      tpu.enqueue_dma source(%arg7 : memref<16384xf32, #tpu.memory_space<vmem>>) target(%dma_start3A_1510 : memref<16384xf32, #tpu.memory_space<hbm>>) target_semaphore(%run_scoped3A : memref<!tpu.dma_semaphore, #tpu.memory_space<semaphore_mem>>)
      %dma_wait3A = tpu.memref_slice %arg4[%add3A_328] : memref<16777216xf32, #tpu.memory_space<hbm>> -> memref<16384xf32, #tpu.memory_space<hbm>>
      %dma_wait3A_1511 = tpu.memref_slice %arg4[%add3A_328] : memref<16777216xf32, #tpu.memory_space<hbm>> -> memref<16384xf32, #tpu.memory_space<hbm>>
      tpu.wait_dma2 semaphore(%run_scoped3A : memref<!tpu.dma_semaphore, #tpu.memory_space<semaphore_mem>>) src(%arg7 : memref<16384xf32, #tpu.memory_space<vmem>>) dst(%dma_wait3A_1511 : memref<16384xf32, #tpu.memory_space<hbm>>)
      tpu.yield
    }) : () -> ()
    %sub3A_329 = arith.constant 114688 : i32
    %sub3A_330 = arith.subi %sub3A_329, %squeeze3A : i32
    %add3A_331 = arith.constant 262144 : i32
    %add3A_332 = arith.addi %sub3A_330, %add3A_331 : i32
    %rem3A_333 = arith.constant 262144 : i32
    %rem3A_334 = arith.remsi %add3A_332, %rem3A_333 : i32
    %jit3A_335 = arith.constant 16384 : i32
    %div3A_336 = arith.divsi %rem3A_334, %jit3A_335 : i32
    %sign3A_337 = arith.constant 0 : i32
    %sign3A_338 = arith.cmpi sgt, %rem3A_334, %sign3A_337 : i32
    %sign3A_339 = arith.extui %sign3A_338 : i1 to i32
    %sign3A_340 = arith.constant 0 : i32
    %sign3A_341 = arith.cmpi slt, %rem3A_334, %sign3A_340 : i32
    %sign3A_342 = arith.extui %sign3A_341 : i1 to i32
    %sign3A_343 = arith.subi %sign3A_339, %sign3A_342 : i32
    %sign3A_344 = arith.constant 0 : i32
    %sign3A_345 = arith.cmpi sgt, %jit3A_335, %sign3A_344 : i32
    %sign3A_346 = arith.extui %sign3A_345 : i1 to i32
    %sign3A_347 = arith.constant 0 : i32
    %sign3A_348 = arith.cmpi slt, %jit3A_335, %sign3A_347 : i32
    %sign3A_349 = arith.extui %sign3A_348 : i1 to i32
    %sign3A_350 = arith.subi %sign3A_346, %sign3A_349 : i32
    %ne3A_351 = arith.cmpi ne, %sign3A_343, %sign3A_350 : i32
    %rem3A_352 = arith.remsi %rem3A_334, %jit3A_335 : i32
    %ne3A_353 = arith.constant 0 : i32
    %ne3A_354 = arith.cmpi ne, %rem3A_352, %ne3A_353 : i32
    %and3A_355 = arith.andi %ne3A_351, %ne3A_354 : i1
    %sub3A_356 = arith.constant 1 : i32
    %sub3A_357 = arith.subi %div3A_336, %sub3A_356 : i32
    %select_n3A_358 = arith.select %and3A_355, %sub3A_357, %div3A_336 : i32
    %mul3A_359 = arith.constant 16384 : i32
    %mul3A_360 = arith.muli %select_n3A_358, %mul3A_359 : i32
    %add3A_361 = arith.constant 16384 : i32
    %add3A_362 = arith.addi %mul3A_360, %add3A_361 : i32
    %rem3A_363 = arith.constant 262144 : i32
    %rem3A_364 = arith.remsi %add3A_362, %rem3A_363 : i32
    %sub3A_365 = arith.subi %rem3A_334, %mul3A_360 : i32
    %add3A_366 = arith.addi %mul3A_8, %mul3A_360 : i32
    "tpu.region"() ({
      %run_scoped3A = tpu.sem_alloc : memref<!tpu.dma_semaphore, #tpu.memory_space<semaphore_mem>>
      %dma_start3A = arith.constant 0 : i32
      %dma_start3A_1510 = tpu.memref_slice %arg6[%dma_start3A] : memref<32768xf32, #tpu.memory_space<vmem>> -> memref<16384xf32, #tpu.memory_space<vmem>>
      %dma_start3A_1511 = tpu.memref_slice %arg2[%add3A_366] : memref<16777216xf32, #tpu.memory_space<hbm>> -> memref<16384xf32, #tpu.memory_space<hbm>>
      %dma_start3A_1512 = arith.constant 0 : i32
      %dma_start3A_1513 = tpu.memref_slice %arg6[%dma_start3A_1512] : memref<32768xf32, #tpu.memory_space<vmem>> -> memref<16384xf32, #tpu.memory_space<vmem>>
      %dma_start3A_1514 = tpu.memref_slice %arg2[%add3A_366] : memref<16777216xf32, #tpu.memory_space<hbm>> -> memref<16384xf32, #tpu.memory_space<hbm>>
      tpu.enqueue_dma source(%dma_start3A_1514 : memref<16384xf32, #tpu.memory_space<hbm>>) target(%dma_start3A_1513 : memref<16384xf32, #tpu.memory_space<vmem>>) target_semaphore(%run_scoped3A : memref<!tpu.dma_semaphore, #tpu.memory_space<semaphore_mem>>)
      %dma_wait3A = arith.constant 0 : i32
      %dma_wait3A_1515 = tpu.memref_slice %arg6[%dma_wait3A] : memref<32768xf32, #tpu.memory_space<vmem>> -> memref<16384xf32, #tpu.memory_space<vmem>>
      %dma_wait3A_1516 = tpu.memref_slice %arg2[%add3A_366] : memref<16777216xf32, #tpu.memory_space<hbm>> -> memref<16384xf32, #tpu.memory_space<hbm>>
      %dma_wait3A_1517 = arith.constant 0 : i32
      %dma_wait3A_1518 = tpu.memref_slice %arg6[%dma_wait3A_1517] : memref<32768xf32, #tpu.memory_space<vmem>> -> memref<16384xf32, #tpu.memory_space<vmem>>
      %dma_wait3A_1519 = tpu.memref_slice %arg2[%add3A_366] : memref<16777216xf32, #tpu.memory_space<hbm>> -> memref<16384xf32, #tpu.memory_space<hbm>>
      tpu.wait_dma2 semaphore(%run_scoped3A : memref<!tpu.dma_semaphore, #tpu.memory_space<semaphore_mem>>) src(%dma_wait3A_1519 : memref<16384xf32, #tpu.memory_space<hbm>>) dst(%dma_wait3A_1518 : memref<16384xf32, #tpu.memory_space<vmem>>)
      tpu.yield
    }) : () -> ()
    %add3A_367 = arith.addi %mul3A_8, %rem3A_364 : i32
    "tpu.region"() ({
      %run_scoped3A = tpu.sem_alloc : memref<!tpu.dma_semaphore, #tpu.memory_space<semaphore_mem>>
      %dma_start3A = arith.constant 16384 : i32
      %dma_start3A_1510 = tpu.memref_slice %arg6[%dma_start3A] : memref<32768xf32, #tpu.memory_space<vmem>> -> memref<16384xf32, #tpu.memory_space<vmem>>
      %dma_start3A_1511 = tpu.memref_slice %arg2[%add3A_367] : memref<16777216xf32, #tpu.memory_space<hbm>> -> memref<16384xf32, #tpu.memory_space<hbm>>
      %dma_start3A_1512 = arith.constant 16384 : i32
      %dma_start3A_1513 = tpu.memref_slice %arg6[%dma_start3A_1512] : memref<32768xf32, #tpu.memory_space<vmem>> -> memref<16384xf32, #tpu.memory_space<vmem>>
      %dma_start3A_1514 = tpu.memref_slice %arg2[%add3A_367] : memref<16777216xf32, #tpu.memory_space<hbm>> -> memref<16384xf32, #tpu.memory_space<hbm>>
      tpu.enqueue_dma source(%dma_start3A_1514 : memref<16384xf32, #tpu.memory_space<hbm>>) target(%dma_start3A_1513 : memref<16384xf32, #tpu.memory_space<vmem>>) target_semaphore(%run_scoped3A : memref<!tpu.dma_semaphore, #tpu.memory_space<semaphore_mem>>)
      %dma_wait3A = arith.constant 16384 : i32
      %dma_wait3A_1515 = tpu.memref_slice %arg6[%dma_wait3A] : memref<32768xf32, #tpu.memory_space<vmem>> -> memref<16384xf32, #tpu.memory_space<vmem>>
      %dma_wait3A_1516 = tpu.memref_slice %arg2[%add3A_367] : memref<16777216xf32, #tpu.memory_space<hbm>> -> memref<16384xf32, #tpu.memory_space<hbm>>
      %dma_wait3A_1517 = arith.constant 16384 : i32
      %dma_wait3A_1518 = tpu.memref_slice %arg6[%dma_wait3A_1517] : memref<32768xf32, #tpu.memory_space<vmem>> -> memref<16384xf32, #tpu.memory_space<vmem>>
      %dma_wait3A_1519 = tpu.memref_slice %arg2[%add3A_367] : memref<16777216xf32, #tpu.memory_space<hbm>> -> memref<16384xf32, #tpu.memory_space<hbm>>
      tpu.wait_dma2 semaphore(%run_scoped3A : memref<!tpu.dma_semaphore, #tpu.memory_space<semaphore_mem>>) src(%dma_wait3A_1519 : memref<16384xf32, #tpu.memory_space<hbm>>) dst(%dma_wait3A_1518 : memref<16384xf32, #tpu.memory_space<vmem>>)
      tpu.yield
    }) : () -> ()
    %scan3A_368 = arith.constant 0 : i32
    %scan3A_369 = arith.constant 0 : i32
    %scan3A_370 = arith.constant 1024 : i32
    %scan3A_371 = arith.addi %scan3A_369, %scan3A_370 : i32
    %scan3A_372 = arith.constant 1 : i32
    scf.for %scan3A_1510 = %scan3A_369 to %scan3A_371 step %scan3A_372  : i32 {
      %mul3A_1511 = arith.constant 16 : i32
      %mul3A_1512 = arith.muli %scan3A_1510, %mul3A_1511 : i32
      %add3A_1513 = arith.addi %sub3A_365, %mul3A_1512 : i32
      %get3A_1514 = arith.index_cast %add3A_1513 : i32 to index
      %get3A_1515 = tpu.vector_load %arg6[%get3A_1514] {strides = array<i32>} : memref<32768xf32, #tpu.memory_space<vmem>>, vector<16xf32>,
      %get3A_1516 = vector.shape_cast %get3A_1515 : vector<16xf32> to vector<16xf32>
      %mul3A_1517 = arith.constant 16 : i32
      %mul3A_1518 = arith.muli %scan3A_1510, %mul3A_1517 : i32
      %swap3A = arith.index_cast %mul3A_1518 : i32 to index
      %swap3A_1519 = tpu.vector_load %arg7[%swap3A] {strides = array<i32>} : memref<16384xf32, #tpu.memory_space<vmem>>, vector<16xf32>,
      %swap3A_1520 = vector.shape_cast %swap3A_1519 : vector<16xf32> to vector<16xf32>
      %swap3A_1521 = vector.shape_cast %get3A_1516 : vector<16xf32> to vector<16xf32>
      tpu.vector_store %arg7[%swap3A], %swap3A_1521 {strides = array<i32>} : memref<16384xf32, #tpu.memory_space<vmem>>, vector<16xf32>,
    }
    %scan3A_373 = arith.constant 1024 : i32
    %add3A_374 = arith.constant 114688 : i32
    %add3A_375 = arith.addi %mul3A_8, %add3A_374 : i32
    "tpu.region"() ({
      %run_scoped3A = tpu.sem_alloc : memref<!tpu.dma_semaphore, #tpu.memory_space<semaphore_mem>>
      %dma_start3A = tpu.memref_slice %arg4[%add3A_375] : memref<16777216xf32, #tpu.memory_space<hbm>> -> memref<16384xf32, #tpu.memory_space<hbm>>
      %dma_start3A_1510 = tpu.memref_slice %arg4[%add3A_375] : memref<16777216xf32, #tpu.memory_space<hbm>> -> memref<16384xf32, #tpu.memory_space<hbm>>
      tpu.enqueue_dma source(%arg7 : memref<16384xf32, #tpu.memory_space<vmem>>) target(%dma_start3A_1510 : memref<16384xf32, #tpu.memory_space<hbm>>) target_semaphore(%run_scoped3A : memref<!tpu.dma_semaphore, #tpu.memory_space<semaphore_mem>>)
      %dma_wait3A = tpu.memref_slice %arg4[%add3A_375] : memref<16777216xf32, #tpu.memory_space<hbm>> -> memref<16384xf32, #tpu.memory_space<hbm>>
      %dma_wait3A_1511 = tpu.memref_slice %arg4[%add3A_375] : memref<16777216xf32, #tpu.memory_space<hbm>> -> memref<16384xf32, #tpu.memory_space<hbm>>
      tpu.wait_dma2 semaphore(%run_scoped3A : memref<!tpu.dma_semaphore, #tpu.memory_space<semaphore_mem>>) src(%arg7 : memref<16384xf32, #tpu.memory_space<vmem>>) dst(%dma_wait3A_1511 : memref<16384xf32, #tpu.memory_space<hbm>>)
      tpu.yield
    }) : () -> ()
    %sub3A_376 = arith.constant 131072 : i32
    %sub3A_377 = arith.subi %sub3A_376, %squeeze3A : i32
    %add3A_378 = arith.constant 262144 : i32
    %add3A_379 = arith.addi %sub3A_377, %add3A_378 : i32
    %rem3A_380 = arith.constant 262144 : i32
    %rem3A_381 = arith.remsi %add3A_379, %rem3A_380 : i32
    %jit3A_382 = arith.constant 16384 : i32
    %div3A_383 = arith.divsi %rem3A_381, %jit3A_382 : i32
    %sign3A_384 = arith.constant 0 : i32
    %sign3A_385 = arith.cmpi sgt, %rem3A_381, %sign3A_384 : i32
    %sign3A_386 = arith.extui %sign3A_385 : i1 to i32
    %sign3A_387 = arith.constant 0 : i32
    %sign3A_388 = arith.cmpi slt, %rem3A_381, %sign3A_387 : i32
    %sign3A_389 = arith.extui %sign3A_388 : i1 to i32
    %sign3A_390 = arith.subi %sign3A_386, %sign3A_389 : i32
    %sign3A_391 = arith.constant 0 : i32
    %sign3A_392 = arith.cmpi sgt, %jit3A_382, %sign3A_391 : i32
    %sign3A_393 = arith.extui %sign3A_392 : i1 to i32
    %sign3A_394 = arith.constant 0 : i32
    %sign3A_395 = arith.cmpi slt, %jit3A_382, %sign3A_394 : i32
    %sign3A_396 = arith.extui %sign3A_395 : i1 to i32
    %sign3A_397 = arith.subi %sign3A_393, %sign3A_396 : i32
    %ne3A_398 = arith.cmpi ne, %sign3A_390, %sign3A_397 : i32
    %rem3A_399 = arith.remsi %rem3A_381, %jit3A_382 : i32
    %ne3A_400 = arith.constant 0 : i32
    %ne3A_401 = arith.cmpi ne, %rem3A_399, %ne3A_400 : i32
    %and3A_402 = arith.andi %ne3A_398, %ne3A_401 : i1
    %sub3A_403 = arith.constant 1 : i32
    %sub3A_404 = arith.subi %div3A_383, %sub3A_403 : i32
    %select_n3A_405 = arith.select %and3A_402, %sub3A_404, %div3A_383 : i32
    %mul3A_406 = arith.constant 16384 : i32
    %mul3A_407 = arith.muli %select_n3A_405, %mul3A_406 : i32
    %add3A_408 = arith.constant 16384 : i32
    %add3A_409 = arith.addi %mul3A_407, %add3A_408 : i32
    %rem3A_410 = arith.constant 262144 : i32
    %rem3A_411 = arith.remsi %add3A_409, %rem3A_410 : i32
    %sub3A_412 = arith.subi %rem3A_381, %mul3A_407 : i32
    %add3A_413 = arith.addi %mul3A_8, %mul3A_407 : i32
    "tpu.region"() ({
      %run_scoped3A = tpu.sem_alloc : memref<!tpu.dma_semaphore, #tpu.memory_space<semaphore_mem>>
      %dma_start3A = arith.constant 0 : i32
      %dma_start3A_1510 = tpu.memref_slice %arg6[%dma_start3A] : memref<32768xf32, #tpu.memory_space<vmem>> -> memref<16384xf32, #tpu.memory_space<vmem>>
      %dma_start3A_1511 = tpu.memref_slice %arg2[%add3A_413] : memref<16777216xf32, #tpu.memory_space<hbm>> -> memref<16384xf32, #tpu.memory_space<hbm>>
      %dma_start3A_1512 = arith.constant 0 : i32
      %dma_start3A_1513 = tpu.memref_slice %arg6[%dma_start3A_1512] : memref<32768xf32, #tpu.memory_space<vmem>> -> memref<16384xf32, #tpu.memory_space<vmem>>
      %dma_start3A_1514 = tpu.memref_slice %arg2[%add3A_413] : memref<16777216xf32, #tpu.memory_space<hbm>> -> memref<16384xf32, #tpu.memory_space<hbm>>
      tpu.enqueue_dma source(%dma_start3A_1514 : memref<16384xf32, #tpu.memory_space<hbm>>) target(%dma_start3A_1513 : memref<16384xf32, #tpu.memory_space<vmem>>) target_semaphore(%run_scoped3A : memref<!tpu.dma_semaphore, #tpu.memory_space<semaphore_mem>>)
      %dma_wait3A = arith.constant 0 : i32
      %dma_wait3A_1515 = tpu.memref_slice %arg6[%dma_wait3A] : memref<32768xf32, #tpu.memory_space<vmem>> -> memref<16384xf32, #tpu.memory_space<vmem>>
      %dma_wait3A_1516 = tpu.memref_slice %arg2[%add3A_413] : memref<16777216xf32, #tpu.memory_space<hbm>> -> memref<16384xf32, #tpu.memory_space<hbm>>
      %dma_wait3A_1517 = arith.constant 0 : i32
      %dma_wait3A_1518 = tpu.memref_slice %arg6[%dma_wait3A_1517] : memref<32768xf32, #tpu.memory_space<vmem>> -> memref<16384xf32, #tpu.memory_space<vmem>>
      %dma_wait3A_1519 = tpu.memref_slice %arg2[%add3A_413] : memref<16777216xf32, #tpu.memory_space<hbm>> -> memref<16384xf32, #tpu.memory_space<hbm>>
      tpu.wait_dma2 semaphore(%run_scoped3A : memref<!tpu.dma_semaphore, #tpu.memory_space<semaphore_mem>>) src(%dma_wait3A_1519 : memref<16384xf32, #tpu.memory_space<hbm>>) dst(%dma_wait3A_1518 : memref<16384xf32, #tpu.memory_space<vmem>>)
      tpu.yield
    }) : () -> ()
    %add3A_414 = arith.addi %mul3A_8, %rem3A_411 : i32
    "tpu.region"() ({
      %run_scoped3A = tpu.sem_alloc : memref<!tpu.dma_semaphore, #tpu.memory_space<semaphore_mem>>
      %dma_start3A = arith.constant 16384 : i32
      %dma_start3A_1510 = tpu.memref_slice %arg6[%dma_start3A] : memref<32768xf32, #tpu.memory_space<vmem>> -> memref<16384xf32, #tpu.memory_space<vmem>>
      %dma_start3A_1511 = tpu.memref_slice %arg2[%add3A_414] : memref<16777216xf32, #tpu.memory_space<hbm>> -> memref<16384xf32, #tpu.memory_space<hbm>>
      %dma_start3A_1512 = arith.constant 16384 : i32
      %dma_start3A_1513 = tpu.memref_slice %arg6[%dma_start3A_1512] : memref<32768xf32, #tpu.memory_space<vmem>> -> memref<16384xf32, #tpu.memory_space<vmem>>
      %dma_start3A_1514 = tpu.memref_slice %arg2[%add3A_414] : memref<16777216xf32, #tpu.memory_space<hbm>> -> memref<16384xf32, #tpu.memory_space<hbm>>
      tpu.enqueue_dma source(%dma_start3A_1514 : memref<16384xf32, #tpu.memory_space<hbm>>) target(%dma_start3A_1513 : memref<16384xf32, #tpu.memory_space<vmem>>) target_semaphore(%run_scoped3A : memref<!tpu.dma_semaphore, #tpu.memory_space<semaphore_mem>>)
      %dma_wait3A = arith.constant 16384 : i32
      %dma_wait3A_1515 = tpu.memref_slice %arg6[%dma_wait3A] : memref<32768xf32, #tpu.memory_space<vmem>> -> memref<16384xf32, #tpu.memory_space<vmem>>
      %dma_wait3A_1516 = tpu.memref_slice %arg2[%add3A_414] : memref<16777216xf32, #tpu.memory_space<hbm>> -> memref<16384xf32, #tpu.memory_space<hbm>>
      %dma_wait3A_1517 = arith.constant 16384 : i32
      %dma_wait3A_1518 = tpu.memref_slice %arg6[%dma_wait3A_1517] : memref<32768xf32, #tpu.memory_space<vmem>> -> memref<16384xf32, #tpu.memory_space<vmem>>
      %dma_wait3A_1519 = tpu.memref_slice %arg2[%add3A_414] : memref<16777216xf32, #tpu.memory_space<hbm>> -> memref<16384xf32, #tpu.memory_space<hbm>>
      tpu.wait_dma2 semaphore(%run_scoped3A : memref<!tpu.dma_semaphore, #tpu.memory_space<semaphore_mem>>) src(%dma_wait3A_1519 : memref<16384xf32, #tpu.memory_space<hbm>>) dst(%dma_wait3A_1518 : memref<16384xf32, #tpu.memory_space<vmem>>)
      tpu.yield
    }) : () -> ()
    %scan3A_415 = arith.constant 0 : i32
    %scan3A_416 = arith.constant 0 : i32
    %scan3A_417 = arith.constant 1024 : i32
    %scan3A_418 = arith.addi %scan3A_416, %scan3A_417 : i32
    %scan3A_419 = arith.constant 1 : i32
    scf.for %scan3A_1510 = %scan3A_416 to %scan3A_418 step %scan3A_419  : i32 {
      %mul3A_1511 = arith.constant 16 : i32
      %mul3A_1512 = arith.muli %scan3A_1510, %mul3A_1511 : i32
      %add3A_1513 = arith.addi %sub3A_412, %mul3A_1512 : i32
      %get3A_1514 = arith.index_cast %add3A_1513 : i32 to index
      %get3A_1515 = tpu.vector_load %arg6[%get3A_1514] {strides = array<i32>} : memref<32768xf32, #tpu.memory_space<vmem>>, vector<16xf32>,
      %get3A_1516 = vector.shape_cast %get3A_1515 : vector<16xf32> to vector<16xf32>
      %mul3A_1517 = arith.constant 16 : i32
      %mul3A_1518 = arith.muli %scan3A_1510, %mul3A_1517 : i32
      %swap3A = arith.index_cast %mul3A_1518 : i32 to index
      %swap3A_1519 = tpu.vector_load %arg7[%swap3A] {strides = array<i32>} : memref<16384xf32, #tpu.memory_space<vmem>>, vector<16xf32>,
      %swap3A_1520 = vector.shape_cast %swap3A_1519 : vector<16xf32> to vector<16xf32>
      %swap3A_1521 = vector.shape_cast %get3A_1516 : vector<16xf32> to vector<16xf32>
      tpu.vector_store %arg7[%swap3A], %swap3A_1521 {strides = array<i32>} : memref<16384xf32, #tpu.memory_space<vmem>>, vector<16xf32>,
    }
    %scan3A_420 = arith.constant 1024 : i32
    %add3A_421 = arith.constant 131072 : i32
    %add3A_422 = arith.addi %mul3A_8, %add3A_421 : i32
    "tpu.region"() ({
      %run_scoped3A = tpu.sem_alloc : memref<!tpu.dma_semaphore, #tpu.memory_space<semaphore_mem>>
      %dma_start3A = tpu.memref_slice %arg4[%add3A_422] : memref<16777216xf32, #tpu.memory_space<hbm>> -> memref<16384xf32, #tpu.memory_space<hbm>>
      %dma_start3A_1510 = tpu.memref_slice %arg4[%add3A_422] : memref<16777216xf32, #tpu.memory_space<hbm>> -> memref<16384xf32, #tpu.memory_space<hbm>>
      tpu.enqueue_dma source(%arg7 : memref<16384xf32, #tpu.memory_space<vmem>>) target(%dma_start3A_1510 : memref<16384xf32, #tpu.memory_space<hbm>>) target_semaphore(%run_scoped3A : memref<!tpu.dma_semaphore, #tpu.memory_space<semaphore_mem>>)
      %dma_wait3A = tpu.memref_slice %arg4[%add3A_422] : memref<16777216xf32, #tpu.memory_space<hbm>> -> memref<16384xf32, #tpu.memory_space<hbm>>
      %dma_wait3A_1511 = tpu.memref_slice %arg4[%add3A_422] : memref<16777216xf32, #tpu.memory_space<hbm>> -> memref<16384xf32, #tpu.memory_space<hbm>>
      tpu.wait_dma2 semaphore(%run_scoped3A : memref<!tpu.dma_semaphore, #tpu.memory_space<semaphore_mem>>) src(%arg7 : memref<16384xf32, #tpu.memory_space<vmem>>) dst(%dma_wait3A_1511 : memref<16384xf32, #tpu.memory_space<hbm>>)
      tpu.yield
    }) : () -> ()
    %sub3A_423 = arith.constant 147456 : i32
    %sub3A_424 = arith.subi %sub3A_423, %squeeze3A : i32
    %add3A_425 = arith.constant 262144 : i32
    %add3A_426 = arith.addi %sub3A_424, %add3A_425 : i32
    %rem3A_427 = arith.constant 262144 : i32
    %rem3A_428 = arith.remsi %add3A_426, %rem3A_427 : i32
    %jit3A_429 = arith.constant 16384 : i32
    %div3A_430 = arith.divsi %rem3A_428, %jit3A_429 : i32
    %sign3A_431 = arith.constant 0 : i32
    %sign3A_432 = arith.cmpi sgt, %rem3A_428, %sign3A_431 : i32
    %sign3A_433 = arith.extui %sign3A_432 : i1 to i32
    %sign3A_434 = arith.constant 0 : i32
    %sign3A_435 = arith.cmpi slt, %rem3A_428, %sign3A_434 : i32
    %sign3A_436 = arith.extui %sign3A_435 : i1 to i32
    %sign3A_437 = arith.subi %sign3A_433, %sign3A_436 : i32
    %sign3A_438 = arith.constant 0 : i32
    %sign3A_439 = arith.cmpi sgt, %jit3A_429, %sign3A_438 : i32
    %sign3A_440 = arith.extui %sign3A_439 : i1 to i32
    %sign3A_441 = arith.constant 0 : i32
    %sign3A_442 = arith.cmpi slt, %jit3A_429, %sign3A_441 : i32
    %sign3A_443 = arith.extui %sign3A_442 : i1 to i32
    %sign3A_444 = arith.subi %sign3A_440, %sign3A_443 : i32
    %ne3A_445 = arith.cmpi ne, %sign3A_437, %sign3A_444 : i32
    %rem3A_446 = arith.remsi %rem3A_428, %jit3A_429 : i32
    %ne3A_447 = arith.constant 0 : i32
    %ne3A_448 = arith.cmpi ne, %rem3A_446, %ne3A_447 : i32
    %and3A_449 = arith.andi %ne3A_445, %ne3A_448 : i1
    %sub3A_450 = arith.constant 1 : i32
    %sub3A_451 = arith.subi %div3A_430, %sub3A_450 : i32
    %select_n3A_452 = arith.select %and3A_449, %sub3A_451, %div3A_430 : i32
    %mul3A_453 = arith.constant 16384 : i32
    %mul3A_454 = arith.muli %select_n3A_452, %mul3A_453 : i32
    %add3A_455 = arith.constant 16384 : i32
    %add3A_456 = arith.addi %mul3A_454, %add3A_455 : i32
    %rem3A_457 = arith.constant 262144 : i32
    %rem3A_458 = arith.remsi %add3A_456, %rem3A_457 : i32
    %sub3A_459 = arith.subi %rem3A_428, %mul3A_454 : i32
    %add3A_460 = arith.addi %mul3A_8, %mul3A_454 : i32
    "tpu.region"() ({
      %run_scoped3A = tpu.sem_alloc : memref<!tpu.dma_semaphore, #tpu.memory_space<semaphore_mem>>
      %dma_start3A = arith.constant 0 : i32
      %dma_start3A_1510 = tpu.memref_slice %arg6[%dma_start3A] : memref<32768xf32, #tpu.memory_space<vmem>> -> memref<16384xf32, #tpu.memory_space<vmem>>
      %dma_start3A_1511 = tpu.memref_slice %arg2[%add3A_460] : memref<16777216xf32, #tpu.memory_space<hbm>> -> memref<16384xf32, #tpu.memory_space<hbm>>
      %dma_start3A_1512 = arith.constant 0 : i32
      %dma_start3A_1513 = tpu.memref_slice %arg6[%dma_start3A_1512] : memref<32768xf32, #tpu.memory_space<vmem>> -> memref<16384xf32, #tpu.memory_space<vmem>>
      %dma_start3A_1514 = tpu.memref_slice %arg2[%add3A_460] : memref<16777216xf32, #tpu.memory_space<hbm>> -> memref<16384xf32, #tpu.memory_space<hbm>>
      tpu.enqueue_dma source(%dma_start3A_1514 : memref<16384xf32, #tpu.memory_space<hbm>>) target(%dma_start3A_1513 : memref<16384xf32, #tpu.memory_space<vmem>>) target_semaphore(%run_scoped3A : memref<!tpu.dma_semaphore, #tpu.memory_space<semaphore_mem>>)
      %dma_wait3A = arith.constant 0 : i32
      %dma_wait3A_1515 = tpu.memref_slice %arg6[%dma_wait3A] : memref<32768xf32, #tpu.memory_space<vmem>> -> memref<16384xf32, #tpu.memory_space<vmem>>
      %dma_wait3A_1516 = tpu.memref_slice %arg2[%add3A_460] : memref<16777216xf32, #tpu.memory_space<hbm>> -> memref<16384xf32, #tpu.memory_space<hbm>>
      %dma_wait3A_1517 = arith.constant 0 : i32
      %dma_wait3A_1518 = tpu.memref_slice %arg6[%dma_wait3A_1517] : memref<32768xf32, #tpu.memory_space<vmem>> -> memref<16384xf32, #tpu.memory_space<vmem>>
      %dma_wait3A_1519 = tpu.memref_slice %arg2[%add3A_460] : memref<16777216xf32, #tpu.memory_space<hbm>> -> memref<16384xf32, #tpu.memory_space<hbm>>
      tpu.wait_dma2 semaphore(%run_scoped3A : memref<!tpu.dma_semaphore, #tpu.memory_space<semaphore_mem>>) src(%dma_wait3A_1519 : memref<16384xf32, #tpu.memory_space<hbm>>) dst(%dma_wait3A_1518 : memref<16384xf32, #tpu.memory_space<vmem>>)
      tpu.yield
    }) : () -> ()
    %add3A_461 = arith.addi %mul3A_8, %rem3A_458 : i32
    "tpu.region"() ({
      %run_scoped3A = tpu.sem_alloc : memref<!tpu.dma_semaphore, #tpu.memory_space<semaphore_mem>>
      %dma_start3A = arith.constant 16384 : i32
      %dma_start3A_1510 = tpu.memref_slice %arg6[%dma_start3A] : memref<32768xf32, #tpu.memory_space<vmem>> -> memref<16384xf32, #tpu.memory_space<vmem>>
      %dma_start3A_1511 = tpu.memref_slice %arg2[%add3A_461] : memref<16777216xf32, #tpu.memory_space<hbm>> -> memref<16384xf32, #tpu.memory_space<hbm>>
      %dma_start3A_1512 = arith.constant 16384 : i32
      %dma_start3A_1513 = tpu.memref_slice %arg6[%dma_start3A_1512] : memref<32768xf32, #tpu.memory_space<vmem>> -> memref<16384xf32, #tpu.memory_space<vmem>>
      %dma_start3A_1514 = tpu.memref_slice %arg2[%add3A_461] : memref<16777216xf32, #tpu.memory_space<hbm>> -> memref<16384xf32, #tpu.memory_space<hbm>>
      tpu.enqueue_dma source(%dma_start3A_1514 : memref<16384xf32, #tpu.memory_space<hbm>>) target(%dma_start3A_1513 : memref<16384xf32, #tpu.memory_space<vmem>>) target_semaphore(%run_scoped3A : memref<!tpu.dma_semaphore, #tpu.memory_space<semaphore_mem>>)
      %dma_wait3A = arith.constant 16384 : i32
      %dma_wait3A_1515 = tpu.memref_slice %arg6[%dma_wait3A] : memref<32768xf32, #tpu.memory_space<vmem>> -> memref<16384xf32, #tpu.memory_space<vmem>>
      %dma_wait3A_1516 = tpu.memref_slice %arg2[%add3A_461] : memref<16777216xf32, #tpu.memory_space<hbm>> -> memref<16384xf32, #tpu.memory_space<hbm>>
      %dma_wait3A_1517 = arith.constant 16384 : i32
      %dma_wait3A_1518 = tpu.memref_slice %arg6[%dma_wait3A_1517] : memref<32768xf32, #tpu.memory_space<vmem>> -> memref<16384xf32, #tpu.memory_space<vmem>>
      %dma_wait3A_1519 = tpu.memref_slice %arg2[%add3A_461] : memref<16777216xf32, #tpu.memory_space<hbm>> -> memref<16384xf32, #tpu.memory_space<hbm>>
      tpu.wait_dma2 semaphore(%run_scoped3A : memref<!tpu.dma_semaphore, #tpu.memory_space<semaphore_mem>>) src(%dma_wait3A_1519 : memref<16384xf32, #tpu.memory_space<hbm>>) dst(%dma_wait3A_1518 : memref<16384xf32, #tpu.memory_space<vmem>>)
      tpu.yield
    }) : () -> ()
    %scan3A_462 = arith.constant 0 : i32
    %scan3A_463 = arith.constant 0 : i32
    %scan3A_464 = arith.constant 1024 : i32
    %scan3A_465 = arith.addi %scan3A_463, %scan3A_464 : i32
    %scan3A_466 = arith.constant 1 : i32
    scf.for %scan3A_1510 = %scan3A_463 to %scan3A_465 step %scan3A_466  : i32 {
      %mul3A_1511 = arith.constant 16 : i32
      %mul3A_1512 = arith.muli %scan3A_1510, %mul3A_1511 : i32
      %add3A_1513 = arith.addi %sub3A_459, %mul3A_1512 : i32
      %get3A_1514 = arith.index_cast %add3A_1513 : i32 to index
      %get3A_1515 = tpu.vector_load %arg6[%get3A_1514] {strides = array<i32>} : memref<32768xf32, #tpu.memory_space<vmem>>, vector<16xf32>,
      %get3A_1516 = vector.shape_cast %get3A_1515 : vector<16xf32> to vector<16xf32>
      %mul3A_1517 = arith.constant 16 : i32
      %mul3A_1518 = arith.muli %scan3A_1510, %mul3A_1517 : i32
      %swap3A = arith.index_cast %mul3A_1518 : i32 to index
      %swap3A_1519 = tpu.vector_load %arg7[%swap3A] {strides = array<i32>} : memref<16384xf32, #tpu.memory_space<vmem>>, vector<16xf32>,
      %swap3A_1520 = vector.shape_cast %swap3A_1519 : vector<16xf32> to vector<16xf32>
      %swap3A_1521 = vector.shape_cast %get3A_1516 : vector<16xf32> to vector<16xf32>
      tpu.vector_store %arg7[%swap3A], %swap3A_1521 {strides = array<i32>} : memref<16384xf32, #tpu.memory_space<vmem>>, vector<16xf32>,
    }
    %scan3A_467 = arith.constant 1024 : i32
    %add3A_468 = arith.constant 147456 : i32
    %add3A_469 = arith.addi %mul3A_8, %add3A_468 : i32
    "tpu.region"() ({
      %run_scoped3A = tpu.sem_alloc : memref<!tpu.dma_semaphore, #tpu.memory_space<semaphore_mem>>
      %dma_start3A = tpu.memref_slice %arg4[%add3A_469] : memref<16777216xf32, #tpu.memory_space<hbm>> -> memref<16384xf32, #tpu.memory_space<hbm>>
      %dma_start3A_1510 = tpu.memref_slice %arg4[%add3A_469] : memref<16777216xf32, #tpu.memory_space<hbm>> -> memref<16384xf32, #tpu.memory_space<hbm>>
      tpu.enqueue_dma source(%arg7 : memref<16384xf32, #tpu.memory_space<vmem>>) target(%dma_start3A_1510 : memref<16384xf32, #tpu.memory_space<hbm>>) target_semaphore(%run_scoped3A : memref<!tpu.dma_semaphore, #tpu.memory_space<semaphore_mem>>)
      %dma_wait3A = tpu.memref_slice %arg4[%add3A_469] : memref<16777216xf32, #tpu.memory_space<hbm>> -> memref<16384xf32, #tpu.memory_space<hbm>>
      %dma_wait3A_1511 = tpu.memref_slice %arg4[%add3A_469] : memref<16777216xf32, #tpu.memory_space<hbm>> -> memref<16384xf32, #tpu.memory_space<hbm>>
      tpu.wait_dma2 semaphore(%run_scoped3A : memref<!tpu.dma_semaphore, #tpu.memory_space<semaphore_mem>>) src(%arg7 : memref<16384xf32, #tpu.memory_space<vmem>>) dst(%dma_wait3A_1511 : memref<16384xf32, #tpu.memory_space<hbm>>)
      tpu.yield
    }) : () -> ()
    %sub3A_470 = arith.constant 163840 : i32
    %sub3A_471 = arith.subi %sub3A_470, %squeeze3A : i32
    %add3A_472 = arith.constant 262144 : i32
    %add3A_473 = arith.addi %sub3A_471, %add3A_472 : i32
    %rem3A_474 = arith.constant 262144 : i32
    %rem3A_475 = arith.remsi %add3A_473, %rem3A_474 : i32
    %jit3A_476 = arith.constant 16384 : i32
    %div3A_477 = arith.divsi %rem3A_475, %jit3A_476 : i32
    %sign3A_478 = arith.constant 0 : i32
    %sign3A_479 = arith.cmpi sgt, %rem3A_475, %sign3A_478 : i32
    %sign3A_480 = arith.extui %sign3A_479 : i1 to i32
    %sign3A_481 = arith.constant 0 : i32
    %sign3A_482 = arith.cmpi slt, %rem3A_475, %sign3A_481 : i32
    %sign3A_483 = arith.extui %sign3A_482 : i1 to i32
    %sign3A_484 = arith.subi %sign3A_480, %sign3A_483 : i32
    %sign3A_485 = arith.constant 0 : i32
    %sign3A_486 = arith.cmpi sgt, %jit3A_476, %sign3A_485 : i32
    %sign3A_487 = arith.extui %sign3A_486 : i1 to i32
    %sign3A_488 = arith.constant 0 : i32
    %sign3A_489 = arith.cmpi slt, %jit3A_476, %sign3A_488 : i32
    %sign3A_490 = arith.extui %sign3A_489 : i1 to i32
    %sign3A_491 = arith.subi %sign3A_487, %sign3A_490 : i32
    %ne3A_492 = arith.cmpi ne, %sign3A_484, %sign3A_491 : i32
    %rem3A_493 = arith.remsi %rem3A_475, %jit3A_476 : i32
    %ne3A_494 = arith.constant 0 : i32
    %ne3A_495 = arith.cmpi ne, %rem3A_493, %ne3A_494 : i32
    %and3A_496 = arith.andi %ne3A_492, %ne3A_495 : i1
    %sub3A_497 = arith.constant 1 : i32
    %sub3A_498 = arith.subi %div3A_477, %sub3A_497 : i32
    %select_n3A_499 = arith.select %and3A_496, %sub3A_498, %div3A_477 : i32
    %mul3A_500 = arith.constant 16384 : i32
    %mul3A_501 = arith.muli %select_n3A_499, %mul3A_500 : i32
    %add3A_502 = arith.constant 16384 : i32
    %add3A_503 = arith.addi %mul3A_501, %add3A_502 : i32
    %rem3A_504 = arith.constant 262144 : i32
    %rem3A_505 = arith.remsi %add3A_503, %rem3A_504 : i32
    %sub3A_506 = arith.subi %rem3A_475, %mul3A_501 : i32
    %add3A_507 = arith.addi %mul3A_8, %mul3A_501 : i32
    "tpu.region"() ({
      %run_scoped3A = tpu.sem_alloc : memref<!tpu.dma_semaphore, #tpu.memory_space<semaphore_mem>>
      %dma_start3A = arith.constant 0 : i32
      %dma_start3A_1510 = tpu.memref_slice %arg6[%dma_start3A] : memref<32768xf32, #tpu.memory_space<vmem>> -> memref<16384xf32, #tpu.memory_space<vmem>>
      %dma_start3A_1511 = tpu.memref_slice %arg2[%add3A_507] : memref<16777216xf32, #tpu.memory_space<hbm>> -> memref<16384xf32, #tpu.memory_space<hbm>>
      %dma_start3A_1512 = arith.constant 0 : i32
      %dma_start3A_1513 = tpu.memref_slice %arg6[%dma_start3A_1512] : memref<32768xf32, #tpu.memory_space<vmem>> -> memref<16384xf32, #tpu.memory_space<vmem>>
      %dma_start3A_1514 = tpu.memref_slice %arg2[%add3A_507] : memref<16777216xf32, #tpu.memory_space<hbm>> -> memref<16384xf32, #tpu.memory_space<hbm>>
      tpu.enqueue_dma source(%dma_start3A_1514 : memref<16384xf32, #tpu.memory_space<hbm>>) target(%dma_start3A_1513 : memref<16384xf32, #tpu.memory_space<vmem>>) target_semaphore(%run_scoped3A : memref<!tpu.dma_semaphore, #tpu.memory_space<semaphore_mem>>)
      %dma_wait3A = arith.constant 0 : i32
      %dma_wait3A_1515 = tpu.memref_slice %arg6[%dma_wait3A] : memref<32768xf32, #tpu.memory_space<vmem>> -> memref<16384xf32, #tpu.memory_space<vmem>>
      %dma_wait3A_1516 = tpu.memref_slice %arg2[%add3A_507] : memref<16777216xf32, #tpu.memory_space<hbm>> -> memref<16384xf32, #tpu.memory_space<hbm>>
      %dma_wait3A_1517 = arith.constant 0 : i32
      %dma_wait3A_1518 = tpu.memref_slice %arg6[%dma_wait3A_1517] : memref<32768xf32, #tpu.memory_space<vmem>> -> memref<16384xf32, #tpu.memory_space<vmem>>
      %dma_wait3A_1519 = tpu.memref_slice %arg2[%add3A_507] : memref<16777216xf32, #tpu.memory_space<hbm>> -> memref<16384xf32, #tpu.memory_space<hbm>>
      tpu.wait_dma2 semaphore(%run_scoped3A : memref<!tpu.dma_semaphore, #tpu.memory_space<semaphore_mem>>) src(%dma_wait3A_1519 : memref<16384xf32, #tpu.memory_space<hbm>>) dst(%dma_wait3A_1518 : memref<16384xf32, #tpu.memory_space<vmem>>)
      tpu.yield
    }) : () -> ()
    %add3A_508 = arith.addi %mul3A_8, %rem3A_505 : i32
    "tpu.region"() ({
      %run_scoped3A = tpu.sem_alloc : memref<!tpu.dma_semaphore, #tpu.memory_space<semaphore_mem>>
      %dma_start3A = arith.constant 16384 : i32
      %dma_start3A_1510 = tpu.memref_slice %arg6[%dma_start3A] : memref<32768xf32, #tpu.memory_space<vmem>> -> memref<16384xf32, #tpu.memory_space<vmem>>
      %dma_start3A_1511 = tpu.memref_slice %arg2[%add3A_508] : memref<16777216xf32, #tpu.memory_space<hbm>> -> memref<16384xf32, #tpu.memory_space<hbm>>
      %dma_start3A_1512 = arith.constant 16384 : i32
      %dma_start3A_1513 = tpu.memref_slice %arg6[%dma_start3A_1512] : memref<32768xf32, #tpu.memory_space<vmem>> -> memref<16384xf32, #tpu.memory_space<vmem>>
      %dma_start3A_1514 = tpu.memref_slice %arg2[%add3A_508] : memref<16777216xf32, #tpu.memory_space<hbm>> -> memref<16384xf32, #tpu.memory_space<hbm>>
      tpu.enqueue_dma source(%dma_start3A_1514 : memref<16384xf32, #tpu.memory_space<hbm>>) target(%dma_start3A_1513 : memref<16384xf32, #tpu.memory_space<vmem>>) target_semaphore(%run_scoped3A : memref<!tpu.dma_semaphore, #tpu.memory_space<semaphore_mem>>)
      %dma_wait3A = arith.constant 16384 : i32
      %dma_wait3A_1515 = tpu.memref_slice %arg6[%dma_wait3A] : memref<32768xf32, #tpu.memory_space<vmem>> -> memref<16384xf32, #tpu.memory_space<vmem>>
      %dma_wait3A_1516 = tpu.memref_slice %arg2[%add3A_508] : memref<16777216xf32, #tpu.memory_space<hbm>> -> memref<16384xf32, #tpu.memory_space<hbm>>
      %dma_wait3A_1517 = arith.constant 16384 : i32
      %dma_wait3A_1518 = tpu.memref_slice %arg6[%dma_wait3A_1517] : memref<32768xf32, #tpu.memory_space<vmem>> -> memref<16384xf32, #tpu.memory_space<vmem>>
      %dma_wait3A_1519 = tpu.memref_slice %arg2[%add3A_508] : memref<16777216xf32, #tpu.memory_space<hbm>> -> memref<16384xf32, #tpu.memory_space<hbm>>
      tpu.wait_dma2 semaphore(%run_scoped3A : memref<!tpu.dma_semaphore, #tpu.memory_space<semaphore_mem>>) src(%dma_wait3A_1519 : memref<16384xf32, #tpu.memory_space<hbm>>) dst(%dma_wait3A_1518 : memref<16384xf32, #tpu.memory_space<vmem>>)
      tpu.yield
    }) : () -> ()
    %scan3A_509 = arith.constant 0 : i32
    %scan3A_510 = arith.constant 0 : i32
    %scan3A_511 = arith.constant 1024 : i32
    %scan3A_512 = arith.addi %scan3A_510, %scan3A_511 : i32
    %scan3A_513 = arith.constant 1 : i32
    scf.for %scan3A_1510 = %scan3A_510 to %scan3A_512 step %scan3A_513  : i32 {
      %mul3A_1511 = arith.constant 16 : i32
      %mul3A_1512 = arith.muli %scan3A_1510, %mul3A_1511 : i32
      %add3A_1513 = arith.addi %sub3A_506, %mul3A_1512 : i32
      %get3A_1514 = arith.index_cast %add3A_1513 : i32 to index
      %get3A_1515 = tpu.vector_load %arg6[%get3A_1514] {strides = array<i32>} : memref<32768xf32, #tpu.memory_space<vmem>>, vector<16xf32>,
      %get3A_1516 = vector.shape_cast %get3A_1515 : vector<16xf32> to vector<16xf32>
      %mul3A_1517 = arith.constant 16 : i32
      %mul3A_1518 = arith.muli %scan3A_1510, %mul3A_1517 : i32
      %swap3A = arith.index_cast %mul3A_1518 : i32 to index
      %swap3A_1519 = tpu.vector_load %arg7[%swap3A] {strides = array<i32>} : memref<16384xf32, #tpu.memory_space<vmem>>, vector<16xf32>,
      %swap3A_1520 = vector.shape_cast %swap3A_1519 : vector<16xf32> to vector<16xf32>
      %swap3A_1521 = vector.shape_cast %get3A_1516 : vector<16xf32> to vector<16xf32>
      tpu.vector_store %arg7[%swap3A], %swap3A_1521 {strides = array<i32>} : memref<16384xf32, #tpu.memory_space<vmem>>, vector<16xf32>,
    }
    %scan3A_514 = arith.constant 1024 : i32
    %add3A_515 = arith.constant 163840 : i32
    %add3A_516 = arith.addi %mul3A_8, %add3A_515 : i32
    "tpu.region"() ({
      %run_scoped3A = tpu.sem_alloc : memref<!tpu.dma_semaphore, #tpu.memory_space<semaphore_mem>>
      %dma_start3A = tpu.memref_slice %arg4[%add3A_516] : memref<16777216xf32, #tpu.memory_space<hbm>> -> memref<16384xf32, #tpu.memory_space<hbm>>
      %dma_start3A_1510 = tpu.memref_slice %arg4[%add3A_516] : memref<16777216xf32, #tpu.memory_space<hbm>> -> memref<16384xf32, #tpu.memory_space<hbm>>
      tpu.enqueue_dma source(%arg7 : memref<16384xf32, #tpu.memory_space<vmem>>) target(%dma_start3A_1510 : memref<16384xf32, #tpu.memory_space<hbm>>) target_semaphore(%run_scoped3A : memref<!tpu.dma_semaphore, #tpu.memory_space<semaphore_mem>>)
      %dma_wait3A = tpu.memref_slice %arg4[%add3A_516] : memref<16777216xf32, #tpu.memory_space<hbm>> -> memref<16384xf32, #tpu.memory_space<hbm>>
      %dma_wait3A_1511 = tpu.memref_slice %arg4[%add3A_516] : memref<16777216xf32, #tpu.memory_space<hbm>> -> memref<16384xf32, #tpu.memory_space<hbm>>
      tpu.wait_dma2 semaphore(%run_scoped3A : memref<!tpu.dma_semaphore, #tpu.memory_space<semaphore_mem>>) src(%arg7 : memref<16384xf32, #tpu.memory_space<vmem>>) dst(%dma_wait3A_1511 : memref<16384xf32, #tpu.memory_space<hbm>>)
      tpu.yield
    }) : () -> ()
    %sub3A_517 = arith.constant 180224 : i32
    %sub3A_518 = arith.subi %sub3A_517, %squeeze3A : i32
    %add3A_519 = arith.constant 262144 : i32
    %add3A_520 = arith.addi %sub3A_518, %add3A_519 : i32
    %rem3A_521 = arith.constant 262144 : i32
    %rem3A_522 = arith.remsi %add3A_520, %rem3A_521 : i32
    %jit3A_523 = arith.constant 16384 : i32
    %div3A_524 = arith.divsi %rem3A_522, %jit3A_523 : i32
    %sign3A_525 = arith.constant 0 : i32
    %sign3A_526 = arith.cmpi sgt, %rem3A_522, %sign3A_525 : i32
    %sign3A_527 = arith.extui %sign3A_526 : i1 to i32
    %sign3A_528 = arith.constant 0 : i32
    %sign3A_529 = arith.cmpi slt, %rem3A_522, %sign3A_528 : i32
    %sign3A_530 = arith.extui %sign3A_529 : i1 to i32
    %sign3A_531 = arith.subi %sign3A_527, %sign3A_530 : i32
    %sign3A_532 = arith.constant 0 : i32
    %sign3A_533 = arith.cmpi sgt, %jit3A_523, %sign3A_532 : i32
    %sign3A_534 = arith.extui %sign3A_533 : i1 to i32
    %sign3A_535 = arith.constant 0 : i32
    %sign3A_536 = arith.cmpi slt, %jit3A_523, %sign3A_535 : i32
    %sign3A_537 = arith.extui %sign3A_536 : i1 to i32
    %sign3A_538 = arith.subi %sign3A_534, %sign3A_537 : i32
    %ne3A_539 = arith.cmpi ne, %sign3A_531, %sign3A_538 : i32
    %rem3A_540 = arith.remsi %rem3A_522, %jit3A_523 : i32
    %ne3A_541 = arith.constant 0 : i32
    %ne3A_542 = arith.cmpi ne, %rem3A_540, %ne3A_541 : i32
    %and3A_543 = arith.andi %ne3A_539, %ne3A_542 : i1
    %sub3A_544 = arith.constant 1 : i32
    %sub3A_545 = arith.subi %div3A_524, %sub3A_544 : i32
    %select_n3A_546 = arith.select %and3A_543, %sub3A_545, %div3A_524 : i32
    %mul3A_547 = arith.constant 16384 : i32
    %mul3A_548 = arith.muli %select_n3A_546, %mul3A_547 : i32
    %add3A_549 = arith.constant 16384 : i32
    %add3A_550 = arith.addi %mul3A_548, %add3A_549 : i32
    %rem3A_551 = arith.constant 262144 : i32
    %rem3A_552 = arith.remsi %add3A_550, %rem3A_551 : i32
    %sub3A_553 = arith.subi %rem3A_522, %mul3A_548 : i32
    %add3A_554 = arith.addi %mul3A_8, %mul3A_548 : i32
    "tpu.region"() ({
      %run_scoped3A = tpu.sem_alloc : memref<!tpu.dma_semaphore, #tpu.memory_space<semaphore_mem>>
      %dma_start3A = arith.constant 0 : i32
      %dma_start3A_1510 = tpu.memref_slice %arg6[%dma_start3A] : memref<32768xf32, #tpu.memory_space<vmem>> -> memref<16384xf32, #tpu.memory_space<vmem>>
      %dma_start3A_1511 = tpu.memref_slice %arg2[%add3A_554] : memref<16777216xf32, #tpu.memory_space<hbm>> -> memref<16384xf32, #tpu.memory_space<hbm>>
      %dma_start3A_1512 = arith.constant 0 : i32
      %dma_start3A_1513 = tpu.memref_slice %arg6[%dma_start3A_1512] : memref<32768xf32, #tpu.memory_space<vmem>> -> memref<16384xf32, #tpu.memory_space<vmem>>
      %dma_start3A_1514 = tpu.memref_slice %arg2[%add3A_554] : memref<16777216xf32, #tpu.memory_space<hbm>> -> memref<16384xf32, #tpu.memory_space<hbm>>
      tpu.enqueue_dma source(%dma_start3A_1514 : memref<16384xf32, #tpu.memory_space<hbm>>) target(%dma_start3A_1513 : memref<16384xf32, #tpu.memory_space<vmem>>) target_semaphore(%run_scoped3A : memref<!tpu.dma_semaphore, #tpu.memory_space<semaphore_mem>>)
      %dma_wait3A = arith.constant 0 : i32
      %dma_wait3A_1515 = tpu.memref_slice %arg6[%dma_wait3A] : memref<32768xf32, #tpu.memory_space<vmem>> -> memref<16384xf32, #tpu.memory_space<vmem>>
      %dma_wait3A_1516 = tpu.memref_slice %arg2[%add3A_554] : memref<16777216xf32, #tpu.memory_space<hbm>> -> memref<16384xf32, #tpu.memory_space<hbm>>
      %dma_wait3A_1517 = arith.constant 0 : i32
      %dma_wait3A_1518 = tpu.memref_slice %arg6[%dma_wait3A_1517] : memref<32768xf32, #tpu.memory_space<vmem>> -> memref<16384xf32, #tpu.memory_space<vmem>>
      %dma_wait3A_1519 = tpu.memref_slice %arg2[%add3A_554] : memref<16777216xf32, #tpu.memory_space<hbm>> -> memref<16384xf32, #tpu.memory_space<hbm>>
      tpu.wait_dma2 semaphore(%run_scoped3A : memref<!tpu.dma_semaphore, #tpu.memory_space<semaphore_mem>>) src(%dma_wait3A_1519 : memref<16384xf32, #tpu.memory_space<hbm>>) dst(%dma_wait3A_1518 : memref<16384xf32, #tpu.memory_space<vmem>>)
      tpu.yield
    }) : () -> ()
    %add3A_555 = arith.addi %mul3A_8, %rem3A_552 : i32
    "tpu.region"() ({
      %run_scoped3A = tpu.sem_alloc : memref<!tpu.dma_semaphore, #tpu.memory_space<semaphore_mem>>
      %dma_start3A = arith.constant 16384 : i32
      %dma_start3A_1510 = tpu.memref_slice %arg6[%dma_start3A] : memref<32768xf32, #tpu.memory_space<vmem>> -> memref<16384xf32, #tpu.memory_space<vmem>>
      %dma_start3A_1511 = tpu.memref_slice %arg2[%add3A_555] : memref<16777216xf32, #tpu.memory_space<hbm>> -> memref<16384xf32, #tpu.memory_space<hbm>>
      %dma_start3A_1512 = arith.constant 16384 : i32
      %dma_start3A_1513 = tpu.memref_slice %arg6[%dma_start3A_1512] : memref<32768xf32, #tpu.memory_space<vmem>> -> memref<16384xf32, #tpu.memory_space<vmem>>
      %dma_start3A_1514 = tpu.memref_slice %arg2[%add3A_555] : memref<16777216xf32, #tpu.memory_space<hbm>> -> memref<16384xf32, #tpu.memory_space<hbm>>
      tpu.enqueue_dma source(%dma_start3A_1514 : memref<16384xf32, #tpu.memory_space<hbm>>) target(%dma_start3A_1513 : memref<16384xf32, #tpu.memory_space<vmem>>) target_semaphore(%run_scoped3A : memref<!tpu.dma_semaphore, #tpu.memory_space<semaphore_mem>>)
      %dma_wait3A = arith.constant 16384 : i32
      %dma_wait3A_1515 = tpu.memref_slice %arg6[%dma_wait3A] : memref<32768xf32, #tpu.memory_space<vmem>> -> memref<16384xf32, #tpu.memory_space<vmem>>
      %dma_wait3A_1516 = tpu.memref_slice %arg2[%add3A_555] : memref<16777216xf32, #tpu.memory_space<hbm>> -> memref<16384xf32, #tpu.memory_space<hbm>>
      %dma_wait3A_1517 = arith.constant 16384 : i32
      %dma_wait3A_1518 = tpu.memref_slice %arg6[%dma_wait3A_1517] : memref<32768xf32, #tpu.memory_space<vmem>> -> memref<16384xf32, #tpu.memory_space<vmem>>
      %dma_wait3A_1519 = tpu.memref_slice %arg2[%add3A_555] : memref<16777216xf32, #tpu.memory_space<hbm>> -> memref<16384xf32, #tpu.memory_space<hbm>>
      tpu.wait_dma2 semaphore(%run_scoped3A : memref<!tpu.dma_semaphore, #tpu.memory_space<semaphore_mem>>) src(%dma_wait3A_1519 : memref<16384xf32, #tpu.memory_space<hbm>>) dst(%dma_wait3A_1518 : memref<16384xf32, #tpu.memory_space<vmem>>)
      tpu.yield
    }) : () -> ()
    %scan3A_556 = arith.constant 0 : i32
    %scan3A_557 = arith.constant 0 : i32
    %scan3A_558 = arith.constant 1024 : i32
    %scan3A_559 = arith.addi %scan3A_557, %scan3A_558 : i32
    %scan3A_560 = arith.constant 1 : i32
    scf.for %scan3A_1510 = %scan3A_557 to %scan3A_559 step %scan3A_560  : i32 {
      %mul3A_1511 = arith.constant 16 : i32
      %mul3A_1512 = arith.muli %scan3A_1510, %mul3A_1511 : i32
      %add3A_1513 = arith.addi %sub3A_553, %mul3A_1512 : i32
      %get3A_1514 = arith.index_cast %add3A_1513 : i32 to index
      %get3A_1515 = tpu.vector_load %arg6[%get3A_1514] {strides = array<i32>} : memref<32768xf32, #tpu.memory_space<vmem>>, vector<16xf32>,
      %get3A_1516 = vector.shape_cast %get3A_1515 : vector<16xf32> to vector<16xf32>
      %mul3A_1517 = arith.constant 16 : i32
      %mul3A_1518 = arith.muli %scan3A_1510, %mul3A_1517 : i32
      %swap3A = arith.index_cast %mul3A_1518 : i32 to index
      %swap3A_1519 = tpu.vector_load %arg7[%swap3A] {strides = array<i32>} : memref<16384xf32, #tpu.memory_space<vmem>>, vector<16xf32>,
      %swap3A_1520 = vector.shape_cast %swap3A_1519 : vector<16xf32> to vector<16xf32>
      %swap3A_1521 = vector.shape_cast %get3A_1516 : vector<16xf32> to vector<16xf32>
      tpu.vector_store %arg7[%swap3A], %swap3A_1521 {strides = array<i32>} : memref<16384xf32, #tpu.memory_space<vmem>>, vector<16xf32>,
    }
    %scan3A_561 = arith.constant 1024 : i32
    %add3A_562 = arith.constant 180224 : i32
    %add3A_563 = arith.addi %mul3A_8, %add3A_562 : i32
    "tpu.region"() ({
      %run_scoped3A = tpu.sem_alloc : memref<!tpu.dma_semaphore, #tpu.memory_space<semaphore_mem>>
      %dma_start3A = tpu.memref_slice %arg4[%add3A_563] : memref<16777216xf32, #tpu.memory_space<hbm>> -> memref<16384xf32, #tpu.memory_space<hbm>>
      %dma_start3A_1510 = tpu.memref_slice %arg4[%add3A_563] : memref<16777216xf32, #tpu.memory_space<hbm>> -> memref<16384xf32, #tpu.memory_space<hbm>>
      tpu.enqueue_dma source(%arg7 : memref<16384xf32, #tpu.memory_space<vmem>>) target(%dma_start3A_1510 : memref<16384xf32, #tpu.memory_space<hbm>>) target_semaphore(%run_scoped3A : memref<!tpu.dma_semaphore, #tpu.memory_space<semaphore_mem>>)
      %dma_wait3A = tpu.memref_slice %arg4[%add3A_563] : memref<16777216xf32, #tpu.memory_space<hbm>> -> memref<16384xf32, #tpu.memory_space<hbm>>
      %dma_wait3A_1511 = tpu.memref_slice %arg4[%add3A_563] : memref<16777216xf32, #tpu.memory_space<hbm>> -> memref<16384xf32, #tpu.memory_space<hbm>>
      tpu.wait_dma2 semaphore(%run_scoped3A : memref<!tpu.dma_semaphore, #tpu.memory_space<semaphore_mem>>) src(%arg7 : memref<16384xf32, #tpu.memory_space<vmem>>) dst(%dma_wait3A_1511 : memref<16384xf32, #tpu.memory_space<hbm>>)
      tpu.yield
    }) : () -> ()
    %sub3A_564 = arith.constant 196608 : i32
    %sub3A_565 = arith.subi %sub3A_564, %squeeze3A : i32
    %add3A_566 = arith.constant 262144 : i32
    %add3A_567 = arith.addi %sub3A_565, %add3A_566 : i32
    %rem3A_568 = arith.constant 262144 : i32
    %rem3A_569 = arith.remsi %add3A_567, %rem3A_568 : i32
    %jit3A_570 = arith.constant 16384 : i32
    %div3A_571 = arith.divsi %rem3A_569, %jit3A_570 : i32
    %sign3A_572 = arith.constant 0 : i32
    %sign3A_573 = arith.cmpi sgt, %rem3A_569, %sign3A_572 : i32
    %sign3A_574 = arith.extui %sign3A_573 : i1 to i32
    %sign3A_575 = arith.constant 0 : i32
    %sign3A_576 = arith.cmpi slt, %rem3A_569, %sign3A_575 : i32
    %sign3A_577 = arith.extui %sign3A_576 : i1 to i32
    %sign3A_578 = arith.subi %sign3A_574, %sign3A_577 : i32
    %sign3A_579 = arith.constant 0 : i32
    %sign3A_580 = arith.cmpi sgt, %jit3A_570, %sign3A_579 : i32
    %sign3A_581 = arith.extui %sign3A_580 : i1 to i32
    %sign3A_582 = arith.constant 0 : i32
    %sign3A_583 = arith.cmpi slt, %jit3A_570, %sign3A_582 : i32
    %sign3A_584 = arith.extui %sign3A_583 : i1 to i32
    %sign3A_585 = arith.subi %sign3A_581, %sign3A_584 : i32
    %ne3A_586 = arith.cmpi ne, %sign3A_578, %sign3A_585 : i32
    %rem3A_587 = arith.remsi %rem3A_569, %jit3A_570 : i32
    %ne3A_588 = arith.constant 0 : i32
    %ne3A_589 = arith.cmpi ne, %rem3A_587, %ne3A_588 : i32
    %and3A_590 = arith.andi %ne3A_586, %ne3A_589 : i1
    %sub3A_591 = arith.constant 1 : i32
    %sub3A_592 = arith.subi %div3A_571, %sub3A_591 : i32
    %select_n3A_593 = arith.select %and3A_590, %sub3A_592, %div3A_571 : i32
    %mul3A_594 = arith.constant 16384 : i32
    %mul3A_595 = arith.muli %select_n3A_593, %mul3A_594 : i32
    %add3A_596 = arith.constant 16384 : i32
    %add3A_597 = arith.addi %mul3A_595, %add3A_596 : i32
    %rem3A_598 = arith.constant 262144 : i32
    %rem3A_599 = arith.remsi %add3A_597, %rem3A_598 : i32
    %sub3A_600 = arith.subi %rem3A_569, %mul3A_595 : i32
    %add3A_601 = arith.addi %mul3A_8, %mul3A_595 : i32
    "tpu.region"() ({
      %run_scoped3A = tpu.sem_alloc : memref<!tpu.dma_semaphore, #tpu.memory_space<semaphore_mem>>
      %dma_start3A = arith.constant 0 : i32
      %dma_start3A_1510 = tpu.memref_slice %arg6[%dma_start3A] : memref<32768xf32, #tpu.memory_space<vmem>> -> memref<16384xf32, #tpu.memory_space<vmem>>
      %dma_start3A_1511 = tpu.memref_slice %arg2[%add3A_601] : memref<16777216xf32, #tpu.memory_space<hbm>> -> memref<16384xf32, #tpu.memory_space<hbm>>
      %dma_start3A_1512 = arith.constant 0 : i32
      %dma_start3A_1513 = tpu.memref_slice %arg6[%dma_start3A_1512] : memref<32768xf32, #tpu.memory_space<vmem>> -> memref<16384xf32, #tpu.memory_space<vmem>>
      %dma_start3A_1514 = tpu.memref_slice %arg2[%add3A_601] : memref<16777216xf32, #tpu.memory_space<hbm>> -> memref<16384xf32, #tpu.memory_space<hbm>>
      tpu.enqueue_dma source(%dma_start3A_1514 : memref<16384xf32, #tpu.memory_space<hbm>>) target(%dma_start3A_1513 : memref<16384xf32, #tpu.memory_space<vmem>>) target_semaphore(%run_scoped3A : memref<!tpu.dma_semaphore, #tpu.memory_space<semaphore_mem>>)
      %dma_wait3A = arith.constant 0 : i32
      %dma_wait3A_1515 = tpu.memref_slice %arg6[%dma_wait3A] : memref<32768xf32, #tpu.memory_space<vmem>> -> memref<16384xf32, #tpu.memory_space<vmem>>
      %dma_wait3A_1516 = tpu.memref_slice %arg2[%add3A_601] : memref<16777216xf32, #tpu.memory_space<hbm>> -> memref<16384xf32, #tpu.memory_space<hbm>>
      %dma_wait3A_1517 = arith.constant 0 : i32
      %dma_wait3A_1518 = tpu.memref_slice %arg6[%dma_wait3A_1517] : memref<32768xf32, #tpu.memory_space<vmem>> -> memref<16384xf32, #tpu.memory_space<vmem>>
      %dma_wait3A_1519 = tpu.memref_slice %arg2[%add3A_601] : memref<16777216xf32, #tpu.memory_space<hbm>> -> memref<16384xf32, #tpu.memory_space<hbm>>
      tpu.wait_dma2 semaphore(%run_scoped3A : memref<!tpu.dma_semaphore, #tpu.memory_space<semaphore_mem>>) src(%dma_wait3A_1519 : memref<16384xf32, #tpu.memory_space<hbm>>) dst(%dma_wait3A_1518 : memref<16384xf32, #tpu.memory_space<vmem>>)
      tpu.yield
    }) : () -> ()
    %add3A_602 = arith.addi %mul3A_8, %rem3A_599 : i32
    "tpu.region"() ({
      %run_scoped3A = tpu.sem_alloc : memref<!tpu.dma_semaphore, #tpu.memory_space<semaphore_mem>>
      %dma_start3A = arith.constant 16384 : i32
      %dma_start3A_1510 = tpu.memref_slice %arg6[%dma_start3A] : memref<32768xf32, #tpu.memory_space<vmem>> -> memref<16384xf32, #tpu.memory_space<vmem>>
      %dma_start3A_1511 = tpu.memref_slice %arg2[%add3A_602] : memref<16777216xf32, #tpu.memory_space<hbm>> -> memref<16384xf32, #tpu.memory_space<hbm>>
      %dma_start3A_1512 = arith.constant 16384 : i32
      %dma_start3A_1513 = tpu.memref_slice %arg6[%dma_start3A_1512] : memref<32768xf32, #tpu.memory_space<vmem>> -> memref<16384xf32, #tpu.memory_space<vmem>>
      %dma_start3A_1514 = tpu.memref_slice %arg2[%add3A_602] : memref<16777216xf32, #tpu.memory_space<hbm>> -> memref<16384xf32, #tpu.memory_space<hbm>>
      tpu.enqueue_dma source(%dma_start3A_1514 : memref<16384xf32, #tpu.memory_space<hbm>>) target(%dma_start3A_1513 : memref<16384xf32, #tpu.memory_space<vmem>>) target_semaphore(%run_scoped3A : memref<!tpu.dma_semaphore, #tpu.memory_space<semaphore_mem>>)
      %dma_wait3A = arith.constant 16384 : i32
      %dma_wait3A_1515 = tpu.memref_slice %arg6[%dma_wait3A] : memref<32768xf32, #tpu.memory_space<vmem>> -> memref<16384xf32, #tpu.memory_space<vmem>>
      %dma_wait3A_1516 = tpu.memref_slice %arg2[%add3A_602] : memref<16777216xf32, #tpu.memory_space<hbm>> -> memref<16384xf32, #tpu.memory_space<hbm>>
      %dma_wait3A_1517 = arith.constant 16384 : i32
      %dma_wait3A_1518 = tpu.memref_slice %arg6[%dma_wait3A_1517] : memref<32768xf32, #tpu.memory_space<vmem>> -> memref<16384xf32, #tpu.memory_space<vmem>>
      %dma_wait3A_1519 = tpu.memref_slice %arg2[%add3A_602] : memref<16777216xf32, #tpu.memory_space<hbm>> -> memref<16384xf32, #tpu.memory_space<hbm>>
      tpu.wait_dma2 semaphore(%run_scoped3A : memref<!tpu.dma_semaphore, #tpu.memory_space<semaphore_mem>>) src(%dma_wait3A_1519 : memref<16384xf32, #tpu.memory_space<hbm>>) dst(%dma_wait3A_1518 : memref<16384xf32, #tpu.memory_space<vmem>>)
      tpu.yield
    }) : () -> ()
    %scan3A_603 = arith.constant 0 : i32
    %scan3A_604 = arith.constant 0 : i32
    %scan3A_605 = arith.constant 1024 : i32
    %scan3A_606 = arith.addi %scan3A_604, %scan3A_605 : i32
    %scan3A_607 = arith.constant 1 : i32
    scf.for %scan3A_1510 = %scan3A_604 to %scan3A_606 step %scan3A_607  : i32 {
      %mul3A_1511 = arith.constant 16 : i32
      %mul3A_1512 = arith.muli %scan3A_1510, %mul3A_1511 : i32
      %add3A_1513 = arith.addi %sub3A_600, %mul3A_1512 : i32
      %get3A_1514 = arith.index_cast %add3A_1513 : i32 to index
      %get3A_1515 = tpu.vector_load %arg6[%get3A_1514] {strides = array<i32>} : memref<32768xf32, #tpu.memory_space<vmem>>, vector<16xf32>,
      %get3A_1516 = vector.shape_cast %get3A_1515 : vector<16xf32> to vector<16xf32>
      %mul3A_1517 = arith.constant 16 : i32
      %mul3A_1518 = arith.muli %scan3A_1510, %mul3A_1517 : i32
      %swap3A = arith.index_cast %mul3A_1518 : i32 to index
      %swap3A_1519 = tpu.vector_load %arg7[%swap3A] {strides = array<i32>} : memref<16384xf32, #tpu.memory_space<vmem>>, vector<16xf32>,
      %swap3A_1520 = vector.shape_cast %swap3A_1519 : vector<16xf32> to vector<16xf32>
      %swap3A_1521 = vector.shape_cast %get3A_1516 : vector<16xf32> to vector<16xf32>
      tpu.vector_store %arg7[%swap3A], %swap3A_1521 {strides = array<i32>} : memref<16384xf32, #tpu.memory_space<vmem>>, vector<16xf32>,
    }
    %scan3A_608 = arith.constant 1024 : i32
    %add3A_609 = arith.constant 196608 : i32
    %add3A_610 = arith.addi %mul3A_8, %add3A_609 : i32
    "tpu.region"() ({
      %run_scoped3A = tpu.sem_alloc : memref<!tpu.dma_semaphore, #tpu.memory_space<semaphore_mem>>
      %dma_start3A = tpu.memref_slice %arg4[%add3A_610] : memref<16777216xf32, #tpu.memory_space<hbm>> -> memref<16384xf32, #tpu.memory_space<hbm>>
      %dma_start3A_1510 = tpu.memref_slice %arg4[%add3A_610] : memref<16777216xf32, #tpu.memory_space<hbm>> -> memref<16384xf32, #tpu.memory_space<hbm>>
      tpu.enqueue_dma source(%arg7 : memref<16384xf32, #tpu.memory_space<vmem>>) target(%dma_start3A_1510 : memref<16384xf32, #tpu.memory_space<hbm>>) target_semaphore(%run_scoped3A : memref<!tpu.dma_semaphore, #tpu.memory_space<semaphore_mem>>)
      %dma_wait3A = tpu.memref_slice %arg4[%add3A_610] : memref<16777216xf32, #tpu.memory_space<hbm>> -> memref<16384xf32, #tpu.memory_space<hbm>>
      %dma_wait3A_1511 = tpu.memref_slice %arg4[%add3A_610] : memref<16777216xf32, #tpu.memory_space<hbm>> -> memref<16384xf32, #tpu.memory_space<hbm>>
      tpu.wait_dma2 semaphore(%run_scoped3A : memref<!tpu.dma_semaphore, #tpu.memory_space<semaphore_mem>>) src(%arg7 : memref<16384xf32, #tpu.memory_space<vmem>>) dst(%dma_wait3A_1511 : memref<16384xf32, #tpu.memory_space<hbm>>)
      tpu.yield
    }) : () -> ()
    %sub3A_611 = arith.constant 212992 : i32
    %sub3A_612 = arith.subi %sub3A_611, %squeeze3A : i32
    %add3A_613 = arith.constant 262144 : i32
    %add3A_614 = arith.addi %sub3A_612, %add3A_613 : i32
    %rem3A_615 = arith.constant 262144 : i32
    %rem3A_616 = arith.remsi %add3A_614, %rem3A_615 : i32
    %jit3A_617 = arith.constant 16384 : i32
    %div3A_618 = arith.divsi %rem3A_616, %jit3A_617 : i32
    %sign3A_619 = arith.constant 0 : i32
    %sign3A_620 = arith.cmpi sgt, %rem3A_616, %sign3A_619 : i32
    %sign3A_621 = arith.extui %sign3A_620 : i1 to i32
    %sign3A_622 = arith.constant 0 : i32
    %sign3A_623 = arith.cmpi slt, %rem3A_616, %sign3A_622 : i32
    %sign3A_624 = arith.extui %sign3A_623 : i1 to i32
    %sign3A_625 = arith.subi %sign3A_621, %sign3A_624 : i32
    %sign3A_626 = arith.constant 0 : i32
    %sign3A_627 = arith.cmpi sgt, %jit3A_617, %sign3A_626 : i32
    %sign3A_628 = arith.extui %sign3A_627 : i1 to i32
    %sign3A_629 = arith.constant 0 : i32
    %sign3A_630 = arith.cmpi slt, %jit3A_617, %sign3A_629 : i32
    %sign3A_631 = arith.extui %sign3A_630 : i1 to i32
    %sign3A_632 = arith.subi %sign3A_628, %sign3A_631 : i32
    %ne3A_633 = arith.cmpi ne, %sign3A_625, %sign3A_632 : i32
    %rem3A_634 = arith.remsi %rem3A_616, %jit3A_617 : i32
    %ne3A_635 = arith.constant 0 : i32
    %ne3A_636 = arith.cmpi ne, %rem3A_634, %ne3A_635 : i32
    %and3A_637 = arith.andi %ne3A_633, %ne3A_636 : i1
    %sub3A_638 = arith.constant 1 : i32
    %sub3A_639 = arith.subi %div3A_618, %sub3A_638 : i32
    %select_n3A_640 = arith.select %and3A_637, %sub3A_639, %div3A_618 : i32
    %mul3A_641 = arith.constant 16384 : i32
    %mul3A_642 = arith.muli %select_n3A_640, %mul3A_641 : i32
    %add3A_643 = arith.constant 16384 : i32
    %add3A_644 = arith.addi %mul3A_642, %add3A_643 : i32
    %rem3A_645 = arith.constant 262144 : i32
    %rem3A_646 = arith.remsi %add3A_644, %rem3A_645 : i32
    %sub3A_647 = arith.subi %rem3A_616, %mul3A_642 : i32
    %add3A_648 = arith.addi %mul3A_8, %mul3A_642 : i32
    "tpu.region"() ({
      %run_scoped3A = tpu.sem_alloc : memref<!tpu.dma_semaphore, #tpu.memory_space<semaphore_mem>>
      %dma_start3A = arith.constant 0 : i32
      %dma_start3A_1510 = tpu.memref_slice %arg6[%dma_start3A] : memref<32768xf32, #tpu.memory_space<vmem>> -> memref<16384xf32, #tpu.memory_space<vmem>>
      %dma_start3A_1511 = tpu.memref_slice %arg2[%add3A_648] : memref<16777216xf32, #tpu.memory_space<hbm>> -> memref<16384xf32, #tpu.memory_space<hbm>>
      %dma_start3A_1512 = arith.constant 0 : i32
      %dma_start3A_1513 = tpu.memref_slice %arg6[%dma_start3A_1512] : memref<32768xf32, #tpu.memory_space<vmem>> -> memref<16384xf32, #tpu.memory_space<vmem>>
      %dma_start3A_1514 = tpu.memref_slice %arg2[%add3A_648] : memref<16777216xf32, #tpu.memory_space<hbm>> -> memref<16384xf32, #tpu.memory_space<hbm>>
      tpu.enqueue_dma source(%dma_start3A_1514 : memref<16384xf32, #tpu.memory_space<hbm>>) target(%dma_start3A_1513 : memref<16384xf32, #tpu.memory_space<vmem>>) target_semaphore(%run_scoped3A : memref<!tpu.dma_semaphore, #tpu.memory_space<semaphore_mem>>)
      %dma_wait3A = arith.constant 0 : i32
      %dma_wait3A_1515 = tpu.memref_slice %arg6[%dma_wait3A] : memref<32768xf32, #tpu.memory_space<vmem>> -> memref<16384xf32, #tpu.memory_space<vmem>>
      %dma_wait3A_1516 = tpu.memref_slice %arg2[%add3A_648] : memref<16777216xf32, #tpu.memory_space<hbm>> -> memref<16384xf32, #tpu.memory_space<hbm>>
      %dma_wait3A_1517 = arith.constant 0 : i32
      %dma_wait3A_1518 = tpu.memref_slice %arg6[%dma_wait3A_1517] : memref<32768xf32, #tpu.memory_space<vmem>> -> memref<16384xf32, #tpu.memory_space<vmem>>
      %dma_wait3A_1519 = tpu.memref_slice %arg2[%add3A_648] : memref<16777216xf32, #tpu.memory_space<hbm>> -> memref<16384xf32, #tpu.memory_space<hbm>>
      tpu.wait_dma2 semaphore(%run_scoped3A : memref<!tpu.dma_semaphore, #tpu.memory_space<semaphore_mem>>) src(%dma_wait3A_1519 : memref<16384xf32, #tpu.memory_space<hbm>>) dst(%dma_wait3A_1518 : memref<16384xf32, #tpu.memory_space<vmem>>)
      tpu.yield
    }) : () -> ()
    %add3A_649 = arith.addi %mul3A_8, %rem3A_646 : i32
    "tpu.region"() ({
      %run_scoped3A = tpu.sem_alloc : memref<!tpu.dma_semaphore, #tpu.memory_space<semaphore_mem>>
      %dma_start3A = arith.constant 16384 : i32
      %dma_start3A_1510 = tpu.memref_slice %arg6[%dma_start3A] : memref<32768xf32, #tpu.memory_space<vmem>> -> memref<16384xf32, #tpu.memory_space<vmem>>
      %dma_start3A_1511 = tpu.memref_slice %arg2[%add3A_649] : memref<16777216xf32, #tpu.memory_space<hbm>> -> memref<16384xf32, #tpu.memory_space<hbm>>
      %dma_start3A_1512 = arith.constant 16384 : i32
      %dma_start3A_1513 = tpu.memref_slice %arg6[%dma_start3A_1512] : memref<32768xf32, #tpu.memory_space<vmem>> -> memref<16384xf32, #tpu.memory_space<vmem>>
      %dma_start3A_1514 = tpu.memref_slice %arg2[%add3A_649] : memref<16777216xf32, #tpu.memory_space<hbm>> -> memref<16384xf32, #tpu.memory_space<hbm>>
      tpu.enqueue_dma source(%dma_start3A_1514 : memref<16384xf32, #tpu.memory_space<hbm>>) target(%dma_start3A_1513 : memref<16384xf32, #tpu.memory_space<vmem>>) target_semaphore(%run_scoped3A : memref<!tpu.dma_semaphore, #tpu.memory_space<semaphore_mem>>)
      %dma_wait3A = arith.constant 16384 : i32
      %dma_wait3A_1515 = tpu.memref_slice %arg6[%dma_wait3A] : memref<32768xf32, #tpu.memory_space<vmem>> -> memref<16384xf32, #tpu.memory_space<vmem>>
      %dma_wait3A_1516 = tpu.memref_slice %arg2[%add3A_649] : memref<16777216xf32, #tpu.memory_space<hbm>> -> memref<16384xf32, #tpu.memory_space<hbm>>
      %dma_wait3A_1517 = arith.constant 16384 : i32
      %dma_wait3A_1518 = tpu.memref_slice %arg6[%dma_wait3A_1517] : memref<32768xf32, #tpu.memory_space<vmem>> -> memref<16384xf32, #tpu.memory_space<vmem>>
      %dma_wait3A_1519 = tpu.memref_slice %arg2[%add3A_649] : memref<16777216xf32, #tpu.memory_space<hbm>> -> memref<16384xf32, #tpu.memory_space<hbm>>
      tpu.wait_dma2 semaphore(%run_scoped3A : memref<!tpu.dma_semaphore, #tpu.memory_space<semaphore_mem>>) src(%dma_wait3A_1519 : memref<16384xf32, #tpu.memory_space<hbm>>) dst(%dma_wait3A_1518 : memref<16384xf32, #tpu.memory_space<vmem>>)
      tpu.yield
    }) : () -> ()
    %scan3A_650 = arith.constant 0 : i32
    %scan3A_651 = arith.constant 0 : i32
    %scan3A_652 = arith.constant 1024 : i32
    %scan3A_653 = arith.addi %scan3A_651, %scan3A_652 : i32
    %scan3A_654 = arith.constant 1 : i32
    scf.for %scan3A_1510 = %scan3A_651 to %scan3A_653 step %scan3A_654  : i32 {
      %mul3A_1511 = arith.constant 16 : i32
      %mul3A_1512 = arith.muli %scan3A_1510, %mul3A_1511 : i32
      %add3A_1513 = arith.addi %sub3A_647, %mul3A_1512 : i32
      %get3A_1514 = arith.index_cast %add3A_1513 : i32 to index
      %get3A_1515 = tpu.vector_load %arg6[%get3A_1514] {strides = array<i32>} : memref<32768xf32, #tpu.memory_space<vmem>>, vector<16xf32>,
      %get3A_1516 = vector.shape_cast %get3A_1515 : vector<16xf32> to vector<16xf32>
      %mul3A_1517 = arith.constant 16 : i32
      %mul3A_1518 = arith.muli %scan3A_1510, %mul3A_1517 : i32
      %swap3A = arith.index_cast %mul3A_1518 : i32 to index
      %swap3A_1519 = tpu.vector_load %arg7[%swap3A] {strides = array<i32>} : memref<16384xf32, #tpu.memory_space<vmem>>, vector<16xf32>,
      %swap3A_1520 = vector.shape_cast %swap3A_1519 : vector<16xf32> to vector<16xf32>
      %swap3A_1521 = vector.shape_cast %get3A_1516 : vector<16xf32> to vector<16xf32>
      tpu.vector_store %arg7[%swap3A], %swap3A_1521 {strides = array<i32>} : memref<16384xf32, #tpu.memory_space<vmem>>, vector<16xf32>,
    }
    %scan3A_655 = arith.constant 1024 : i32
    %add3A_656 = arith.constant 212992 : i32
    %add3A_657 = arith.addi %mul3A_8, %add3A_656 : i32
    "tpu.region"() ({
      %run_scoped3A = tpu.sem_alloc : memref<!tpu.dma_semaphore, #tpu.memory_space<semaphore_mem>>
      %dma_start3A = tpu.memref_slice %arg4[%add3A_657] : memref<16777216xf32, #tpu.memory_space<hbm>> -> memref<16384xf32, #tpu.memory_space<hbm>>
      %dma_start3A_1510 = tpu.memref_slice %arg4[%add3A_657] : memref<16777216xf32, #tpu.memory_space<hbm>> -> memref<16384xf32, #tpu.memory_space<hbm>>
      tpu.enqueue_dma source(%arg7 : memref<16384xf32, #tpu.memory_space<vmem>>) target(%dma_start3A_1510 : memref<16384xf32, #tpu.memory_space<hbm>>) target_semaphore(%run_scoped3A : memref<!tpu.dma_semaphore, #tpu.memory_space<semaphore_mem>>)
      %dma_wait3A = tpu.memref_slice %arg4[%add3A_657] : memref<16777216xf32, #tpu.memory_space<hbm>> -> memref<16384xf32, #tpu.memory_space<hbm>>
      %dma_wait3A_1511 = tpu.memref_slice %arg4[%add3A_657] : memref<16777216xf32, #tpu.memory_space<hbm>> -> memref<16384xf32, #tpu.memory_space<hbm>>
      tpu.wait_dma2 semaphore(%run_scoped3A : memref<!tpu.dma_semaphore, #tpu.memory_space<semaphore_mem>>) src(%arg7 : memref<16384xf32, #tpu.memory_space<vmem>>) dst(%dma_wait3A_1511 : memref<16384xf32, #tpu.memory_space<hbm>>)
      tpu.yield
    }) : () -> ()
    %sub3A_658 = arith.constant 229376 : i32
    %sub3A_659 = arith.subi %sub3A_658, %squeeze3A : i32
    %add3A_660 = arith.constant 262144 : i32
    %add3A_661 = arith.addi %sub3A_659, %add3A_660 : i32
    %rem3A_662 = arith.constant 262144 : i32
    %rem3A_663 = arith.remsi %add3A_661, %rem3A_662 : i32
    %jit3A_664 = arith.constant 16384 : i32
    %div3A_665 = arith.divsi %rem3A_663, %jit3A_664 : i32
    %sign3A_666 = arith.constant 0 : i32
    %sign3A_667 = arith.cmpi sgt, %rem3A_663, %sign3A_666 : i32
    %sign3A_668 = arith.extui %sign3A_667 : i1 to i32
    %sign3A_669 = arith.constant 0 : i32
    %sign3A_670 = arith.cmpi slt, %rem3A_663, %sign3A_669 : i32
    %sign3A_671 = arith.extui %sign3A_670 : i1 to i32
    %sign3A_672 = arith.subi %sign3A_668, %sign3A_671 : i32
    %sign3A_673 = arith.constant 0 : i32
    %sign3A_674 = arith.cmpi sgt, %jit3A_664, %sign3A_673 : i32
    %sign3A_675 = arith.extui %sign3A_674 : i1 to i32
    %sign3A_676 = arith.constant 0 : i32
    %sign3A_677 = arith.cmpi slt, %jit3A_664, %sign3A_676 : i32
    %sign3A_678 = arith.extui %sign3A_677 : i1 to i32
    %sign3A_679 = arith.subi %sign3A_675, %sign3A_678 : i32
    %ne3A_680 = arith.cmpi ne, %sign3A_672, %sign3A_679 : i32
    %rem3A_681 = arith.remsi %rem3A_663, %jit3A_664 : i32
    %ne3A_682 = arith.constant 0 : i32
    %ne3A_683 = arith.cmpi ne, %rem3A_681, %ne3A_682 : i32
    %and3A_684 = arith.andi %ne3A_680, %ne3A_683 : i1
    %sub3A_685 = arith.constant 1 : i32
    %sub3A_686 = arith.subi %div3A_665, %sub3A_685 : i32
    %select_n3A_687 = arith.select %and3A_684, %sub3A_686, %div3A_665 : i32
    %mul3A_688 = arith.constant 16384 : i32
    %mul3A_689 = arith.muli %select_n3A_687, %mul3A_688 : i32
    %add3A_690 = arith.constant 16384 : i32
    %add3A_691 = arith.addi %mul3A_689, %add3A_690 : i32
    %rem3A_692 = arith.constant 262144 : i32
    %rem3A_693 = arith.remsi %add3A_691, %rem3A_692 : i32
    %sub3A_694 = arith.subi %rem3A_663, %mul3A_689 : i32
    %add3A_695 = arith.addi %mul3A_8, %mul3A_689 : i32
    "tpu.region"() ({
      %run_scoped3A = tpu.sem_alloc : memref<!tpu.dma_semaphore, #tpu.memory_space<semaphore_mem>>
      %dma_start3A = arith.constant 0 : i32
      %dma_start3A_1510 = tpu.memref_slice %arg6[%dma_start3A] : memref<32768xf32, #tpu.memory_space<vmem>> -> memref<16384xf32, #tpu.memory_space<vmem>>
      %dma_start3A_1511 = tpu.memref_slice %arg2[%add3A_695] : memref<16777216xf32, #tpu.memory_space<hbm>> -> memref<16384xf32, #tpu.memory_space<hbm>>
      %dma_start3A_1512 = arith.constant 0 : i32
      %dma_start3A_1513 = tpu.memref_slice %arg6[%dma_start3A_1512] : memref<32768xf32, #tpu.memory_space<vmem>> -> memref<16384xf32, #tpu.memory_space<vmem>>
      %dma_start3A_1514 = tpu.memref_slice %arg2[%add3A_695] : memref<16777216xf32, #tpu.memory_space<hbm>> -> memref<16384xf32, #tpu.memory_space<hbm>>
      tpu.enqueue_dma source(%dma_start3A_1514 : memref<16384xf32, #tpu.memory_space<hbm>>) target(%dma_start3A_1513 : memref<16384xf32, #tpu.memory_space<vmem>>) target_semaphore(%run_scoped3A : memref<!tpu.dma_semaphore, #tpu.memory_space<semaphore_mem>>)
      %dma_wait3A = arith.constant 0 : i32
      %dma_wait3A_1515 = tpu.memref_slice %arg6[%dma_wait3A] : memref<32768xf32, #tpu.memory_space<vmem>> -> memref<16384xf32, #tpu.memory_space<vmem>>
      %dma_wait3A_1516 = tpu.memref_slice %arg2[%add3A_695] : memref<16777216xf32, #tpu.memory_space<hbm>> -> memref<16384xf32, #tpu.memory_space<hbm>>
      %dma_wait3A_1517 = arith.constant 0 : i32
      %dma_wait3A_1518 = tpu.memref_slice %arg6[%dma_wait3A_1517] : memref<32768xf32, #tpu.memory_space<vmem>> -> memref<16384xf32, #tpu.memory_space<vmem>>
      %dma_wait3A_1519 = tpu.memref_slice %arg2[%add3A_695] : memref<16777216xf32, #tpu.memory_space<hbm>> -> memref<16384xf32, #tpu.memory_space<hbm>>
      tpu.wait_dma2 semaphore(%run_scoped3A : memref<!tpu.dma_semaphore, #tpu.memory_space<semaphore_mem>>) src(%dma_wait3A_1519 : memref<16384xf32, #tpu.memory_space<hbm>>) dst(%dma_wait3A_1518 : memref<16384xf32, #tpu.memory_space<vmem>>)
      tpu.yield
    }) : () -> ()
    %add3A_696 = arith.addi %mul3A_8, %rem3A_693 : i32
    "tpu.region"() ({
      %run_scoped3A = tpu.sem_alloc : memref<!tpu.dma_semaphore, #tpu.memory_space<semaphore_mem>>
      %dma_start3A = arith.constant 16384 : i32
      %dma_start3A_1510 = tpu.memref_slice %arg6[%dma_start3A] : memref<32768xf32, #tpu.memory_space<vmem>> -> memref<16384xf32, #tpu.memory_space<vmem>>
      %dma_start3A_1511 = tpu.memref_slice %arg2[%add3A_696] : memref<16777216xf32, #tpu.memory_space<hbm>> -> memref<16384xf32, #tpu.memory_space<hbm>>
      %dma_start3A_1512 = arith.constant 16384 : i32
      %dma_start3A_1513 = tpu.memref_slice %arg6[%dma_start3A_1512] : memref<32768xf32, #tpu.memory_space<vmem>> -> memref<16384xf32, #tpu.memory_space<vmem>>
      %dma_start3A_1514 = tpu.memref_slice %arg2[%add3A_696] : memref<16777216xf32, #tpu.memory_space<hbm>> -> memref<16384xf32, #tpu.memory_space<hbm>>
      tpu.enqueue_dma source(%dma_start3A_1514 : memref<16384xf32, #tpu.memory_space<hbm>>) target(%dma_start3A_1513 : memref<16384xf32, #tpu.memory_space<vmem>>) target_semaphore(%run_scoped3A : memref<!tpu.dma_semaphore, #tpu.memory_space<semaphore_mem>>)
      %dma_wait3A = arith.constant 16384 : i32
      %dma_wait3A_1515 = tpu.memref_slice %arg6[%dma_wait3A] : memref<32768xf32, #tpu.memory_space<vmem>> -> memref<16384xf32, #tpu.memory_space<vmem>>
      %dma_wait3A_1516 = tpu.memref_slice %arg2[%add3A_696] : memref<16777216xf32, #tpu.memory_space<hbm>> -> memref<16384xf32, #tpu.memory_space<hbm>>
      %dma_wait3A_1517 = arith.constant 16384 : i32
      %dma_wait3A_1518 = tpu.memref_slice %arg6[%dma_wait3A_1517] : memref<32768xf32, #tpu.memory_space<vmem>> -> memref<16384xf32, #tpu.memory_space<vmem>>
      %dma_wait3A_1519 = tpu.memref_slice %arg2[%add3A_696] : memref<16777216xf32, #tpu.memory_space<hbm>> -> memref<16384xf32, #tpu.memory_space<hbm>>
      tpu.wait_dma2 semaphore(%run_scoped3A : memref<!tpu.dma_semaphore, #tpu.memory_space<semaphore_mem>>) src(%dma_wait3A_1519 : memref<16384xf32, #tpu.memory_space<hbm>>) dst(%dma_wait3A_1518 : memref<16384xf32, #tpu.memory_space<vmem>>)
      tpu.yield
    }) : () -> ()
    %scan3A_697 = arith.constant 0 : i32
    %scan3A_698 = arith.constant 0 : i32
    %scan3A_699 = arith.constant 1024 : i32
    %scan3A_700 = arith.addi %scan3A_698, %scan3A_699 : i32
    %scan3A_701 = arith.constant 1 : i32
    scf.for %scan3A_1510 = %scan3A_698 to %scan3A_700 step %scan3A_701  : i32 {
      %mul3A_1511 = arith.constant 16 : i32
      %mul3A_1512 = arith.muli %scan3A_1510, %mul3A_1511 : i32
      %add3A_1513 = arith.addi %sub3A_694, %mul3A_1512 : i32
      %get3A_1514 = arith.index_cast %add3A_1513 : i32 to index
      %get3A_1515 = tpu.vector_load %arg6[%get3A_1514] {strides = array<i32>} : memref<32768xf32, #tpu.memory_space<vmem>>, vector<16xf32>,
      %get3A_1516 = vector.shape_cast %get3A_1515 : vector<16xf32> to vector<16xf32>
      %mul3A_1517 = arith.constant 16 : i32
      %mul3A_1518 = arith.muli %scan3A_1510, %mul3A_1517 : i32
      %swap3A = arith.index_cast %mul3A_1518 : i32 to index
      %swap3A_1519 = tpu.vector_load %arg7[%swap3A] {strides = array<i32>} : memref<16384xf32, #tpu.memory_space<vmem>>, vector<16xf32>,
      %swap3A_1520 = vector.shape_cast %swap3A_1519 : vector<16xf32> to vector<16xf32>
      %swap3A_1521 = vector.shape_cast %get3A_1516 : vector<16xf32> to vector<16xf32>
      tpu.vector_store %arg7[%swap3A], %swap3A_1521 {strides = array<i32>} : memref<16384xf32, #tpu.memory_space<vmem>>, vector<16xf32>,
    }
    %scan3A_702 = arith.constant 1024 : i32
    %add3A_703 = arith.constant 229376 : i32
    %add3A_704 = arith.addi %mul3A_8, %add3A_703 : i32
    "tpu.region"() ({
      %run_scoped3A = tpu.sem_alloc : memref<!tpu.dma_semaphore, #tpu.memory_space<semaphore_mem>>
      %dma_start3A = tpu.memref_slice %arg4[%add3A_704] : memref<16777216xf32, #tpu.memory_space<hbm>> -> memref<16384xf32, #tpu.memory_space<hbm>>
      %dma_start3A_1510 = tpu.memref_slice %arg4[%add3A_704] : memref<16777216xf32, #tpu.memory_space<hbm>> -> memref<16384xf32, #tpu.memory_space<hbm>>
      tpu.enqueue_dma source(%arg7 : memref<16384xf32, #tpu.memory_space<vmem>>) target(%dma_start3A_1510 : memref<16384xf32, #tpu.memory_space<hbm>>) target_semaphore(%run_scoped3A : memref<!tpu.dma_semaphore, #tpu.memory_space<semaphore_mem>>)
      %dma_wait3A = tpu.memref_slice %arg4[%add3A_704] : memref<16777216xf32, #tpu.memory_space<hbm>> -> memref<16384xf32, #tpu.memory_space<hbm>>
      %dma_wait3A_1511 = tpu.memref_slice %arg4[%add3A_704] : memref<16777216xf32, #tpu.memory_space<hbm>> -> memref<16384xf32, #tpu.memory_space<hbm>>
      tpu.wait_dma2 semaphore(%run_scoped3A : memref<!tpu.dma_semaphore, #tpu.memory_space<semaphore_mem>>) src(%arg7 : memref<16384xf32, #tpu.memory_space<vmem>>) dst(%dma_wait3A_1511 : memref<16384xf32, #tpu.memory_space<hbm>>)
      tpu.yield
    }) : () -> ()
    %sub3A_705 = arith.constant 245760 : i32
    %sub3A_706 = arith.subi %sub3A_705, %squeeze3A : i32
    %add3A_707 = arith.constant 262144 : i32
    %add3A_708 = arith.addi %sub3A_706, %add3A_707 : i32
    %rem3A_709 = arith.constant 262144 : i32
    %rem3A_710 = arith.remsi %add3A_708, %rem3A_709 : i32
    %jit3A_711 = arith.constant 16384 : i32
    %div3A_712 = arith.divsi %rem3A_710, %jit3A_711 : i32
    %sign3A_713 = arith.constant 0 : i32
    %sign3A_714 = arith.cmpi sgt, %rem3A_710, %sign3A_713 : i32
    %sign3A_715 = arith.extui %sign3A_714 : i1 to i32
    %sign3A_716 = arith.constant 0 : i32
    %sign3A_717 = arith.cmpi slt, %rem3A_710, %sign3A_716 : i32
    %sign3A_718 = arith.extui %sign3A_717 : i1 to i32
    %sign3A_719 = arith.subi %sign3A_715, %sign3A_718 : i32
    %sign3A_720 = arith.constant 0 : i32
    %sign3A_721 = arith.cmpi sgt, %jit3A_711, %sign3A_720 : i32
    %sign3A_722 = arith.extui %sign3A_721 : i1 to i32
    %sign3A_723 = arith.constant 0 : i32
    %sign3A_724 = arith.cmpi slt, %jit3A_711, %sign3A_723 : i32
    %sign3A_725 = arith.extui %sign3A_724 : i1 to i32
    %sign3A_726 = arith.subi %sign3A_722, %sign3A_725 : i32
    %ne3A_727 = arith.cmpi ne, %sign3A_719, %sign3A_726 : i32
    %rem3A_728 = arith.remsi %rem3A_710, %jit3A_711 : i32
    %ne3A_729 = arith.constant 0 : i32
    %ne3A_730 = arith.cmpi ne, %rem3A_728, %ne3A_729 : i32
    %and3A_731 = arith.andi %ne3A_727, %ne3A_730 : i1
    %sub3A_732 = arith.constant 1 : i32
    %sub3A_733 = arith.subi %div3A_712, %sub3A_732 : i32
    %select_n3A_734 = arith.select %and3A_731, %sub3A_733, %div3A_712 : i32
    %mul3A_735 = arith.constant 16384 : i32
    %mul3A_736 = arith.muli %select_n3A_734, %mul3A_735 : i32
    %add3A_737 = arith.constant 16384 : i32
    %add3A_738 = arith.addi %mul3A_736, %add3A_737 : i32
    %rem3A_739 = arith.constant 262144 : i32
    %rem3A_740 = arith.remsi %add3A_738, %rem3A_739 : i32
    %sub3A_741 = arith.subi %rem3A_710, %mul3A_736 : i32
    %add3A_742 = arith.addi %mul3A_8, %mul3A_736 : i32
    "tpu.region"() ({
      %run_scoped3A = tpu.sem_alloc : memref<!tpu.dma_semaphore, #tpu.memory_space<semaphore_mem>>
      %dma_start3A = arith.constant 0 : i32
      %dma_start3A_1510 = tpu.memref_slice %arg6[%dma_start3A] : memref<32768xf32, #tpu.memory_space<vmem>> -> memref<16384xf32, #tpu.memory_space<vmem>>
      %dma_start3A_1511 = tpu.memref_slice %arg2[%add3A_742] : memref<16777216xf32, #tpu.memory_space<hbm>> -> memref<16384xf32, #tpu.memory_space<hbm>>
      %dma_start3A_1512 = arith.constant 0 : i32
      %dma_start3A_1513 = tpu.memref_slice %arg6[%dma_start3A_1512] : memref<32768xf32, #tpu.memory_space<vmem>> -> memref<16384xf32, #tpu.memory_space<vmem>>
      %dma_start3A_1514 = tpu.memref_slice %arg2[%add3A_742] : memref<16777216xf32, #tpu.memory_space<hbm>> -> memref<16384xf32, #tpu.memory_space<hbm>>
      tpu.enqueue_dma source(%dma_start3A_1514 : memref<16384xf32, #tpu.memory_space<hbm>>) target(%dma_start3A_1513 : memref<16384xf32, #tpu.memory_space<vmem>>) target_semaphore(%run_scoped3A : memref<!tpu.dma_semaphore, #tpu.memory_space<semaphore_mem>>)
      %dma_wait3A = arith.constant 0 : i32
      %dma_wait3A_1515 = tpu.memref_slice %arg6[%dma_wait3A] : memref<32768xf32, #tpu.memory_space<vmem>> -> memref<16384xf32, #tpu.memory_space<vmem>>
      %dma_wait3A_1516 = tpu.memref_slice %arg2[%add3A_742] : memref<16777216xf32, #tpu.memory_space<hbm>> -> memref<16384xf32, #tpu.memory_space<hbm>>
      %dma_wait3A_1517 = arith.constant 0 : i32
      %dma_wait3A_1518 = tpu.memref_slice %arg6[%dma_wait3A_1517] : memref<32768xf32, #tpu.memory_space<vmem>> -> memref<16384xf32, #tpu.memory_space<vmem>>
      %dma_wait3A_1519 = tpu.memref_slice %arg2[%add3A_742] : memref<16777216xf32, #tpu.memory_space<hbm>> -> memref<16384xf32, #tpu.memory_space<hbm>>
      tpu.wait_dma2 semaphore(%run_scoped3A : memref<!tpu.dma_semaphore, #tpu.memory_space<semaphore_mem>>) src(%dma_wait3A_1519 : memref<16384xf32, #tpu.memory_space<hbm>>) dst(%dma_wait3A_1518 : memref<16384xf32, #tpu.memory_space<vmem>>)
      tpu.yield
    }) : () -> ()
    %add3A_743 = arith.addi %mul3A_8, %rem3A_740 : i32
    "tpu.region"() ({
      %run_scoped3A = tpu.sem_alloc : memref<!tpu.dma_semaphore, #tpu.memory_space<semaphore_mem>>
      %dma_start3A = arith.constant 16384 : i32
      %dma_start3A_1510 = tpu.memref_slice %arg6[%dma_start3A] : memref<32768xf32, #tpu.memory_space<vmem>> -> memref<16384xf32, #tpu.memory_space<vmem>>
      %dma_start3A_1511 = tpu.memref_slice %arg2[%add3A_743] : memref<16777216xf32, #tpu.memory_space<hbm>> -> memref<16384xf32, #tpu.memory_space<hbm>>
      %dma_start3A_1512 = arith.constant 16384 : i32
      %dma_start3A_1513 = tpu.memref_slice %arg6[%dma_start3A_1512] : memref<32768xf32, #tpu.memory_space<vmem>> -> memref<16384xf32, #tpu.memory_space<vmem>>
      %dma_start3A_1514 = tpu.memref_slice %arg2[%add3A_743] : memref<16777216xf32, #tpu.memory_space<hbm>> -> memref<16384xf32, #tpu.memory_space<hbm>>
      tpu.enqueue_dma source(%dma_start3A_1514 : memref<16384xf32, #tpu.memory_space<hbm>>) target(%dma_start3A_1513 : memref<16384xf32, #tpu.memory_space<vmem>>) target_semaphore(%run_scoped3A : memref<!tpu.dma_semaphore, #tpu.memory_space<semaphore_mem>>)
      %dma_wait3A = arith.constant 16384 : i32
      %dma_wait3A_1515 = tpu.memref_slice %arg6[%dma_wait3A] : memref<32768xf32, #tpu.memory_space<vmem>> -> memref<16384xf32, #tpu.memory_space<vmem>>
      %dma_wait3A_1516 = tpu.memref_slice %arg2[%add3A_743] : memref<16777216xf32, #tpu.memory_space<hbm>> -> memref<16384xf32, #tpu.memory_space<hbm>>
      %dma_wait3A_1517 = arith.constant 16384 : i32
      %dma_wait3A_1518 = tpu.memref_slice %arg6[%dma_wait3A_1517] : memref<32768xf32, #tpu.memory_space<vmem>> -> memref<16384xf32, #tpu.memory_space<vmem>>
      %dma_wait3A_1519 = tpu.memref_slice %arg2[%add3A_743] : memref<16777216xf32, #tpu.memory_space<hbm>> -> memref<16384xf32, #tpu.memory_space<hbm>>
      tpu.wait_dma2 semaphore(%run_scoped3A : memref<!tpu.dma_semaphore, #tpu.memory_space<semaphore_mem>>) src(%dma_wait3A_1519 : memref<16384xf32, #tpu.memory_space<hbm>>) dst(%dma_wait3A_1518 : memref<16384xf32, #tpu.memory_space<vmem>>)
      tpu.yield
    }) : () -> ()
    %scan3A_744 = arith.constant 0 : i32
    %scan3A_745 = arith.constant 0 : i32
    %scan3A_746 = arith.constant 1024 : i32
    %scan3A_747 = arith.addi %scan3A_745, %scan3A_746 : i32
    %scan3A_748 = arith.constant 1 : i32
    scf.for %scan3A_1510 = %scan3A_745 to %scan3A_747 step %scan3A_748  : i32 {
      %mul3A_1511 = arith.constant 16 : i32
      %mul3A_1512 = arith.muli %scan3A_1510, %mul3A_1511 : i32
      %add3A_1513 = arith.addi %sub3A_741, %mul3A_1512 : i32
      %get3A_1514 = arith.index_cast %add3A_1513 : i32 to index
      %get3A_1515 = tpu.vector_load %arg6[%get3A_1514] {strides = array<i32>} : memref<32768xf32, #tpu.memory_space<vmem>>, vector<16xf32>,
      %get3A_1516 = vector.shape_cast %get3A_1515 : vector<16xf32> to vector<16xf32>
      %mul3A_1517 = arith.constant 16 : i32
      %mul3A_1518 = arith.muli %scan3A_1510, %mul3A_1517 : i32
      %swap3A = arith.index_cast %mul3A_1518 : i32 to index
      %swap3A_1519 = tpu.vector_load %arg7[%swap3A] {strides = array<i32>} : memref<16384xf32, #tpu.memory_space<vmem>>, vector<16xf32>,
      %swap3A_1520 = vector.shape_cast %swap3A_1519 : vector<16xf32> to vector<16xf32>
      %swap3A_1521 = vector.shape_cast %get3A_1516 : vector<16xf32> to vector<16xf32>
      tpu.vector_store %arg7[%swap3A], %swap3A_1521 {strides = array<i32>} : memref<16384xf32, #tpu.memory_space<vmem>>, vector<16xf32>,
    }
    %scan3A_749 = arith.constant 1024 : i32
    %add3A_750 = arith.constant 245760 : i32
    %add3A_751 = arith.addi %mul3A_8, %add3A_750 : i32
    "tpu.region"() ({
      %run_scoped3A = tpu.sem_alloc : memref<!tpu.dma_semaphore, #tpu.memory_space<semaphore_mem>>
      %dma_start3A = tpu.memref_slice %arg4[%add3A_751] : memref<16777216xf32, #tpu.memory_space<hbm>> -> memref<16384xf32, #tpu.memory_space<hbm>>
      %dma_start3A_1510 = tpu.memref_slice %arg4[%add3A_751] : memref<16777216xf32, #tpu.memory_space<hbm>> -> memref<16384xf32, #tpu.memory_space<hbm>>
      tpu.enqueue_dma source(%arg7 : memref<16384xf32, #tpu.memory_space<vmem>>) target(%dma_start3A_1510 : memref<16384xf32, #tpu.memory_space<hbm>>) target_semaphore(%run_scoped3A : memref<!tpu.dma_semaphore, #tpu.memory_space<semaphore_mem>>)
      %dma_wait3A = tpu.memref_slice %arg4[%add3A_751] : memref<16777216xf32, #tpu.memory_space<hbm>> -> memref<16384xf32, #tpu.memory_space<hbm>>
      %dma_wait3A_1511 = tpu.memref_slice %arg4[%add3A_751] : memref<16777216xf32, #tpu.memory_space<hbm>> -> memref<16384xf32, #tpu.memory_space<hbm>>
      tpu.wait_dma2 semaphore(%run_scoped3A : memref<!tpu.dma_semaphore, #tpu.memory_space<semaphore_mem>>) src(%arg7 : memref<16384xf32, #tpu.memory_space<vmem>>) dst(%dma_wait3A_1511 : memref<16384xf32, #tpu.memory_space<hbm>>)
      tpu.yield
    }) : () -> ()
    %mul3A_752 = arith.constant 2 : i32
    %mul3A_753 = arith.muli %add3A, %mul3A_752 : i32
    %add3A_754 = arith.constant 1 : i32
    %add3A_755 = arith.addi %mul3A_753, %add3A_754 : i32
    %mul3A_756 = arith.constant 262144 : i32
    %mul3A_757 = arith.muli %add3A_755, %mul3A_756 : i32
    %sub3A_758 = arith.constant 0 : i32
    %sub3A_759 = arith.subi %sub3A_758, %squeeze3A : i32
    %add3A_760 = arith.constant 262144 : i32
    %add3A_761 = arith.addi %sub3A_759, %add3A_760 : i32
    %rem3A_762 = arith.constant 262144 : i32
    %rem3A_763 = arith.remsi %add3A_761, %rem3A_762 : i32
    %jit3A_764 = arith.constant 16384 : i32
    %div3A_765 = arith.divsi %rem3A_763, %jit3A_764 : i32
    %sign3A_766 = arith.constant 0 : i32
    %sign3A_767 = arith.cmpi sgt, %rem3A_763, %sign3A_766 : i32
    %sign3A_768 = arith.extui %sign3A_767 : i1 to i32
    %sign3A_769 = arith.constant 0 : i32
    %sign3A_770 = arith.cmpi slt, %rem3A_763, %sign3A_769 : i32
    %sign3A_771 = arith.extui %sign3A_770 : i1 to i32
    %sign3A_772 = arith.subi %sign3A_768, %sign3A_771 : i32
    %sign3A_773 = arith.constant 0 : i32
    %sign3A_774 = arith.cmpi sgt, %jit3A_764, %sign3A_773 : i32
    %sign3A_775 = arith.extui %sign3A_774 : i1 to i32
    %sign3A_776 = arith.constant 0 : i32
    %sign3A_777 = arith.cmpi slt, %jit3A_764, %sign3A_776 : i32
    %sign3A_778 = arith.extui %sign3A_777 : i1 to i32
    %sign3A_779 = arith.subi %sign3A_775, %sign3A_778 : i32
    %ne3A_780 = arith.cmpi ne, %sign3A_772, %sign3A_779 : i32
    %rem3A_781 = arith.remsi %rem3A_763, %jit3A_764 : i32
    %ne3A_782 = arith.constant 0 : i32
    %ne3A_783 = arith.cmpi ne, %rem3A_781, %ne3A_782 : i32
    %and3A_784 = arith.andi %ne3A_780, %ne3A_783 : i1
    %sub3A_785 = arith.constant 1 : i32
    %sub3A_786 = arith.subi %div3A_765, %sub3A_785 : i32
    %select_n3A_787 = arith.select %and3A_784, %sub3A_786, %div3A_765 : i32
    %mul3A_788 = arith.constant 16384 : i32
    %mul3A_789 = arith.muli %select_n3A_787, %mul3A_788 : i32
    %add3A_790 = arith.constant 16384 : i32
    %add3A_791 = arith.addi %mul3A_789, %add3A_790 : i32
    %rem3A_792 = arith.constant 262144 : i32
    %rem3A_793 = arith.remsi %add3A_791, %rem3A_792 : i32
    %sub3A_794 = arith.subi %rem3A_763, %mul3A_789 : i32
    %add3A_795 = arith.addi %mul3A_757, %mul3A_789 : i32
    "tpu.region"() ({
      %run_scoped3A = tpu.sem_alloc : memref<!tpu.dma_semaphore, #tpu.memory_space<semaphore_mem>>
      %dma_start3A = arith.constant 0 : i32
      %dma_start3A_1510 = tpu.memref_slice %arg6[%dma_start3A] : memref<32768xf32, #tpu.memory_space<vmem>> -> memref<16384xf32, #tpu.memory_space<vmem>>
      %dma_start3A_1511 = tpu.memref_slice %arg2[%add3A_795] : memref<16777216xf32, #tpu.memory_space<hbm>> -> memref<16384xf32, #tpu.memory_space<hbm>>
      %dma_start3A_1512 = arith.constant 0 : i32
      %dma_start3A_1513 = tpu.memref_slice %arg6[%dma_start3A_1512] : memref<32768xf32, #tpu.memory_space<vmem>> -> memref<16384xf32, #tpu.memory_space<vmem>>
      %dma_start3A_1514 = tpu.memref_slice %arg2[%add3A_795] : memref<16777216xf32, #tpu.memory_space<hbm>> -> memref<16384xf32, #tpu.memory_space<hbm>>
      tpu.enqueue_dma source(%dma_start3A_1514 : memref<16384xf32, #tpu.memory_space<hbm>>) target(%dma_start3A_1513 : memref<16384xf32, #tpu.memory_space<vmem>>) target_semaphore(%run_scoped3A : memref<!tpu.dma_semaphore, #tpu.memory_space<semaphore_mem>>)
      %dma_wait3A = arith.constant 0 : i32
      %dma_wait3A_1515 = tpu.memref_slice %arg6[%dma_wait3A] : memref<32768xf32, #tpu.memory_space<vmem>> -> memref<16384xf32, #tpu.memory_space<vmem>>
      %dma_wait3A_1516 = tpu.memref_slice %arg2[%add3A_795] : memref<16777216xf32, #tpu.memory_space<hbm>> -> memref<16384xf32, #tpu.memory_space<hbm>>
      %dma_wait3A_1517 = arith.constant 0 : i32
      %dma_wait3A_1518 = tpu.memref_slice %arg6[%dma_wait3A_1517] : memref<32768xf32, #tpu.memory_space<vmem>> -> memref<16384xf32, #tpu.memory_space<vmem>>
      %dma_wait3A_1519 = tpu.memref_slice %arg2[%add3A_795] : memref<16777216xf32, #tpu.memory_space<hbm>> -> memref<16384xf32, #tpu.memory_space<hbm>>
      tpu.wait_dma2 semaphore(%run_scoped3A : memref<!tpu.dma_semaphore, #tpu.memory_space<semaphore_mem>>) src(%dma_wait3A_1519 : memref<16384xf32, #tpu.memory_space<hbm>>) dst(%dma_wait3A_1518 : memref<16384xf32, #tpu.memory_space<vmem>>)
      tpu.yield
    }) : () -> ()
    %add3A_796 = arith.addi %mul3A_757, %rem3A_793 : i32
    "tpu.region"() ({
      %run_scoped3A = tpu.sem_alloc : memref<!tpu.dma_semaphore, #tpu.memory_space<semaphore_mem>>
      %dma_start3A = arith.constant 16384 : i32
      %dma_start3A_1510 = tpu.memref_slice %arg6[%dma_start3A] : memref<32768xf32, #tpu.memory_space<vmem>> -> memref<16384xf32, #tpu.memory_space<vmem>>
      %dma_start3A_1511 = tpu.memref_slice %arg2[%add3A_796] : memref<16777216xf32, #tpu.memory_space<hbm>> -> memref<16384xf32, #tpu.memory_space<hbm>>
      %dma_start3A_1512 = arith.constant 16384 : i32
      %dma_start3A_1513 = tpu.memref_slice %arg6[%dma_start3A_1512] : memref<32768xf32, #tpu.memory_space<vmem>> -> memref<16384xf32, #tpu.memory_space<vmem>>
      %dma_start3A_1514 = tpu.memref_slice %arg2[%add3A_796] : memref<16777216xf32, #tpu.memory_space<hbm>> -> memref<16384xf32, #tpu.memory_space<hbm>>
      tpu.enqueue_dma source(%dma_start3A_1514 : memref<16384xf32, #tpu.memory_space<hbm>>) target(%dma_start3A_1513 : memref<16384xf32, #tpu.memory_space<vmem>>) target_semaphore(%run_scoped3A : memref<!tpu.dma_semaphore, #tpu.memory_space<semaphore_mem>>)
      %dma_wait3A = arith.constant 16384 : i32
      %dma_wait3A_1515 = tpu.memref_slice %arg6[%dma_wait3A] : memref<32768xf32, #tpu.memory_space<vmem>> -> memref<16384xf32, #tpu.memory_space<vmem>>
      %dma_wait3A_1516 = tpu.memref_slice %arg2[%add3A_796] : memref<16777216xf32, #tpu.memory_space<hbm>> -> memref<16384xf32, #tpu.memory_space<hbm>>
      %dma_wait3A_1517 = arith.constant 16384 : i32
      %dma_wait3A_1518 = tpu.memref_slice %arg6[%dma_wait3A_1517] : memref<32768xf32, #tpu.memory_space<vmem>> -> memref<16384xf32, #tpu.memory_space<vmem>>
      %dma_wait3A_1519 = tpu.memref_slice %arg2[%add3A_796] : memref<16777216xf32, #tpu.memory_space<hbm>> -> memref<16384xf32, #tpu.memory_space<hbm>>
      tpu.wait_dma2 semaphore(%run_scoped3A : memref<!tpu.dma_semaphore, #tpu.memory_space<semaphore_mem>>) src(%dma_wait3A_1519 : memref<16384xf32, #tpu.memory_space<hbm>>) dst(%dma_wait3A_1518 : memref<16384xf32, #tpu.memory_space<vmem>>)
      tpu.yield
    }) : () -> ()
    %scan3A_797 = arith.constant 0 : i32
    %scan3A_798 = arith.constant 0 : i32
    %scan3A_799 = arith.constant 1024 : i32
    %scan3A_800 = arith.addi %scan3A_798, %scan3A_799 : i32
    %scan3A_801 = arith.constant 1 : i32
    scf.for %scan3A_1510 = %scan3A_798 to %scan3A_800 step %scan3A_801  : i32 {
      %mul3A_1511 = arith.constant 16 : i32
      %mul3A_1512 = arith.muli %scan3A_1510, %mul3A_1511 : i32
      %add3A_1513 = arith.addi %sub3A_794, %mul3A_1512 : i32
      %get3A_1514 = arith.index_cast %add3A_1513 : i32 to index
      %get3A_1515 = tpu.vector_load %arg6[%get3A_1514] {strides = array<i32>} : memref<32768xf32, #tpu.memory_space<vmem>>, vector<16xf32>,
      %get3A_1516 = vector.shape_cast %get3A_1515 : vector<16xf32> to vector<16xf32>
      %mul3A_1517 = arith.constant 16 : i32
      %mul3A_1518 = arith.muli %scan3A_1510, %mul3A_1517 : i32
      %swap3A = arith.index_cast %mul3A_1518 : i32 to index
      %swap3A_1519 = tpu.vector_load %arg7[%swap3A] {strides = array<i32>} : memref<16384xf32, #tpu.memory_space<vmem>>, vector<16xf32>,
      %swap3A_1520 = vector.shape_cast %swap3A_1519 : vector<16xf32> to vector<16xf32>
      %swap3A_1521 = vector.shape_cast %get3A_1516 : vector<16xf32> to vector<16xf32>
      tpu.vector_store %arg7[%swap3A], %swap3A_1521 {strides = array<i32>} : memref<16384xf32, #tpu.memory_space<vmem>>, vector<16xf32>,
    }
    %scan3A_802 = arith.constant 1024 : i32
    %add3A_803 = arith.constant 0 : i32
    %add3A_804 = arith.addi %mul3A_757, %add3A_803 : i32
    "tpu.region"() ({
      %run_scoped3A = tpu.sem_alloc : memref<!tpu.dma_semaphore, #tpu.memory_space<semaphore_mem>>
      %dma_start3A = tpu.memref_slice %arg4[%add3A_804] : memref<16777216xf32, #tpu.memory_space<hbm>> -> memref<16384xf32, #tpu.memory_space<hbm>>
      %dma_start3A_1510 = tpu.memref_slice %arg4[%add3A_804] : memref<16777216xf32, #tpu.memory_space<hbm>> -> memref<16384xf32, #tpu.memory_space<hbm>>
      tpu.enqueue_dma source(%arg7 : memref<16384xf32, #tpu.memory_space<vmem>>) target(%dma_start3A_1510 : memref<16384xf32, #tpu.memory_space<hbm>>) target_semaphore(%run_scoped3A : memref<!tpu.dma_semaphore, #tpu.memory_space<semaphore_mem>>)
      %dma_wait3A = tpu.memref_slice %arg4[%add3A_804] : memref<16777216xf32, #tpu.memory_space<hbm>> -> memref<16384xf32, #tpu.memory_space<hbm>>
      %dma_wait3A_1511 = tpu.memref_slice %arg4[%add3A_804] : memref<16777216xf32, #tpu.memory_space<hbm>> -> memref<16384xf32, #tpu.memory_space<hbm>>
      tpu.wait_dma2 semaphore(%run_scoped3A : memref<!tpu.dma_semaphore, #tpu.memory_space<semaphore_mem>>) src(%arg7 : memref<16384xf32, #tpu.memory_space<vmem>>) dst(%dma_wait3A_1511 : memref<16384xf32, #tpu.memory_space<hbm>>)
      tpu.yield
    }) : () -> ()
    %sub3A_805 = arith.constant 16384 : i32
    %sub3A_806 = arith.subi %sub3A_805, %squeeze3A : i32
    %add3A_807 = arith.constant 262144 : i32
    %add3A_808 = arith.addi %sub3A_806, %add3A_807 : i32
    %rem3A_809 = arith.constant 262144 : i32
    %rem3A_810 = arith.remsi %add3A_808, %rem3A_809 : i32
    %jit3A_811 = arith.constant 16384 : i32
    %div3A_812 = arith.divsi %rem3A_810, %jit3A_811 : i32
    %sign3A_813 = arith.constant 0 : i32
    %sign3A_814 = arith.cmpi sgt, %rem3A_810, %sign3A_813 : i32
    %sign3A_815 = arith.extui %sign3A_814 : i1 to i32
    %sign3A_816 = arith.constant 0 : i32
    %sign3A_817 = arith.cmpi slt, %rem3A_810, %sign3A_816 : i32
    %sign3A_818 = arith.extui %sign3A_817 : i1 to i32
    %sign3A_819 = arith.subi %sign3A_815, %sign3A_818 : i32
    %sign3A_820 = arith.constant 0 : i32
    %sign3A_821 = arith.cmpi sgt, %jit3A_811, %sign3A_820 : i32
    %sign3A_822 = arith.extui %sign3A_821 : i1 to i32
    %sign3A_823 = arith.constant 0 : i32
    %sign3A_824 = arith.cmpi slt, %jit3A_811, %sign3A_823 : i32
    %sign3A_825 = arith.extui %sign3A_824 : i1 to i32
    %sign3A_826 = arith.subi %sign3A_822, %sign3A_825 : i32
    %ne3A_827 = arith.cmpi ne, %sign3A_819, %sign3A_826 : i32
    %rem3A_828 = arith.remsi %rem3A_810, %jit3A_811 : i32
    %ne3A_829 = arith.constant 0 : i32
    %ne3A_830 = arith.cmpi ne, %rem3A_828, %ne3A_829 : i32
    %and3A_831 = arith.andi %ne3A_827, %ne3A_830 : i1
    %sub3A_832 = arith.constant 1 : i32
    %sub3A_833 = arith.subi %div3A_812, %sub3A_832 : i32
    %select_n3A_834 = arith.select %and3A_831, %sub3A_833, %div3A_812 : i32
    %mul3A_835 = arith.constant 16384 : i32
    %mul3A_836 = arith.muli %select_n3A_834, %mul3A_835 : i32
    %add3A_837 = arith.constant 16384 : i32
    %add3A_838 = arith.addi %mul3A_836, %add3A_837 : i32
    %rem3A_839 = arith.constant 262144 : i32
    %rem3A_840 = arith.remsi %add3A_838, %rem3A_839 : i32
    %sub3A_841 = arith.subi %rem3A_810, %mul3A_836 : i32
    %add3A_842 = arith.addi %mul3A_757, %mul3A_836 : i32
    "tpu.region"() ({
      %run_scoped3A = tpu.sem_alloc : memref<!tpu.dma_semaphore, #tpu.memory_space<semaphore_mem>>
      %dma_start3A = arith.constant 0 : i32
      %dma_start3A_1510 = tpu.memref_slice %arg6[%dma_start3A] : memref<32768xf32, #tpu.memory_space<vmem>> -> memref<16384xf32, #tpu.memory_space<vmem>>
      %dma_start3A_1511 = tpu.memref_slice %arg2[%add3A_842] : memref<16777216xf32, #tpu.memory_space<hbm>> -> memref<16384xf32, #tpu.memory_space<hbm>>
      %dma_start3A_1512 = arith.constant 0 : i32
      %dma_start3A_1513 = tpu.memref_slice %arg6[%dma_start3A_1512] : memref<32768xf32, #tpu.memory_space<vmem>> -> memref<16384xf32, #tpu.memory_space<vmem>>
      %dma_start3A_1514 = tpu.memref_slice %arg2[%add3A_842] : memref<16777216xf32, #tpu.memory_space<hbm>> -> memref<16384xf32, #tpu.memory_space<hbm>>
      tpu.enqueue_dma source(%dma_start3A_1514 : memref<16384xf32, #tpu.memory_space<hbm>>) target(%dma_start3A_1513 : memref<16384xf32, #tpu.memory_space<vmem>>) target_semaphore(%run_scoped3A : memref<!tpu.dma_semaphore, #tpu.memory_space<semaphore_mem>>)
      %dma_wait3A = arith.constant 0 : i32
      %dma_wait3A_1515 = tpu.memref_slice %arg6[%dma_wait3A] : memref<32768xf32, #tpu.memory_space<vmem>> -> memref<16384xf32, #tpu.memory_space<vmem>>
      %dma_wait3A_1516 = tpu.memref_slice %arg2[%add3A_842] : memref<16777216xf32, #tpu.memory_space<hbm>> -> memref<16384xf32, #tpu.memory_space<hbm>>
      %dma_wait3A_1517 = arith.constant 0 : i32
      %dma_wait3A_1518 = tpu.memref_slice %arg6[%dma_wait3A_1517] : memref<32768xf32, #tpu.memory_space<vmem>> -> memref<16384xf32, #tpu.memory_space<vmem>>
      %dma_wait3A_1519 = tpu.memref_slice %arg2[%add3A_842] : memref<16777216xf32, #tpu.memory_space<hbm>> -> memref<16384xf32, #tpu.memory_space<hbm>>
      tpu.wait_dma2 semaphore(%run_scoped3A : memref<!tpu.dma_semaphore, #tpu.memory_space<semaphore_mem>>) src(%dma_wait3A_1519 : memref<16384xf32, #tpu.memory_space<hbm>>) dst(%dma_wait3A_1518 : memref<16384xf32, #tpu.memory_space<vmem>>)
      tpu.yield
    }) : () -> ()
    %add3A_843 = arith.addi %mul3A_757, %rem3A_840 : i32
    "tpu.region"() ({
      %run_scoped3A = tpu.sem_alloc : memref<!tpu.dma_semaphore, #tpu.memory_space<semaphore_mem>>
      %dma_start3A = arith.constant 16384 : i32
      %dma_start3A_1510 = tpu.memref_slice %arg6[%dma_start3A] : memref<32768xf32, #tpu.memory_space<vmem>> -> memref<16384xf32, #tpu.memory_space<vmem>>
      %dma_start3A_1511 = tpu.memref_slice %arg2[%add3A_843] : memref<16777216xf32, #tpu.memory_space<hbm>> -> memref<16384xf32, #tpu.memory_space<hbm>>
      %dma_start3A_1512 = arith.constant 16384 : i32
      %dma_start3A_1513 = tpu.memref_slice %arg6[%dma_start3A_1512] : memref<32768xf32, #tpu.memory_space<vmem>> -> memref<16384xf32, #tpu.memory_space<vmem>>
      %dma_start3A_1514 = tpu.memref_slice %arg2[%add3A_843] : memref<16777216xf32, #tpu.memory_space<hbm>> -> memref<16384xf32, #tpu.memory_space<hbm>>
      tpu.enqueue_dma source(%dma_start3A_1514 : memref<16384xf32, #tpu.memory_space<hbm>>) target(%dma_start3A_1513 : memref<16384xf32, #tpu.memory_space<vmem>>) target_semaphore(%run_scoped3A : memref<!tpu.dma_semaphore, #tpu.memory_space<semaphore_mem>>)
      %dma_wait3A = arith.constant 16384 : i32
      %dma_wait3A_1515 = tpu.memref_slice %arg6[%dma_wait3A] : memref<32768xf32, #tpu.memory_space<vmem>> -> memref<16384xf32, #tpu.memory_space<vmem>>
      %dma_wait3A_1516 = tpu.memref_slice %arg2[%add3A_843] : memref<16777216xf32, #tpu.memory_space<hbm>> -> memref<16384xf32, #tpu.memory_space<hbm>>
      %dma_wait3A_1517 = arith.constant 16384 : i32
      %dma_wait3A_1518 = tpu.memref_slice %arg6[%dma_wait3A_1517] : memref<32768xf32, #tpu.memory_space<vmem>> -> memref<16384xf32, #tpu.memory_space<vmem>>
      %dma_wait3A_1519 = tpu.memref_slice %arg2[%add3A_843] : memref<16777216xf32, #tpu.memory_space<hbm>> -> memref<16384xf32, #tpu.memory_space<hbm>>
      tpu.wait_dma2 semaphore(%run_scoped3A : memref<!tpu.dma_semaphore, #tpu.memory_space<semaphore_mem>>) src(%dma_wait3A_1519 : memref<16384xf32, #tpu.memory_space<hbm>>) dst(%dma_wait3A_1518 : memref<16384xf32, #tpu.memory_space<vmem>>)
      tpu.yield
    }) : () -> ()
    %scan3A_844 = arith.constant 0 : i32
    %scan3A_845 = arith.constant 0 : i32
    %scan3A_846 = arith.constant 1024 : i32
    %scan3A_847 = arith.addi %scan3A_845, %scan3A_846 : i32
    %scan3A_848 = arith.constant 1 : i32
    scf.for %scan3A_1510 = %scan3A_845 to %scan3A_847 step %scan3A_848  : i32 {
      %mul3A_1511 = arith.constant 16 : i32
      %mul3A_1512 = arith.muli %scan3A_1510, %mul3A_1511 : i32
      %add3A_1513 = arith.addi %sub3A_841, %mul3A_1512 : i32
      %get3A_1514 = arith.index_cast %add3A_1513 : i32 to index
      %get3A_1515 = tpu.vector_load %arg6[%get3A_1514] {strides = array<i32>} : memref<32768xf32, #tpu.memory_space<vmem>>, vector<16xf32>,
      %get3A_1516 = vector.shape_cast %get3A_1515 : vector<16xf32> to vector<16xf32>
      %mul3A_1517 = arith.constant 16 : i32
      %mul3A_1518 = arith.muli %scan3A_1510, %mul3A_1517 : i32
      %swap3A = arith.index_cast %mul3A_1518 : i32 to index
      %swap3A_1519 = tpu.vector_load %arg7[%swap3A] {strides = array<i32>} : memref<16384xf32, #tpu.memory_space<vmem>>, vector<16xf32>,
      %swap3A_1520 = vector.shape_cast %swap3A_1519 : vector<16xf32> to vector<16xf32>
      %swap3A_1521 = vector.shape_cast %get3A_1516 : vector<16xf32> to vector<16xf32>
      tpu.vector_store %arg7[%swap3A], %swap3A_1521 {strides = array<i32>} : memref<16384xf32, #tpu.memory_space<vmem>>, vector<16xf32>,
    }
    %scan3A_849 = arith.constant 1024 : i32
    %add3A_850 = arith.constant 16384 : i32
    %add3A_851 = arith.addi %mul3A_757, %add3A_850 : i32
    "tpu.region"() ({
      %run_scoped3A = tpu.sem_alloc : memref<!tpu.dma_semaphore, #tpu.memory_space<semaphore_mem>>
      %dma_start3A = tpu.memref_slice %arg4[%add3A_851] : memref<16777216xf32, #tpu.memory_space<hbm>> -> memref<16384xf32, #tpu.memory_space<hbm>>
      %dma_start3A_1510 = tpu.memref_slice %arg4[%add3A_851] : memref<16777216xf32, #tpu.memory_space<hbm>> -> memref<16384xf32, #tpu.memory_space<hbm>>
      tpu.enqueue_dma source(%arg7 : memref<16384xf32, #tpu.memory_space<vmem>>) target(%dma_start3A_1510 : memref<16384xf32, #tpu.memory_space<hbm>>) target_semaphore(%run_scoped3A : memref<!tpu.dma_semaphore, #tpu.memory_space<semaphore_mem>>)
      %dma_wait3A = tpu.memref_slice %arg4[%add3A_851] : memref<16777216xf32, #tpu.memory_space<hbm>> -> memref<16384xf32, #tpu.memory_space<hbm>>
      %dma_wait3A_1511 = tpu.memref_slice %arg4[%add3A_851] : memref<16777216xf32, #tpu.memory_space<hbm>> -> memref<16384xf32, #tpu.memory_space<hbm>>
      tpu.wait_dma2 semaphore(%run_scoped3A : memref<!tpu.dma_semaphore, #tpu.memory_space<semaphore_mem>>) src(%arg7 : memref<16384xf32, #tpu.memory_space<vmem>>) dst(%dma_wait3A_1511 : memref<16384xf32, #tpu.memory_space<hbm>>)
      tpu.yield
    }) : () -> ()
    %sub3A_852 = arith.constant 32768 : i32
    %sub3A_853 = arith.subi %sub3A_852, %squeeze3A : i32
    %add3A_854 = arith.constant 262144 : i32
    %add3A_855 = arith.addi %sub3A_853, %add3A_854 : i32
    %rem3A_856 = arith.constant 262144 : i32
    %rem3A_857 = arith.remsi %add3A_855, %rem3A_856 : i32
    %jit3A_858 = arith.constant 16384 : i32
    %div3A_859 = arith.divsi %rem3A_857, %jit3A_858 : i32
    %sign3A_860 = arith.constant 0 : i32
    %sign3A_861 = arith.cmpi sgt, %rem3A_857, %sign3A_860 : i32
    %sign3A_862 = arith.extui %sign3A_861 : i1 to i32
    %sign3A_863 = arith.constant 0 : i32
    %sign3A_864 = arith.cmpi slt, %rem3A_857, %sign3A_863 : i32
    %sign3A_865 = arith.extui %sign3A_864 : i1 to i32
    %sign3A_866 = arith.subi %sign3A_862, %sign3A_865 : i32
    %sign3A_867 = arith.constant 0 : i32
    %sign3A_868 = arith.cmpi sgt, %jit3A_858, %sign3A_867 : i32
    %sign3A_869 = arith.extui %sign3A_868 : i1 to i32
    %sign3A_870 = arith.constant 0 : i32
    %sign3A_871 = arith.cmpi slt, %jit3A_858, %sign3A_870 : i32
    %sign3A_872 = arith.extui %sign3A_871 : i1 to i32
    %sign3A_873 = arith.subi %sign3A_869, %sign3A_872 : i32
    %ne3A_874 = arith.cmpi ne, %sign3A_866, %sign3A_873 : i32
    %rem3A_875 = arith.remsi %rem3A_857, %jit3A_858 : i32
    %ne3A_876 = arith.constant 0 : i32
    %ne3A_877 = arith.cmpi ne, %rem3A_875, %ne3A_876 : i32
    %and3A_878 = arith.andi %ne3A_874, %ne3A_877 : i1
    %sub3A_879 = arith.constant 1 : i32
    %sub3A_880 = arith.subi %div3A_859, %sub3A_879 : i32
    %select_n3A_881 = arith.select %and3A_878, %sub3A_880, %div3A_859 : i32
    %mul3A_882 = arith.constant 16384 : i32
    %mul3A_883 = arith.muli %select_n3A_881, %mul3A_882 : i32
    %add3A_884 = arith.constant 16384 : i32
    %add3A_885 = arith.addi %mul3A_883, %add3A_884 : i32
    %rem3A_886 = arith.constant 262144 : i32
    %rem3A_887 = arith.remsi %add3A_885, %rem3A_886 : i32
    %sub3A_888 = arith.subi %rem3A_857, %mul3A_883 : i32
    %add3A_889 = arith.addi %mul3A_757, %mul3A_883 : i32
    "tpu.region"() ({
      %run_scoped3A = tpu.sem_alloc : memref<!tpu.dma_semaphore, #tpu.memory_space<semaphore_mem>>
      %dma_start3A = arith.constant 0 : i32
      %dma_start3A_1510 = tpu.memref_slice %arg6[%dma_start3A] : memref<32768xf32, #tpu.memory_space<vmem>> -> memref<16384xf32, #tpu.memory_space<vmem>>
      %dma_start3A_1511 = tpu.memref_slice %arg2[%add3A_889] : memref<16777216xf32, #tpu.memory_space<hbm>> -> memref<16384xf32, #tpu.memory_space<hbm>>
      %dma_start3A_1512 = arith.constant 0 : i32
      %dma_start3A_1513 = tpu.memref_slice %arg6[%dma_start3A_1512] : memref<32768xf32, #tpu.memory_space<vmem>> -> memref<16384xf32, #tpu.memory_space<vmem>>
      %dma_start3A_1514 = tpu.memref_slice %arg2[%add3A_889] : memref<16777216xf32, #tpu.memory_space<hbm>> -> memref<16384xf32, #tpu.memory_space<hbm>>
      tpu.enqueue_dma source(%dma_start3A_1514 : memref<16384xf32, #tpu.memory_space<hbm>>) target(%dma_start3A_1513 : memref<16384xf32, #tpu.memory_space<vmem>>) target_semaphore(%run_scoped3A : memref<!tpu.dma_semaphore, #tpu.memory_space<semaphore_mem>>)
      %dma_wait3A = arith.constant 0 : i32
      %dma_wait3A_1515 = tpu.memref_slice %arg6[%dma_wait3A] : memref<32768xf32, #tpu.memory_space<vmem>> -> memref<16384xf32, #tpu.memory_space<vmem>>
      %dma_wait3A_1516 = tpu.memref_slice %arg2[%add3A_889] : memref<16777216xf32, #tpu.memory_space<hbm>> -> memref<16384xf32, #tpu.memory_space<hbm>>
      %dma_wait3A_1517 = arith.constant 0 : i32
      %dma_wait3A_1518 = tpu.memref_slice %arg6[%dma_wait3A_1517] : memref<32768xf32, #tpu.memory_space<vmem>> -> memref<16384xf32, #tpu.memory_space<vmem>>
      %dma_wait3A_1519 = tpu.memref_slice %arg2[%add3A_889] : memref<16777216xf32, #tpu.memory_space<hbm>> -> memref<16384xf32, #tpu.memory_space<hbm>>
      tpu.wait_dma2 semaphore(%run_scoped3A : memref<!tpu.dma_semaphore, #tpu.memory_space<semaphore_mem>>) src(%dma_wait3A_1519 : memref<16384xf32, #tpu.memory_space<hbm>>) dst(%dma_wait3A_1518 : memref<16384xf32, #tpu.memory_space<vmem>>)
      tpu.yield
    }) : () -> ()
    %add3A_890 = arith.addi %mul3A_757, %rem3A_887 : i32
    "tpu.region"() ({
      %run_scoped3A = tpu.sem_alloc : memref<!tpu.dma_semaphore, #tpu.memory_space<semaphore_mem>>
      %dma_start3A = arith.constant 16384 : i32
      %dma_start3A_1510 = tpu.memref_slice %arg6[%dma_start3A] : memref<32768xf32, #tpu.memory_space<vmem>> -> memref<16384xf32, #tpu.memory_space<vmem>>
      %dma_start3A_1511 = tpu.memref_slice %arg2[%add3A_890] : memref<16777216xf32, #tpu.memory_space<hbm>> -> memref<16384xf32, #tpu.memory_space<hbm>>
      %dma_start3A_1512 = arith.constant 16384 : i32
      %dma_start3A_1513 = tpu.memref_slice %arg6[%dma_start3A_1512] : memref<32768xf32, #tpu.memory_space<vmem>> -> memref<16384xf32, #tpu.memory_space<vmem>>
      %dma_start3A_1514 = tpu.memref_slice %arg2[%add3A_890] : memref<16777216xf32, #tpu.memory_space<hbm>> -> memref<16384xf32, #tpu.memory_space<hbm>>
      tpu.enqueue_dma source(%dma_start3A_1514 : memref<16384xf32, #tpu.memory_space<hbm>>) target(%dma_start3A_1513 : memref<16384xf32, #tpu.memory_space<vmem>>) target_semaphore(%run_scoped3A : memref<!tpu.dma_semaphore, #tpu.memory_space<semaphore_mem>>)
      %dma_wait3A = arith.constant 16384 : i32
      %dma_wait3A_1515 = tpu.memref_slice %arg6[%dma_wait3A] : memref<32768xf32, #tpu.memory_space<vmem>> -> memref<16384xf32, #tpu.memory_space<vmem>>
      %dma_wait3A_1516 = tpu.memref_slice %arg2[%add3A_890] : memref<16777216xf32, #tpu.memory_space<hbm>> -> memref<16384xf32, #tpu.memory_space<hbm>>
      %dma_wait3A_1517 = arith.constant 16384 : i32
      %dma_wait3A_1518 = tpu.memref_slice %arg6[%dma_wait3A_1517] : memref<32768xf32, #tpu.memory_space<vmem>> -> memref<16384xf32, #tpu.memory_space<vmem>>
      %dma_wait3A_1519 = tpu.memref_slice %arg2[%add3A_890] : memref<16777216xf32, #tpu.memory_space<hbm>> -> memref<16384xf32, #tpu.memory_space<hbm>>
      tpu.wait_dma2 semaphore(%run_scoped3A : memref<!tpu.dma_semaphore, #tpu.memory_space<semaphore_mem>>) src(%dma_wait3A_1519 : memref<16384xf32, #tpu.memory_space<hbm>>) dst(%dma_wait3A_1518 : memref<16384xf32, #tpu.memory_space<vmem>>)
      tpu.yield
    }) : () -> ()
    %scan3A_891 = arith.constant 0 : i32
    %scan3A_892 = arith.constant 0 : i32
    %scan3A_893 = arith.constant 1024 : i32
    %scan3A_894 = arith.addi %scan3A_892, %scan3A_893 : i32
    %scan3A_895 = arith.constant 1 : i32
    scf.for %scan3A_1510 = %scan3A_892 to %scan3A_894 step %scan3A_895  : i32 {
      %mul3A_1511 = arith.constant 16 : i32
      %mul3A_1512 = arith.muli %scan3A_1510, %mul3A_1511 : i32
      %add3A_1513 = arith.addi %sub3A_888, %mul3A_1512 : i32
      %get3A_1514 = arith.index_cast %add3A_1513 : i32 to index
      %get3A_1515 = tpu.vector_load %arg6[%get3A_1514] {strides = array<i32>} : memref<32768xf32, #tpu.memory_space<vmem>>, vector<16xf32>,
      %get3A_1516 = vector.shape_cast %get3A_1515 : vector<16xf32> to vector<16xf32>
      %mul3A_1517 = arith.constant 16 : i32
      %mul3A_1518 = arith.muli %scan3A_1510, %mul3A_1517 : i32
      %swap3A = arith.index_cast %mul3A_1518 : i32 to index
      %swap3A_1519 = tpu.vector_load %arg7[%swap3A] {strides = array<i32>} : memref<16384xf32, #tpu.memory_space<vmem>>, vector<16xf32>,
      %swap3A_1520 = vector.shape_cast %swap3A_1519 : vector<16xf32> to vector<16xf32>
      %swap3A_1521 = vector.shape_cast %get3A_1516 : vector<16xf32> to vector<16xf32>
      tpu.vector_store %arg7[%swap3A], %swap3A_1521 {strides = array<i32>} : memref<16384xf32, #tpu.memory_space<vmem>>, vector<16xf32>,
    }
    %scan3A_896 = arith.constant 1024 : i32
    %add3A_897 = arith.constant 32768 : i32
    %add3A_898 = arith.addi %mul3A_757, %add3A_897 : i32
    "tpu.region"() ({
      %run_scoped3A = tpu.sem_alloc : memref<!tpu.dma_semaphore, #tpu.memory_space<semaphore_mem>>
      %dma_start3A = tpu.memref_slice %arg4[%add3A_898] : memref<16777216xf32, #tpu.memory_space<hbm>> -> memref<16384xf32, #tpu.memory_space<hbm>>
      %dma_start3A_1510 = tpu.memref_slice %arg4[%add3A_898] : memref<16777216xf32, #tpu.memory_space<hbm>> -> memref<16384xf32, #tpu.memory_space<hbm>>
      tpu.enqueue_dma source(%arg7 : memref<16384xf32, #tpu.memory_space<vmem>>) target(%dma_start3A_1510 : memref<16384xf32, #tpu.memory_space<hbm>>) target_semaphore(%run_scoped3A : memref<!tpu.dma_semaphore, #tpu.memory_space<semaphore_mem>>)
      %dma_wait3A = tpu.memref_slice %arg4[%add3A_898] : memref<16777216xf32, #tpu.memory_space<hbm>> -> memref<16384xf32, #tpu.memory_space<hbm>>
      %dma_wait3A_1511 = tpu.memref_slice %arg4[%add3A_898] : memref<16777216xf32, #tpu.memory_space<hbm>> -> memref<16384xf32, #tpu.memory_space<hbm>>
      tpu.wait_dma2 semaphore(%run_scoped3A : memref<!tpu.dma_semaphore, #tpu.memory_space<semaphore_mem>>) src(%arg7 : memref<16384xf32, #tpu.memory_space<vmem>>) dst(%dma_wait3A_1511 : memref<16384xf32, #tpu.memory_space<hbm>>)
      tpu.yield
    }) : () -> ()
    %sub3A_899 = arith.constant 49152 : i32
    %sub3A_900 = arith.subi %sub3A_899, %squeeze3A : i32
    %add3A_901 = arith.constant 262144 : i32
    %add3A_902 = arith.addi %sub3A_900, %add3A_901 : i32
    %rem3A_903 = arith.constant 262144 : i32
    %rem3A_904 = arith.remsi %add3A_902, %rem3A_903 : i32
    %jit3A_905 = arith.constant 16384 : i32
    %div3A_906 = arith.divsi %rem3A_904, %jit3A_905 : i32
    %sign3A_907 = arith.constant 0 : i32
    %sign3A_908 = arith.cmpi sgt, %rem3A_904, %sign3A_907 : i32
    %sign3A_909 = arith.extui %sign3A_908 : i1 to i32
    %sign3A_910 = arith.constant 0 : i32
    %sign3A_911 = arith.cmpi slt, %rem3A_904, %sign3A_910 : i32
    %sign3A_912 = arith.extui %sign3A_911 : i1 to i32
    %sign3A_913 = arith.subi %sign3A_909, %sign3A_912 : i32
    %sign3A_914 = arith.constant 0 : i32
    %sign3A_915 = arith.cmpi sgt, %jit3A_905, %sign3A_914 : i32
    %sign3A_916 = arith.extui %sign3A_915 : i1 to i32
    %sign3A_917 = arith.constant 0 : i32
    %sign3A_918 = arith.cmpi slt, %jit3A_905, %sign3A_917 : i32
    %sign3A_919 = arith.extui %sign3A_918 : i1 to i32
    %sign3A_920 = arith.subi %sign3A_916, %sign3A_919 : i32
    %ne3A_921 = arith.cmpi ne, %sign3A_913, %sign3A_920 : i32
    %rem3A_922 = arith.remsi %rem3A_904, %jit3A_905 : i32
    %ne3A_923 = arith.constant 0 : i32
    %ne3A_924 = arith.cmpi ne, %rem3A_922, %ne3A_923 : i32
    %and3A_925 = arith.andi %ne3A_921, %ne3A_924 : i1
    %sub3A_926 = arith.constant 1 : i32
    %sub3A_927 = arith.subi %div3A_906, %sub3A_926 : i32
    %select_n3A_928 = arith.select %and3A_925, %sub3A_927, %div3A_906 : i32
    %mul3A_929 = arith.constant 16384 : i32
    %mul3A_930 = arith.muli %select_n3A_928, %mul3A_929 : i32
    %add3A_931 = arith.constant 16384 : i32
    %add3A_932 = arith.addi %mul3A_930, %add3A_931 : i32
    %rem3A_933 = arith.constant 262144 : i32
    %rem3A_934 = arith.remsi %add3A_932, %rem3A_933 : i32
    %sub3A_935 = arith.subi %rem3A_904, %mul3A_930 : i32
    %add3A_936 = arith.addi %mul3A_757, %mul3A_930 : i32
    "tpu.region"() ({
      %run_scoped3A = tpu.sem_alloc : memref<!tpu.dma_semaphore, #tpu.memory_space<semaphore_mem>>
      %dma_start3A = arith.constant 0 : i32
      %dma_start3A_1510 = tpu.memref_slice %arg6[%dma_start3A] : memref<32768xf32, #tpu.memory_space<vmem>> -> memref<16384xf32, #tpu.memory_space<vmem>>
      %dma_start3A_1511 = tpu.memref_slice %arg2[%add3A_936] : memref<16777216xf32, #tpu.memory_space<hbm>> -> memref<16384xf32, #tpu.memory_space<hbm>>
      %dma_start3A_1512 = arith.constant 0 : i32
      %dma_start3A_1513 = tpu.memref_slice %arg6[%dma_start3A_1512] : memref<32768xf32, #tpu.memory_space<vmem>> -> memref<16384xf32, #tpu.memory_space<vmem>>
      %dma_start3A_1514 = tpu.memref_slice %arg2[%add3A_936] : memref<16777216xf32, #tpu.memory_space<hbm>> -> memref<16384xf32, #tpu.memory_space<hbm>>
      tpu.enqueue_dma source(%dma_start3A_1514 : memref<16384xf32, #tpu.memory_space<hbm>>) target(%dma_start3A_1513 : memref<16384xf32, #tpu.memory_space<vmem>>) target_semaphore(%run_scoped3A : memref<!tpu.dma_semaphore, #tpu.memory_space<semaphore_mem>>)
      %dma_wait3A = arith.constant 0 : i32
      %dma_wait3A_1515 = tpu.memref_slice %arg6[%dma_wait3A] : memref<32768xf32, #tpu.memory_space<vmem>> -> memref<16384xf32, #tpu.memory_space<vmem>>
      %dma_wait3A_1516 = tpu.memref_slice %arg2[%add3A_936] : memref<16777216xf32, #tpu.memory_space<hbm>> -> memref<16384xf32, #tpu.memory_space<hbm>>
      %dma_wait3A_1517 = arith.constant 0 : i32
      %dma_wait3A_1518 = tpu.memref_slice %arg6[%dma_wait3A_1517] : memref<32768xf32, #tpu.memory_space<vmem>> -> memref<16384xf32, #tpu.memory_space<vmem>>
      %dma_wait3A_1519 = tpu.memref_slice %arg2[%add3A_936] : memref<16777216xf32, #tpu.memory_space<hbm>> -> memref<16384xf32, #tpu.memory_space<hbm>>
      tpu.wait_dma2 semaphore(%run_scoped3A : memref<!tpu.dma_semaphore, #tpu.memory_space<semaphore_mem>>) src(%dma_wait3A_1519 : memref<16384xf32, #tpu.memory_space<hbm>>) dst(%dma_wait3A_1518 : memref<16384xf32, #tpu.memory_space<vmem>>)
      tpu.yield
    }) : () -> ()
    %add3A_937 = arith.addi %mul3A_757, %rem3A_934 : i32
    "tpu.region"() ({
      %run_scoped3A = tpu.sem_alloc : memref<!tpu.dma_semaphore, #tpu.memory_space<semaphore_mem>>
      %dma_start3A = arith.constant 16384 : i32
      %dma_start3A_1510 = tpu.memref_slice %arg6[%dma_start3A] : memref<32768xf32, #tpu.memory_space<vmem>> -> memref<16384xf32, #tpu.memory_space<vmem>>
      %dma_start3A_1511 = tpu.memref_slice %arg2[%add3A_937] : memref<16777216xf32, #tpu.memory_space<hbm>> -> memref<16384xf32, #tpu.memory_space<hbm>>
      %dma_start3A_1512 = arith.constant 16384 : i32
      %dma_start3A_1513 = tpu.memref_slice %arg6[%dma_start3A_1512] : memref<32768xf32, #tpu.memory_space<vmem>> -> memref<16384xf32, #tpu.memory_space<vmem>>
      %dma_start3A_1514 = tpu.memref_slice %arg2[%add3A_937] : memref<16777216xf32, #tpu.memory_space<hbm>> -> memref<16384xf32, #tpu.memory_space<hbm>>
      tpu.enqueue_dma source(%dma_start3A_1514 : memref<16384xf32, #tpu.memory_space<hbm>>) target(%dma_start3A_1513 : memref<16384xf32, #tpu.memory_space<vmem>>) target_semaphore(%run_scoped3A : memref<!tpu.dma_semaphore, #tpu.memory_space<semaphore_mem>>)
      %dma_wait3A = arith.constant 16384 : i32
      %dma_wait3A_1515 = tpu.memref_slice %arg6[%dma_wait3A] : memref<32768xf32, #tpu.memory_space<vmem>> -> memref<16384xf32, #tpu.memory_space<vmem>>
      %dma_wait3A_1516 = tpu.memref_slice %arg2[%add3A_937] : memref<16777216xf32, #tpu.memory_space<hbm>> -> memref<16384xf32, #tpu.memory_space<hbm>>
      %dma_wait3A_1517 = arith.constant 16384 : i32
      %dma_wait3A_1518 = tpu.memref_slice %arg6[%dma_wait3A_1517] : memref<32768xf32, #tpu.memory_space<vmem>> -> memref<16384xf32, #tpu.memory_space<vmem>>
      %dma_wait3A_1519 = tpu.memref_slice %arg2[%add3A_937] : memref<16777216xf32, #tpu.memory_space<hbm>> -> memref<16384xf32, #tpu.memory_space<hbm>>
      tpu.wait_dma2 semaphore(%run_scoped3A : memref<!tpu.dma_semaphore, #tpu.memory_space<semaphore_mem>>) src(%dma_wait3A_1519 : memref<16384xf32, #tpu.memory_space<hbm>>) dst(%dma_wait3A_1518 : memref<16384xf32, #tpu.memory_space<vmem>>)
      tpu.yield
    }) : () -> ()
    %scan3A_938 = arith.constant 0 : i32
    %scan3A_939 = arith.constant 0 : i32
    %scan3A_940 = arith.constant 1024 : i32
    %scan3A_941 = arith.addi %scan3A_939, %scan3A_940 : i32
    %scan3A_942 = arith.constant 1 : i32
    scf.for %scan3A_1510 = %scan3A_939 to %scan3A_941 step %scan3A_942  : i32 {
      %mul3A_1511 = arith.constant 16 : i32
      %mul3A_1512 = arith.muli %scan3A_1510, %mul3A_1511 : i32
      %add3A_1513 = arith.addi %sub3A_935, %mul3A_1512 : i32
      %get3A_1514 = arith.index_cast %add3A_1513 : i32 to index
      %get3A_1515 = tpu.vector_load %arg6[%get3A_1514] {strides = array<i32>} : memref<32768xf32, #tpu.memory_space<vmem>>, vector<16xf32>,
      %get3A_1516 = vector.shape_cast %get3A_1515 : vector<16xf32> to vector<16xf32>
      %mul3A_1517 = arith.constant 16 : i32
      %mul3A_1518 = arith.muli %scan3A_1510, %mul3A_1517 : i32
      %swap3A = arith.index_cast %mul3A_1518 : i32 to index
      %swap3A_1519 = tpu.vector_load %arg7[%swap3A] {strides = array<i32>} : memref<16384xf32, #tpu.memory_space<vmem>>, vector<16xf32>,
      %swap3A_1520 = vector.shape_cast %swap3A_1519 : vector<16xf32> to vector<16xf32>
      %swap3A_1521 = vector.shape_cast %get3A_1516 : vector<16xf32> to vector<16xf32>
      tpu.vector_store %arg7[%swap3A], %swap3A_1521 {strides = array<i32>} : memref<16384xf32, #tpu.memory_space<vmem>>, vector<16xf32>,
    }
    %scan3A_943 = arith.constant 1024 : i32
    %add3A_944 = arith.constant 49152 : i32
    %add3A_945 = arith.addi %mul3A_757, %add3A_944 : i32
    "tpu.region"() ({
      %run_scoped3A = tpu.sem_alloc : memref<!tpu.dma_semaphore, #tpu.memory_space<semaphore_mem>>
      %dma_start3A = tpu.memref_slice %arg4[%add3A_945] : memref<16777216xf32, #tpu.memory_space<hbm>> -> memref<16384xf32, #tpu.memory_space<hbm>>
      %dma_start3A_1510 = tpu.memref_slice %arg4[%add3A_945] : memref<16777216xf32, #tpu.memory_space<hbm>> -> memref<16384xf32, #tpu.memory_space<hbm>>
      tpu.enqueue_dma source(%arg7 : memref<16384xf32, #tpu.memory_space<vmem>>) target(%dma_start3A_1510 : memref<16384xf32, #tpu.memory_space<hbm>>) target_semaphore(%run_scoped3A : memref<!tpu.dma_semaphore, #tpu.memory_space<semaphore_mem>>)
      %dma_wait3A = tpu.memref_slice %arg4[%add3A_945] : memref<16777216xf32, #tpu.memory_space<hbm>> -> memref<16384xf32, #tpu.memory_space<hbm>>
      %dma_wait3A_1511 = tpu.memref_slice %arg4[%add3A_945] : memref<16777216xf32, #tpu.memory_space<hbm>> -> memref<16384xf32, #tpu.memory_space<hbm>>
      tpu.wait_dma2 semaphore(%run_scoped3A : memref<!tpu.dma_semaphore, #tpu.memory_space<semaphore_mem>>) src(%arg7 : memref<16384xf32, #tpu.memory_space<vmem>>) dst(%dma_wait3A_1511 : memref<16384xf32, #tpu.memory_space<hbm>>)
      tpu.yield
    }) : () -> ()
    %sub3A_946 = arith.constant 65536 : i32
    %sub3A_947 = arith.subi %sub3A_946, %squeeze3A : i32
    %add3A_948 = arith.constant 262144 : i32
    %add3A_949 = arith.addi %sub3A_947, %add3A_948 : i32
    %rem3A_950 = arith.constant 262144 : i32
    %rem3A_951 = arith.remsi %add3A_949, %rem3A_950 : i32
    %jit3A_952 = arith.constant 16384 : i32
    %div3A_953 = arith.divsi %rem3A_951, %jit3A_952 : i32
    %sign3A_954 = arith.constant 0 : i32
    %sign3A_955 = arith.cmpi sgt, %rem3A_951, %sign3A_954 : i32
    %sign3A_956 = arith.extui %sign3A_955 : i1 to i32
    %sign3A_957 = arith.constant 0 : i32
    %sign3A_958 = arith.cmpi slt, %rem3A_951, %sign3A_957 : i32
    %sign3A_959 = arith.extui %sign3A_958 : i1 to i32
    %sign3A_960 = arith.subi %sign3A_956, %sign3A_959 : i32
    %sign3A_961 = arith.constant 0 : i32
    %sign3A_962 = arith.cmpi sgt, %jit3A_952, %sign3A_961 : i32
    %sign3A_963 = arith.extui %sign3A_962 : i1 to i32
    %sign3A_964 = arith.constant 0 : i32
    %sign3A_965 = arith.cmpi slt, %jit3A_952, %sign3A_964 : i32
    %sign3A_966 = arith.extui %sign3A_965 : i1 to i32
    %sign3A_967 = arith.subi %sign3A_963, %sign3A_966 : i32
    %ne3A_968 = arith.cmpi ne, %sign3A_960, %sign3A_967 : i32
    %rem3A_969 = arith.remsi %rem3A_951, %jit3A_952 : i32
    %ne3A_970 = arith.constant 0 : i32
    %ne3A_971 = arith.cmpi ne, %rem3A_969, %ne3A_970 : i32
    %and3A_972 = arith.andi %ne3A_968, %ne3A_971 : i1
    %sub3A_973 = arith.constant 1 : i32
    %sub3A_974 = arith.subi %div3A_953, %sub3A_973 : i32
    %select_n3A_975 = arith.select %and3A_972, %sub3A_974, %div3A_953 : i32
    %mul3A_976 = arith.constant 16384 : i32
    %mul3A_977 = arith.muli %select_n3A_975, %mul3A_976 : i32
    %add3A_978 = arith.constant 16384 : i32
    %add3A_979 = arith.addi %mul3A_977, %add3A_978 : i32
    %rem3A_980 = arith.constant 262144 : i32
    %rem3A_981 = arith.remsi %add3A_979, %rem3A_980 : i32
    %sub3A_982 = arith.subi %rem3A_951, %mul3A_977 : i32
    %add3A_983 = arith.addi %mul3A_757, %mul3A_977 : i32
    "tpu.region"() ({
      %run_scoped3A = tpu.sem_alloc : memref<!tpu.dma_semaphore, #tpu.memory_space<semaphore_mem>>
      %dma_start3A = arith.constant 0 : i32
      %dma_start3A_1510 = tpu.memref_slice %arg6[%dma_start3A] : memref<32768xf32, #tpu.memory_space<vmem>> -> memref<16384xf32, #tpu.memory_space<vmem>>
      %dma_start3A_1511 = tpu.memref_slice %arg2[%add3A_983] : memref<16777216xf32, #tpu.memory_space<hbm>> -> memref<16384xf32, #tpu.memory_space<hbm>>
      %dma_start3A_1512 = arith.constant 0 : i32
      %dma_start3A_1513 = tpu.memref_slice %arg6[%dma_start3A_1512] : memref<32768xf32, #tpu.memory_space<vmem>> -> memref<16384xf32, #tpu.memory_space<vmem>>
      %dma_start3A_1514 = tpu.memref_slice %arg2[%add3A_983] : memref<16777216xf32, #tpu.memory_space<hbm>> -> memref<16384xf32, #tpu.memory_space<hbm>>
      tpu.enqueue_dma source(%dma_start3A_1514 : memref<16384xf32, #tpu.memory_space<hbm>>) target(%dma_start3A_1513 : memref<16384xf32, #tpu.memory_space<vmem>>) target_semaphore(%run_scoped3A : memref<!tpu.dma_semaphore, #tpu.memory_space<semaphore_mem>>)
      %dma_wait3A = arith.constant 0 : i32
      %dma_wait3A_1515 = tpu.memref_slice %arg6[%dma_wait3A] : memref<32768xf32, #tpu.memory_space<vmem>> -> memref<16384xf32, #tpu.memory_space<vmem>>
      %dma_wait3A_1516 = tpu.memref_slice %arg2[%add3A_983] : memref<16777216xf32, #tpu.memory_space<hbm>> -> memref<16384xf32, #tpu.memory_space<hbm>>
      %dma_wait3A_1517 = arith.constant 0 : i32
      %dma_wait3A_1518 = tpu.memref_slice %arg6[%dma_wait3A_1517] : memref<32768xf32, #tpu.memory_space<vmem>> -> memref<16384xf32, #tpu.memory_space<vmem>>
      %dma_wait3A_1519 = tpu.memref_slice %arg2[%add3A_983] : memref<16777216xf32, #tpu.memory_space<hbm>> -> memref<16384xf32, #tpu.memory_space<hbm>>
      tpu.wait_dma2 semaphore(%run_scoped3A : memref<!tpu.dma_semaphore, #tpu.memory_space<semaphore_mem>>) src(%dma_wait3A_1519 : memref<16384xf32, #tpu.memory_space<hbm>>) dst(%dma_wait3A_1518 : memref<16384xf32, #tpu.memory_space<vmem>>)
      tpu.yield
    }) : () -> ()
    %add3A_984 = arith.addi %mul3A_757, %rem3A_981 : i32
    "tpu.region"() ({
      %run_scoped3A = tpu.sem_alloc : memref<!tpu.dma_semaphore, #tpu.memory_space<semaphore_mem>>
      %dma_start3A = arith.constant 16384 : i32
      %dma_start3A_1510 = tpu.memref_slice %arg6[%dma_start3A] : memref<32768xf32, #tpu.memory_space<vmem>> -> memref<16384xf32, #tpu.memory_space<vmem>>
      %dma_start3A_1511 = tpu.memref_slice %arg2[%add3A_984] : memref<16777216xf32, #tpu.memory_space<hbm>> -> memref<16384xf32, #tpu.memory_space<hbm>>
      %dma_start3A_1512 = arith.constant 16384 : i32
      %dma_start3A_1513 = tpu.memref_slice %arg6[%dma_start3A_1512] : memref<32768xf32, #tpu.memory_space<vmem>> -> memref<16384xf32, #tpu.memory_space<vmem>>
      %dma_start3A_1514 = tpu.memref_slice %arg2[%add3A_984] : memref<16777216xf32, #tpu.memory_space<hbm>> -> memref<16384xf32, #tpu.memory_space<hbm>>
      tpu.enqueue_dma source(%dma_start3A_1514 : memref<16384xf32, #tpu.memory_space<hbm>>) target(%dma_start3A_1513 : memref<16384xf32, #tpu.memory_space<vmem>>) target_semaphore(%run_scoped3A : memref<!tpu.dma_semaphore, #tpu.memory_space<semaphore_mem>>)
      %dma_wait3A = arith.constant 16384 : i32
      %dma_wait3A_1515 = tpu.memref_slice %arg6[%dma_wait3A] : memref<32768xf32, #tpu.memory_space<vmem>> -> memref<16384xf32, #tpu.memory_space<vmem>>
      %dma_wait3A_1516 = tpu.memref_slice %arg2[%add3A_984] : memref<16777216xf32, #tpu.memory_space<hbm>> -> memref<16384xf32, #tpu.memory_space<hbm>>
      %dma_wait3A_1517 = arith.constant 16384 : i32
      %dma_wait3A_1518 = tpu.memref_slice %arg6[%dma_wait3A_1517] : memref<32768xf32, #tpu.memory_space<vmem>> -> memref<16384xf32, #tpu.memory_space<vmem>>
      %dma_wait3A_1519 = tpu.memref_slice %arg2[%add3A_984] : memref<16777216xf32, #tpu.memory_space<hbm>> -> memref<16384xf32, #tpu.memory_space<hbm>>
      tpu.wait_dma2 semaphore(%run_scoped3A : memref<!tpu.dma_semaphore, #tpu.memory_space<semaphore_mem>>) src(%dma_wait3A_1519 : memref<16384xf32, #tpu.memory_space<hbm>>) dst(%dma_wait3A_1518 : memref<16384xf32, #tpu.memory_space<vmem>>)
      tpu.yield
    }) : () -> ()
    %scan3A_985 = arith.constant 0 : i32
    %scan3A_986 = arith.constant 0 : i32
    %scan3A_987 = arith.constant 1024 : i32
    %scan3A_988 = arith.addi %scan3A_986, %scan3A_987 : i32
    %scan3A_989 = arith.constant 1 : i32
    scf.for %scan3A_1510 = %scan3A_986 to %scan3A_988 step %scan3A_989  : i32 {
      %mul3A_1511 = arith.constant 16 : i32
      %mul3A_1512 = arith.muli %scan3A_1510, %mul3A_1511 : i32
      %add3A_1513 = arith.addi %sub3A_982, %mul3A_1512 : i32
      %get3A_1514 = arith.index_cast %add3A_1513 : i32 to index
      %get3A_1515 = tpu.vector_load %arg6[%get3A_1514] {strides = array<i32>} : memref<32768xf32, #tpu.memory_space<vmem>>, vector<16xf32>,
      %get3A_1516 = vector.shape_cast %get3A_1515 : vector<16xf32> to vector<16xf32>
      %mul3A_1517 = arith.constant 16 : i32
      %mul3A_1518 = arith.muli %scan3A_1510, %mul3A_1517 : i32
      %swap3A = arith.index_cast %mul3A_1518 : i32 to index
      %swap3A_1519 = tpu.vector_load %arg7[%swap3A] {strides = array<i32>} : memref<16384xf32, #tpu.memory_space<vmem>>, vector<16xf32>,
      %swap3A_1520 = vector.shape_cast %swap3A_1519 : vector<16xf32> to vector<16xf32>
      %swap3A_1521 = vector.shape_cast %get3A_1516 : vector<16xf32> to vector<16xf32>
      tpu.vector_store %arg7[%swap3A], %swap3A_1521 {strides = array<i32>} : memref<16384xf32, #tpu.memory_space<vmem>>, vector<16xf32>,
    }
    %scan3A_990 = arith.constant 1024 : i32
    %add3A_991 = arith.constant 65536 : i32
    %add3A_992 = arith.addi %mul3A_757, %add3A_991 : i32
    "tpu.region"() ({
      %run_scoped3A = tpu.sem_alloc : memref<!tpu.dma_semaphore, #tpu.memory_space<semaphore_mem>>
      %dma_start3A = tpu.memref_slice %arg4[%add3A_992] : memref<16777216xf32, #tpu.memory_space<hbm>> -> memref<16384xf32, #tpu.memory_space<hbm>>
      %dma_start3A_1510 = tpu.memref_slice %arg4[%add3A_992] : memref<16777216xf32, #tpu.memory_space<hbm>> -> memref<16384xf32, #tpu.memory_space<hbm>>
      tpu.enqueue_dma source(%arg7 : memref<16384xf32, #tpu.memory_space<vmem>>) target(%dma_start3A_1510 : memref<16384xf32, #tpu.memory_space<hbm>>) target_semaphore(%run_scoped3A : memref<!tpu.dma_semaphore, #tpu.memory_space<semaphore_mem>>)
      %dma_wait3A = tpu.memref_slice %arg4[%add3A_992] : memref<16777216xf32, #tpu.memory_space<hbm>> -> memref<16384xf32, #tpu.memory_space<hbm>>
      %dma_wait3A_1511 = tpu.memref_slice %arg4[%add3A_992] : memref<16777216xf32, #tpu.memory_space<hbm>> -> memref<16384xf32, #tpu.memory_space<hbm>>
      tpu.wait_dma2 semaphore(%run_scoped3A : memref<!tpu.dma_semaphore, #tpu.memory_space<semaphore_mem>>) src(%arg7 : memref<16384xf32, #tpu.memory_space<vmem>>) dst(%dma_wait3A_1511 : memref<16384xf32, #tpu.memory_space<hbm>>)
      tpu.yield
    }) : () -> ()
    %sub3A_993 = arith.constant 81920 : i32
    %sub3A_994 = arith.subi %sub3A_993, %squeeze3A : i32
    %add3A_995 = arith.constant 262144 : i32
    %add3A_996 = arith.addi %sub3A_994, %add3A_995 : i32
    %rem3A_997 = arith.constant 262144 : i32
    %rem3A_998 = arith.remsi %add3A_996, %rem3A_997 : i32
    %jit3A_999 = arith.constant 16384 : i32
    %div3A_1000 = arith.divsi %rem3A_998, %jit3A_999 : i32
    %sign3A_1001 = arith.constant 0 : i32
    %sign3A_1002 = arith.cmpi sgt, %rem3A_998, %sign3A_1001 : i32
    %sign3A_1003 = arith.extui %sign3A_1002 : i1 to i32
    %sign3A_1004 = arith.constant 0 : i32
    %sign3A_1005 = arith.cmpi slt, %rem3A_998, %sign3A_1004 : i32
    %sign3A_1006 = arith.extui %sign3A_1005 : i1 to i32
    %sign3A_1007 = arith.subi %sign3A_1003, %sign3A_1006 : i32
    %sign3A_1008 = arith.constant 0 : i32
    %sign3A_1009 = arith.cmpi sgt, %jit3A_999, %sign3A_1008 : i32
    %sign3A_1010 = arith.extui %sign3A_1009 : i1 to i32
    %sign3A_1011 = arith.constant 0 : i32
    %sign3A_1012 = arith.cmpi slt, %jit3A_999, %sign3A_1011 : i32
    %sign3A_1013 = arith.extui %sign3A_1012 : i1 to i32
    %sign3A_1014 = arith.subi %sign3A_1010, %sign3A_1013 : i32
    %ne3A_1015 = arith.cmpi ne, %sign3A_1007, %sign3A_1014 : i32
    %rem3A_1016 = arith.remsi %rem3A_998, %jit3A_999 : i32
    %ne3A_1017 = arith.constant 0 : i32
    %ne3A_1018 = arith.cmpi ne, %rem3A_1016, %ne3A_1017 : i32
    %and3A_1019 = arith.andi %ne3A_1015, %ne3A_1018 : i1
    %sub3A_1020 = arith.constant 1 : i32
    %sub3A_1021 = arith.subi %div3A_1000, %sub3A_1020 : i32
    %select_n3A_1022 = arith.select %and3A_1019, %sub3A_1021, %div3A_1000 : i32
    %mul3A_1023 = arith.constant 16384 : i32
    %mul3A_1024 = arith.muli %select_n3A_1022, %mul3A_1023 : i32
    %add3A_1025 = arith.constant 16384 : i32
    %add3A_1026 = arith.addi %mul3A_1024, %add3A_1025 : i32
    %rem3A_1027 = arith.constant 262144 : i32
    %rem3A_1028 = arith.remsi %add3A_1026, %rem3A_1027 : i32
    %sub3A_1029 = arith.subi %rem3A_998, %mul3A_1024 : i32
    %add3A_1030 = arith.addi %mul3A_757, %mul3A_1024 : i32
    "tpu.region"() ({
      %run_scoped3A = tpu.sem_alloc : memref<!tpu.dma_semaphore, #tpu.memory_space<semaphore_mem>>
      %dma_start3A = arith.constant 0 : i32
      %dma_start3A_1510 = tpu.memref_slice %arg6[%dma_start3A] : memref<32768xf32, #tpu.memory_space<vmem>> -> memref<16384xf32, #tpu.memory_space<vmem>>
      %dma_start3A_1511 = tpu.memref_slice %arg2[%add3A_1030] : memref<16777216xf32, #tpu.memory_space<hbm>> -> memref<16384xf32, #tpu.memory_space<hbm>>
      %dma_start3A_1512 = arith.constant 0 : i32
      %dma_start3A_1513 = tpu.memref_slice %arg6[%dma_start3A_1512] : memref<32768xf32, #tpu.memory_space<vmem>> -> memref<16384xf32, #tpu.memory_space<vmem>>
      %dma_start3A_1514 = tpu.memref_slice %arg2[%add3A_1030] : memref<16777216xf32, #tpu.memory_space<hbm>> -> memref<16384xf32, #tpu.memory_space<hbm>>
      tpu.enqueue_dma source(%dma_start3A_1514 : memref<16384xf32, #tpu.memory_space<hbm>>) target(%dma_start3A_1513 : memref<16384xf32, #tpu.memory_space<vmem>>) target_semaphore(%run_scoped3A : memref<!tpu.dma_semaphore, #tpu.memory_space<semaphore_mem>>)
      %dma_wait3A = arith.constant 0 : i32
      %dma_wait3A_1515 = tpu.memref_slice %arg6[%dma_wait3A] : memref<32768xf32, #tpu.memory_space<vmem>> -> memref<16384xf32, #tpu.memory_space<vmem>>
      %dma_wait3A_1516 = tpu.memref_slice %arg2[%add3A_1030] : memref<16777216xf32, #tpu.memory_space<hbm>> -> memref<16384xf32, #tpu.memory_space<hbm>>
      %dma_wait3A_1517 = arith.constant 0 : i32
      %dma_wait3A_1518 = tpu.memref_slice %arg6[%dma_wait3A_1517] : memref<32768xf32, #tpu.memory_space<vmem>> -> memref<16384xf32, #tpu.memory_space<vmem>>
      %dma_wait3A_1519 = tpu.memref_slice %arg2[%add3A_1030] : memref<16777216xf32, #tpu.memory_space<hbm>> -> memref<16384xf32, #tpu.memory_space<hbm>>
      tpu.wait_dma2 semaphore(%run_scoped3A : memref<!tpu.dma_semaphore, #tpu.memory_space<semaphore_mem>>) src(%dma_wait3A_1519 : memref<16384xf32, #tpu.memory_space<hbm>>) dst(%dma_wait3A_1518 : memref<16384xf32, #tpu.memory_space<vmem>>)
      tpu.yield
    }) : () -> ()
    %add3A_1031 = arith.addi %mul3A_757, %rem3A_1028 : i32
    "tpu.region"() ({
      %run_scoped3A = tpu.sem_alloc : memref<!tpu.dma_semaphore, #tpu.memory_space<semaphore_mem>>
      %dma_start3A = arith.constant 16384 : i32
      %dma_start3A_1510 = tpu.memref_slice %arg6[%dma_start3A] : memref<32768xf32, #tpu.memory_space<vmem>> -> memref<16384xf32, #tpu.memory_space<vmem>>
      %dma_start3A_1511 = tpu.memref_slice %arg2[%add3A_1031] : memref<16777216xf32, #tpu.memory_space<hbm>> -> memref<16384xf32, #tpu.memory_space<hbm>>
      %dma_start3A_1512 = arith.constant 16384 : i32
      %dma_start3A_1513 = tpu.memref_slice %arg6[%dma_start3A_1512] : memref<32768xf32, #tpu.memory_space<vmem>> -> memref<16384xf32, #tpu.memory_space<vmem>>
      %dma_start3A_1514 = tpu.memref_slice %arg2[%add3A_1031] : memref<16777216xf32, #tpu.memory_space<hbm>> -> memref<16384xf32, #tpu.memory_space<hbm>>
      tpu.enqueue_dma source(%dma_start3A_1514 : memref<16384xf32, #tpu.memory_space<hbm>>) target(%dma_start3A_1513 : memref<16384xf32, #tpu.memory_space<vmem>>) target_semaphore(%run_scoped3A : memref<!tpu.dma_semaphore, #tpu.memory_space<semaphore_mem>>)
      %dma_wait3A = arith.constant 16384 : i32
      %dma_wait3A_1515 = tpu.memref_slice %arg6[%dma_wait3A] : memref<32768xf32, #tpu.memory_space<vmem>> -> memref<16384xf32, #tpu.memory_space<vmem>>
      %dma_wait3A_1516 = tpu.memref_slice %arg2[%add3A_1031] : memref<16777216xf32, #tpu.memory_space<hbm>> -> memref<16384xf32, #tpu.memory_space<hbm>>
      %dma_wait3A_1517 = arith.constant 16384 : i32
      %dma_wait3A_1518 = tpu.memref_slice %arg6[%dma_wait3A_1517] : memref<32768xf32, #tpu.memory_space<vmem>> -> memref<16384xf32, #tpu.memory_space<vmem>>
      %dma_wait3A_1519 = tpu.memref_slice %arg2[%add3A_1031] : memref<16777216xf32, #tpu.memory_space<hbm>> -> memref<16384xf32, #tpu.memory_space<hbm>>
      tpu.wait_dma2 semaphore(%run_scoped3A : memref<!tpu.dma_semaphore, #tpu.memory_space<semaphore_mem>>) src(%dma_wait3A_1519 : memref<16384xf32, #tpu.memory_space<hbm>>) dst(%dma_wait3A_1518 : memref<16384xf32, #tpu.memory_space<vmem>>)
      tpu.yield
    }) : () -> ()
    %scan3A_1032 = arith.constant 0 : i32
    %scan3A_1033 = arith.constant 0 : i32
    %scan3A_1034 = arith.constant 1024 : i32
    %scan3A_1035 = arith.addi %scan3A_1033, %scan3A_1034 : i32
    %scan3A_1036 = arith.constant 1 : i32
    scf.for %scan3A_1510 = %scan3A_1033 to %scan3A_1035 step %scan3A_1036  : i32 {
      %mul3A_1511 = arith.constant 16 : i32
      %mul3A_1512 = arith.muli %scan3A_1510, %mul3A_1511 : i32
      %add3A_1513 = arith.addi %sub3A_1029, %mul3A_1512 : i32
      %get3A_1514 = arith.index_cast %add3A_1513 : i32 to index
      %get3A_1515 = tpu.vector_load %arg6[%get3A_1514] {strides = array<i32>} : memref<32768xf32, #tpu.memory_space<vmem>>, vector<16xf32>,
      %get3A_1516 = vector.shape_cast %get3A_1515 : vector<16xf32> to vector<16xf32>
      %mul3A_1517 = arith.constant 16 : i32
      %mul3A_1518 = arith.muli %scan3A_1510, %mul3A_1517 : i32
      %swap3A = arith.index_cast %mul3A_1518 : i32 to index
      %swap3A_1519 = tpu.vector_load %arg7[%swap3A] {strides = array<i32>} : memref<16384xf32, #tpu.memory_space<vmem>>, vector<16xf32>,
      %swap3A_1520 = vector.shape_cast %swap3A_1519 : vector<16xf32> to vector<16xf32>
      %swap3A_1521 = vector.shape_cast %get3A_1516 : vector<16xf32> to vector<16xf32>
      tpu.vector_store %arg7[%swap3A], %swap3A_1521 {strides = array<i32>} : memref<16384xf32, #tpu.memory_space<vmem>>, vector<16xf32>,
    }
    %scan3A_1037 = arith.constant 1024 : i32
    %add3A_1038 = arith.constant 81920 : i32
    %add3A_1039 = arith.addi %mul3A_757, %add3A_1038 : i32
    "tpu.region"() ({
      %run_scoped3A = tpu.sem_alloc : memref<!tpu.dma_semaphore, #tpu.memory_space<semaphore_mem>>
      %dma_start3A = tpu.memref_slice %arg4[%add3A_1039] : memref<16777216xf32, #tpu.memory_space<hbm>> -> memref<16384xf32, #tpu.memory_space<hbm>>
      %dma_start3A_1510 = tpu.memref_slice %arg4[%add3A_1039] : memref<16777216xf32, #tpu.memory_space<hbm>> -> memref<16384xf32, #tpu.memory_space<hbm>>
      tpu.enqueue_dma source(%arg7 : memref<16384xf32, #tpu.memory_space<vmem>>) target(%dma_start3A_1510 : memref<16384xf32, #tpu.memory_space<hbm>>) target_semaphore(%run_scoped3A : memref<!tpu.dma_semaphore, #tpu.memory_space<semaphore_mem>>)
      %dma_wait3A = tpu.memref_slice %arg4[%add3A_1039] : memref<16777216xf32, #tpu.memory_space<hbm>> -> memref<16384xf32, #tpu.memory_space<hbm>>
      %dma_wait3A_1511 = tpu.memref_slice %arg4[%add3A_1039] : memref<16777216xf32, #tpu.memory_space<hbm>> -> memref<16384xf32, #tpu.memory_space<hbm>>
      tpu.wait_dma2 semaphore(%run_scoped3A : memref<!tpu.dma_semaphore, #tpu.memory_space<semaphore_mem>>) src(%arg7 : memref<16384xf32, #tpu.memory_space<vmem>>) dst(%dma_wait3A_1511 : memref<16384xf32, #tpu.memory_space<hbm>>)
      tpu.yield
    }) : () -> ()
    %sub3A_1040 = arith.constant 98304 : i32
    %sub3A_1041 = arith.subi %sub3A_1040, %squeeze3A : i32
    %add3A_1042 = arith.constant 262144 : i32
    %add3A_1043 = arith.addi %sub3A_1041, %add3A_1042 : i32
    %rem3A_1044 = arith.constant 262144 : i32
    %rem3A_1045 = arith.remsi %add3A_1043, %rem3A_1044 : i32
    %jit3A_1046 = arith.constant 16384 : i32
    %div3A_1047 = arith.divsi %rem3A_1045, %jit3A_1046 : i32
    %sign3A_1048 = arith.constant 0 : i32
    %sign3A_1049 = arith.cmpi sgt, %rem3A_1045, %sign3A_1048 : i32
    %sign3A_1050 = arith.extui %sign3A_1049 : i1 to i32
    %sign3A_1051 = arith.constant 0 : i32
    %sign3A_1052 = arith.cmpi slt, %rem3A_1045, %sign3A_1051 : i32
    %sign3A_1053 = arith.extui %sign3A_1052 : i1 to i32
    %sign3A_1054 = arith.subi %sign3A_1050, %sign3A_1053 : i32
    %sign3A_1055 = arith.constant 0 : i32
    %sign3A_1056 = arith.cmpi sgt, %jit3A_1046, %sign3A_1055 : i32
    %sign3A_1057 = arith.extui %sign3A_1056 : i1 to i32
    %sign3A_1058 = arith.constant 0 : i32
    %sign3A_1059 = arith.cmpi slt, %jit3A_1046, %sign3A_1058 : i32
    %sign3A_1060 = arith.extui %sign3A_1059 : i1 to i32
    %sign3A_1061 = arith.subi %sign3A_1057, %sign3A_1060 : i32
    %ne3A_1062 = arith.cmpi ne, %sign3A_1054, %sign3A_1061 : i32
    %rem3A_1063 = arith.remsi %rem3A_1045, %jit3A_1046 : i32
    %ne3A_1064 = arith.constant 0 : i32
    %ne3A_1065 = arith.cmpi ne, %rem3A_1063, %ne3A_1064 : i32
    %and3A_1066 = arith.andi %ne3A_1062, %ne3A_1065 : i1
    %sub3A_1067 = arith.constant 1 : i32
    %sub3A_1068 = arith.subi %div3A_1047, %sub3A_1067 : i32
    %select_n3A_1069 = arith.select %and3A_1066, %sub3A_1068, %div3A_1047 : i32
    %mul3A_1070 = arith.constant 16384 : i32
    %mul3A_1071 = arith.muli %select_n3A_1069, %mul3A_1070 : i32
    %add3A_1072 = arith.constant 16384 : i32
    %add3A_1073 = arith.addi %mul3A_1071, %add3A_1072 : i32
    %rem3A_1074 = arith.constant 262144 : i32
    %rem3A_1075 = arith.remsi %add3A_1073, %rem3A_1074 : i32
    %sub3A_1076 = arith.subi %rem3A_1045, %mul3A_1071 : i32
    %add3A_1077 = arith.addi %mul3A_757, %mul3A_1071 : i32
    "tpu.region"() ({
      %run_scoped3A = tpu.sem_alloc : memref<!tpu.dma_semaphore, #tpu.memory_space<semaphore_mem>>
      %dma_start3A = arith.constant 0 : i32
      %dma_start3A_1510 = tpu.memref_slice %arg6[%dma_start3A] : memref<32768xf32, #tpu.memory_space<vmem>> -> memref<16384xf32, #tpu.memory_space<vmem>>
      %dma_start3A_1511 = tpu.memref_slice %arg2[%add3A_1077] : memref<16777216xf32, #tpu.memory_space<hbm>> -> memref<16384xf32, #tpu.memory_space<hbm>>
      %dma_start3A_1512 = arith.constant 0 : i32
      %dma_start3A_1513 = tpu.memref_slice %arg6[%dma_start3A_1512] : memref<32768xf32, #tpu.memory_space<vmem>> -> memref<16384xf32, #tpu.memory_space<vmem>>
      %dma_start3A_1514 = tpu.memref_slice %arg2[%add3A_1077] : memref<16777216xf32, #tpu.memory_space<hbm>> -> memref<16384xf32, #tpu.memory_space<hbm>>
      tpu.enqueue_dma source(%dma_start3A_1514 : memref<16384xf32, #tpu.memory_space<hbm>>) target(%dma_start3A_1513 : memref<16384xf32, #tpu.memory_space<vmem>>) target_semaphore(%run_scoped3A : memref<!tpu.dma_semaphore, #tpu.memory_space<semaphore_mem>>)
      %dma_wait3A = arith.constant 0 : i32
      %dma_wait3A_1515 = tpu.memref_slice %arg6[%dma_wait3A] : memref<32768xf32, #tpu.memory_space<vmem>> -> memref<16384xf32, #tpu.memory_space<vmem>>
      %dma_wait3A_1516 = tpu.memref_slice %arg2[%add3A_1077] : memref<16777216xf32, #tpu.memory_space<hbm>> -> memref<16384xf32, #tpu.memory_space<hbm>>
      %dma_wait3A_1517 = arith.constant 0 : i32
      %dma_wait3A_1518 = tpu.memref_slice %arg6[%dma_wait3A_1517] : memref<32768xf32, #tpu.memory_space<vmem>> -> memref<16384xf32, #tpu.memory_space<vmem>>
      %dma_wait3A_1519 = tpu.memref_slice %arg2[%add3A_1077] : memref<16777216xf32, #tpu.memory_space<hbm>> -> memref<16384xf32, #tpu.memory_space<hbm>>
      tpu.wait_dma2 semaphore(%run_scoped3A : memref<!tpu.dma_semaphore, #tpu.memory_space<semaphore_mem>>) src(%dma_wait3A_1519 : memref<16384xf32, #tpu.memory_space<hbm>>) dst(%dma_wait3A_1518 : memref<16384xf32, #tpu.memory_space<vmem>>)
      tpu.yield
    }) : () -> ()
    %add3A_1078 = arith.addi %mul3A_757, %rem3A_1075 : i32
    "tpu.region"() ({
      %run_scoped3A = tpu.sem_alloc : memref<!tpu.dma_semaphore, #tpu.memory_space<semaphore_mem>>
      %dma_start3A = arith.constant 16384 : i32
      %dma_start3A_1510 = tpu.memref_slice %arg6[%dma_start3A] : memref<32768xf32, #tpu.memory_space<vmem>> -> memref<16384xf32, #tpu.memory_space<vmem>>
      %dma_start3A_1511 = tpu.memref_slice %arg2[%add3A_1078] : memref<16777216xf32, #tpu.memory_space<hbm>> -> memref<16384xf32, #tpu.memory_space<hbm>>
      %dma_start3A_1512 = arith.constant 16384 : i32
      %dma_start3A_1513 = tpu.memref_slice %arg6[%dma_start3A_1512] : memref<32768xf32, #tpu.memory_space<vmem>> -> memref<16384xf32, #tpu.memory_space<vmem>>
      %dma_start3A_1514 = tpu.memref_slice %arg2[%add3A_1078] : memref<16777216xf32, #tpu.memory_space<hbm>> -> memref<16384xf32, #tpu.memory_space<hbm>>
      tpu.enqueue_dma source(%dma_start3A_1514 : memref<16384xf32, #tpu.memory_space<hbm>>) target(%dma_start3A_1513 : memref<16384xf32, #tpu.memory_space<vmem>>) target_semaphore(%run_scoped3A : memref<!tpu.dma_semaphore, #tpu.memory_space<semaphore_mem>>)
      %dma_wait3A = arith.constant 16384 : i32
      %dma_wait3A_1515 = tpu.memref_slice %arg6[%dma_wait3A] : memref<32768xf32, #tpu.memory_space<vmem>> -> memref<16384xf32, #tpu.memory_space<vmem>>
      %dma_wait3A_1516 = tpu.memref_slice %arg2[%add3A_1078] : memref<16777216xf32, #tpu.memory_space<hbm>> -> memref<16384xf32, #tpu.memory_space<hbm>>
      %dma_wait3A_1517 = arith.constant 16384 : i32
      %dma_wait3A_1518 = tpu.memref_slice %arg6[%dma_wait3A_1517] : memref<32768xf32, #tpu.memory_space<vmem>> -> memref<16384xf32, #tpu.memory_space<vmem>>
      %dma_wait3A_1519 = tpu.memref_slice %arg2[%add3A_1078] : memref<16777216xf32, #tpu.memory_space<hbm>> -> memref<16384xf32, #tpu.memory_space<hbm>>
      tpu.wait_dma2 semaphore(%run_scoped3A : memref<!tpu.dma_semaphore, #tpu.memory_space<semaphore_mem>>) src(%dma_wait3A_1519 : memref<16384xf32, #tpu.memory_space<hbm>>) dst(%dma_wait3A_1518 : memref<16384xf32, #tpu.memory_space<vmem>>)
      tpu.yield
    }) : () -> ()
    %scan3A_1079 = arith.constant 0 : i32
    %scan3A_1080 = arith.constant 0 : i32
    %scan3A_1081 = arith.constant 1024 : i32
    %scan3A_1082 = arith.addi %scan3A_1080, %scan3A_1081 : i32
    %scan3A_1083 = arith.constant 1 : i32
    scf.for %scan3A_1510 = %scan3A_1080 to %scan3A_1082 step %scan3A_1083  : i32 {
      %mul3A_1511 = arith.constant 16 : i32
      %mul3A_1512 = arith.muli %scan3A_1510, %mul3A_1511 : i32
      %add3A_1513 = arith.addi %sub3A_1076, %mul3A_1512 : i32
      %get3A_1514 = arith.index_cast %add3A_1513 : i32 to index
      %get3A_1515 = tpu.vector_load %arg6[%get3A_1514] {strides = array<i32>} : memref<32768xf32, #tpu.memory_space<vmem>>, vector<16xf32>,
      %get3A_1516 = vector.shape_cast %get3A_1515 : vector<16xf32> to vector<16xf32>
      %mul3A_1517 = arith.constant 16 : i32
      %mul3A_1518 = arith.muli %scan3A_1510, %mul3A_1517 : i32
      %swap3A = arith.index_cast %mul3A_1518 : i32 to index
      %swap3A_1519 = tpu.vector_load %arg7[%swap3A] {strides = array<i32>} : memref<16384xf32, #tpu.memory_space<vmem>>, vector<16xf32>,
      %swap3A_1520 = vector.shape_cast %swap3A_1519 : vector<16xf32> to vector<16xf32>
      %swap3A_1521 = vector.shape_cast %get3A_1516 : vector<16xf32> to vector<16xf32>
      tpu.vector_store %arg7[%swap3A], %swap3A_1521 {strides = array<i32>} : memref<16384xf32, #tpu.memory_space<vmem>>, vector<16xf32>,
    }
    %scan3A_1084 = arith.constant 1024 : i32
    %add3A_1085 = arith.constant 98304 : i32
    %add3A_1086 = arith.addi %mul3A_757, %add3A_1085 : i32
    "tpu.region"() ({
      %run_scoped3A = tpu.sem_alloc : memref<!tpu.dma_semaphore, #tpu.memory_space<semaphore_mem>>
      %dma_start3A = tpu.memref_slice %arg4[%add3A_1086] : memref<16777216xf32, #tpu.memory_space<hbm>> -> memref<16384xf32, #tpu.memory_space<hbm>>
      %dma_start3A_1510 = tpu.memref_slice %arg4[%add3A_1086] : memref<16777216xf32, #tpu.memory_space<hbm>> -> memref<16384xf32, #tpu.memory_space<hbm>>
      tpu.enqueue_dma source(%arg7 : memref<16384xf32, #tpu.memory_space<vmem>>) target(%dma_start3A_1510 : memref<16384xf32, #tpu.memory_space<hbm>>) target_semaphore(%run_scoped3A : memref<!tpu.dma_semaphore, #tpu.memory_space<semaphore_mem>>)
      %dma_wait3A = tpu.memref_slice %arg4[%add3A_1086] : memref<16777216xf32, #tpu.memory_space<hbm>> -> memref<16384xf32, #tpu.memory_space<hbm>>
      %dma_wait3A_1511 = tpu.memref_slice %arg4[%add3A_1086] : memref<16777216xf32, #tpu.memory_space<hbm>> -> memref<16384xf32, #tpu.memory_space<hbm>>
      tpu.wait_dma2 semaphore(%run_scoped3A : memref<!tpu.dma_semaphore, #tpu.memory_space<semaphore_mem>>) src(%arg7 : memref<16384xf32, #tpu.memory_space<vmem>>) dst(%dma_wait3A_1511 : memref<16384xf32, #tpu.memory_space<hbm>>)
      tpu.yield
    }) : () -> ()
    %sub3A_1087 = arith.constant 114688 : i32
    %sub3A_1088 = arith.subi %sub3A_1087, %squeeze3A : i32
    %add3A_1089 = arith.constant 262144 : i32
    %add3A_1090 = arith.addi %sub3A_1088, %add3A_1089 : i32
    %rem3A_1091 = arith.constant 262144 : i32
    %rem3A_1092 = arith.remsi %add3A_1090, %rem3A_1091 : i32
    %jit3A_1093 = arith.constant 16384 : i32
    %div3A_1094 = arith.divsi %rem3A_1092, %jit3A_1093 : i32
    %sign3A_1095 = arith.constant 0 : i32
    %sign3A_1096 = arith.cmpi sgt, %rem3A_1092, %sign3A_1095 : i32
    %sign3A_1097 = arith.extui %sign3A_1096 : i1 to i32
    %sign3A_1098 = arith.constant 0 : i32
    %sign3A_1099 = arith.cmpi slt, %rem3A_1092, %sign3A_1098 : i32
    %sign3A_1100 = arith.extui %sign3A_1099 : i1 to i32
    %sign3A_1101 = arith.subi %sign3A_1097, %sign3A_1100 : i32
    %sign3A_1102 = arith.constant 0 : i32
    %sign3A_1103 = arith.cmpi sgt, %jit3A_1093, %sign3A_1102 : i32
    %sign3A_1104 = arith.extui %sign3A_1103 : i1 to i32
    %sign3A_1105 = arith.constant 0 : i32
    %sign3A_1106 = arith.cmpi slt, %jit3A_1093, %sign3A_1105 : i32
    %sign3A_1107 = arith.extui %sign3A_1106 : i1 to i32
    %sign3A_1108 = arith.subi %sign3A_1104, %sign3A_1107 : i32
    %ne3A_1109 = arith.cmpi ne, %sign3A_1101, %sign3A_1108 : i32
    %rem3A_1110 = arith.remsi %rem3A_1092, %jit3A_1093 : i32
    %ne3A_1111 = arith.constant 0 : i32
    %ne3A_1112 = arith.cmpi ne, %rem3A_1110, %ne3A_1111 : i32
    %and3A_1113 = arith.andi %ne3A_1109, %ne3A_1112 : i1
    %sub3A_1114 = arith.constant 1 : i32
    %sub3A_1115 = arith.subi %div3A_1094, %sub3A_1114 : i32
    %select_n3A_1116 = arith.select %and3A_1113, %sub3A_1115, %div3A_1094 : i32
    %mul3A_1117 = arith.constant 16384 : i32
    %mul3A_1118 = arith.muli %select_n3A_1116, %mul3A_1117 : i32
    %add3A_1119 = arith.constant 16384 : i32
    %add3A_1120 = arith.addi %mul3A_1118, %add3A_1119 : i32
    %rem3A_1121 = arith.constant 262144 : i32
    %rem3A_1122 = arith.remsi %add3A_1120, %rem3A_1121 : i32
    %sub3A_1123 = arith.subi %rem3A_1092, %mul3A_1118 : i32
    %add3A_1124 = arith.addi %mul3A_757, %mul3A_1118 : i32
    "tpu.region"() ({
      %run_scoped3A = tpu.sem_alloc : memref<!tpu.dma_semaphore, #tpu.memory_space<semaphore_mem>>
      %dma_start3A = arith.constant 0 : i32
      %dma_start3A_1510 = tpu.memref_slice %arg6[%dma_start3A] : memref<32768xf32, #tpu.memory_space<vmem>> -> memref<16384xf32, #tpu.memory_space<vmem>>
      %dma_start3A_1511 = tpu.memref_slice %arg2[%add3A_1124] : memref<16777216xf32, #tpu.memory_space<hbm>> -> memref<16384xf32, #tpu.memory_space<hbm>>
      %dma_start3A_1512 = arith.constant 0 : i32
      %dma_start3A_1513 = tpu.memref_slice %arg6[%dma_start3A_1512] : memref<32768xf32, #tpu.memory_space<vmem>> -> memref<16384xf32, #tpu.memory_space<vmem>>
      %dma_start3A_1514 = tpu.memref_slice %arg2[%add3A_1124] : memref<16777216xf32, #tpu.memory_space<hbm>> -> memref<16384xf32, #tpu.memory_space<hbm>>
      tpu.enqueue_dma source(%dma_start3A_1514 : memref<16384xf32, #tpu.memory_space<hbm>>) target(%dma_start3A_1513 : memref<16384xf32, #tpu.memory_space<vmem>>) target_semaphore(%run_scoped3A : memref<!tpu.dma_semaphore, #tpu.memory_space<semaphore_mem>>)
      %dma_wait3A = arith.constant 0 : i32
      %dma_wait3A_1515 = tpu.memref_slice %arg6[%dma_wait3A] : memref<32768xf32, #tpu.memory_space<vmem>> -> memref<16384xf32, #tpu.memory_space<vmem>>
      %dma_wait3A_1516 = tpu.memref_slice %arg2[%add3A_1124] : memref<16777216xf32, #tpu.memory_space<hbm>> -> memref<16384xf32, #tpu.memory_space<hbm>>
      %dma_wait3A_1517 = arith.constant 0 : i32
      %dma_wait3A_1518 = tpu.memref_slice %arg6[%dma_wait3A_1517] : memref<32768xf32, #tpu.memory_space<vmem>> -> memref<16384xf32, #tpu.memory_space<vmem>>
      %dma_wait3A_1519 = tpu.memref_slice %arg2[%add3A_1124] : memref<16777216xf32, #tpu.memory_space<hbm>> -> memref<16384xf32, #tpu.memory_space<hbm>>
      tpu.wait_dma2 semaphore(%run_scoped3A : memref<!tpu.dma_semaphore, #tpu.memory_space<semaphore_mem>>) src(%dma_wait3A_1519 : memref<16384xf32, #tpu.memory_space<hbm>>) dst(%dma_wait3A_1518 : memref<16384xf32, #tpu.memory_space<vmem>>)
      tpu.yield
    }) : () -> ()
    %add3A_1125 = arith.addi %mul3A_757, %rem3A_1122 : i32
    "tpu.region"() ({
      %run_scoped3A = tpu.sem_alloc : memref<!tpu.dma_semaphore, #tpu.memory_space<semaphore_mem>>
      %dma_start3A = arith.constant 16384 : i32
      %dma_start3A_1510 = tpu.memref_slice %arg6[%dma_start3A] : memref<32768xf32, #tpu.memory_space<vmem>> -> memref<16384xf32, #tpu.memory_space<vmem>>
      %dma_start3A_1511 = tpu.memref_slice %arg2[%add3A_1125] : memref<16777216xf32, #tpu.memory_space<hbm>> -> memref<16384xf32, #tpu.memory_space<hbm>>
      %dma_start3A_1512 = arith.constant 16384 : i32
      %dma_start3A_1513 = tpu.memref_slice %arg6[%dma_start3A_1512] : memref<32768xf32, #tpu.memory_space<vmem>> -> memref<16384xf32, #tpu.memory_space<vmem>>
      %dma_start3A_1514 = tpu.memref_slice %arg2[%add3A_1125] : memref<16777216xf32, #tpu.memory_space<hbm>> -> memref<16384xf32, #tpu.memory_space<hbm>>
      tpu.enqueue_dma source(%dma_start3A_1514 : memref<16384xf32, #tpu.memory_space<hbm>>) target(%dma_start3A_1513 : memref<16384xf32, #tpu.memory_space<vmem>>) target_semaphore(%run_scoped3A : memref<!tpu.dma_semaphore, #tpu.memory_space<semaphore_mem>>)
      %dma_wait3A = arith.constant 16384 : i32
      %dma_wait3A_1515 = tpu.memref_slice %arg6[%dma_wait3A] : memref<32768xf32, #tpu.memory_space<vmem>> -> memref<16384xf32, #tpu.memory_space<vmem>>
      %dma_wait3A_1516 = tpu.memref_slice %arg2[%add3A_1125] : memref<16777216xf32, #tpu.memory_space<hbm>> -> memref<16384xf32, #tpu.memory_space<hbm>>
      %dma_wait3A_1517 = arith.constant 16384 : i32
      %dma_wait3A_1518 = tpu.memref_slice %arg6[%dma_wait3A_1517] : memref<32768xf32, #tpu.memory_space<vmem>> -> memref<16384xf32, #tpu.memory_space<vmem>>
      %dma_wait3A_1519 = tpu.memref_slice %arg2[%add3A_1125] : memref<16777216xf32, #tpu.memory_space<hbm>> -> memref<16384xf32, #tpu.memory_space<hbm>>
      tpu.wait_dma2 semaphore(%run_scoped3A : memref<!tpu.dma_semaphore, #tpu.memory_space<semaphore_mem>>) src(%dma_wait3A_1519 : memref<16384xf32, #tpu.memory_space<hbm>>) dst(%dma_wait3A_1518 : memref<16384xf32, #tpu.memory_space<vmem>>)
      tpu.yield
    }) : () -> ()
    %scan3A_1126 = arith.constant 0 : i32
    %scan3A_1127 = arith.constant 0 : i32
    %scan3A_1128 = arith.constant 1024 : i32
    %scan3A_1129 = arith.addi %scan3A_1127, %scan3A_1128 : i32
    %scan3A_1130 = arith.constant 1 : i32
    scf.for %scan3A_1510 = %scan3A_1127 to %scan3A_1129 step %scan3A_1130  : i32 {
      %mul3A_1511 = arith.constant 16 : i32
      %mul3A_1512 = arith.muli %scan3A_1510, %mul3A_1511 : i32
      %add3A_1513 = arith.addi %sub3A_1123, %mul3A_1512 : i32
      %get3A_1514 = arith.index_cast %add3A_1513 : i32 to index
      %get3A_1515 = tpu.vector_load %arg6[%get3A_1514] {strides = array<i32>} : memref<32768xf32, #tpu.memory_space<vmem>>, vector<16xf32>,
      %get3A_1516 = vector.shape_cast %get3A_1515 : vector<16xf32> to vector<16xf32>
      %mul3A_1517 = arith.constant 16 : i32
      %mul3A_1518 = arith.muli %scan3A_1510, %mul3A_1517 : i32
      %swap3A = arith.index_cast %mul3A_1518 : i32 to index
      %swap3A_1519 = tpu.vector_load %arg7[%swap3A] {strides = array<i32>} : memref<16384xf32, #tpu.memory_space<vmem>>, vector<16xf32>,
      %swap3A_1520 = vector.shape_cast %swap3A_1519 : vector<16xf32> to vector<16xf32>
      %swap3A_1521 = vector.shape_cast %get3A_1516 : vector<16xf32> to vector<16xf32>
      tpu.vector_store %arg7[%swap3A], %swap3A_1521 {strides = array<i32>} : memref<16384xf32, #tpu.memory_space<vmem>>, vector<16xf32>,
    }
    %scan3A_1131 = arith.constant 1024 : i32
    %add3A_1132 = arith.constant 114688 : i32
    %add3A_1133 = arith.addi %mul3A_757, %add3A_1132 : i32
    "tpu.region"() ({
      %run_scoped3A = tpu.sem_alloc : memref<!tpu.dma_semaphore, #tpu.memory_space<semaphore_mem>>
      %dma_start3A = tpu.memref_slice %arg4[%add3A_1133] : memref<16777216xf32, #tpu.memory_space<hbm>> -> memref<16384xf32, #tpu.memory_space<hbm>>
      %dma_start3A_1510 = tpu.memref_slice %arg4[%add3A_1133] : memref<16777216xf32, #tpu.memory_space<hbm>> -> memref<16384xf32, #tpu.memory_space<hbm>>
      tpu.enqueue_dma source(%arg7 : memref<16384xf32, #tpu.memory_space<vmem>>) target(%dma_start3A_1510 : memref<16384xf32, #tpu.memory_space<hbm>>) target_semaphore(%run_scoped3A : memref<!tpu.dma_semaphore, #tpu.memory_space<semaphore_mem>>)
      %dma_wait3A = tpu.memref_slice %arg4[%add3A_1133] : memref<16777216xf32, #tpu.memory_space<hbm>> -> memref<16384xf32, #tpu.memory_space<hbm>>
      %dma_wait3A_1511 = tpu.memref_slice %arg4[%add3A_1133] : memref<16777216xf32, #tpu.memory_space<hbm>> -> memref<16384xf32, #tpu.memory_space<hbm>>
      tpu.wait_dma2 semaphore(%run_scoped3A : memref<!tpu.dma_semaphore, #tpu.memory_space<semaphore_mem>>) src(%arg7 : memref<16384xf32, #tpu.memory_space<vmem>>) dst(%dma_wait3A_1511 : memref<16384xf32, #tpu.memory_space<hbm>>)
      tpu.yield
    }) : () -> ()
    %sub3A_1134 = arith.constant 131072 : i32
    %sub3A_1135 = arith.subi %sub3A_1134, %squeeze3A : i32
    %add3A_1136 = arith.constant 262144 : i32
    %add3A_1137 = arith.addi %sub3A_1135, %add3A_1136 : i32
    %rem3A_1138 = arith.constant 262144 : i32
    %rem3A_1139 = arith.remsi %add3A_1137, %rem3A_1138 : i32
    %jit3A_1140 = arith.constant 16384 : i32
    %div3A_1141 = arith.divsi %rem3A_1139, %jit3A_1140 : i32
    %sign3A_1142 = arith.constant 0 : i32
    %sign3A_1143 = arith.cmpi sgt, %rem3A_1139, %sign3A_1142 : i32
    %sign3A_1144 = arith.extui %sign3A_1143 : i1 to i32
    %sign3A_1145 = arith.constant 0 : i32
    %sign3A_1146 = arith.cmpi slt, %rem3A_1139, %sign3A_1145 : i32
    %sign3A_1147 = arith.extui %sign3A_1146 : i1 to i32
    %sign3A_1148 = arith.subi %sign3A_1144, %sign3A_1147 : i32
    %sign3A_1149 = arith.constant 0 : i32
    %sign3A_1150 = arith.cmpi sgt, %jit3A_1140, %sign3A_1149 : i32
    %sign3A_1151 = arith.extui %sign3A_1150 : i1 to i32
    %sign3A_1152 = arith.constant 0 : i32
    %sign3A_1153 = arith.cmpi slt, %jit3A_1140, %sign3A_1152 : i32
    %sign3A_1154 = arith.extui %sign3A_1153 : i1 to i32
    %sign3A_1155 = arith.subi %sign3A_1151, %sign3A_1154 : i32
    %ne3A_1156 = arith.cmpi ne, %sign3A_1148, %sign3A_1155 : i32
    %rem3A_1157 = arith.remsi %rem3A_1139, %jit3A_1140 : i32
    %ne3A_1158 = arith.constant 0 : i32
    %ne3A_1159 = arith.cmpi ne, %rem3A_1157, %ne3A_1158 : i32
    %and3A_1160 = arith.andi %ne3A_1156, %ne3A_1159 : i1
    %sub3A_1161 = arith.constant 1 : i32
    %sub3A_1162 = arith.subi %div3A_1141, %sub3A_1161 : i32
    %select_n3A_1163 = arith.select %and3A_1160, %sub3A_1162, %div3A_1141 : i32
    %mul3A_1164 = arith.constant 16384 : i32
    %mul3A_1165 = arith.muli %select_n3A_1163, %mul3A_1164 : i32
    %add3A_1166 = arith.constant 16384 : i32
    %add3A_1167 = arith.addi %mul3A_1165, %add3A_1166 : i32
    %rem3A_1168 = arith.constant 262144 : i32
    %rem3A_1169 = arith.remsi %add3A_1167, %rem3A_1168 : i32
    %sub3A_1170 = arith.subi %rem3A_1139, %mul3A_1165 : i32
    %add3A_1171 = arith.addi %mul3A_757, %mul3A_1165 : i32
    "tpu.region"() ({
      %run_scoped3A = tpu.sem_alloc : memref<!tpu.dma_semaphore, #tpu.memory_space<semaphore_mem>>
      %dma_start3A = arith.constant 0 : i32
      %dma_start3A_1510 = tpu.memref_slice %arg6[%dma_start3A] : memref<32768xf32, #tpu.memory_space<vmem>> -> memref<16384xf32, #tpu.memory_space<vmem>>
      %dma_start3A_1511 = tpu.memref_slice %arg2[%add3A_1171] : memref<16777216xf32, #tpu.memory_space<hbm>> -> memref<16384xf32, #tpu.memory_space<hbm>>
      %dma_start3A_1512 = arith.constant 0 : i32
      %dma_start3A_1513 = tpu.memref_slice %arg6[%dma_start3A_1512] : memref<32768xf32, #tpu.memory_space<vmem>> -> memref<16384xf32, #tpu.memory_space<vmem>>
      %dma_start3A_1514 = tpu.memref_slice %arg2[%add3A_1171] : memref<16777216xf32, #tpu.memory_space<hbm>> -> memref<16384xf32, #tpu.memory_space<hbm>>
      tpu.enqueue_dma source(%dma_start3A_1514 : memref<16384xf32, #tpu.memory_space<hbm>>) target(%dma_start3A_1513 : memref<16384xf32, #tpu.memory_space<vmem>>) target_semaphore(%run_scoped3A : memref<!tpu.dma_semaphore, #tpu.memory_space<semaphore_mem>>)
      %dma_wait3A = arith.constant 0 : i32
      %dma_wait3A_1515 = tpu.memref_slice %arg6[%dma_wait3A] : memref<32768xf32, #tpu.memory_space<vmem>> -> memref<16384xf32, #tpu.memory_space<vmem>>
      %dma_wait3A_1516 = tpu.memref_slice %arg2[%add3A_1171] : memref<16777216xf32, #tpu.memory_space<hbm>> -> memref<16384xf32, #tpu.memory_space<hbm>>
      %dma_wait3A_1517 = arith.constant 0 : i32
      %dma_wait3A_1518 = tpu.memref_slice %arg6[%dma_wait3A_1517] : memref<32768xf32, #tpu.memory_space<vmem>> -> memref<16384xf32, #tpu.memory_space<vmem>>
      %dma_wait3A_1519 = tpu.memref_slice %arg2[%add3A_1171] : memref<16777216xf32, #tpu.memory_space<hbm>> -> memref<16384xf32, #tpu.memory_space<hbm>>
      tpu.wait_dma2 semaphore(%run_scoped3A : memref<!tpu.dma_semaphore, #tpu.memory_space<semaphore_mem>>) src(%dma_wait3A_1519 : memref<16384xf32, #tpu.memory_space<hbm>>) dst(%dma_wait3A_1518 : memref<16384xf32, #tpu.memory_space<vmem>>)
      tpu.yield
    }) : () -> ()
    %add3A_1172 = arith.addi %mul3A_757, %rem3A_1169 : i32
    "tpu.region"() ({
      %run_scoped3A = tpu.sem_alloc : memref<!tpu.dma_semaphore, #tpu.memory_space<semaphore_mem>>
      %dma_start3A = arith.constant 16384 : i32
      %dma_start3A_1510 = tpu.memref_slice %arg6[%dma_start3A] : memref<32768xf32, #tpu.memory_space<vmem>> -> memref<16384xf32, #tpu.memory_space<vmem>>
      %dma_start3A_1511 = tpu.memref_slice %arg2[%add3A_1172] : memref<16777216xf32, #tpu.memory_space<hbm>> -> memref<16384xf32, #tpu.memory_space<hbm>>
      %dma_start3A_1512 = arith.constant 16384 : i32
      %dma_start3A_1513 = tpu.memref_slice %arg6[%dma_start3A_1512] : memref<32768xf32, #tpu.memory_space<vmem>> -> memref<16384xf32, #tpu.memory_space<vmem>>
      %dma_start3A_1514 = tpu.memref_slice %arg2[%add3A_1172] : memref<16777216xf32, #tpu.memory_space<hbm>> -> memref<16384xf32, #tpu.memory_space<hbm>>
      tpu.enqueue_dma source(%dma_start3A_1514 : memref<16384xf32, #tpu.memory_space<hbm>>) target(%dma_start3A_1513 : memref<16384xf32, #tpu.memory_space<vmem>>) target_semaphore(%run_scoped3A : memref<!tpu.dma_semaphore, #tpu.memory_space<semaphore_mem>>)
      %dma_wait3A = arith.constant 16384 : i32
      %dma_wait3A_1515 = tpu.memref_slice %arg6[%dma_wait3A] : memref<32768xf32, #tpu.memory_space<vmem>> -> memref<16384xf32, #tpu.memory_space<vmem>>
      %dma_wait3A_1516 = tpu.memref_slice %arg2[%add3A_1172] : memref<16777216xf32, #tpu.memory_space<hbm>> -> memref<16384xf32, #tpu.memory_space<hbm>>
      %dma_wait3A_1517 = arith.constant 16384 : i32
      %dma_wait3A_1518 = tpu.memref_slice %arg6[%dma_wait3A_1517] : memref<32768xf32, #tpu.memory_space<vmem>> -> memref<16384xf32, #tpu.memory_space<vmem>>
      %dma_wait3A_1519 = tpu.memref_slice %arg2[%add3A_1172] : memref<16777216xf32, #tpu.memory_space<hbm>> -> memref<16384xf32, #tpu.memory_space<hbm>>
      tpu.wait_dma2 semaphore(%run_scoped3A : memref<!tpu.dma_semaphore, #tpu.memory_space<semaphore_mem>>) src(%dma_wait3A_1519 : memref<16384xf32, #tpu.memory_space<hbm>>) dst(%dma_wait3A_1518 : memref<16384xf32, #tpu.memory_space<vmem>>)
      tpu.yield
    }) : () -> ()
    %scan3A_1173 = arith.constant 0 : i32
    %scan3A_1174 = arith.constant 0 : i32
    %scan3A_1175 = arith.constant 1024 : i32
    %scan3A_1176 = arith.addi %scan3A_1174, %scan3A_1175 : i32
    %scan3A_1177 = arith.constant 1 : i32
    scf.for %scan3A_1510 = %scan3A_1174 to %scan3A_1176 step %scan3A_1177  : i32 {
      %mul3A_1511 = arith.constant 16 : i32
      %mul3A_1512 = arith.muli %scan3A_1510, %mul3A_1511 : i32
      %add3A_1513 = arith.addi %sub3A_1170, %mul3A_1512 : i32
      %get3A_1514 = arith.index_cast %add3A_1513 : i32 to index
      %get3A_1515 = tpu.vector_load %arg6[%get3A_1514] {strides = array<i32>} : memref<32768xf32, #tpu.memory_space<vmem>>, vector<16xf32>,
      %get3A_1516 = vector.shape_cast %get3A_1515 : vector<16xf32> to vector<16xf32>
      %mul3A_1517 = arith.constant 16 : i32
      %mul3A_1518 = arith.muli %scan3A_1510, %mul3A_1517 : i32
      %swap3A = arith.index_cast %mul3A_1518 : i32 to index
      %swap3A_1519 = tpu.vector_load %arg7[%swap3A] {strides = array<i32>} : memref<16384xf32, #tpu.memory_space<vmem>>, vector<16xf32>,
      %swap3A_1520 = vector.shape_cast %swap3A_1519 : vector<16xf32> to vector<16xf32>
      %swap3A_1521 = vector.shape_cast %get3A_1516 : vector<16xf32> to vector<16xf32>
      tpu.vector_store %arg7[%swap3A], %swap3A_1521 {strides = array<i32>} : memref<16384xf32, #tpu.memory_space<vmem>>, vector<16xf32>,
    }
    %scan3A_1178 = arith.constant 1024 : i32
    %add3A_1179 = arith.constant 131072 : i32
    %add3A_1180 = arith.addi %mul3A_757, %add3A_1179 : i32
    "tpu.region"() ({
      %run_scoped3A = tpu.sem_alloc : memref<!tpu.dma_semaphore, #tpu.memory_space<semaphore_mem>>
      %dma_start3A = tpu.memref_slice %arg4[%add3A_1180] : memref<16777216xf32, #tpu.memory_space<hbm>> -> memref<16384xf32, #tpu.memory_space<hbm>>
      %dma_start3A_1510 = tpu.memref_slice %arg4[%add3A_1180] : memref<16777216xf32, #tpu.memory_space<hbm>> -> memref<16384xf32, #tpu.memory_space<hbm>>
      tpu.enqueue_dma source(%arg7 : memref<16384xf32, #tpu.memory_space<vmem>>) target(%dma_start3A_1510 : memref<16384xf32, #tpu.memory_space<hbm>>) target_semaphore(%run_scoped3A : memref<!tpu.dma_semaphore, #tpu.memory_space<semaphore_mem>>)
      %dma_wait3A = tpu.memref_slice %arg4[%add3A_1180] : memref<16777216xf32, #tpu.memory_space<hbm>> -> memref<16384xf32, #tpu.memory_space<hbm>>
      %dma_wait3A_1511 = tpu.memref_slice %arg4[%add3A_1180] : memref<16777216xf32, #tpu.memory_space<hbm>> -> memref<16384xf32, #tpu.memory_space<hbm>>
      tpu.wait_dma2 semaphore(%run_scoped3A : memref<!tpu.dma_semaphore, #tpu.memory_space<semaphore_mem>>) src(%arg7 : memref<16384xf32, #tpu.memory_space<vmem>>) dst(%dma_wait3A_1511 : memref<16384xf32, #tpu.memory_space<hbm>>)
      tpu.yield
    }) : () -> ()
    %sub3A_1181 = arith.constant 147456 : i32
    %sub3A_1182 = arith.subi %sub3A_1181, %squeeze3A : i32
    %add3A_1183 = arith.constant 262144 : i32
    %add3A_1184 = arith.addi %sub3A_1182, %add3A_1183 : i32
    %rem3A_1185 = arith.constant 262144 : i32
    %rem3A_1186 = arith.remsi %add3A_1184, %rem3A_1185 : i32
    %jit3A_1187 = arith.constant 16384 : i32
    %div3A_1188 = arith.divsi %rem3A_1186, %jit3A_1187 : i32
    %sign3A_1189 = arith.constant 0 : i32
    %sign3A_1190 = arith.cmpi sgt, %rem3A_1186, %sign3A_1189 : i32
    %sign3A_1191 = arith.extui %sign3A_1190 : i1 to i32
    %sign3A_1192 = arith.constant 0 : i32
    %sign3A_1193 = arith.cmpi slt, %rem3A_1186, %sign3A_1192 : i32
    %sign3A_1194 = arith.extui %sign3A_1193 : i1 to i32
    %sign3A_1195 = arith.subi %sign3A_1191, %sign3A_1194 : i32
    %sign3A_1196 = arith.constant 0 : i32
    %sign3A_1197 = arith.cmpi sgt, %jit3A_1187, %sign3A_1196 : i32
    %sign3A_1198 = arith.extui %sign3A_1197 : i1 to i32
    %sign3A_1199 = arith.constant 0 : i32
    %sign3A_1200 = arith.cmpi slt, %jit3A_1187, %sign3A_1199 : i32
    %sign3A_1201 = arith.extui %sign3A_1200 : i1 to i32
    %sign3A_1202 = arith.subi %sign3A_1198, %sign3A_1201 : i32
    %ne3A_1203 = arith.cmpi ne, %sign3A_1195, %sign3A_1202 : i32
    %rem3A_1204 = arith.remsi %rem3A_1186, %jit3A_1187 : i32
    %ne3A_1205 = arith.constant 0 : i32
    %ne3A_1206 = arith.cmpi ne, %rem3A_1204, %ne3A_1205 : i32
    %and3A_1207 = arith.andi %ne3A_1203, %ne3A_1206 : i1
    %sub3A_1208 = arith.constant 1 : i32
    %sub3A_1209 = arith.subi %div3A_1188, %sub3A_1208 : i32
    %select_n3A_1210 = arith.select %and3A_1207, %sub3A_1209, %div3A_1188 : i32
    %mul3A_1211 = arith.constant 16384 : i32
    %mul3A_1212 = arith.muli %select_n3A_1210, %mul3A_1211 : i32
    %add3A_1213 = arith.constant 16384 : i32
    %add3A_1214 = arith.addi %mul3A_1212, %add3A_1213 : i32
    %rem3A_1215 = arith.constant 262144 : i32
    %rem3A_1216 = arith.remsi %add3A_1214, %rem3A_1215 : i32
    %sub3A_1217 = arith.subi %rem3A_1186, %mul3A_1212 : i32
    %add3A_1218 = arith.addi %mul3A_757, %mul3A_1212 : i32
    "tpu.region"() ({
      %run_scoped3A = tpu.sem_alloc : memref<!tpu.dma_semaphore, #tpu.memory_space<semaphore_mem>>
      %dma_start3A = arith.constant 0 : i32
      %dma_start3A_1510 = tpu.memref_slice %arg6[%dma_start3A] : memref<32768xf32, #tpu.memory_space<vmem>> -> memref<16384xf32, #tpu.memory_space<vmem>>
      %dma_start3A_1511 = tpu.memref_slice %arg2[%add3A_1218] : memref<16777216xf32, #tpu.memory_space<hbm>> -> memref<16384xf32, #tpu.memory_space<hbm>>
      %dma_start3A_1512 = arith.constant 0 : i32
      %dma_start3A_1513 = tpu.memref_slice %arg6[%dma_start3A_1512] : memref<32768xf32, #tpu.memory_space<vmem>> -> memref<16384xf32, #tpu.memory_space<vmem>>
      %dma_start3A_1514 = tpu.memref_slice %arg2[%add3A_1218] : memref<16777216xf32, #tpu.memory_space<hbm>> -> memref<16384xf32, #tpu.memory_space<hbm>>
      tpu.enqueue_dma source(%dma_start3A_1514 : memref<16384xf32, #tpu.memory_space<hbm>>) target(%dma_start3A_1513 : memref<16384xf32, #tpu.memory_space<vmem>>) target_semaphore(%run_scoped3A : memref<!tpu.dma_semaphore, #tpu.memory_space<semaphore_mem>>)
      %dma_wait3A = arith.constant 0 : i32
      %dma_wait3A_1515 = tpu.memref_slice %arg6[%dma_wait3A] : memref<32768xf32, #tpu.memory_space<vmem>> -> memref<16384xf32, #tpu.memory_space<vmem>>
      %dma_wait3A_1516 = tpu.memref_slice %arg2[%add3A_1218] : memref<16777216xf32, #tpu.memory_space<hbm>> -> memref<16384xf32, #tpu.memory_space<hbm>>
      %dma_wait3A_1517 = arith.constant 0 : i32
      %dma_wait3A_1518 = tpu.memref_slice %arg6[%dma_wait3A_1517] : memref<32768xf32, #tpu.memory_space<vmem>> -> memref<16384xf32, #tpu.memory_space<vmem>>
      %dma_wait3A_1519 = tpu.memref_slice %arg2[%add3A_1218] : memref<16777216xf32, #tpu.memory_space<hbm>> -> memref<16384xf32, #tpu.memory_space<hbm>>
      tpu.wait_dma2 semaphore(%run_scoped3A : memref<!tpu.dma_semaphore, #tpu.memory_space<semaphore_mem>>) src(%dma_wait3A_1519 : memref<16384xf32, #tpu.memory_space<hbm>>) dst(%dma_wait3A_1518 : memref<16384xf32, #tpu.memory_space<vmem>>)
      tpu.yield
    }) : () -> ()
    %add3A_1219 = arith.addi %mul3A_757, %rem3A_1216 : i32
    "tpu.region"() ({
      %run_scoped3A = tpu.sem_alloc : memref<!tpu.dma_semaphore, #tpu.memory_space<semaphore_mem>>
      %dma_start3A = arith.constant 16384 : i32
      %dma_start3A_1510 = tpu.memref_slice %arg6[%dma_start3A] : memref<32768xf32, #tpu.memory_space<vmem>> -> memref<16384xf32, #tpu.memory_space<vmem>>
      %dma_start3A_1511 = tpu.memref_slice %arg2[%add3A_1219] : memref<16777216xf32, #tpu.memory_space<hbm>> -> memref<16384xf32, #tpu.memory_space<hbm>>
      %dma_start3A_1512 = arith.constant 16384 : i32
      %dma_start3A_1513 = tpu.memref_slice %arg6[%dma_start3A_1512] : memref<32768xf32, #tpu.memory_space<vmem>> -> memref<16384xf32, #tpu.memory_space<vmem>>
      %dma_start3A_1514 = tpu.memref_slice %arg2[%add3A_1219] : memref<16777216xf32, #tpu.memory_space<hbm>> -> memref<16384xf32, #tpu.memory_space<hbm>>
      tpu.enqueue_dma source(%dma_start3A_1514 : memref<16384xf32, #tpu.memory_space<hbm>>) target(%dma_start3A_1513 : memref<16384xf32, #tpu.memory_space<vmem>>) target_semaphore(%run_scoped3A : memref<!tpu.dma_semaphore, #tpu.memory_space<semaphore_mem>>)
      %dma_wait3A = arith.constant 16384 : i32
      %dma_wait3A_1515 = tpu.memref_slice %arg6[%dma_wait3A] : memref<32768xf32, #tpu.memory_space<vmem>> -> memref<16384xf32, #tpu.memory_space<vmem>>
      %dma_wait3A_1516 = tpu.memref_slice %arg2[%add3A_1219] : memref<16777216xf32, #tpu.memory_space<hbm>> -> memref<16384xf32, #tpu.memory_space<hbm>>
      %dma_wait3A_1517 = arith.constant 16384 : i32
      %dma_wait3A_1518 = tpu.memref_slice %arg6[%dma_wait3A_1517] : memref<32768xf32, #tpu.memory_space<vmem>> -> memref<16384xf32, #tpu.memory_space<vmem>>
      %dma_wait3A_1519 = tpu.memref_slice %arg2[%add3A_1219] : memref<16777216xf32, #tpu.memory_space<hbm>> -> memref<16384xf32, #tpu.memory_space<hbm>>
      tpu.wait_dma2 semaphore(%run_scoped3A : memref<!tpu.dma_semaphore, #tpu.memory_space<semaphore_mem>>) src(%dma_wait3A_1519 : memref<16384xf32, #tpu.memory_space<hbm>>) dst(%dma_wait3A_1518 : memref<16384xf32, #tpu.memory_space<vmem>>)
      tpu.yield
    }) : () -> ()
    %scan3A_1220 = arith.constant 0 : i32
    %scan3A_1221 = arith.constant 0 : i32
    %scan3A_1222 = arith.constant 1024 : i32
    %scan3A_1223 = arith.addi %scan3A_1221, %scan3A_1222 : i32
    %scan3A_1224 = arith.constant 1 : i32
    scf.for %scan3A_1510 = %scan3A_1221 to %scan3A_1223 step %scan3A_1224  : i32 {
      %mul3A_1511 = arith.constant 16 : i32
      %mul3A_1512 = arith.muli %scan3A_1510, %mul3A_1511 : i32
      %add3A_1513 = arith.addi %sub3A_1217, %mul3A_1512 : i32
      %get3A_1514 = arith.index_cast %add3A_1513 : i32 to index
      %get3A_1515 = tpu.vector_load %arg6[%get3A_1514] {strides = array<i32>} : memref<32768xf32, #tpu.memory_space<vmem>>, vector<16xf32>,
      %get3A_1516 = vector.shape_cast %get3A_1515 : vector<16xf32> to vector<16xf32>
      %mul3A_1517 = arith.constant 16 : i32
      %mul3A_1518 = arith.muli %scan3A_1510, %mul3A_1517 : i32
      %swap3A = arith.index_cast %mul3A_1518 : i32 to index
      %swap3A_1519 = tpu.vector_load %arg7[%swap3A] {strides = array<i32>} : memref<16384xf32, #tpu.memory_space<vmem>>, vector<16xf32>,
      %swap3A_1520 = vector.shape_cast %swap3A_1519 : vector<16xf32> to vector<16xf32>
      %swap3A_1521 = vector.shape_cast %get3A_1516 : vector<16xf32> to vector<16xf32>
      tpu.vector_store %arg7[%swap3A], %swap3A_1521 {strides = array<i32>} : memref<16384xf32, #tpu.memory_space<vmem>>, vector<16xf32>,
    }
    %scan3A_1225 = arith.constant 1024 : i32
    %add3A_1226 = arith.constant 147456 : i32
    %add3A_1227 = arith.addi %mul3A_757, %add3A_1226 : i32
    "tpu.region"() ({
      %run_scoped3A = tpu.sem_alloc : memref<!tpu.dma_semaphore, #tpu.memory_space<semaphore_mem>>
      %dma_start3A = tpu.memref_slice %arg4[%add3A_1227] : memref<16777216xf32, #tpu.memory_space<hbm>> -> memref<16384xf32, #tpu.memory_space<hbm>>
      %dma_start3A_1510 = tpu.memref_slice %arg4[%add3A_1227] : memref<16777216xf32, #tpu.memory_space<hbm>> -> memref<16384xf32, #tpu.memory_space<hbm>>
      tpu.enqueue_dma source(%arg7 : memref<16384xf32, #tpu.memory_space<vmem>>) target(%dma_start3A_1510 : memref<16384xf32, #tpu.memory_space<hbm>>) target_semaphore(%run_scoped3A : memref<!tpu.dma_semaphore, #tpu.memory_space<semaphore_mem>>)
      %dma_wait3A = tpu.memref_slice %arg4[%add3A_1227] : memref<16777216xf32, #tpu.memory_space<hbm>> -> memref<16384xf32, #tpu.memory_space<hbm>>
      %dma_wait3A_1511 = tpu.memref_slice %arg4[%add3A_1227] : memref<16777216xf32, #tpu.memory_space<hbm>> -> memref<16384xf32, #tpu.memory_space<hbm>>
      tpu.wait_dma2 semaphore(%run_scoped3A : memref<!tpu.dma_semaphore, #tpu.memory_space<semaphore_mem>>) src(%arg7 : memref<16384xf32, #tpu.memory_space<vmem>>) dst(%dma_wait3A_1511 : memref<16384xf32, #tpu.memory_space<hbm>>)
      tpu.yield
    }) : () -> ()
    %sub3A_1228 = arith.constant 163840 : i32
    %sub3A_1229 = arith.subi %sub3A_1228, %squeeze3A : i32
    %add3A_1230 = arith.constant 262144 : i32
    %add3A_1231 = arith.addi %sub3A_1229, %add3A_1230 : i32
    %rem3A_1232 = arith.constant 262144 : i32
    %rem3A_1233 = arith.remsi %add3A_1231, %rem3A_1232 : i32
    %jit3A_1234 = arith.constant 16384 : i32
    %div3A_1235 = arith.divsi %rem3A_1233, %jit3A_1234 : i32
    %sign3A_1236 = arith.constant 0 : i32
    %sign3A_1237 = arith.cmpi sgt, %rem3A_1233, %sign3A_1236 : i32
    %sign3A_1238 = arith.extui %sign3A_1237 : i1 to i32
    %sign3A_1239 = arith.constant 0 : i32
    %sign3A_1240 = arith.cmpi slt, %rem3A_1233, %sign3A_1239 : i32
    %sign3A_1241 = arith.extui %sign3A_1240 : i1 to i32
    %sign3A_1242 = arith.subi %sign3A_1238, %sign3A_1241 : i32
    %sign3A_1243 = arith.constant 0 : i32
    %sign3A_1244 = arith.cmpi sgt, %jit3A_1234, %sign3A_1243 : i32
    %sign3A_1245 = arith.extui %sign3A_1244 : i1 to i32
    %sign3A_1246 = arith.constant 0 : i32
    %sign3A_1247 = arith.cmpi slt, %jit3A_1234, %sign3A_1246 : i32
    %sign3A_1248 = arith.extui %sign3A_1247 : i1 to i32
    %sign3A_1249 = arith.subi %sign3A_1245, %sign3A_1248 : i32
    %ne3A_1250 = arith.cmpi ne, %sign3A_1242, %sign3A_1249 : i32
    %rem3A_1251 = arith.remsi %rem3A_1233, %jit3A_1234 : i32
    %ne3A_1252 = arith.constant 0 : i32
    %ne3A_1253 = arith.cmpi ne, %rem3A_1251, %ne3A_1252 : i32
    %and3A_1254 = arith.andi %ne3A_1250, %ne3A_1253 : i1
    %sub3A_1255 = arith.constant 1 : i32
    %sub3A_1256 = arith.subi %div3A_1235, %sub3A_1255 : i32
    %select_n3A_1257 = arith.select %and3A_1254, %sub3A_1256, %div3A_1235 : i32
    %mul3A_1258 = arith.constant 16384 : i32
    %mul3A_1259 = arith.muli %select_n3A_1257, %mul3A_1258 : i32
    %add3A_1260 = arith.constant 16384 : i32
    %add3A_1261 = arith.addi %mul3A_1259, %add3A_1260 : i32
    %rem3A_1262 = arith.constant 262144 : i32
    %rem3A_1263 = arith.remsi %add3A_1261, %rem3A_1262 : i32
    %sub3A_1264 = arith.subi %rem3A_1233, %mul3A_1259 : i32
    %add3A_1265 = arith.addi %mul3A_757, %mul3A_1259 : i32
    "tpu.region"() ({
      %run_scoped3A = tpu.sem_alloc : memref<!tpu.dma_semaphore, #tpu.memory_space<semaphore_mem>>
      %dma_start3A = arith.constant 0 : i32
      %dma_start3A_1510 = tpu.memref_slice %arg6[%dma_start3A] : memref<32768xf32, #tpu.memory_space<vmem>> -> memref<16384xf32, #tpu.memory_space<vmem>>
      %dma_start3A_1511 = tpu.memref_slice %arg2[%add3A_1265] : memref<16777216xf32, #tpu.memory_space<hbm>> -> memref<16384xf32, #tpu.memory_space<hbm>>
      %dma_start3A_1512 = arith.constant 0 : i32
      %dma_start3A_1513 = tpu.memref_slice %arg6[%dma_start3A_1512] : memref<32768xf32, #tpu.memory_space<vmem>> -> memref<16384xf32, #tpu.memory_space<vmem>>
      %dma_start3A_1514 = tpu.memref_slice %arg2[%add3A_1265] : memref<16777216xf32, #tpu.memory_space<hbm>> -> memref<16384xf32, #tpu.memory_space<hbm>>
      tpu.enqueue_dma source(%dma_start3A_1514 : memref<16384xf32, #tpu.memory_space<hbm>>) target(%dma_start3A_1513 : memref<16384xf32, #tpu.memory_space<vmem>>) target_semaphore(%run_scoped3A : memref<!tpu.dma_semaphore, #tpu.memory_space<semaphore_mem>>)
      %dma_wait3A = arith.constant 0 : i32
      %dma_wait3A_1515 = tpu.memref_slice %arg6[%dma_wait3A] : memref<32768xf32, #tpu.memory_space<vmem>> -> memref<16384xf32, #tpu.memory_space<vmem>>
      %dma_wait3A_1516 = tpu.memref_slice %arg2[%add3A_1265] : memref<16777216xf32, #tpu.memory_space<hbm>> -> memref<16384xf32, #tpu.memory_space<hbm>>
      %dma_wait3A_1517 = arith.constant 0 : i32
      %dma_wait3A_1518 = tpu.memref_slice %arg6[%dma_wait3A_1517] : memref<32768xf32, #tpu.memory_space<vmem>> -> memref<16384xf32, #tpu.memory_space<vmem>>
      %dma_wait3A_1519 = tpu.memref_slice %arg2[%add3A_1265] : memref<16777216xf32, #tpu.memory_space<hbm>> -> memref<16384xf32, #tpu.memory_space<hbm>>
      tpu.wait_dma2 semaphore(%run_scoped3A : memref<!tpu.dma_semaphore, #tpu.memory_space<semaphore_mem>>) src(%dma_wait3A_1519 : memref<16384xf32, #tpu.memory_space<hbm>>) dst(%dma_wait3A_1518 : memref<16384xf32, #tpu.memory_space<vmem>>)
      tpu.yield
    }) : () -> ()
    %add3A_1266 = arith.addi %mul3A_757, %rem3A_1263 : i32
    "tpu.region"() ({
      %run_scoped3A = tpu.sem_alloc : memref<!tpu.dma_semaphore, #tpu.memory_space<semaphore_mem>>
      %dma_start3A = arith.constant 16384 : i32
      %dma_start3A_1510 = tpu.memref_slice %arg6[%dma_start3A] : memref<32768xf32, #tpu.memory_space<vmem>> -> memref<16384xf32, #tpu.memory_space<vmem>>
      %dma_start3A_1511 = tpu.memref_slice %arg2[%add3A_1266] : memref<16777216xf32, #tpu.memory_space<hbm>> -> memref<16384xf32, #tpu.memory_space<hbm>>
      %dma_start3A_1512 = arith.constant 16384 : i32
      %dma_start3A_1513 = tpu.memref_slice %arg6[%dma_start3A_1512] : memref<32768xf32, #tpu.memory_space<vmem>> -> memref<16384xf32, #tpu.memory_space<vmem>>
      %dma_start3A_1514 = tpu.memref_slice %arg2[%add3A_1266] : memref<16777216xf32, #tpu.memory_space<hbm>> -> memref<16384xf32, #tpu.memory_space<hbm>>
      tpu.enqueue_dma source(%dma_start3A_1514 : memref<16384xf32, #tpu.memory_space<hbm>>) target(%dma_start3A_1513 : memref<16384xf32, #tpu.memory_space<vmem>>) target_semaphore(%run_scoped3A : memref<!tpu.dma_semaphore, #tpu.memory_space<semaphore_mem>>)
      %dma_wait3A = arith.constant 16384 : i32
      %dma_wait3A_1515 = tpu.memref_slice %arg6[%dma_wait3A] : memref<32768xf32, #tpu.memory_space<vmem>> -> memref<16384xf32, #tpu.memory_space<vmem>>
      %dma_wait3A_1516 = tpu.memref_slice %arg2[%add3A_1266] : memref<16777216xf32, #tpu.memory_space<hbm>> -> memref<16384xf32, #tpu.memory_space<hbm>>
      %dma_wait3A_1517 = arith.constant 16384 : i32
      %dma_wait3A_1518 = tpu.memref_slice %arg6[%dma_wait3A_1517] : memref<32768xf32, #tpu.memory_space<vmem>> -> memref<16384xf32, #tpu.memory_space<vmem>>
      %dma_wait3A_1519 = tpu.memref_slice %arg2[%add3A_1266] : memref<16777216xf32, #tpu.memory_space<hbm>> -> memref<16384xf32, #tpu.memory_space<hbm>>
      tpu.wait_dma2 semaphore(%run_scoped3A : memref<!tpu.dma_semaphore, #tpu.memory_space<semaphore_mem>>) src(%dma_wait3A_1519 : memref<16384xf32, #tpu.memory_space<hbm>>) dst(%dma_wait3A_1518 : memref<16384xf32, #tpu.memory_space<vmem>>)
      tpu.yield
    }) : () -> ()
    %scan3A_1267 = arith.constant 0 : i32
    %scan3A_1268 = arith.constant 0 : i32
    %scan3A_1269 = arith.constant 1024 : i32
    %scan3A_1270 = arith.addi %scan3A_1268, %scan3A_1269 : i32
    %scan3A_1271 = arith.constant 1 : i32
    scf.for %scan3A_1510 = %scan3A_1268 to %scan3A_1270 step %scan3A_1271  : i32 {
      %mul3A_1511 = arith.constant 16 : i32
      %mul3A_1512 = arith.muli %scan3A_1510, %mul3A_1511 : i32
      %add3A_1513 = arith.addi %sub3A_1264, %mul3A_1512 : i32
      %get3A_1514 = arith.index_cast %add3A_1513 : i32 to index
      %get3A_1515 = tpu.vector_load %arg6[%get3A_1514] {strides = array<i32>} : memref<32768xf32, #tpu.memory_space<vmem>>, vector<16xf32>,
      %get3A_1516 = vector.shape_cast %get3A_1515 : vector<16xf32> to vector<16xf32>
      %mul3A_1517 = arith.constant 16 : i32
      %mul3A_1518 = arith.muli %scan3A_1510, %mul3A_1517 : i32
      %swap3A = arith.index_cast %mul3A_1518 : i32 to index
      %swap3A_1519 = tpu.vector_load %arg7[%swap3A] {strides = array<i32>} : memref<16384xf32, #tpu.memory_space<vmem>>, vector<16xf32>,
      %swap3A_1520 = vector.shape_cast %swap3A_1519 : vector<16xf32> to vector<16xf32>
      %swap3A_1521 = vector.shape_cast %get3A_1516 : vector<16xf32> to vector<16xf32>
      tpu.vector_store %arg7[%swap3A], %swap3A_1521 {strides = array<i32>} : memref<16384xf32, #tpu.memory_space<vmem>>, vector<16xf32>,
    }
    %scan3A_1272 = arith.constant 1024 : i32
    %add3A_1273 = arith.constant 163840 : i32
    %add3A_1274 = arith.addi %mul3A_757, %add3A_1273 : i32
    "tpu.region"() ({
      %run_scoped3A = tpu.sem_alloc : memref<!tpu.dma_semaphore, #tpu.memory_space<semaphore_mem>>
      %dma_start3A = tpu.memref_slice %arg4[%add3A_1274] : memref<16777216xf32, #tpu.memory_space<hbm>> -> memref<16384xf32, #tpu.memory_space<hbm>>
      %dma_start3A_1510 = tpu.memref_slice %arg4[%add3A_1274] : memref<16777216xf32, #tpu.memory_space<hbm>> -> memref<16384xf32, #tpu.memory_space<hbm>>
      tpu.enqueue_dma source(%arg7 : memref<16384xf32, #tpu.memory_space<vmem>>) target(%dma_start3A_1510 : memref<16384xf32, #tpu.memory_space<hbm>>) target_semaphore(%run_scoped3A : memref<!tpu.dma_semaphore, #tpu.memory_space<semaphore_mem>>)
      %dma_wait3A = tpu.memref_slice %arg4[%add3A_1274] : memref<16777216xf32, #tpu.memory_space<hbm>> -> memref<16384xf32, #tpu.memory_space<hbm>>
      %dma_wait3A_1511 = tpu.memref_slice %arg4[%add3A_1274] : memref<16777216xf32, #tpu.memory_space<hbm>> -> memref<16384xf32, #tpu.memory_space<hbm>>
      tpu.wait_dma2 semaphore(%run_scoped3A : memref<!tpu.dma_semaphore, #tpu.memory_space<semaphore_mem>>) src(%arg7 : memref<16384xf32, #tpu.memory_space<vmem>>) dst(%dma_wait3A_1511 : memref<16384xf32, #tpu.memory_space<hbm>>)
      tpu.yield
    }) : () -> ()
    %sub3A_1275 = arith.constant 180224 : i32
    %sub3A_1276 = arith.subi %sub3A_1275, %squeeze3A : i32
    %add3A_1277 = arith.constant 262144 : i32
    %add3A_1278 = arith.addi %sub3A_1276, %add3A_1277 : i32
    %rem3A_1279 = arith.constant 262144 : i32
    %rem3A_1280 = arith.remsi %add3A_1278, %rem3A_1279 : i32
    %jit3A_1281 = arith.constant 16384 : i32
    %div3A_1282 = arith.divsi %rem3A_1280, %jit3A_1281 : i32
    %sign3A_1283 = arith.constant 0 : i32
    %sign3A_1284 = arith.cmpi sgt, %rem3A_1280, %sign3A_1283 : i32
    %sign3A_1285 = arith.extui %sign3A_1284 : i1 to i32
    %sign3A_1286 = arith.constant 0 : i32
    %sign3A_1287 = arith.cmpi slt, %rem3A_1280, %sign3A_1286 : i32
    %sign3A_1288 = arith.extui %sign3A_1287 : i1 to i32
    %sign3A_1289 = arith.subi %sign3A_1285, %sign3A_1288 : i32
    %sign3A_1290 = arith.constant 0 : i32
    %sign3A_1291 = arith.cmpi sgt, %jit3A_1281, %sign3A_1290 : i32
    %sign3A_1292 = arith.extui %sign3A_1291 : i1 to i32
    %sign3A_1293 = arith.constant 0 : i32
    %sign3A_1294 = arith.cmpi slt, %jit3A_1281, %sign3A_1293 : i32
    %sign3A_1295 = arith.extui %sign3A_1294 : i1 to i32
    %sign3A_1296 = arith.subi %sign3A_1292, %sign3A_1295 : i32
    %ne3A_1297 = arith.cmpi ne, %sign3A_1289, %sign3A_1296 : i32
    %rem3A_1298 = arith.remsi %rem3A_1280, %jit3A_1281 : i32
    %ne3A_1299 = arith.constant 0 : i32
    %ne3A_1300 = arith.cmpi ne, %rem3A_1298, %ne3A_1299 : i32
    %and3A_1301 = arith.andi %ne3A_1297, %ne3A_1300 : i1
    %sub3A_1302 = arith.constant 1 : i32
    %sub3A_1303 = arith.subi %div3A_1282, %sub3A_1302 : i32
    %select_n3A_1304 = arith.select %and3A_1301, %sub3A_1303, %div3A_1282 : i32
    %mul3A_1305 = arith.constant 16384 : i32
    %mul3A_1306 = arith.muli %select_n3A_1304, %mul3A_1305 : i32
    %add3A_1307 = arith.constant 16384 : i32
    %add3A_1308 = arith.addi %mul3A_1306, %add3A_1307 : i32
    %rem3A_1309 = arith.constant 262144 : i32
    %rem3A_1310 = arith.remsi %add3A_1308, %rem3A_1309 : i32
    %sub3A_1311 = arith.subi %rem3A_1280, %mul3A_1306 : i32
    %add3A_1312 = arith.addi %mul3A_757, %mul3A_1306 : i32
    "tpu.region"() ({
      %run_scoped3A = tpu.sem_alloc : memref<!tpu.dma_semaphore, #tpu.memory_space<semaphore_mem>>
      %dma_start3A = arith.constant 0 : i32
      %dma_start3A_1510 = tpu.memref_slice %arg6[%dma_start3A] : memref<32768xf32, #tpu.memory_space<vmem>> -> memref<16384xf32, #tpu.memory_space<vmem>>
      %dma_start3A_1511 = tpu.memref_slice %arg2[%add3A_1312] : memref<16777216xf32, #tpu.memory_space<hbm>> -> memref<16384xf32, #tpu.memory_space<hbm>>
      %dma_start3A_1512 = arith.constant 0 : i32
      %dma_start3A_1513 = tpu.memref_slice %arg6[%dma_start3A_1512] : memref<32768xf32, #tpu.memory_space<vmem>> -> memref<16384xf32, #tpu.memory_space<vmem>>
      %dma_start3A_1514 = tpu.memref_slice %arg2[%add3A_1312] : memref<16777216xf32, #tpu.memory_space<hbm>> -> memref<16384xf32, #tpu.memory_space<hbm>>
      tpu.enqueue_dma source(%dma_start3A_1514 : memref<16384xf32, #tpu.memory_space<hbm>>) target(%dma_start3A_1513 : memref<16384xf32, #tpu.memory_space<vmem>>) target_semaphore(%run_scoped3A : memref<!tpu.dma_semaphore, #tpu.memory_space<semaphore_mem>>)
      %dma_wait3A = arith.constant 0 : i32
      %dma_wait3A_1515 = tpu.memref_slice %arg6[%dma_wait3A] : memref<32768xf32, #tpu.memory_space<vmem>> -> memref<16384xf32, #tpu.memory_space<vmem>>
      %dma_wait3A_1516 = tpu.memref_slice %arg2[%add3A_1312] : memref<16777216xf32, #tpu.memory_space<hbm>> -> memref<16384xf32, #tpu.memory_space<hbm>>
      %dma_wait3A_1517 = arith.constant 0 : i32
      %dma_wait3A_1518 = tpu.memref_slice %arg6[%dma_wait3A_1517] : memref<32768xf32, #tpu.memory_space<vmem>> -> memref<16384xf32, #tpu.memory_space<vmem>>
      %dma_wait3A_1519 = tpu.memref_slice %arg2[%add3A_1312] : memref<16777216xf32, #tpu.memory_space<hbm>> -> memref<16384xf32, #tpu.memory_space<hbm>>
      tpu.wait_dma2 semaphore(%run_scoped3A : memref<!tpu.dma_semaphore, #tpu.memory_space<semaphore_mem>>) src(%dma_wait3A_1519 : memref<16384xf32, #tpu.memory_space<hbm>>) dst(%dma_wait3A_1518 : memref<16384xf32, #tpu.memory_space<vmem>>)
      tpu.yield
    }) : () -> ()
    %add3A_1313 = arith.addi %mul3A_757, %rem3A_1310 : i32
    "tpu.region"() ({
      %run_scoped3A = tpu.sem_alloc : memref<!tpu.dma_semaphore, #tpu.memory_space<semaphore_mem>>
      %dma_start3A = arith.constant 16384 : i32
      %dma_start3A_1510 = tpu.memref_slice %arg6[%dma_start3A] : memref<32768xf32, #tpu.memory_space<vmem>> -> memref<16384xf32, #tpu.memory_space<vmem>>
      %dma_start3A_1511 = tpu.memref_slice %arg2[%add3A_1313] : memref<16777216xf32, #tpu.memory_space<hbm>> -> memref<16384xf32, #tpu.memory_space<hbm>>
      %dma_start3A_1512 = arith.constant 16384 : i32
      %dma_start3A_1513 = tpu.memref_slice %arg6[%dma_start3A_1512] : memref<32768xf32, #tpu.memory_space<vmem>> -> memref<16384xf32, #tpu.memory_space<vmem>>
      %dma_start3A_1514 = tpu.memref_slice %arg2[%add3A_1313] : memref<16777216xf32, #tpu.memory_space<hbm>> -> memref<16384xf32, #tpu.memory_space<hbm>>
      tpu.enqueue_dma source(%dma_start3A_1514 : memref<16384xf32, #tpu.memory_space<hbm>>) target(%dma_start3A_1513 : memref<16384xf32, #tpu.memory_space<vmem>>) target_semaphore(%run_scoped3A : memref<!tpu.dma_semaphore, #tpu.memory_space<semaphore_mem>>)
      %dma_wait3A = arith.constant 16384 : i32
      %dma_wait3A_1515 = tpu.memref_slice %arg6[%dma_wait3A] : memref<32768xf32, #tpu.memory_space<vmem>> -> memref<16384xf32, #tpu.memory_space<vmem>>
      %dma_wait3A_1516 = tpu.memref_slice %arg2[%add3A_1313] : memref<16777216xf32, #tpu.memory_space<hbm>> -> memref<16384xf32, #tpu.memory_space<hbm>>
      %dma_wait3A_1517 = arith.constant 16384 : i32
      %dma_wait3A_1518 = tpu.memref_slice %arg6[%dma_wait3A_1517] : memref<32768xf32, #tpu.memory_space<vmem>> -> memref<16384xf32, #tpu.memory_space<vmem>>
      %dma_wait3A_1519 = tpu.memref_slice %arg2[%add3A_1313] : memref<16777216xf32, #tpu.memory_space<hbm>> -> memref<16384xf32, #tpu.memory_space<hbm>>
      tpu.wait_dma2 semaphore(%run_scoped3A : memref<!tpu.dma_semaphore, #tpu.memory_space<semaphore_mem>>) src(%dma_wait3A_1519 : memref<16384xf32, #tpu.memory_space<hbm>>) dst(%dma_wait3A_1518 : memref<16384xf32, #tpu.memory_space<vmem>>)
      tpu.yield
    }) : () -> ()
    %scan3A_1314 = arith.constant 0 : i32
    %scan3A_1315 = arith.constant 0 : i32
    %scan3A_1316 = arith.constant 1024 : i32
    %scan3A_1317 = arith.addi %scan3A_1315, %scan3A_1316 : i32
    %scan3A_1318 = arith.constant 1 : i32
    scf.for %scan3A_1510 = %scan3A_1315 to %scan3A_1317 step %scan3A_1318  : i32 {
      %mul3A_1511 = arith.constant 16 : i32
      %mul3A_1512 = arith.muli %scan3A_1510, %mul3A_1511 : i32
      %add3A_1513 = arith.addi %sub3A_1311, %mul3A_1512 : i32
      %get3A_1514 = arith.index_cast %add3A_1513 : i32 to index
      %get3A_1515 = tpu.vector_load %arg6[%get3A_1514] {strides = array<i32>} : memref<32768xf32, #tpu.memory_space<vmem>>, vector<16xf32>,
      %get3A_1516 = vector.shape_cast %get3A_1515 : vector<16xf32> to vector<16xf32>
      %mul3A_1517 = arith.constant 16 : i32
      %mul3A_1518 = arith.muli %scan3A_1510, %mul3A_1517 : i32
      %swap3A = arith.index_cast %mul3A_1518 : i32 to index
      %swap3A_1519 = tpu.vector_load %arg7[%swap3A] {strides = array<i32>} : memref<16384xf32, #tpu.memory_space<vmem>>, vector<16xf32>,
      %swap3A_1520 = vector.shape_cast %swap3A_1519 : vector<16xf32> to vector<16xf32>
      %swap3A_1521 = vector.shape_cast %get3A_1516 : vector<16xf32> to vector<16xf32>
      tpu.vector_store %arg7[%swap3A], %swap3A_1521 {strides = array<i32>} : memref<16384xf32, #tpu.memory_space<vmem>>, vector<16xf32>,
    }
    %scan3A_1319 = arith.constant 1024 : i32
    %add3A_1320 = arith.constant 180224 : i32
    %add3A_1321 = arith.addi %mul3A_757, %add3A_1320 : i32
    "tpu.region"() ({
      %run_scoped3A = tpu.sem_alloc : memref<!tpu.dma_semaphore, #tpu.memory_space<semaphore_mem>>
      %dma_start3A = tpu.memref_slice %arg4[%add3A_1321] : memref<16777216xf32, #tpu.memory_space<hbm>> -> memref<16384xf32, #tpu.memory_space<hbm>>
      %dma_start3A_1510 = tpu.memref_slice %arg4[%add3A_1321] : memref<16777216xf32, #tpu.memory_space<hbm>> -> memref<16384xf32, #tpu.memory_space<hbm>>
      tpu.enqueue_dma source(%arg7 : memref<16384xf32, #tpu.memory_space<vmem>>) target(%dma_start3A_1510 : memref<16384xf32, #tpu.memory_space<hbm>>) target_semaphore(%run_scoped3A : memref<!tpu.dma_semaphore, #tpu.memory_space<semaphore_mem>>)
      %dma_wait3A = tpu.memref_slice %arg4[%add3A_1321] : memref<16777216xf32, #tpu.memory_space<hbm>> -> memref<16384xf32, #tpu.memory_space<hbm>>
      %dma_wait3A_1511 = tpu.memref_slice %arg4[%add3A_1321] : memref<16777216xf32, #tpu.memory_space<hbm>> -> memref<16384xf32, #tpu.memory_space<hbm>>
      tpu.wait_dma2 semaphore(%run_scoped3A : memref<!tpu.dma_semaphore, #tpu.memory_space<semaphore_mem>>) src(%arg7 : memref<16384xf32, #tpu.memory_space<vmem>>) dst(%dma_wait3A_1511 : memref<16384xf32, #tpu.memory_space<hbm>>)
      tpu.yield
    }) : () -> ()
    %sub3A_1322 = arith.constant 196608 : i32
    %sub3A_1323 = arith.subi %sub3A_1322, %squeeze3A : i32
    %add3A_1324 = arith.constant 262144 : i32
    %add3A_1325 = arith.addi %sub3A_1323, %add3A_1324 : i32
    %rem3A_1326 = arith.constant 262144 : i32
    %rem3A_1327 = arith.remsi %add3A_1325, %rem3A_1326 : i32
    %jit3A_1328 = arith.constant 16384 : i32
    %div3A_1329 = arith.divsi %rem3A_1327, %jit3A_1328 : i32
    %sign3A_1330 = arith.constant 0 : i32
    %sign3A_1331 = arith.cmpi sgt, %rem3A_1327, %sign3A_1330 : i32
    %sign3A_1332 = arith.extui %sign3A_1331 : i1 to i32
    %sign3A_1333 = arith.constant 0 : i32
    %sign3A_1334 = arith.cmpi slt, %rem3A_1327, %sign3A_1333 : i32
    %sign3A_1335 = arith.extui %sign3A_1334 : i1 to i32
    %sign3A_1336 = arith.subi %sign3A_1332, %sign3A_1335 : i32
    %sign3A_1337 = arith.constant 0 : i32
    %sign3A_1338 = arith.cmpi sgt, %jit3A_1328, %sign3A_1337 : i32
    %sign3A_1339 = arith.extui %sign3A_1338 : i1 to i32
    %sign3A_1340 = arith.constant 0 : i32
    %sign3A_1341 = arith.cmpi slt, %jit3A_1328, %sign3A_1340 : i32
    %sign3A_1342 = arith.extui %sign3A_1341 : i1 to i32
    %sign3A_1343 = arith.subi %sign3A_1339, %sign3A_1342 : i32
    %ne3A_1344 = arith.cmpi ne, %sign3A_1336, %sign3A_1343 : i32
    %rem3A_1345 = arith.remsi %rem3A_1327, %jit3A_1328 : i32
    %ne3A_1346 = arith.constant 0 : i32
    %ne3A_1347 = arith.cmpi ne, %rem3A_1345, %ne3A_1346 : i32
    %and3A_1348 = arith.andi %ne3A_1344, %ne3A_1347 : i1
    %sub3A_1349 = arith.constant 1 : i32
    %sub3A_1350 = arith.subi %div3A_1329, %sub3A_1349 : i32
    %select_n3A_1351 = arith.select %and3A_1348, %sub3A_1350, %div3A_1329 : i32
    %mul3A_1352 = arith.constant 16384 : i32
    %mul3A_1353 = arith.muli %select_n3A_1351, %mul3A_1352 : i32
    %add3A_1354 = arith.constant 16384 : i32
    %add3A_1355 = arith.addi %mul3A_1353, %add3A_1354 : i32
    %rem3A_1356 = arith.constant 262144 : i32
    %rem3A_1357 = arith.remsi %add3A_1355, %rem3A_1356 : i32
    %sub3A_1358 = arith.subi %rem3A_1327, %mul3A_1353 : i32
    %add3A_1359 = arith.addi %mul3A_757, %mul3A_1353 : i32
    "tpu.region"() ({
      %run_scoped3A = tpu.sem_alloc : memref<!tpu.dma_semaphore, #tpu.memory_space<semaphore_mem>>
      %dma_start3A = arith.constant 0 : i32
      %dma_start3A_1510 = tpu.memref_slice %arg6[%dma_start3A] : memref<32768xf32, #tpu.memory_space<vmem>> -> memref<16384xf32, #tpu.memory_space<vmem>>
      %dma_start3A_1511 = tpu.memref_slice %arg2[%add3A_1359] : memref<16777216xf32, #tpu.memory_space<hbm>> -> memref<16384xf32, #tpu.memory_space<hbm>>
      %dma_start3A_1512 = arith.constant 0 : i32
      %dma_start3A_1513 = tpu.memref_slice %arg6[%dma_start3A_1512] : memref<32768xf32, #tpu.memory_space<vmem>> -> memref<16384xf32, #tpu.memory_space<vmem>>
      %dma_start3A_1514 = tpu.memref_slice %arg2[%add3A_1359] : memref<16777216xf32, #tpu.memory_space<hbm>> -> memref<16384xf32, #tpu.memory_space<hbm>>
      tpu.enqueue_dma source(%dma_start3A_1514 : memref<16384xf32, #tpu.memory_space<hbm>>) target(%dma_start3A_1513 : memref<16384xf32, #tpu.memory_space<vmem>>) target_semaphore(%run_scoped3A : memref<!tpu.dma_semaphore, #tpu.memory_space<semaphore_mem>>)
      %dma_wait3A = arith.constant 0 : i32
      %dma_wait3A_1515 = tpu.memref_slice %arg6[%dma_wait3A] : memref<32768xf32, #tpu.memory_space<vmem>> -> memref<16384xf32, #tpu.memory_space<vmem>>
      %dma_wait3A_1516 = tpu.memref_slice %arg2[%add3A_1359] : memref<16777216xf32, #tpu.memory_space<hbm>> -> memref<16384xf32, #tpu.memory_space<hbm>>
      %dma_wait3A_1517 = arith.constant 0 : i32
      %dma_wait3A_1518 = tpu.memref_slice %arg6[%dma_wait3A_1517] : memref<32768xf32, #tpu.memory_space<vmem>> -> memref<16384xf32, #tpu.memory_space<vmem>>
      %dma_wait3A_1519 = tpu.memref_slice %arg2[%add3A_1359] : memref<16777216xf32, #tpu.memory_space<hbm>> -> memref<16384xf32, #tpu.memory_space<hbm>>
      tpu.wait_dma2 semaphore(%run_scoped3A : memref<!tpu.dma_semaphore, #tpu.memory_space<semaphore_mem>>) src(%dma_wait3A_1519 : memref<16384xf32, #tpu.memory_space<hbm>>) dst(%dma_wait3A_1518 : memref<16384xf32, #tpu.memory_space<vmem>>)
      tpu.yield
    }) : () -> ()
    %add3A_1360 = arith.addi %mul3A_757, %rem3A_1357 : i32
    "tpu.region"() ({
      %run_scoped3A = tpu.sem_alloc : memref<!tpu.dma_semaphore, #tpu.memory_space<semaphore_mem>>
      %dma_start3A = arith.constant 16384 : i32
      %dma_start3A_1510 = tpu.memref_slice %arg6[%dma_start3A] : memref<32768xf32, #tpu.memory_space<vmem>> -> memref<16384xf32, #tpu.memory_space<vmem>>
      %dma_start3A_1511 = tpu.memref_slice %arg2[%add3A_1360] : memref<16777216xf32, #tpu.memory_space<hbm>> -> memref<16384xf32, #tpu.memory_space<hbm>>
      %dma_start3A_1512 = arith.constant 16384 : i32
      %dma_start3A_1513 = tpu.memref_slice %arg6[%dma_start3A_1512] : memref<32768xf32, #tpu.memory_space<vmem>> -> memref<16384xf32, #tpu.memory_space<vmem>>
      %dma_start3A_1514 = tpu.memref_slice %arg2[%add3A_1360] : memref<16777216xf32, #tpu.memory_space<hbm>> -> memref<16384xf32, #tpu.memory_space<hbm>>
      tpu.enqueue_dma source(%dma_start3A_1514 : memref<16384xf32, #tpu.memory_space<hbm>>) target(%dma_start3A_1513 : memref<16384xf32, #tpu.memory_space<vmem>>) target_semaphore(%run_scoped3A : memref<!tpu.dma_semaphore, #tpu.memory_space<semaphore_mem>>)
      %dma_wait3A = arith.constant 16384 : i32
      %dma_wait3A_1515 = tpu.memref_slice %arg6[%dma_wait3A] : memref<32768xf32, #tpu.memory_space<vmem>> -> memref<16384xf32, #tpu.memory_space<vmem>>
      %dma_wait3A_1516 = tpu.memref_slice %arg2[%add3A_1360] : memref<16777216xf32, #tpu.memory_space<hbm>> -> memref<16384xf32, #tpu.memory_space<hbm>>
      %dma_wait3A_1517 = arith.constant 16384 : i32
      %dma_wait3A_1518 = tpu.memref_slice %arg6[%dma_wait3A_1517] : memref<32768xf32, #tpu.memory_space<vmem>> -> memref<16384xf32, #tpu.memory_space<vmem>>
      %dma_wait3A_1519 = tpu.memref_slice %arg2[%add3A_1360] : memref<16777216xf32, #tpu.memory_space<hbm>> -> memref<16384xf32, #tpu.memory_space<hbm>>
      tpu.wait_dma2 semaphore(%run_scoped3A : memref<!tpu.dma_semaphore, #tpu.memory_space<semaphore_mem>>) src(%dma_wait3A_1519 : memref<16384xf32, #tpu.memory_space<hbm>>) dst(%dma_wait3A_1518 : memref<16384xf32, #tpu.memory_space<vmem>>)
      tpu.yield
    }) : () -> ()
    %scan3A_1361 = arith.constant 0 : i32
    %scan3A_1362 = arith.constant 0 : i32
    %scan3A_1363 = arith.constant 1024 : i32
    %scan3A_1364 = arith.addi %scan3A_1362, %scan3A_1363 : i32
    %scan3A_1365 = arith.constant 1 : i32
    scf.for %scan3A_1510 = %scan3A_1362 to %scan3A_1364 step %scan3A_1365  : i32 {
      %mul3A_1511 = arith.constant 16 : i32
      %mul3A_1512 = arith.muli %scan3A_1510, %mul3A_1511 : i32
      %add3A_1513 = arith.addi %sub3A_1358, %mul3A_1512 : i32
      %get3A_1514 = arith.index_cast %add3A_1513 : i32 to index
      %get3A_1515 = tpu.vector_load %arg6[%get3A_1514] {strides = array<i32>} : memref<32768xf32, #tpu.memory_space<vmem>>, vector<16xf32>,
      %get3A_1516 = vector.shape_cast %get3A_1515 : vector<16xf32> to vector<16xf32>
      %mul3A_1517 = arith.constant 16 : i32
      %mul3A_1518 = arith.muli %scan3A_1510, %mul3A_1517 : i32
      %swap3A = arith.index_cast %mul3A_1518 : i32 to index
      %swap3A_1519 = tpu.vector_load %arg7[%swap3A] {strides = array<i32>} : memref<16384xf32, #tpu.memory_space<vmem>>, vector<16xf32>,
      %swap3A_1520 = vector.shape_cast %swap3A_1519 : vector<16xf32> to vector<16xf32>
      %swap3A_1521 = vector.shape_cast %get3A_1516 : vector<16xf32> to vector<16xf32>
      tpu.vector_store %arg7[%swap3A], %swap3A_1521 {strides = array<i32>} : memref<16384xf32, #tpu.memory_space<vmem>>, vector<16xf32>,
    }
    %scan3A_1366 = arith.constant 1024 : i32
    %add3A_1367 = arith.constant 196608 : i32
    %add3A_1368 = arith.addi %mul3A_757, %add3A_1367 : i32
    "tpu.region"() ({
      %run_scoped3A = tpu.sem_alloc : memref<!tpu.dma_semaphore, #tpu.memory_space<semaphore_mem>>
      %dma_start3A = tpu.memref_slice %arg4[%add3A_1368] : memref<16777216xf32, #tpu.memory_space<hbm>> -> memref<16384xf32, #tpu.memory_space<hbm>>
      %dma_start3A_1510 = tpu.memref_slice %arg4[%add3A_1368] : memref<16777216xf32, #tpu.memory_space<hbm>> -> memref<16384xf32, #tpu.memory_space<hbm>>
      tpu.enqueue_dma source(%arg7 : memref<16384xf32, #tpu.memory_space<vmem>>) target(%dma_start3A_1510 : memref<16384xf32, #tpu.memory_space<hbm>>) target_semaphore(%run_scoped3A : memref<!tpu.dma_semaphore, #tpu.memory_space<semaphore_mem>>)
      %dma_wait3A = tpu.memref_slice %arg4[%add3A_1368] : memref<16777216xf32, #tpu.memory_space<hbm>> -> memref<16384xf32, #tpu.memory_space<hbm>>
      %dma_wait3A_1511 = tpu.memref_slice %arg4[%add3A_1368] : memref<16777216xf32, #tpu.memory_space<hbm>> -> memref<16384xf32, #tpu.memory_space<hbm>>
      tpu.wait_dma2 semaphore(%run_scoped3A : memref<!tpu.dma_semaphore, #tpu.memory_space<semaphore_mem>>) src(%arg7 : memref<16384xf32, #tpu.memory_space<vmem>>) dst(%dma_wait3A_1511 : memref<16384xf32, #tpu.memory_space<hbm>>)
      tpu.yield
    }) : () -> ()
    %sub3A_1369 = arith.constant 212992 : i32
    %sub3A_1370 = arith.subi %sub3A_1369, %squeeze3A : i32
    %add3A_1371 = arith.constant 262144 : i32
    %add3A_1372 = arith.addi %sub3A_1370, %add3A_1371 : i32
    %rem3A_1373 = arith.constant 262144 : i32
    %rem3A_1374 = arith.remsi %add3A_1372, %rem3A_1373 : i32
    %jit3A_1375 = arith.constant 16384 : i32
    %div3A_1376 = arith.divsi %rem3A_1374, %jit3A_1375 : i32
    %sign3A_1377 = arith.constant 0 : i32
    %sign3A_1378 = arith.cmpi sgt, %rem3A_1374, %sign3A_1377 : i32
    %sign3A_1379 = arith.extui %sign3A_1378 : i1 to i32
    %sign3A_1380 = arith.constant 0 : i32
    %sign3A_1381 = arith.cmpi slt, %rem3A_1374, %sign3A_1380 : i32
    %sign3A_1382 = arith.extui %sign3A_1381 : i1 to i32
    %sign3A_1383 = arith.subi %sign3A_1379, %sign3A_1382 : i32
    %sign3A_1384 = arith.constant 0 : i32
    %sign3A_1385 = arith.cmpi sgt, %jit3A_1375, %sign3A_1384 : i32
    %sign3A_1386 = arith.extui %sign3A_1385 : i1 to i32
    %sign3A_1387 = arith.constant 0 : i32
    %sign3A_1388 = arith.cmpi slt, %jit3A_1375, %sign3A_1387 : i32
    %sign3A_1389 = arith.extui %sign3A_1388 : i1 to i32
    %sign3A_1390 = arith.subi %sign3A_1386, %sign3A_1389 : i32
    %ne3A_1391 = arith.cmpi ne, %sign3A_1383, %sign3A_1390 : i32
    %rem3A_1392 = arith.remsi %rem3A_1374, %jit3A_1375 : i32
    %ne3A_1393 = arith.constant 0 : i32
    %ne3A_1394 = arith.cmpi ne, %rem3A_1392, %ne3A_1393 : i32
    %and3A_1395 = arith.andi %ne3A_1391, %ne3A_1394 : i1
    %sub3A_1396 = arith.constant 1 : i32
    %sub3A_1397 = arith.subi %div3A_1376, %sub3A_1396 : i32
    %select_n3A_1398 = arith.select %and3A_1395, %sub3A_1397, %div3A_1376 : i32
    %mul3A_1399 = arith.constant 16384 : i32
    %mul3A_1400 = arith.muli %select_n3A_1398, %mul3A_1399 : i32
    %add3A_1401 = arith.constant 16384 : i32
    %add3A_1402 = arith.addi %mul3A_1400, %add3A_1401 : i32
    %rem3A_1403 = arith.constant 262144 : i32
    %rem3A_1404 = arith.remsi %add3A_1402, %rem3A_1403 : i32
    %sub3A_1405 = arith.subi %rem3A_1374, %mul3A_1400 : i32
    %add3A_1406 = arith.addi %mul3A_757, %mul3A_1400 : i32
    "tpu.region"() ({
      %run_scoped3A = tpu.sem_alloc : memref<!tpu.dma_semaphore, #tpu.memory_space<semaphore_mem>>
      %dma_start3A = arith.constant 0 : i32
      %dma_start3A_1510 = tpu.memref_slice %arg6[%dma_start3A] : memref<32768xf32, #tpu.memory_space<vmem>> -> memref<16384xf32, #tpu.memory_space<vmem>>
      %dma_start3A_1511 = tpu.memref_slice %arg2[%add3A_1406] : memref<16777216xf32, #tpu.memory_space<hbm>> -> memref<16384xf32, #tpu.memory_space<hbm>>
      %dma_start3A_1512 = arith.constant 0 : i32
      %dma_start3A_1513 = tpu.memref_slice %arg6[%dma_start3A_1512] : memref<32768xf32, #tpu.memory_space<vmem>> -> memref<16384xf32, #tpu.memory_space<vmem>>
      %dma_start3A_1514 = tpu.memref_slice %arg2[%add3A_1406] : memref<16777216xf32, #tpu.memory_space<hbm>> -> memref<16384xf32, #tpu.memory_space<hbm>>
      tpu.enqueue_dma source(%dma_start3A_1514 : memref<16384xf32, #tpu.memory_space<hbm>>) target(%dma_start3A_1513 : memref<16384xf32, #tpu.memory_space<vmem>>) target_semaphore(%run_scoped3A : memref<!tpu.dma_semaphore, #tpu.memory_space<semaphore_mem>>)
      %dma_wait3A = arith.constant 0 : i32
      %dma_wait3A_1515 = tpu.memref_slice %arg6[%dma_wait3A] : memref<32768xf32, #tpu.memory_space<vmem>> -> memref<16384xf32, #tpu.memory_space<vmem>>
      %dma_wait3A_1516 = tpu.memref_slice %arg2[%add3A_1406] : memref<16777216xf32, #tpu.memory_space<hbm>> -> memref<16384xf32, #tpu.memory_space<hbm>>
      %dma_wait3A_1517 = arith.constant 0 : i32
      %dma_wait3A_1518 = tpu.memref_slice %arg6[%dma_wait3A_1517] : memref<32768xf32, #tpu.memory_space<vmem>> -> memref<16384xf32, #tpu.memory_space<vmem>>
      %dma_wait3A_1519 = tpu.memref_slice %arg2[%add3A_1406] : memref<16777216xf32, #tpu.memory_space<hbm>> -> memref<16384xf32, #tpu.memory_space<hbm>>
      tpu.wait_dma2 semaphore(%run_scoped3A : memref<!tpu.dma_semaphore, #tpu.memory_space<semaphore_mem>>) src(%dma_wait3A_1519 : memref<16384xf32, #tpu.memory_space<hbm>>) dst(%dma_wait3A_1518 : memref<16384xf32, #tpu.memory_space<vmem>>)
      tpu.yield
    }) : () -> ()
    %add3A_1407 = arith.addi %mul3A_757, %rem3A_1404 : i32
    "tpu.region"() ({
      %run_scoped3A = tpu.sem_alloc : memref<!tpu.dma_semaphore, #tpu.memory_space<semaphore_mem>>
      %dma_start3A = arith.constant 16384 : i32
      %dma_start3A_1510 = tpu.memref_slice %arg6[%dma_start3A] : memref<32768xf32, #tpu.memory_space<vmem>> -> memref<16384xf32, #tpu.memory_space<vmem>>
      %dma_start3A_1511 = tpu.memref_slice %arg2[%add3A_1407] : memref<16777216xf32, #tpu.memory_space<hbm>> -> memref<16384xf32, #tpu.memory_space<hbm>>
      %dma_start3A_1512 = arith.constant 16384 : i32
      %dma_start3A_1513 = tpu.memref_slice %arg6[%dma_start3A_1512] : memref<32768xf32, #tpu.memory_space<vmem>> -> memref<16384xf32, #tpu.memory_space<vmem>>
      %dma_start3A_1514 = tpu.memref_slice %arg2[%add3A_1407] : memref<16777216xf32, #tpu.memory_space<hbm>> -> memref<16384xf32, #tpu.memory_space<hbm>>
      tpu.enqueue_dma source(%dma_start3A_1514 : memref<16384xf32, #tpu.memory_space<hbm>>) target(%dma_start3A_1513 : memref<16384xf32, #tpu.memory_space<vmem>>) target_semaphore(%run_scoped3A : memref<!tpu.dma_semaphore, #tpu.memory_space<semaphore_mem>>)
      %dma_wait3A = arith.constant 16384 : i32
      %dma_wait3A_1515 = tpu.memref_slice %arg6[%dma_wait3A] : memref<32768xf32, #tpu.memory_space<vmem>> -> memref<16384xf32, #tpu.memory_space<vmem>>
      %dma_wait3A_1516 = tpu.memref_slice %arg2[%add3A_1407] : memref<16777216xf32, #tpu.memory_space<hbm>> -> memref<16384xf32, #tpu.memory_space<hbm>>
      %dma_wait3A_1517 = arith.constant 16384 : i32
      %dma_wait3A_1518 = tpu.memref_slice %arg6[%dma_wait3A_1517] : memref<32768xf32, #tpu.memory_space<vmem>> -> memref<16384xf32, #tpu.memory_space<vmem>>
      %dma_wait3A_1519 = tpu.memref_slice %arg2[%add3A_1407] : memref<16777216xf32, #tpu.memory_space<hbm>> -> memref<16384xf32, #tpu.memory_space<hbm>>
      tpu.wait_dma2 semaphore(%run_scoped3A : memref<!tpu.dma_semaphore, #tpu.memory_space<semaphore_mem>>) src(%dma_wait3A_1519 : memref<16384xf32, #tpu.memory_space<hbm>>) dst(%dma_wait3A_1518 : memref<16384xf32, #tpu.memory_space<vmem>>)
      tpu.yield
    }) : () -> ()
    %scan3A_1408 = arith.constant 0 : i32
    %scan3A_1409 = arith.constant 0 : i32
    %scan3A_1410 = arith.constant 1024 : i32
    %scan3A_1411 = arith.addi %scan3A_1409, %scan3A_1410 : i32
    %scan3A_1412 = arith.constant 1 : i32
    scf.for %scan3A_1510 = %scan3A_1409 to %scan3A_1411 step %scan3A_1412  : i32 {
      %mul3A_1511 = arith.constant 16 : i32
      %mul3A_1512 = arith.muli %scan3A_1510, %mul3A_1511 : i32
      %add3A_1513 = arith.addi %sub3A_1405, %mul3A_1512 : i32
      %get3A_1514 = arith.index_cast %add3A_1513 : i32 to index
      %get3A_1515 = tpu.vector_load %arg6[%get3A_1514] {strides = array<i32>} : memref<32768xf32, #tpu.memory_space<vmem>>, vector<16xf32>,
      %get3A_1516 = vector.shape_cast %get3A_1515 : vector<16xf32> to vector<16xf32>
      %mul3A_1517 = arith.constant 16 : i32
      %mul3A_1518 = arith.muli %scan3A_1510, %mul3A_1517 : i32
      %swap3A = arith.index_cast %mul3A_1518 : i32 to index
      %swap3A_1519 = tpu.vector_load %arg7[%swap3A] {strides = array<i32>} : memref<16384xf32, #tpu.memory_space<vmem>>, vector<16xf32>,
      %swap3A_1520 = vector.shape_cast %swap3A_1519 : vector<16xf32> to vector<16xf32>
      %swap3A_1521 = vector.shape_cast %get3A_1516 : vector<16xf32> to vector<16xf32>
      tpu.vector_store %arg7[%swap3A], %swap3A_1521 {strides = array<i32>} : memref<16384xf32, #tpu.memory_space<vmem>>, vector<16xf32>,
    }
    %scan3A_1413 = arith.constant 1024 : i32
    %add3A_1414 = arith.constant 212992 : i32
    %add3A_1415 = arith.addi %mul3A_757, %add3A_1414 : i32
    "tpu.region"() ({
      %run_scoped3A = tpu.sem_alloc : memref<!tpu.dma_semaphore, #tpu.memory_space<semaphore_mem>>
      %dma_start3A = tpu.memref_slice %arg4[%add3A_1415] : memref<16777216xf32, #tpu.memory_space<hbm>> -> memref<16384xf32, #tpu.memory_space<hbm>>
      %dma_start3A_1510 = tpu.memref_slice %arg4[%add3A_1415] : memref<16777216xf32, #tpu.memory_space<hbm>> -> memref<16384xf32, #tpu.memory_space<hbm>>
      tpu.enqueue_dma source(%arg7 : memref<16384xf32, #tpu.memory_space<vmem>>) target(%dma_start3A_1510 : memref<16384xf32, #tpu.memory_space<hbm>>) target_semaphore(%run_scoped3A : memref<!tpu.dma_semaphore, #tpu.memory_space<semaphore_mem>>)
      %dma_wait3A = tpu.memref_slice %arg4[%add3A_1415] : memref<16777216xf32, #tpu.memory_space<hbm>> -> memref<16384xf32, #tpu.memory_space<hbm>>
      %dma_wait3A_1511 = tpu.memref_slice %arg4[%add3A_1415] : memref<16777216xf32, #tpu.memory_space<hbm>> -> memref<16384xf32, #tpu.memory_space<hbm>>
      tpu.wait_dma2 semaphore(%run_scoped3A : memref<!tpu.dma_semaphore, #tpu.memory_space<semaphore_mem>>) src(%arg7 : memref<16384xf32, #tpu.memory_space<vmem>>) dst(%dma_wait3A_1511 : memref<16384xf32, #tpu.memory_space<hbm>>)
      tpu.yield
    }) : () -> ()
    %sub3A_1416 = arith.constant 229376 : i32
    %sub3A_1417 = arith.subi %sub3A_1416, %squeeze3A : i32
    %add3A_1418 = arith.constant 262144 : i32
    %add3A_1419 = arith.addi %sub3A_1417, %add3A_1418 : i32
    %rem3A_1420 = arith.constant 262144 : i32
    %rem3A_1421 = arith.remsi %add3A_1419, %rem3A_1420 : i32
    %jit3A_1422 = arith.constant 16384 : i32
    %div3A_1423 = arith.divsi %rem3A_1421, %jit3A_1422 : i32
    %sign3A_1424 = arith.constant 0 : i32
    %sign3A_1425 = arith.cmpi sgt, %rem3A_1421, %sign3A_1424 : i32
    %sign3A_1426 = arith.extui %sign3A_1425 : i1 to i32
    %sign3A_1427 = arith.constant 0 : i32
    %sign3A_1428 = arith.cmpi slt, %rem3A_1421, %sign3A_1427 : i32
    %sign3A_1429 = arith.extui %sign3A_1428 : i1 to i32
    %sign3A_1430 = arith.subi %sign3A_1426, %sign3A_1429 : i32
    %sign3A_1431 = arith.constant 0 : i32
    %sign3A_1432 = arith.cmpi sgt, %jit3A_1422, %sign3A_1431 : i32
    %sign3A_1433 = arith.extui %sign3A_1432 : i1 to i32
    %sign3A_1434 = arith.constant 0 : i32
    %sign3A_1435 = arith.cmpi slt, %jit3A_1422, %sign3A_1434 : i32
    %sign3A_1436 = arith.extui %sign3A_1435 : i1 to i32
    %sign3A_1437 = arith.subi %sign3A_1433, %sign3A_1436 : i32
    %ne3A_1438 = arith.cmpi ne, %sign3A_1430, %sign3A_1437 : i32
    %rem3A_1439 = arith.remsi %rem3A_1421, %jit3A_1422 : i32
    %ne3A_1440 = arith.constant 0 : i32
    %ne3A_1441 = arith.cmpi ne, %rem3A_1439, %ne3A_1440 : i32
    %and3A_1442 = arith.andi %ne3A_1438, %ne3A_1441 : i1
    %sub3A_1443 = arith.constant 1 : i32
    %sub3A_1444 = arith.subi %div3A_1423, %sub3A_1443 : i32
    %select_n3A_1445 = arith.select %and3A_1442, %sub3A_1444, %div3A_1423 : i32
    %mul3A_1446 = arith.constant 16384 : i32
    %mul3A_1447 = arith.muli %select_n3A_1445, %mul3A_1446 : i32
    %add3A_1448 = arith.constant 16384 : i32
    %add3A_1449 = arith.addi %mul3A_1447, %add3A_1448 : i32
    %rem3A_1450 = arith.constant 262144 : i32
    %rem3A_1451 = arith.remsi %add3A_1449, %rem3A_1450 : i32
    %sub3A_1452 = arith.subi %rem3A_1421, %mul3A_1447 : i32
    %add3A_1453 = arith.addi %mul3A_757, %mul3A_1447 : i32
    "tpu.region"() ({
      %run_scoped3A = tpu.sem_alloc : memref<!tpu.dma_semaphore, #tpu.memory_space<semaphore_mem>>
      %dma_start3A = arith.constant 0 : i32
      %dma_start3A_1510 = tpu.memref_slice %arg6[%dma_start3A] : memref<32768xf32, #tpu.memory_space<vmem>> -> memref<16384xf32, #tpu.memory_space<vmem>>
      %dma_start3A_1511 = tpu.memref_slice %arg2[%add3A_1453] : memref<16777216xf32, #tpu.memory_space<hbm>> -> memref<16384xf32, #tpu.memory_space<hbm>>
      %dma_start3A_1512 = arith.constant 0 : i32
      %dma_start3A_1513 = tpu.memref_slice %arg6[%dma_start3A_1512] : memref<32768xf32, #tpu.memory_space<vmem>> -> memref<16384xf32, #tpu.memory_space<vmem>>
      %dma_start3A_1514 = tpu.memref_slice %arg2[%add3A_1453] : memref<16777216xf32, #tpu.memory_space<hbm>> -> memref<16384xf32, #tpu.memory_space<hbm>>
      tpu.enqueue_dma source(%dma_start3A_1514 : memref<16384xf32, #tpu.memory_space<hbm>>) target(%dma_start3A_1513 : memref<16384xf32, #tpu.memory_space<vmem>>) target_semaphore(%run_scoped3A : memref<!tpu.dma_semaphore, #tpu.memory_space<semaphore_mem>>)
      %dma_wait3A = arith.constant 0 : i32
      %dma_wait3A_1515 = tpu.memref_slice %arg6[%dma_wait3A] : memref<32768xf32, #tpu.memory_space<vmem>> -> memref<16384xf32, #tpu.memory_space<vmem>>
      %dma_wait3A_1516 = tpu.memref_slice %arg2[%add3A_1453] : memref<16777216xf32, #tpu.memory_space<hbm>> -> memref<16384xf32, #tpu.memory_space<hbm>>
      %dma_wait3A_1517 = arith.constant 0 : i32
      %dma_wait3A_1518 = tpu.memref_slice %arg6[%dma_wait3A_1517] : memref<32768xf32, #tpu.memory_space<vmem>> -> memref<16384xf32, #tpu.memory_space<vmem>>
      %dma_wait3A_1519 = tpu.memref_slice %arg2[%add3A_1453] : memref<16777216xf32, #tpu.memory_space<hbm>> -> memref<16384xf32, #tpu.memory_space<hbm>>
      tpu.wait_dma2 semaphore(%run_scoped3A : memref<!tpu.dma_semaphore, #tpu.memory_space<semaphore_mem>>) src(%dma_wait3A_1519 : memref<16384xf32, #tpu.memory_space<hbm>>) dst(%dma_wait3A_1518 : memref<16384xf32, #tpu.memory_space<vmem>>)
      tpu.yield
    }) : () -> ()
    %add3A_1454 = arith.addi %mul3A_757, %rem3A_1451 : i32
    "tpu.region"() ({
      %run_scoped3A = tpu.sem_alloc : memref<!tpu.dma_semaphore, #tpu.memory_space<semaphore_mem>>
      %dma_start3A = arith.constant 16384 : i32
      %dma_start3A_1510 = tpu.memref_slice %arg6[%dma_start3A] : memref<32768xf32, #tpu.memory_space<vmem>> -> memref<16384xf32, #tpu.memory_space<vmem>>
      %dma_start3A_1511 = tpu.memref_slice %arg2[%add3A_1454] : memref<16777216xf32, #tpu.memory_space<hbm>> -> memref<16384xf32, #tpu.memory_space<hbm>>
      %dma_start3A_1512 = arith.constant 16384 : i32
      %dma_start3A_1513 = tpu.memref_slice %arg6[%dma_start3A_1512] : memref<32768xf32, #tpu.memory_space<vmem>> -> memref<16384xf32, #tpu.memory_space<vmem>>
      %dma_start3A_1514 = tpu.memref_slice %arg2[%add3A_1454] : memref<16777216xf32, #tpu.memory_space<hbm>> -> memref<16384xf32, #tpu.memory_space<hbm>>
      tpu.enqueue_dma source(%dma_start3A_1514 : memref<16384xf32, #tpu.memory_space<hbm>>) target(%dma_start3A_1513 : memref<16384xf32, #tpu.memory_space<vmem>>) target_semaphore(%run_scoped3A : memref<!tpu.dma_semaphore, #tpu.memory_space<semaphore_mem>>)
      %dma_wait3A = arith.constant 16384 : i32
      %dma_wait3A_1515 = tpu.memref_slice %arg6[%dma_wait3A] : memref<32768xf32, #tpu.memory_space<vmem>> -> memref<16384xf32, #tpu.memory_space<vmem>>
      %dma_wait3A_1516 = tpu.memref_slice %arg2[%add3A_1454] : memref<16777216xf32, #tpu.memory_space<hbm>> -> memref<16384xf32, #tpu.memory_space<hbm>>
      %dma_wait3A_1517 = arith.constant 16384 : i32
      %dma_wait3A_1518 = tpu.memref_slice %arg6[%dma_wait3A_1517] : memref<32768xf32, #tpu.memory_space<vmem>> -> memref<16384xf32, #tpu.memory_space<vmem>>
      %dma_wait3A_1519 = tpu.memref_slice %arg2[%add3A_1454] : memref<16777216xf32, #tpu.memory_space<hbm>> -> memref<16384xf32, #tpu.memory_space<hbm>>
      tpu.wait_dma2 semaphore(%run_scoped3A : memref<!tpu.dma_semaphore, #tpu.memory_space<semaphore_mem>>) src(%dma_wait3A_1519 : memref<16384xf32, #tpu.memory_space<hbm>>) dst(%dma_wait3A_1518 : memref<16384xf32, #tpu.memory_space<vmem>>)
      tpu.yield
    }) : () -> ()
    %scan3A_1455 = arith.constant 0 : i32
    %scan3A_1456 = arith.constant 0 : i32
    %scan3A_1457 = arith.constant 1024 : i32
    %scan3A_1458 = arith.addi %scan3A_1456, %scan3A_1457 : i32
    %scan3A_1459 = arith.constant 1 : i32
    scf.for %scan3A_1510 = %scan3A_1456 to %scan3A_1458 step %scan3A_1459  : i32 {
      %mul3A_1511 = arith.constant 16 : i32
      %mul3A_1512 = arith.muli %scan3A_1510, %mul3A_1511 : i32
      %add3A_1513 = arith.addi %sub3A_1452, %mul3A_1512 : i32
      %get3A_1514 = arith.index_cast %add3A_1513 : i32 to index
      %get3A_1515 = tpu.vector_load %arg6[%get3A_1514] {strides = array<i32>} : memref<32768xf32, #tpu.memory_space<vmem>>, vector<16xf32>,
      %get3A_1516 = vector.shape_cast %get3A_1515 : vector<16xf32> to vector<16xf32>
      %mul3A_1517 = arith.constant 16 : i32
      %mul3A_1518 = arith.muli %scan3A_1510, %mul3A_1517 : i32
      %swap3A = arith.index_cast %mul3A_1518 : i32 to index
      %swap3A_1519 = tpu.vector_load %arg7[%swap3A] {strides = array<i32>} : memref<16384xf32, #tpu.memory_space<vmem>>, vector<16xf32>,
      %swap3A_1520 = vector.shape_cast %swap3A_1519 : vector<16xf32> to vector<16xf32>
      %swap3A_1521 = vector.shape_cast %get3A_1516 : vector<16xf32> to vector<16xf32>
      tpu.vector_store %arg7[%swap3A], %swap3A_1521 {strides = array<i32>} : memref<16384xf32, #tpu.memory_space<vmem>>, vector<16xf32>,
    }
    %scan3A_1460 = arith.constant 1024 : i32
    %add3A_1461 = arith.constant 229376 : i32
    %add3A_1462 = arith.addi %mul3A_757, %add3A_1461 : i32
    "tpu.region"() ({
      %run_scoped3A = tpu.sem_alloc : memref<!tpu.dma_semaphore, #tpu.memory_space<semaphore_mem>>
      %dma_start3A = tpu.memref_slice %arg4[%add3A_1462] : memref<16777216xf32, #tpu.memory_space<hbm>> -> memref<16384xf32, #tpu.memory_space<hbm>>
      %dma_start3A_1510 = tpu.memref_slice %arg4[%add3A_1462] : memref<16777216xf32, #tpu.memory_space<hbm>> -> memref<16384xf32, #tpu.memory_space<hbm>>
      tpu.enqueue_dma source(%arg7 : memref<16384xf32, #tpu.memory_space<vmem>>) target(%dma_start3A_1510 : memref<16384xf32, #tpu.memory_space<hbm>>) target_semaphore(%run_scoped3A : memref<!tpu.dma_semaphore, #tpu.memory_space<semaphore_mem>>)
      %dma_wait3A = tpu.memref_slice %arg4[%add3A_1462] : memref<16777216xf32, #tpu.memory_space<hbm>> -> memref<16384xf32, #tpu.memory_space<hbm>>
      %dma_wait3A_1511 = tpu.memref_slice %arg4[%add3A_1462] : memref<16777216xf32, #tpu.memory_space<hbm>> -> memref<16384xf32, #tpu.memory_space<hbm>>
      tpu.wait_dma2 semaphore(%run_scoped3A : memref<!tpu.dma_semaphore, #tpu.memory_space<semaphore_mem>>) src(%arg7 : memref<16384xf32, #tpu.memory_space<vmem>>) dst(%dma_wait3A_1511 : memref<16384xf32, #tpu.memory_space<hbm>>)
      tpu.yield
    }) : () -> ()
    %sub3A_1463 = arith.constant 245760 : i32
    %sub3A_1464 = arith.subi %sub3A_1463, %squeeze3A : i32
    %add3A_1465 = arith.constant 262144 : i32
    %add3A_1466 = arith.addi %sub3A_1464, %add3A_1465 : i32
    %rem3A_1467 = arith.constant 262144 : i32
    %rem3A_1468 = arith.remsi %add3A_1466, %rem3A_1467 : i32
    %jit3A_1469 = arith.constant 16384 : i32
    %div3A_1470 = arith.divsi %rem3A_1468, %jit3A_1469 : i32
    %sign3A_1471 = arith.constant 0 : i32
    %sign3A_1472 = arith.cmpi sgt, %rem3A_1468, %sign3A_1471 : i32
    %sign3A_1473 = arith.extui %sign3A_1472 : i1 to i32
    %sign3A_1474 = arith.constant 0 : i32
    %sign3A_1475 = arith.cmpi slt, %rem3A_1468, %sign3A_1474 : i32
    %sign3A_1476 = arith.extui %sign3A_1475 : i1 to i32
    %sign3A_1477 = arith.subi %sign3A_1473, %sign3A_1476 : i32
    %sign3A_1478 = arith.constant 0 : i32
    %sign3A_1479 = arith.cmpi sgt, %jit3A_1469, %sign3A_1478 : i32
    %sign3A_1480 = arith.extui %sign3A_1479 : i1 to i32
    %sign3A_1481 = arith.constant 0 : i32
    %sign3A_1482 = arith.cmpi slt, %jit3A_1469, %sign3A_1481 : i32
    %sign3A_1483 = arith.extui %sign3A_1482 : i1 to i32
    %sign3A_1484 = arith.subi %sign3A_1480, %sign3A_1483 : i32
    %ne3A_1485 = arith.cmpi ne, %sign3A_1477, %sign3A_1484 : i32
    %rem3A_1486 = arith.remsi %rem3A_1468, %jit3A_1469 : i32
    %ne3A_1487 = arith.constant 0 : i32
    %ne3A_1488 = arith.cmpi ne, %rem3A_1486, %ne3A_1487 : i32
    %and3A_1489 = arith.andi %ne3A_1485, %ne3A_1488 : i1
    %sub3A_1490 = arith.constant 1 : i32
    %sub3A_1491 = arith.subi %div3A_1470, %sub3A_1490 : i32
    %select_n3A_1492 = arith.select %and3A_1489, %sub3A_1491, %div3A_1470 : i32
    %mul3A_1493 = arith.constant 16384 : i32
    %mul3A_1494 = arith.muli %select_n3A_1492, %mul3A_1493 : i32
    %add3A_1495 = arith.constant 16384 : i32
    %add3A_1496 = arith.addi %mul3A_1494, %add3A_1495 : i32
    %rem3A_1497 = arith.constant 262144 : i32
    %rem3A_1498 = arith.remsi %add3A_1496, %rem3A_1497 : i32
    %sub3A_1499 = arith.subi %rem3A_1468, %mul3A_1494 : i32
    %add3A_1500 = arith.addi %mul3A_757, %mul3A_1494 : i32
    "tpu.region"() ({
      %run_scoped3A = tpu.sem_alloc : memref<!tpu.dma_semaphore, #tpu.memory_space<semaphore_mem>>
      %dma_start3A = arith.constant 0 : i32
      %dma_start3A_1510 = tpu.memref_slice %arg6[%dma_start3A] : memref<32768xf32, #tpu.memory_space<vmem>> -> memref<16384xf32, #tpu.memory_space<vmem>>
      %dma_start3A_1511 = tpu.memref_slice %arg2[%add3A_1500] : memref<16777216xf32, #tpu.memory_space<hbm>> -> memref<16384xf32, #tpu.memory_space<hbm>>
      %dma_start3A_1512 = arith.constant 0 : i32
      %dma_start3A_1513 = tpu.memref_slice %arg6[%dma_start3A_1512] : memref<32768xf32, #tpu.memory_space<vmem>> -> memref<16384xf32, #tpu.memory_space<vmem>>
      %dma_start3A_1514 = tpu.memref_slice %arg2[%add3A_1500] : memref<16777216xf32, #tpu.memory_space<hbm>> -> memref<16384xf32, #tpu.memory_space<hbm>>
      tpu.enqueue_dma source(%dma_start3A_1514 : memref<16384xf32, #tpu.memory_space<hbm>>) target(%dma_start3A_1513 : memref<16384xf32, #tpu.memory_space<vmem>>) target_semaphore(%run_scoped3A : memref<!tpu.dma_semaphore, #tpu.memory_space<semaphore_mem>>)
      %dma_wait3A = arith.constant 0 : i32
      %dma_wait3A_1515 = tpu.memref_slice %arg6[%dma_wait3A] : memref<32768xf32, #tpu.memory_space<vmem>> -> memref<16384xf32, #tpu.memory_space<vmem>>
      %dma_wait3A_1516 = tpu.memref_slice %arg2[%add3A_1500] : memref<16777216xf32, #tpu.memory_space<hbm>> -> memref<16384xf32, #tpu.memory_space<hbm>>
      %dma_wait3A_1517 = arith.constant 0 : i32
      %dma_wait3A_1518 = tpu.memref_slice %arg6[%dma_wait3A_1517] : memref<32768xf32, #tpu.memory_space<vmem>> -> memref<16384xf32, #tpu.memory_space<vmem>>
      %dma_wait3A_1519 = tpu.memref_slice %arg2[%add3A_1500] : memref<16777216xf32, #tpu.memory_space<hbm>> -> memref<16384xf32, #tpu.memory_space<hbm>>
      tpu.wait_dma2 semaphore(%run_scoped3A : memref<!tpu.dma_semaphore, #tpu.memory_space<semaphore_mem>>) src(%dma_wait3A_1519 : memref<16384xf32, #tpu.memory_space<hbm>>) dst(%dma_wait3A_1518 : memref<16384xf32, #tpu.memory_space<vmem>>)
      tpu.yield
    }) : () -> ()
    %add3A_1501 = arith.addi %mul3A_757, %rem3A_1498 : i32
    "tpu.region"() ({
      %run_scoped3A = tpu.sem_alloc : memref<!tpu.dma_semaphore, #tpu.memory_space<semaphore_mem>>
      %dma_start3A = arith.constant 16384 : i32
      %dma_start3A_1510 = tpu.memref_slice %arg6[%dma_start3A] : memref<32768xf32, #tpu.memory_space<vmem>> -> memref<16384xf32, #tpu.memory_space<vmem>>
      %dma_start3A_1511 = tpu.memref_slice %arg2[%add3A_1501] : memref<16777216xf32, #tpu.memory_space<hbm>> -> memref<16384xf32, #tpu.memory_space<hbm>>
      %dma_start3A_1512 = arith.constant 16384 : i32
      %dma_start3A_1513 = tpu.memref_slice %arg6[%dma_start3A_1512] : memref<32768xf32, #tpu.memory_space<vmem>> -> memref<16384xf32, #tpu.memory_space<vmem>>
      %dma_start3A_1514 = tpu.memref_slice %arg2[%add3A_1501] : memref<16777216xf32, #tpu.memory_space<hbm>> -> memref<16384xf32, #tpu.memory_space<hbm>>
      tpu.enqueue_dma source(%dma_start3A_1514 : memref<16384xf32, #tpu.memory_space<hbm>>) target(%dma_start3A_1513 : memref<16384xf32, #tpu.memory_space<vmem>>) target_semaphore(%run_scoped3A : memref<!tpu.dma_semaphore, #tpu.memory_space<semaphore_mem>>)
      %dma_wait3A = arith.constant 16384 : i32
      %dma_wait3A_1515 = tpu.memref_slice %arg6[%dma_wait3A] : memref<32768xf32, #tpu.memory_space<vmem>> -> memref<16384xf32, #tpu.memory_space<vmem>>
      %dma_wait3A_1516 = tpu.memref_slice %arg2[%add3A_1501] : memref<16777216xf32, #tpu.memory_space<hbm>> -> memref<16384xf32, #tpu.memory_space<hbm>>
      %dma_wait3A_1517 = arith.constant 16384 : i32
      %dma_wait3A_1518 = tpu.memref_slice %arg6[%dma_wait3A_1517] : memref<32768xf32, #tpu.memory_space<vmem>> -> memref<16384xf32, #tpu.memory_space<vmem>>
      %dma_wait3A_1519 = tpu.memref_slice %arg2[%add3A_1501] : memref<16777216xf32, #tpu.memory_space<hbm>> -> memref<16384xf32, #tpu.memory_space<hbm>>
      tpu.wait_dma2 semaphore(%run_scoped3A : memref<!tpu.dma_semaphore, #tpu.memory_space<semaphore_mem>>) src(%dma_wait3A_1519 : memref<16384xf32, #tpu.memory_space<hbm>>) dst(%dma_wait3A_1518 : memref<16384xf32, #tpu.memory_space<vmem>>)
      tpu.yield
    }) : () -> ()
    %scan3A_1502 = arith.constant 0 : i32
    %scan3A_1503 = arith.constant 0 : i32
    %scan3A_1504 = arith.constant 1024 : i32
    %scan3A_1505 = arith.addi %scan3A_1503, %scan3A_1504 : i32
    %scan3A_1506 = arith.constant 1 : i32
    scf.for %scan3A_1510 = %scan3A_1503 to %scan3A_1505 step %scan3A_1506  : i32 {
      %mul3A_1511 = arith.constant 16 : i32
      %mul3A_1512 = arith.muli %scan3A_1510, %mul3A_1511 : i32
      %add3A_1513 = arith.addi %sub3A_1499, %mul3A_1512 : i32
      %get3A_1514 = arith.index_cast %add3A_1513 : i32 to index
      %get3A_1515 = tpu.vector_load %arg6[%get3A_1514] {strides = array<i32>} : memref<32768xf32, #tpu.memory_space<vmem>>, vector<16xf32>,
      %get3A_1516 = vector.shape_cast %get3A_1515 : vector<16xf32> to vector<16xf32>
      %mul3A_1517 = arith.constant 16 : i32
      %mul3A_1518 = arith.muli %scan3A_1510, %mul3A_1517 : i32
      %swap3A = arith.index_cast %mul3A_1518 : i32 to index
      %swap3A_1519 = tpu.vector_load %arg7[%swap3A] {strides = array<i32>} : memref<16384xf32, #tpu.memory_space<vmem>>, vector<16xf32>,
      %swap3A_1520 = vector.shape_cast %swap3A_1519 : vector<16xf32> to vector<16xf32>
      %swap3A_1521 = vector.shape_cast %get3A_1516 : vector<16xf32> to vector<16xf32>
      tpu.vector_store %arg7[%swap3A], %swap3A_1521 {strides = array<i32>} : memref<16384xf32, #tpu.memory_space<vmem>>, vector<16xf32>,
    }
    %scan3A_1507 = arith.constant 1024 : i32
    %add3A_1508 = arith.constant 245760 : i32
    %add3A_1509 = arith.addi %mul3A_757, %add3A_1508 : i32
    "tpu.region"() ({
      %run_scoped3A = tpu.sem_alloc : memref<!tpu.dma_semaphore, #tpu.memory_space<semaphore_mem>>
      %dma_start3A = tpu.memref_slice %arg4[%add3A_1509] : memref<16777216xf32, #tpu.memory_space<hbm>> -> memref<16384xf32, #tpu.memory_space<hbm>>
      %dma_start3A_1510 = tpu.memref_slice %arg4[%add3A_1509] : memref<16777216xf32, #tpu.memory_space<hbm>> -> memref<16384xf32, #tpu.memory_space<hbm>>
      tpu.enqueue_dma source(%arg7 : memref<16384xf32, #tpu.memory_space<vmem>>) target(%dma_start3A_1510 : memref<16384xf32, #tpu.memory_space<hbm>>) target_semaphore(%run_scoped3A : memref<!tpu.dma_semaphore, #tpu.memory_space<semaphore_mem>>)
      %dma_wait3A = tpu.memref_slice %arg4[%add3A_1509] : memref<16777216xf32, #tpu.memory_space<hbm>> -> memref<16384xf32, #tpu.memory_space<hbm>>
      %dma_wait3A_1511 = tpu.memref_slice %arg4[%add3A_1509] : memref<16777216xf32, #tpu.memory_space<hbm>> -> memref<16384xf32, #tpu.memory_space<hbm>>
      tpu.wait_dma2 semaphore(%run_scoped3A : memref<!tpu.dma_semaphore, #tpu.memory_space<semaphore_mem>>) src(%arg7 : memref<16384xf32, #tpu.memory_space<vmem>>) dst(%dma_wait3A_1511 : memref<16384xf32, #tpu.memory_space<hbm>>)
      tpu.yield
    }) : () -> ()
    return
  }
}

</mosaic_0001>

<sc_bundles>
// kernel: kernel.3.cloned.1.call-start
scs
__scs_entry_jumppad:
0x0: {  	(pc) =	sbr.rel $0x88, $3  }
0x1: {  	(tag) =	ssettag $0x0;
	lr =	simm.s32 $0x1  }
0x2: {  	[smem:$0x3F9E] =	sst lr;
	_ =	strace $0xD0000000  }
0x3: {  	_ = 	snop  }
0x4: {  	_ = 	snop  }
0x5: {  	_ = 	snop  }
0x6: {  	_ = 	snop  }
0x7: {  	_ = 	snop  }
__scs_overlays_trampoline_lowered:
0x8: {  	[smem:$0x3FAD] =	sst s0  }
0x9: {  	[smem:$0x3FAE] =	sst s1  }
0xa: {  	[smem:$0x3FAF] =	sst s2  }
0xb: {  	[smem:$0x3FB0] =	sst s3  }
0xc: {  	[smem:$0x3FB1] =	sst s4  }
0xd: {  	[smem:$0x3FB2] =	sst s5  }
0xe: {  	[smem:$0x3FB3] =	sst s6  }
0xf: {  	[smem:$0x3FB4] =	sst s7  }
0x10: {  	[smem:$0x3FB5] =	sst s8  }
0x11: {  	[smem:$0x3FB6] =	sst s9;
	s0 =	simm.s32 @!p0 $0x0  }
0x12: {  	s1 =	sld [smem:$0x3F9C];
	s0 =	simm.s32 @p0 $0x1  }
0x13: {  	[smem:$0x3FB7] =	sst s0;
	s0 =	simm.s32 @!p1 $0x0  }
0x14: {  	s2 =	sld [smem:$0x3F9B];
	s0 =	simm.s32 @p1 $0x1  }
0x15: {  	[smem:$0x3FB8] =	sst s0;
	s0 =	simm.s32 @!p2 $0x0  }
0x16: {  	s3 =	sld [smem:$0x3FDB];
	s0 =	simm.s32 @p2 $0x1  }
0x17: {  	s4 =	simm.s32 $0x1BF5;
	[smem:$0x3FBA] =	sst s0  }
0x18: {  	s0 =	sld [smem:$0x3F9D];
	_ =	swait.ge [sflag:s4], $0x0  }
0x19: {  	s7 =	sld [smem:$0x3F9E]  }
0x1a: {  	s8 =	sadd.s32 $0xFFFFE003, lr  }
0x1b: {  	s9 =	sadd.s32 $0xFFFFFEF7, lr;
	s5 =	simm.s32 $0xFFFFFFFF;
	p2 =	slt.u32 s8, $0xFFFFF086  }
0x1c: {  	p1 =	slt.u32 s9, $0xF7A;
	s5 =	simm.s32 @!p2 $0x0  }
0x1d: {  	s5 =	simm.s32 @p1 $0x1;
	p0 =	seq.s32 s7, s2  }
0x1e: {  	s7 =	smul.u32 @!p0 $0xF7A, s2;
	p2 =	seq.s32 @!p0 s5, $0x0  }
0x1f: {  	s9 =	smul.u32 $0xF7A, s1;
	s8 =	simm.s32 @!p0 $0x1BF5;
	p2 =	por !p2, p0  }
0x20: {  	[sflag:s8] =	ssyncset.s32 @!p0 $0xFFFFF086;
	s6 =	sadd.s32 @!p0 s3, s7;
	s7 =	simm.s32 @!p0 $0x108  }
0x21: {  	s3 =	sadd.s32 s3, s9;
	s6 =	sadd.s32 @!p0 $0x88, s6;
	s7 =	simm.s32 @p2 $0x1082  }
0x22: {  	[simem:s7], [sflag:s8] =	dma.local @!p0 [hbm:s6], $0xF7A  }
0x23: {  	s9 =	sor.u32 $0xD0000000, s2;
	s6 =	simm.s32 $0x108;
	_ =	swait.ge @!p0 [sflag:s8], $0x0  }
0x24: {  	s3 =	sadd.s32 $0x88, s3;
	s6 =	simm.s32 @!p1 $0x1082;
	[sflag:s4] =	ssyncset.s32 $0xFFFFF086  }
0x25: {  	[simem:s6], [sflag:s4] =	dma.local [hbm:s3], $0xF7A  }
0x26: {  	[smem:$0x3F9E] =	sst s1;
	(tag) =	ssettag s2;
	_ =	strace s9  }
0x27: {  	s1 =	sld [smem:$0x3FAE]  }
0x28: {  	s2 =	sld [smem:$0x3FAF]  }
0x29: {  	s4 =	sld [smem:$0x3FB1]  }
0x2a: {  	p0 =	seq.s32 s5, $0x0;
	s5 =	sld [smem:$0x3FB2]  }
0x2b: {  	s6 =	sld [smem:$0x3FB3]  }
0x2c: {  	s7 =	sld [smem:$0x3FB4]  }
0x2d: {  	s3 =	simm.s32 $0x108;
	s8 =	sld [smem:$0x3FB5]  }
0x2e: {  	s3 =	simm.s32 @!p0 $0x1082;
	s9 =	sld [smem:$0x3FB6]  }
0x2f: {  	lr =	sadd.s32 s0, s3;
	s0 =	sld [smem:$0x3FAD]  }
0x30: {  	s3 =	sld [smem:$0x3FB0]  }
0x31: {  	[smem:$0x3FB9] =	sst s10  }
0x32: {  	s10 =	sld [smem:$0x3FB7];
	_ =	sdelay $0x3  }
0x33: {  	p0 =	seq.s32 s10, $0x1;
	s10 =	sld [smem:$0x3FB9];
	_ =	sdelay $0x3  }
0x34: {  	[smem:$0x3FB9] =	sst s10  }
0x35: {  	s10 =	sld [smem:$0x3FB8];
	_ =	sdelay $0x3  }
0x36: {  	p1 =	seq.s32 s10, $0x1;
	s10 =	sld [smem:$0x3FB9];
	_ =	sdelay $0x3  }
0x37: {  	[smem:$0x3FB9] =	sst s10  }
0x38: {  	s10 =	sld [smem:$0x3FBA]  }
0x39: {  	_ = 	snop;
	(pc) =	sbr.ind lr, $3  }
0x3a: {  	_ = 	snop  }
0x3b: {  	_ = 	snop  }
0x3c: {  	p2 =	seq.s32 s10, $0x1;
	s10 =	sld [smem:$0x3FB9]  }
0x3d: {  	_ =	shalt  }
0x3e: {  	_ =	shalt  }
0x3f: {  	_ =	shalt  }
0x40: {  	_ =	shalt  }
0x41: {  	_ =	shalt  }
0x42: {  	_ =	shalt  }
0x43: {  	_ =	shalt  }
0x44: {  	_ =	shalt  }
0x45: {  	_ =	shalt  }
0x46: {  	_ =	shalt  }
0x47: {  	_ =	shalt  }
0x48: {  	_ =	shalt  }
0x49: {  	_ =	shalt  }
0x4a: {  	_ =	shalt  }
0x4b: {  	_ =	shalt  }
0x4c: {  	_ =	shalt  }
0x4d: {  	_ =	shalt  }
0x4e: {  	_ =	shalt  }
0x4f: {  	_ =	shalt  }
0x50: {  	_ =	shalt  }
0x51: {  	_ =	shalt  }
0x52: {  	_ =	shalt  }
0x53: {  	_ =	shalt  }
0x54: {  	_ =	shalt  }
0x55: {  	_ =	shalt  }
0x56: {  	_ =	shalt  }
0x57: {  	_ =	shalt  }
0x58: {  	_ =	shalt  }
0x59: {  	_ =	shalt  }
0x5a: {  	_ =	shalt  }
0x5b: {  	_ =	shalt  }
0x5c: {  	_ =	shalt  }
0x5d: {  	_ =	shalt  }
0x5e: {  	_ =	shalt  }
0x5f: {  	_ =	shalt  }
0x60: {  	_ =	shalt  }
0x61: {  	_ =	shalt  }
0x62: {  	_ =	shalt  }
0x63: {  	_ =	shalt  }
0x64: {  	_ =	shalt  }
0x65: {  	_ =	shalt  }
0x66: {  	_ =	shalt  }
0x67: {  	_ =	shalt  }
0x68: {  	_ =	shalt  }
0x69: {  	_ =	shalt  }
0x6a: {  	_ =	shalt  }
0x6b: {  	_ =	shalt  }
0x6c: {  	_ =	shalt  }
0x6d: {  	_ =	shalt  }
0x6e: {  	_ =	shalt  }
0x6f: {  	_ =	shalt  }
0x70: {  	_ =	shalt  }
0x71: {  	_ =	shalt  }
0x72: {  	_ =	shalt  }
0x73: {  	_ =	shalt  }
0x74: {  	_ =	shalt  }
0x75: {  	_ =	shalt  }
0x76: {  	_ =	shalt  }
0x77: {  	_ =	shalt  }
0x78: {  	_ =	shalt  }
0x79: {  	_ =	shalt  }
0x7a: {  	_ =	shalt  }
0x7b: {  	_ =	shalt  }
0x7c: {  	_ =	shalt  }
0x7d: {  	_ =	shalt  }
0x7e: {  	_ =	shalt  }
0x7f: {  	_ =	shalt  }
0x80: {  	_ =	shalt  }
0x81: {  	_ =	shalt  }
0x82: {  	_ =	shalt  }
0x83: {  	_ =	shalt  }
0x84: {  	_ =	shalt  }
0x85: {  	_ =	shalt  }
0x86: {  	_ =	shalt  }
0x87: {  	_ =	shalt  }
.Lfunc_end0:
.L_simem_size_0:
called_computation.1_lowered:
.L_overlay_start_0:
0x88: {  	s2 =	sld [smem:$0x3FD9]  }
0x89: {  	s3 =	sld [smem:$0x3FFE];
	_ =	sdelay $0x1  }
0x8a: {  	s1 =	srdreg.scid  }
0x8b: {  	s0 =	sand.u32 $0x1, s1  }
0x8c: {  	s17 =	sshll.u32 s0, $0xA;
	s2 =	sadd.s32 s3, s2  }
0x8d: {  	s2 =	sadd.s32 s2, s17  }
0x8e: {  	[smem:$0x3FC5] =	sst s2  }
0x8f: {  	_ = 	snop  }
0x90: {  	s2 =	sld [smem:$0x3FD0];
	(tm) =	ssettm $0x1  }
0x91: {  	s18 =	sld [smem:$0x3FFB];
	_ =	sdelay $0x3  }
0x92: {  	_ =	strace s18  }
0x93: {  	s3 =	sld [smem:$0x3FFC];
	_ =	sdelay $0x3  }
0x94: {  	_ =	strace s3  }
0x95: {  	s3 =	sld [smem:$0x3FFD];
	_ =	sdelay $0x3  }
0x96: {  	_ =	strace s3  }
0x97: {  	_ =	strace $0x8FFFFFFF  }
0x98: {  	s19 =	sld [smem:$0x3FDB];
	_ =	sdelay $0x1  }
0x99: {  	s4 =	simm.s32 $_scs_section_size  }
0x9a: {  	s5 =	simm.s32 $_size__tile_overlayer_lowered;
	s6 =	simm.s32 $_tile_overlayer_lowered  }
0x9b: {  	s22 =	simm.s32 $0x1BFF;
	s21 =	sshll.u32 s6, $0x1;
	s3 =	sadd.s32 s4, s19  }
0x9c: {  	s7 =	simm.s32 $0x0;
	s20 =	sshll.u32 s5, $0x1;
	s5 =	sadd.s32 s21, s3  }
0x9d: {  	[timem:s7], [sflag:s22] =	dma.local [hbm:s5], s20  }
0x9e: {  	_ =	swait.ge [sflag:s22], s20  }
0x9f: {  	s4 =	ssub.s32 $0x0, s20;
	[sflag:s22] =	ssyncset.done $0x0  }
0xa0: {  	[sflag:s22] =	ssyncadd.s32 s4;
	_ =	sdelay $0x1  }
0xa1: {  	s23 =	simm.s32 $0x1B8B  }
0xa2: {  	_ =	swait.ge [sflag:s23], $0x1  }
0xa3: {  	[sflag:s23] =	ssyncset.done $0x0  }
0xa4: {  	s25 =	simm.s32 $0x1B8E;
	s24 =	sld [smem:$0x3FFE];
	[sflag:s23] =	ssyncadd.s32 $0xFFFFFFFF  }
0xa5: {  	s26 =	simm.s32 $execute0_lowered;
	[smem:$0x3FD2] =	sst s25  }
0xa6: {  	s5 =	sshll.u32 s26, $0x1;
	_ =	strace $0x80000049;
	[dreg:$0x1] =	wrdreg $0xFFFFFFFF  }
0xa7: {  	s28 =	simm.s32 $_size_execute0_lowered;
	s3 =	sadd.s32 s3, s5;
	[dreg:$0x0] =	wrdreg $0x0  }
0xa8: {  	s5 =	sshll.u32 s28, $0x1;
	[dreg:$0x2] =	wrdreg s3  }
0xa9: {  	[dreg:$0x3] =	wrdreg s5  }
0xaa: {  	[dreg:$0x4] =	wrdreg $0xC0  }
0xab: {  	_ =	task [dreg:s7], $0x5FFFF  }
0xac: {  	[dreg:$0x1] =	wrdreg $0xFFFFFFFF  }
0xad: {  	[dreg:$0x0] =	wrdreg $0x60  }
0xae: {  	[dreg:$0x2] =	wrdreg s2  }
0xaf: {  	[dreg:$0x3] =	wrdreg s24  }
0xb0: {  	[dreg:$0x4] =	wrdreg $0x9  }
0xb1: {  	_ =	task.clear_ibuf [dreg:s7], $0x5FFFF;
	_ =	strace $0x90000049  }
0xb2: {  	s29 =	simm.s32 $0x9;
	_ =	strace $0x8000004B  }
0xb3: {  	_ =	swait.ge [sflag:s29], $0x1  }
0xb4: {  	[sflag:s29] =	ssyncadd.s32 $0xFFFFFFFF  }
0xb5: {  	_ =	strace $0x9000004B  }
0xb6: {  	_ =	sfence  }
0xb7: {  	s30 =	sld [smem:$0x0];
	_ =	sdelay $0x2  }
0xb8: {  	s31 =	sshll.u32 s1, $0xD;
	s1 =	sshrl.u32 s1, $0x2  }
0xb9: {  	s3 =	sand.u32 $0x4000, s31;
	s1 =	sadd.s32 s1, s30  }
0xba: {  	s0 =	sor.u32 s3, s0;
	s1 =	sshll.u32 s1, $0x11  }
0xbb: {  	s0 =	sor.u32 s1, s0  }
0xbc: {  	s0 =	sadd.s32 $0x8F2B, s0  }
0xbd: {  	[sflag:s0] =	ssyncadd.remote.s32 $0x1  }
0xbe: {  	_ =	sfence.sel $0xFFFF  }
0xbf: {  	[dreg:$0x0] =	wrdreg $0xFFFFFFFF;
	(pc) =	sbr.abs _section_cstart, $3  }
0xc0: {  	[dreg:$0x1] =	wrdreg $0xFFFFFFFF  }
0xc1: {  	_ =	task.clear_ibuf [dreg:s7], $0x2FFFF;
	_ =	strace $0x9FFFFFFF  }
0xc2: {  	(tm) =	ssettm $0x7FFFFFFF  }
0xc3: {  	_ =	shalt  }
tec
execute0_lowered:
.L_overlay_start_1:
0x0: {  	(tag) =	ssettag $0x1  }
0x1: {  	s1 =	rddreg [dreg:$0x0]  }
0x2: {  	s0 =	rddreg [dreg:$0x1]  }
0x3: {  	s2 =	srdreg.scid;
	s3 =	stileid.u32  }
0x4: {  	s7 =	simm.s32 $0x0;
	s2 =	sand.u32 $0x1, s2;
	s3 =	sshll.u32 s3, $0x1  }
0x5: {  	[smem:$0x7FF] =	sst s7;
	s21 =	ssub.s32 $0x2, s2;
	s2 =	sor.u32 s2, s3  }
0x6: {  	s4 =	sadd.s32 $0x800, s0;
	s0 =	sadd.s32 $0xA00, s0;
	s6 =	sshll.u32 s2, $0x10  }
0x7: {  	_ =	strace $0x8000004A;
	[dreg:$0x3] =	wrdreg s4;
	s4 =	sadd.s32 s0, s6  }
0x8: {  	s23 =	sadd.s32 $0x800, s4;
	[dreg:$0x4] =	wrdreg s4  }
0x9: {  	s24 =	sadd.s32 $0x1000, s4;
	[dreg:$0x5] =	wrdreg s23  }
0xa: {  	s25 =	sadd.s32 $0x1800, s4;
	[dreg:$0x6] =	wrdreg s24  }
0xb: {  	s26 =	sadd.s32 $0x2000, s4;
	[dreg:$0x7] =	wrdreg s25  }
0xc: {  	s28 =	sadd.s32 $0x2800, s4;
	[dreg:$0x8] =	wrdreg s26  }
0xd: {  	s29 =	sadd.s32 $0x3000, s4;
	[dreg:$0x9] =	wrdreg s28  }
0xe: {  	s30 =	sadd.s32 $0x3800, s4;
	[dreg:$0xa] =	wrdreg s29  }
0xf: {  	s31 =	sadd.s32 $0x4000, s4;
	[dreg:$0xb] =	wrdreg s30  }
0x10: {  	s6 =	sadd.s32 $0x4800, s4;
	[dreg:$0xc] =	wrdreg s31  }
0x11: {  	s8 =	sadd.s32 $0x5000, s4;
	[dreg:$0xd] =	wrdreg s6  }
0x12: {  	s9 =	sadd.s32 $0x5800, s4;
	[dreg:$0xe] =	wrdreg s8  }
0x13: {  	s10 =	sadd.s32 $0x6000, s4;
	[dreg:$0xf] =	wrdreg s9  }
0x14: {  	s11 =	sadd.s32 $0x6800, s4;
	[dreg:$0x10] =	wrdreg s10  }
0x15: {  	s22 =	sshrl.u32 s21, $0x1;
	s13 =	sadd.s32 $0x7800, s4;
	[dreg:$0x11] =	wrdreg s11  }
0x16: {  	s3 =	ssub.s32 s21, s22;
	s14 =	sadd.s32 $0x8800, s4;
	[dreg:$0x13] =	wrdreg s13  }
0x17: {  	s15 =	smax.u32 s3, $0x1;
	[dreg:$0x15] =	wrdreg s14  }
0x18: {  	s16 =	sadd.s32 $0x9000, s4;
	[dreg:$0x16] =	wrdreg s15  }
0x19: {  	s17 =	sadd.s32 $0x9800, s4;
	[dreg:$0x17] =	wrdreg s16  }
0x1a: {  	s19 =	sadd.s32 $0xA000, s4;
	[dreg:$0x18] =	wrdreg s17  }
0x1b: {  	s20 =	sadd.s32 $0xA800, s4;
	[dreg:$0x19] =	wrdreg s19  }
0x1c: {  	s5 =	sshll.u32 s2, $0x13;
	s21 =	sadd.s32 $0xB000, s4;
	[dreg:$0x1a] =	wrdreg s20  }
0x1d: {  	s18 =	sor.u32 $0x40000, s5;
	s22 =	sadd.s32 $0xB800, s4;
	[dreg:$0x1b] =	wrdreg s21  }
0x1e: {  	s12 =	sshrl.u32 s18, $0x3;
	s6 =	sadd.s32 $0x7000, s4;
	[dreg:$0x1c] =	wrdreg s22  }
0x1f: {  	s0 =	sadd.s32 s0, s12;
	[dreg:$0x12] =	wrdreg s6  }
0x20: {  	s23 =	sadd.s32 $0xC000, s4;
	[dreg:$0x14] =	wrdreg s0  }
0x21: {  	s24 =	sadd.s32 $0xC800, s4;
	[dreg:$0x1d] =	wrdreg s23  }
0x22: {  	s25 =	sadd.s32 $0xD000, s4;
	[dreg:$0x1e] =	wrdreg s24  }
0x23: {  	s26 =	sadd.s32 $0xD800, s4;
	[dreg:$0x1f] =	wrdreg s25  }
0x24: {  	s28 =	sadd.s32 $0xE000, s4;
	[smem:$0x7F9] =	sst s26  }
0x25: {  	s29 =	sadd.s32 $0xE800, s4;
	s30 =	sadd.s32 $0xF000, s4;
	[smem:$0x7FA] =	sst s28  }
0x26: {  	s31 =	sadd.s32 $0xF800, s4;
	s13 =	simm.s32 $0x1;
	[smem:$0x7FB] =	sst s29  }
0x27: {  	s14 =	simm.s32 $0x80;
	s15 =	simm.s32 $0x4080;
	[smem:$0x7FC] =	sst s30  }
0x28: {  	s16 =	simm.s32 $0x8080;
	s17 =	simm.s32 $0x0;
	[smem:$0x7FD] =	sst s31  }
.LBB2_1:
0x29: {  	s0 =	rddreg [dreg:$0x3]  }
0x2a: {  	[tilespmem:s7], [sflag:$0x1] =	stream.linear.gather [hbm4b:s0+s7], $0x80, $0x38;
	[tilespmem:$0xC080] =	vst v63  }
0x2b: {  	_ =	swait.ge [sflag:s13], $0x80  }
0x2c: {  	[sflag:s13] =	ssyncset.done $0x0  }
0x2d: {  	[sflag:s13] =	ssyncadd.s32 $0xFFFFFF80  }
0x2e: {  	v0 =	vld [tilespmem:$0x0];
	_ =	sdelay $0x4  }
0x2f: {  	(v2sf) =	vpush v0, $0x0;
	_ =	sdelay $0xe  }
0x30: {  	s23 =	spop (v2sf)  }
0x31: {  	s26 =	ssub.s32 $0x40000, s23  }
0x32: {  	s2 =	sshra.s32 s26, $0x1F  }
0x33: {  	s2 =	sshrl.u32 s2, $0xE  }
0x34: {  	s2 =	sadd.s32 s2, s26  }
0x35: {  	s2 =	sand.u32 $0xFFFC0000, s2  }
0x36: {  	s0 =	ssub.s32 s26, s2  }
0x37: {  	s2 =	sand.u32 $0x3FFF, s0  }
0x38: {  	s3 =	sshra.s32 s0, $0x1F;
	p0 =	slt.s32 s0, $0x1;
	p1 =	sne.s32 s2, $0x0  }
0x39: {  	s28 =	sshrl.u32 s3, $0x12;
	p0 =	por !p0, !p1  }
0x3a: {  	s3 =	simm.s32 $0x1;
	s2 =	sadd.s32 s28, s0;
	p0 =	por !p0, !p0  }
0x3b: {  	s2 =	sshra.s32 s2, $0xE;
	s3 =	simm.s32 @!p0 $0x0  }
0x3c: {  	s3 =	ssub.s32 s2, s3  }
0x3d: {  	s6 =	sshll.u32 s3, $0xE  }
0x3e: {  	s3 =	sadd.s32 $0x4000, s6  }
0x3f: {  	[smem:$0x7F7] =	sst s6;
	s6 =	sadd.s32 s5, s6;
	s4 =	sshra.s32 s3, $0x1F  }
0x40: {  	s6 =	sshrl.u32 s6, $0x3;
	s4 =	sshrl.u32 s4, $0xE  }
0x41: {  	s29 =	sadd.s32 s1, s6;
	s4 =	sadd.s32 s4, s3  }
0x42: {  	[tilespmem:s14], [sflag:$0x1] =	stream.linear.gather [hbm4b:s29+s7], $0x4000, $0x38;
	[tilespmem:$0xC080] =	vst v63  }
0x43: {  	s4 =	sand.u32 $0xFFFC0000, s4  }
0x44: {  	_ =	swait.ge [sflag:s13], $0x4000;
	s4 =	ssub.s32 s3, s4  }
0x45: {  	[smem:$0x7F8] =	sst s4;
	s30 =	sadd.s32 s5, s4;
	s4 =	simm.s32 $0xFFFFFFFF  }
0x46: {  	s0 =	sshll.u32 s0, $0x2;
	s2 =	sshll.u32 s2, $0x10;
	s4 =	simm.s32 @!p0 $0x0  }
0x47: {  	s0 =	ssub.s32 s0, s2;
	s31 =	sshll.u32 s4, $0x10  }
0x48: {  	s0 =	ssub.s32 s0, s31  }
0x49: {  	s0 =	sshra.s32 s0, $0x2  }
0x4a: {  	[sflag:s13] =	ssyncset.done $0x0;
	s3 =	sshrl.u32 s30, $0x3;
	s0 =	sadd.s32 $0x80, s0  }
0x4b: {  	[sflag:s13] =	ssyncadd.s32 $0xFFFFC000;
	s3 =	sadd.s32 s1, s3;
	v0 =	vmov s0  }
0x4c: {  	[tilespmem:s15], [sflag:$0x1] =	stream.linear.gather [hbm4b:s3+s7], $0x4000, $0x38;
	[tilespmem:$0xC080] =	vst v63  }
0x4d: {  	_ =	swait.ge [sflag:s13], $0x4000  }
0x4e: {  	[sflag:s13] =	ssyncset.done $0x0  }
0x4f: {  	s2 =	simm.s32 $0x40;
	[sflag:s13] =	ssyncadd.s32 $0xFFFFC000;
	s0 =	simm.s32 $0x0  }
.LBB2_2:
0x50: {  	p0 =	sne.s32 s2, $0xFFC0;
	v1 =	vld.idx.msk [tilespmem:v0+s0+$0x0 ss:$0x1], $0xffff;
	_ =	sdelay $0x1  }
.Ltmp0:
0x51: {  	(pc) =	sbr.rel @p0 .LBB2_2-.Ltmp0, $2  }
0x52: {  	_ =	sdelay $0x2  }
0x53: {  	[tilespmem:s0+$0x8080] =	vst v1;
	s0 =	sshra.s32 s2, $0x2;
	s2 =	sadd.s32 $0x40, s2  }
0x54: {  	_ =	sdelay $0x3  }
0x55: {  	v1 =	vld.idx.msk [tilespmem:v0+s0+$0x0 ss:$0x1], $0xffff  }
0x56: {  	s24 =	ssub.s32 $0x44000, s23  }
0x57: {  	s3 =	sshra.s32 s24, $0x1F  }
0x58: {  	s3 =	sshrl.u32 s3, $0xE  }
0x59: {  	s3 =	sadd.s32 s3, s24  }
0x5a: {  	s22 =	simm.s32 $0x0;
	s2 =	rddreg [dreg:$0x4];
	s3 =	sand.u32 $0xFFFC0000, s3;
	[tilespmem:s0+$0x8080] =	vst v1  }
0x5b: {  	[hbm4b:s2+s22] =	stream.linear.scatter [tilespmem:s16], [sflag:$0x1], $0x4000, $0x38;
	[tilespmem:$0xC080] =	vst v63  }
0x5c: {  	s2 =	ssub.s32 s24, s3  }
0x5d: {  	s3 =	sand.u32 $0x3FFF, s2  }
0x5e: {  	s4 =	sshra.s32 s2, $0x1F;
	p0 =	slt.s32 s2, $0x1;
	p1 =	sne.s32 s3, $0x0  }
0x5f: {  	s25 =	sshrl.u32 s4, $0x12;
	p0 =	por !p0, !p1  }
0x60: {  	s4 =	simm.s32 $0x1;
	s3 =	sadd.s32 s25, s2;
	p0 =	por !p0, !p0  }
0x61: {  	s3 =	sshra.s32 s3, $0xE;
	s4 =	simm.s32 @!p0 $0x0  }
0x62: {  	s4 =	ssub.s32 s3, s4  }
0x63: {  	s7 =	sshll.u32 s4, $0xE  }
0x64: {  	_ =	swait.ge [sflag:s13], $0x4000;
	s4 =	sadd.s32 $0x4000, s7  }
0x65: {  	[smem:$0x7F5] =	sst s7;
	s7 =	sadd.s32 s5, s7;
	s6 =	sshra.s32 s4, $0x1F  }
0x66: {  	[sflag:s13] =	ssyncset.done $0x0;
	s7 =	sshrl.u32 s7, $0x3;
	s6 =	sshrl.u32 s6, $0xE  }
0x67: {  	[sflag:s13] =	ssyncadd.s32 $0xFFFFC000;
	s26 =	sadd.s32 s1, s7;
	s6 =	sadd.s32 s6, s4  }
0x68: {  	[tilespmem:s14], [sflag:$0x1] =	stream.linear.gather [hbm4b:s26+s22], $0x4000, $0x38;
	[tilespmem:$0xC080] =	vst v63  }
0x69: {  	s6 =	sand.u32 $0xFFFC0000, s6  }
0x6a: {  	_ =	swait.ge [sflag:s13], $0x4000;
	s6 =	ssub.s32 s4, s6  }
0x6b: {  	[smem:$0x7F6] =	sst s6;
	s28 =	sadd.s32 s5, s6;
	s6 =	simm.s32 $0xFFFFFFFF  }
0x6c: {  	s29 =	sshll.u32 s2, $0x2;
	s30 =	sshll.u32 s3, $0x10;
	s6 =	simm.s32 @!p0 $0x0  }
0x6d: {  	s0 =	ssub.s32 s29, s30;
	s31 =	sshll.u32 s6, $0x10  }
0x6e: {  	s0 =	ssub.s32 s0, s31  }
0x6f: {  	s0 =	sshra.s32 s0, $0x2  }
0x70: {  	[sflag:s13] =	ssyncset.done $0x0;
	s4 =	sshrl.u32 s28, $0x3;
	s0 =	sadd.s32 $0x80, s0  }
0x71: {  	[sflag:s13] =	ssyncadd.s32 $0xFFFFC000;
	s4 =	sadd.s32 s1, s4;
	v1 =	vmov s0  }
0x72: {  	[tilespmem:s15], [sflag:$0x1] =	stream.linear.gather [hbm4b:s4+s22], $0x4000, $0x38;
	[tilespmem:$0xC080] =	vst v63  }
0x73: {  	_ =	swait.ge [sflag:s13], $0x4000  }
0x74: {  	[sflag:s13] =	ssyncset.done $0x0  }
0x75: {  	s2 =	simm.s32 $0x40;
	[sflag:s13] =	ssyncadd.s32 $0xFFFFC000;
	s0 =	simm.s32 $0x0  }
.LBB2_4:
0x76: {  	p0 =	sne.s32 s2, $0xFFC0;
	v2 =	vld.idx.msk [tilespmem:v1+s0+$0x0 ss:$0x1], $0xffff;
	_ =	sdelay $0x1  }
.Ltmp1:
0x77: {  	(pc) =	sbr.rel @p0 .LBB2_4-.Ltmp1, $2  }
0x78: {  	_ =	sdelay $0x2  }
0x79: {  	[tilespmem:s0+$0x8080] =	vst v2;
	s0 =	sshra.s32 s2, $0x2;
	s2 =	sadd.s32 $0x40, s2  }
0x7a: {  	_ =	sdelay $0x3  }
0x7b: {  	v2 =	vld.idx.msk [tilespmem:v1+s0+$0x0 ss:$0x1], $0xffff  }
0x7c: {  	s24 =	ssub.s32 $0x48000, s23  }
0x7d: {  	s3 =	sshra.s32 s24, $0x1F  }
0x7e: {  	s3 =	sshrl.u32 s3, $0xE  }
0x7f: {  	s3 =	sadd.s32 s3, s24  }
0x80: {  	s22 =	simm.s32 $0x0;
	s2 =	rddreg [dreg:$0x5];
	s3 =	sand.u32 $0xFFFC0000, s3;
	[tilespmem:s0+$0x8080] =	vst v2  }
0x81: {  	[hbm4b:s2+s22] =	stream.linear.scatter [tilespmem:s16], [sflag:$0x1], $0x4000, $0x38;
	[tilespmem:$0xC080] =	vst v63  }
0x82: {  	s2 =	ssub.s32 s24, s3  }
0x83: {  	s3 =	sand.u32 $0x3FFF, s2  }
0x84: {  	s4 =	sshra.s32 s2, $0x1F;
	p0 =	slt.s32 s2, $0x1;
	p1 =	sne.s32 s3, $0x0  }
0x85: {  	s25 =	sshrl.u32 s4, $0x12;
	p0 =	por !p0, !p1  }
0x86: {  	s4 =	simm.s32 $0x1;
	s3 =	sadd.s32 s25, s2;
	p0 =	por !p0, !p0  }
0x87: {  	s3 =	sshra.s32 s3, $0xE;
	s4 =	simm.s32 @!p0 $0x0  }
0x88: {  	s4 =	ssub.s32 s3, s4  }
0x89: {  	s7 =	sshll.u32 s4, $0xE  }
0x8a: {  	_ =	swait.ge [sflag:s13], $0x4000;
	s4 =	sadd.s32 $0x4000, s7  }
0x8b: {  	[smem:$0x7F3] =	sst s7;
	s7 =	sadd.s32 s5, s7;
	s6 =	sshra.s32 s4, $0x1F  }
0x8c: {  	[sflag:s13] =	ssyncset.done $0x0;
	s7 =	sshrl.u32 s7, $0x3;
	s6 =	sshrl.u32 s6, $0xE  }
0x8d: {  	[sflag:s13] =	ssyncadd.s32 $0xFFFFC000;
	s26 =	sadd.s32 s1, s7;
	s6 =	sadd.s32 s6, s4  }
0x8e: {  	[tilespmem:s14], [sflag:$0x1] =	stream.linear.gather [hbm4b:s26+s22], $0x4000, $0x38;
	[tilespmem:$0xC080] =	vst v63  }
0x8f: {  	s6 =	sand.u32 $0xFFFC0000, s6  }
0x90: {  	_ =	swait.ge [sflag:s13], $0x4000;
	s6 =	ssub.s32 s4, s6  }
0x91: {  	[smem:$0x7F4] =	sst s6;
	s28 =	sadd.s32 s5, s6;
	s6 =	simm.s32 $0xFFFFFFFF  }
0x92: {  	s29 =	sshll.u32 s2, $0x2;
	s30 =	sshll.u32 s3, $0x10;
	s6 =	simm.s32 @!p0 $0x0  }
0x93: {  	s0 =	ssub.s32 s29, s30;
	s31 =	sshll.u32 s6, $0x10  }
0x94: {  	s0 =	ssub.s32 s0, s31  }
0x95: {  	s0 =	sshra.s32 s0, $0x2  }
0x96: {  	[sflag:s13] =	ssyncset.done $0x0;
	s4 =	sshrl.u32 s28, $0x3;
	s0 =	sadd.s32 $0x80, s0  }
0x97: {  	[sflag:s13] =	ssyncadd.s32 $0xFFFFC000;
	s4 =	sadd.s32 s1, s4;
	v2 =	vmov s0  }
0x98: {  	[tilespmem:s15], [sflag:$0x1] =	stream.linear.gather [hbm4b:s4+s22], $0x4000, $0x38;
	[tilespmem:$0xC080] =	vst v63  }
0x99: {  	_ =	swait.ge [sflag:s13], $0x4000  }
0x9a: {  	[sflag:s13] =	ssyncset.done $0x0  }
0x9b: {  	s2 =	simm.s32 $0x40;
	[sflag:s13] =	ssyncadd.s32 $0xFFFFC000;
	s0 =	simm.s32 $0x0  }
.LBB2_6:
0x9c: {  	p0 =	sne.s32 s2, $0xFFC0;
	v3 =	vld.idx.msk [tilespmem:v2+s0+$0x0 ss:$0x1], $0xffff;
	_ =	sdelay $0x1  }
.Ltmp2:
0x9d: {  	(pc) =	sbr.rel @p0 .LBB2_6-.Ltmp2, $2  }
0x9e: {  	_ =	sdelay $0x2  }
0x9f: {  	[tilespmem:s0+$0x8080] =	vst v3;
	s0 =	sshra.s32 s2, $0x2;
	s2 =	sadd.s32 $0x40, s2  }
0xa0: {  	_ =	sdelay $0x3  }
0xa1: {  	v3 =	vld.idx.msk [tilespmem:v2+s0+$0x0 ss:$0x1], $0xffff  }
0xa2: {  	s22 =	ssub.s32 $0x4C000, s23  }
0xa3: {  	s3 =	sshra.s32 s22, $0x1F  }
0xa4: {  	s3 =	sshrl.u32 s3, $0xE  }
0xa5: {  	s3 =	sadd.s32 s3, s22  }
0xa6: {  	s21 =	simm.s32 $0x0;
	s2 =	rddreg [dreg:$0x6];
	s3 =	sand.u32 $0xFFFC0000, s3;
	[tilespmem:s0+$0x8080] =	vst v3  }
0xa7: {  	[hbm4b:s2+s21] =	stream.linear.scatter [tilespmem:s16], [sflag:$0x1], $0x4000, $0x38;
	[tilespmem:$0xC080] =	vst v63  }
0xa8: {  	s2 =	ssub.s32 s22, s3  }
0xa9: {  	s3 =	sand.u32 $0x3FFF, s2  }
0xaa: {  	s4 =	sshra.s32 s2, $0x1F;
	p0 =	slt.s32 s2, $0x1;
	p1 =	sne.s32 s3, $0x0  }
0xab: {  	s24 =	sshrl.u32 s4, $0x12;
	p0 =	por !p0, !p1  }
0xac: {  	s4 =	simm.s32 $0x1;
	s3 =	sadd.s32 s24, s2;
	p0 =	por !p0, !p0  }
0xad: {  	s3 =	sshra.s32 s3, $0xE;
	s4 =	simm.s32 @!p0 $0x0  }
0xae: {  	s4 =	ssub.s32 s3, s4  }
0xaf: {  	s26 =	sshll.u32 s4, $0xE  }
0xb0: {  	s4 =	sadd.s32 $0x4000, s26  }
0xb1: {  	_ =	swait.ge [sflag:s13], $0x4000;
	s7 =	sadd.s32 s5, s26;
	s6 =	sshra.s32 s4, $0x1F  }
0xb2: {  	[sflag:s13] =	ssyncset.done $0x0;
	s7 =	sshrl.u32 s7, $0x3;
	s6 =	sshrl.u32 s6, $0xE  }
0xb3: {  	[sflag:s13] =	ssyncadd.s32 $0xFFFFC000;
	s25 =	sadd.s32 s1, s7;
	s6 =	sadd.s32 s6, s4  }
0xb4: {  	[tilespmem:s14], [sflag:$0x1] =	stream.linear.gather [hbm4b:s25+s21], $0x4000, $0x38;
	[tilespmem:$0xC080] =	vst v63  }
0xb5: {  	s6 =	sand.u32 $0xFFFC0000, s6  }
0xb6: {  	_ =	swait.ge [sflag:s13], $0x4000;
	s6 =	ssub.s32 s4, s6  }
0xb7: {  	[smem:$0x7F2] =	sst s6;
	s28 =	sadd.s32 s5, s6;
	s6 =	simm.s32 $0xFFFFFFFF  }
0xb8: {  	s29 =	sshll.u32 s2, $0x2;
	s30 =	sshll.u32 s3, $0x10;
	s6 =	simm.s32 @!p0 $0x0  }
0xb9: {  	s0 =	ssub.s32 s29, s30;
	s31 =	sshll.u32 s6, $0x10  }
0xba: {  	s0 =	ssub.s32 s0, s31  }
0xbb: {  	s0 =	sshra.s32 s0, $0x2  }
0xbc: {  	[sflag:s13] =	ssyncset.done $0x0;
	s4 =	sshrl.u32 s28, $0x3;
	s0 =	sadd.s32 $0x80, s0  }
0xbd: {  	[sflag:s13] =	ssyncadd.s32 $0xFFFFC000;
	s4 =	sadd.s32 s1, s4;
	v3 =	vmov s0  }
0xbe: {  	[tilespmem:s15], [sflag:$0x1] =	stream.linear.gather [hbm4b:s4+s21], $0x4000, $0x38;
	[tilespmem:$0xC080] =	vst v63  }
0xbf: {  	_ =	swait.ge [sflag:s13], $0x4000  }
0xc0: {  	[sflag:s13] =	ssyncset.done $0x0  }
0xc1: {  	s2 =	simm.s32 $0x40;
	[sflag:s13] =	ssyncadd.s32 $0xFFFFC000;
	s0 =	simm.s32 $0x0  }
.LBB2_8:
0xc2: {  	p0 =	sne.s32 s2, $0xFFC0;
	v4 =	vld.idx.msk [tilespmem:v3+s0+$0x0 ss:$0x1], $0xffff;
	_ =	sdelay $0x1  }
.Ltmp3:
0xc3: {  	(pc) =	sbr.rel @p0 .LBB2_8-.Ltmp3, $2  }
0xc4: {  	_ =	sdelay $0x2  }
0xc5: {  	[tilespmem:s0+$0x8080] =	vst v4;
	s0 =	sshra.s32 s2, $0x2;
	s2 =	sadd.s32 $0x40, s2  }
0xc6: {  	_ =	sdelay $0x3  }
0xc7: {  	v4 =	vld.idx.msk [tilespmem:v3+s0+$0x0 ss:$0x1], $0xffff  }
0xc8: {  	s21 =	ssub.s32 $0x50000, s23  }
0xc9: {  	s3 =	sshra.s32 s21, $0x1F  }
0xca: {  	s3 =	sshrl.u32 s3, $0xE  }
0xcb: {  	s3 =	sadd.s32 s3, s21  }
0xcc: {  	s20 =	simm.s32 $0x0;
	s2 =	rddreg [dreg:$0x7];
	s3 =	sand.u32 $0xFFFC0000, s3;
	[tilespmem:s0+$0x8080] =	vst v4  }
0xcd: {  	[hbm4b:s2+s20] =	stream.linear.scatter [tilespmem:s16], [sflag:$0x1], $0x4000, $0x38;
	[tilespmem:$0xC080] =	vst v63  }
0xce: {  	s2 =	ssub.s32 s21, s3  }
0xcf: {  	s3 =	sand.u32 $0x3FFF, s2  }
0xd0: {  	s4 =	sshra.s32 s2, $0x1F;
	p0 =	slt.s32 s2, $0x1;
	p1 =	sne.s32 s3, $0x0  }
0xd1: {  	s22 =	sshrl.u32 s4, $0x12;
	p0 =	por !p0, !p1  }
0xd2: {  	s4 =	simm.s32 $0x1;
	s3 =	sadd.s32 s22, s2;
	p0 =	por !p0, !p0  }
0xd3: {  	s3 =	sshra.s32 s3, $0xE;
	s4 =	simm.s32 @!p0 $0x0  }
0xd4: {  	s4 =	ssub.s32 s3, s4  }
0xd5: {  	s29 =	sshll.u32 s4, $0xE  }
0xd6: {  	s4 =	sadd.s32 $0x4000, s29  }
0xd7: {  	_ =	swait.ge [sflag:s13], $0x4000;
	s7 =	sadd.s32 s5, s29;
	s6 =	sshra.s32 s4, $0x1F  }
0xd8: {  	[sflag:s13] =	ssyncset.done $0x0;
	s7 =	sshrl.u32 s7, $0x3;
	s6 =	sshrl.u32 s6, $0xE  }
0xd9: {  	[sflag:s13] =	ssyncadd.s32 $0xFFFFC000;
	s24 =	sadd.s32 s1, s7;
	s6 =	sadd.s32 s6, s4  }
0xda: {  	[tilespmem:s14], [sflag:$0x1] =	stream.linear.gather [hbm4b:s24+s20], $0x4000, $0x38;
	[tilespmem:$0xC080] =	vst v63  }
0xdb: {  	s6 =	sand.u32 $0xFFFC0000, s6  }
0xdc: {  	_ =	swait.ge [sflag:s13], $0x4000;
	s6 =	ssub.s32 s4, s6  }
0xdd: {  	[smem:$0x7F1] =	sst s6;
	s25 =	sadd.s32 s5, s6;
	s6 =	simm.s32 $0xFFFFFFFF  }
0xde: {  	s28 =	sshll.u32 s2, $0x2;
	s30 =	sshll.u32 s3, $0x10;
	s6 =	simm.s32 @!p0 $0x0  }
0xdf: {  	s0 =	ssub.s32 s28, s30;
	s31 =	sshll.u32 s6, $0x10  }
0xe0: {  	s0 =	ssub.s32 s0, s31  }
0xe1: {  	s0 =	sshra.s32 s0, $0x2  }
0xe2: {  	[sflag:s13] =	ssyncset.done $0x0;
	s4 =	sshrl.u32 s25, $0x3;
	s0 =	sadd.s32 $0x80, s0  }
0xe3: {  	[sflag:s13] =	ssyncadd.s32 $0xFFFFC000;
	s4 =	sadd.s32 s1, s4;
	v4 =	vmov s0  }
0xe4: {  	[tilespmem:s15], [sflag:$0x1] =	stream.linear.gather [hbm4b:s4+s20], $0x4000, $0x38;
	[tilespmem:$0xC080] =	vst v63  }
0xe5: {  	_ =	swait.ge [sflag:s13], $0x4000  }
0xe6: {  	[sflag:s13] =	ssyncset.done $0x0  }
0xe7: {  	s2 =	simm.s32 $0x40;
	[sflag:s13] =	ssyncadd.s32 $0xFFFFC000;
	s0 =	simm.s32 $0x0  }
.LBB2_10:
0xe8: {  	p0 =	sne.s32 s2, $0xFFC0;
	v5 =	vld.idx.msk [tilespmem:v4+s0+$0x0 ss:$0x1], $0xffff;
	_ =	sdelay $0x1  }
.Ltmp4:
0xe9: {  	(pc) =	sbr.rel @p0 .LBB2_10-.Ltmp4, $2  }
0xea: {  	_ =	sdelay $0x2  }
0xeb: {  	[tilespmem:s0+$0x8080] =	vst v5;
	s0 =	sshra.s32 s2, $0x2;
	s2 =	sadd.s32 $0x40, s2  }
0xec: {  	_ =	sdelay $0x3  }
0xed: {  	v5 =	vld.idx.msk [tilespmem:v4+s0+$0x0 ss:$0x1], $0xffff  }
0xee: {  	s20 =	ssub.s32 $0x54000, s23  }
0xef: {  	s3 =	sshra.s32 s20, $0x1F  }
0xf0: {  	s3 =	sshrl.u32 s3, $0xE  }
0xf1: {  	s3 =	sadd.s32 s3, s20  }
0xf2: {  	s19 =	simm.s32 $0x0;
	s2 =	rddreg [dreg:$0x8];
	s3 =	sand.u32 $0xFFFC0000, s3;
	[tilespmem:s0+$0x8080] =	vst v5  }
0xf3: {  	[hbm4b:s2+s19] =	stream.linear.scatter [tilespmem:s16], [sflag:$0x1], $0x4000, $0x38;
	[tilespmem:$0xC080] =	vst v63  }
0xf4: {  	s2 =	ssub.s32 s20, s3  }
0xf5: {  	s3 =	sand.u32 $0x3FFF, s2  }
0xf6: {  	s4 =	sshra.s32 s2, $0x1F;
	p0 =	slt.s32 s2, $0x1;
	p1 =	sne.s32 s3, $0x0  }
0xf7: {  	s21 =	sshrl.u32 s4, $0x12;
	p0 =	por !p0, !p1  }
0xf8: {  	s4 =	simm.s32 $0x1;
	s3 =	sadd.s32 s21, s2;
	p0 =	por !p0, !p0  }
0xf9: {  	s3 =	sshra.s32 s3, $0xE;
	s4 =	simm.s32 @!p0 $0x0  }
0xfa: {  	s4 =	ssub.s32 s3, s4  }
0xfb: {  	s31 =	sshll.u32 s4, $0xE  }
0xfc: {  	s4 =	sadd.s32 $0x4000, s31  }
0xfd: {  	_ =	swait.ge [sflag:s13], $0x4000;
	s7 =	sadd.s32 s5, s31;
	s6 =	sshra.s32 s4, $0x1F  }
0xfe: {  	[sflag:s13] =	ssyncset.done $0x0;
	s7 =	sshrl.u32 s7, $0x3;
	s6 =	sshrl.u32 s6, $0xE  }
0xff: {  	[sflag:s13] =	ssyncadd.s32 $0xFFFFC000;
	s22 =	sadd.s32 s1, s7;
	s6 =	sadd.s32 s6, s4  }
0x100: {  	[tilespmem:s14], [sflag:$0x1] =	stream.linear.gather [hbm4b:s22+s19], $0x4000, $0x38;
	[tilespmem:$0xC080] =	vst v63  }
0x101: {  	s6 =	sand.u32 $0xFFFC0000, s6  }
0x102: {  	_ =	swait.ge [sflag:s13], $0x4000;
	s6 =	ssub.s32 s4, s6  }
0x103: {  	[smem:$0x7F0] =	sst s6;
	s24 =	sadd.s32 s5, s6;
	s6 =	simm.s32 $0xFFFFFFFF  }
0x104: {  	s25 =	sshll.u32 s2, $0x2;
	s28 =	sshll.u32 s3, $0x10;
	s6 =	simm.s32 @!p0 $0x0  }
0x105: {  	s0 =	ssub.s32 s25, s28;
	s30 =	sshll.u32 s6, $0x10  }
0x106: {  	s0 =	ssub.s32 s0, s30  }
0x107: {  	s0 =	sshra.s32 s0, $0x2  }
0x108: {  	[sflag:s13] =	ssyncset.done $0x0;
	s4 =	sshrl.u32 s24, $0x3;
	s0 =	sadd.s32 $0x80, s0  }
0x109: {  	[sflag:s13] =	ssyncadd.s32 $0xFFFFC000;
	s4 =	sadd.s32 s1, s4;
	v5 =	vmov s0  }
0x10a: {  	[tilespmem:s15], [sflag:$0x1] =	stream.linear.gather [hbm4b:s4+s19], $0x4000, $0x38;
	[tilespmem:$0xC080] =	vst v63  }
0x10b: {  	_ =	swait.ge [sflag:s13], $0x4000  }
0x10c: {  	[sflag:s13] =	ssyncset.done $0x0  }
0x10d: {  	s2 =	simm.s32 $0x40;
	[sflag:s13] =	ssyncadd.s32 $0xFFFFC000;
	s0 =	simm.s32 $0x0  }
.LBB2_12:
0x10e: {  	p0 =	sne.s32 s2, $0xFFC0;
	v6 =	vld.idx.msk [tilespmem:v5+s0+$0x0 ss:$0x1], $0xffff;
	_ =	sdelay $0x1  }
.Ltmp5:
0x10f: {  	(pc) =	sbr.rel @p0 .LBB2_12-.Ltmp5, $2  }
0x110: {  	_ =	sdelay $0x2  }
0x111: {  	[tilespmem:s0+$0x8080] =	vst v6;
	s0 =	sshra.s32 s2, $0x2;
	s2 =	sadd.s32 $0x40, s2  }
0x112: {  	_ =	sdelay $0x3  }
0x113: {  	v6 =	vld.idx.msk [tilespmem:v5+s0+$0x0 ss:$0x1], $0xffff;
	s19 =	ssub.s32 $0x58000, s23  }
0x114: {  	s3 =	sshra.s32 s19, $0x1F  }
0x115: {  	s3 =	sshrl.u32 s3, $0xE  }
0x116: {  	s3 =	sadd.s32 s3, s19  }
0x117: {  	s3 =	sand.u32 $0xFFFC0000, s3  }
0x118: {  	s12 =	simm.s32 $0x0;
	s2 =	rddreg [dreg:$0x9];
	[tilespmem:s0+$0x8080] =	vst v6;
	s3 =	ssub.s32 s19, s3  }
0x119: {  	[hbm4b:s2+s12] =	stream.linear.scatter [tilespmem:s16], [sflag:$0x1], $0x4000, $0x38;
	[tilespmem:$0xC080] =	vst v63  }
0x11a: {  	s2 =	sand.u32 $0x3FFF, s3  }
0x11b: {  	s4 =	sshra.s32 s3, $0x1F;
	p0 =	slt.s32 s3, $0x1;
	p1 =	sne.s32 s2, $0x0  }
0x11c: {  	s20 =	sshrl.u32 s4, $0x12;
	p0 =	por !p0, !p1  }
0x11d: {  	s4 =	simm.s32 $0x1;
	s2 =	sadd.s32 s20, s3;
	p0 =	por !p0, !p0  }
0x11e: {  	s6 =	sshra.s32 s2, $0xE;
	s4 =	simm.s32 @!p0 $0x0  }
0x11f: {  	s2 =	ssub.s32 s6, s4  }
0x120: {  	s2 =	sshll.u32 s2, $0xE  }
0x121: {  	s21 =	sadd.s32 $0x4000, s2  }
0x122: {  	_ =	swait.ge [sflag:s13], $0x4000;
	s8 =	sadd.s32 s5, s2;
	s7 =	sshra.s32 s21, $0x1F  }
0x123: {  	[sflag:s13] =	ssyncset.done $0x0;
	s8 =	sshrl.u32 s8, $0x3;
	s7 =	sshrl.u32 s7, $0xE  }
0x124: {  	[sflag:s13] =	ssyncadd.s32 $0xFFFFC000;
	s22 =	sadd.s32 s1, s8;
	s7 =	sadd.s32 s7, s21  }
0x125: {  	[tilespmem:s14], [sflag:$0x1] =	stream.linear.gather [hbm4b:s22+s12], $0x4000, $0x38;
	[tilespmem:$0xC080] =	vst v63  }
0x126: {  	s7 =	sand.u32 $0xFFFC0000, s7  }
0x127: {  	_ =	swait.ge [sflag:s13], $0x4000;
	s7 =	ssub.s32 s21, s7  }
0x128: {  	[smem:$0x7EF] =	sst s7;
	s24 =	sadd.s32 s5, s7;
	s7 =	simm.s32 $0xFFFFFFFF  }
0x129: {  	s25 =	sshll.u32 s3, $0x2;
	s28 =	sshll.u32 s6, $0x10;
	s7 =	simm.s32 @!p0 $0x0  }
0x12a: {  	s0 =	ssub.s32 s25, s28;
	s30 =	sshll.u32 s7, $0x10  }
0x12b: {  	s0 =	ssub.s32 s0, s30  }
0x12c: {  	s0 =	sshra.s32 s0, $0x2  }
0x12d: {  	[sflag:s13] =	ssyncset.done $0x0;
	s4 =	sshrl.u32 s24, $0x3;
	s0 =	sadd.s32 $0x80, s0  }
0x12e: {  	[sflag:s13] =	ssyncadd.s32 $0xFFFFC000;
	s4 =	sadd.s32 s1, s4;
	v6 =	vmov s0  }
0x12f: {  	[tilespmem:s15], [sflag:$0x1] =	stream.linear.gather [hbm4b:s4+s12], $0x4000, $0x38;
	[tilespmem:$0xC080] =	vst v63  }
0x130: {  	_ =	swait.ge [sflag:s13], $0x4000  }
0x131: {  	[sflag:s13] =	ssyncset.done $0x0  }
0x132: {  	s3 =	simm.s32 $0x40;
	[sflag:s13] =	ssyncadd.s32 $0xFFFFC000;
	s0 =	simm.s32 $0x0  }
.LBB2_14:
0x133: {  	p0 =	sne.s32 s3, $0xFFC0;
	v7 =	vld.idx.msk [tilespmem:v6+s0+$0x0 ss:$0x1], $0xffff;
	_ =	sdelay $0x1  }
.Ltmp6:
0x134: {  	(pc) =	sbr.rel @p0 .LBB2_14-.Ltmp6, $2  }
0x135: {  	_ =	sdelay $0x2  }
0x136: {  	[tilespmem:s0+$0x8080] =	vst v7;
	s0 =	sshra.s32 s3, $0x2;
	s3 =	sadd.s32 $0x40, s3  }
0x137: {  	_ =	sdelay $0x3  }
0x138: {  	v7 =	vld.idx.msk [tilespmem:v6+s0+$0x0 ss:$0x1], $0xffff  }
0x139: {  	s20 =	ssub.s32 $0x5C000, s23  }
0x13a: {  	s4 =	sshra.s32 s20, $0x1F  }
0x13b: {  	s4 =	sshrl.u32 s4, $0xE  }
0x13c: {  	s4 =	sadd.s32 s4, s20  }
0x13d: {  	s19 =	simm.s32 $0x0;
	s3 =	rddreg [dreg:$0xa];
	s4 =	sand.u32 $0xFFFC0000, s4;
	[tilespmem:s0+$0x8080] =	vst v7  }
0x13e: {  	[hbm4b:s3+s19] =	stream.linear.scatter [tilespmem:s16], [sflag:$0x1], $0x4000, $0x38;
	[tilespmem:$0xC080] =	vst v63  }
0x13f: {  	s3 =	ssub.s32 s20, s4  }
0x140: {  	s4 =	sand.u32 $0x3FFF, s3  }
0x141: {  	s6 =	sshra.s32 s3, $0x1F;
	p0 =	slt.s32 s3, $0x1;
	p1 =	sne.s32 s4, $0x0  }
0x142: {  	s21 =	sshrl.u32 s6, $0x12;
	p0 =	por !p0, !p1  }
0x143: {  	s6 =	simm.s32 $0x1;
	s4 =	sadd.s32 s21, s3;
	p0 =	por !p0, !p0  }
0x144: {  	s4 =	sshra.s32 s4, $0xE;
	s6 =	simm.s32 @!p0 $0x0  }
0x145: {  	s6 =	ssub.s32 s4, s6  }
0x146: {  	s7 =	sshll.u32 s6, $0xE  }
0x147: {  	s6 =	sadd.s32 $0x4000, s7  }
0x148: {  	_ =	swait.ge [sflag:s13], $0x4000;
	s9 =	sadd.s32 s5, s7;
	s8 =	sshra.s32 s6, $0x1F  }
0x149: {  	[sflag:s13] =	ssyncset.done $0x0;
	s9 =	sshrl.u32 s9, $0x3;
	s8 =	sshrl.u32 s8, $0xE  }
0x14a: {  	[sflag:s13] =	ssyncadd.s32 $0xFFFFC000;
	s22 =	sadd.s32 s1, s9;
	s8 =	sadd.s32 s8, s6  }
0x14b: {  	[tilespmem:s14], [sflag:$0x1] =	stream.linear.gather [hbm4b:s22+s19], $0x4000, $0x38;
	[tilespmem:$0xC080] =	vst v63  }
0x14c: {  	s8 =	sand.u32 $0xFFFC0000, s8  }
0x14d: {  	_ =	swait.ge [sflag:s13], $0x4000;
	s8 =	ssub.s32 s6, s8  }
0x14e: {  	[smem:$0x7EE] =	sst s8;
	s24 =	sadd.s32 s5, s8;
	s8 =	simm.s32 $0xFFFFFFFF  }
0x14f: {  	s25 =	sshll.u32 s3, $0x2;
	s28 =	sshll.u32 s4, $0x10;
	s8 =	simm.s32 @!p0 $0x0  }
0x150: {  	s0 =	ssub.s32 s25, s28;
	s30 =	sshll.u32 s8, $0x10  }
0x151: {  	s0 =	ssub.s32 s0, s30  }
0x152: {  	s0 =	sshra.s32 s0, $0x2  }
0x153: {  	[sflag:s13] =	ssyncset.done $0x0;
	s6 =	sshrl.u32 s24, $0x3;
	s0 =	sadd.s32 $0x80, s0  }
0x154: {  	[sflag:s13] =	ssyncadd.s32 $0xFFFFC000;
	s6 =	sadd.s32 s1, s6;
	v7 =	vmov s0  }
0x155: {  	[tilespmem:s15], [sflag:$0x1] =	stream.linear.gather [hbm4b:s6+s19], $0x4000, $0x38;
	[tilespmem:$0xC080] =	vst v63  }
0x156: {  	_ =	swait.ge [sflag:s13], $0x4000  }
0x157: {  	[sflag:s13] =	ssyncset.done $0x0  }
0x158: {  	s3 =	simm.s32 $0x40;
	[sflag:s13] =	ssyncadd.s32 $0xFFFFC000;
	s0 =	simm.s32 $0x0  }
.LBB2_16:
0x159: {  	p0 =	sne.s32 s3, $0xFFC0;
	v8 =	vld.idx.msk [tilespmem:v7+s0+$0x0 ss:$0x1], $0xffff;
	_ =	sdelay $0x1  }
.Ltmp7:
0x15a: {  	(pc) =	sbr.rel @p0 .LBB2_16-.Ltmp7, $2  }
0x15b: {  	_ =	sdelay $0x2  }
0x15c: {  	[tilespmem:s0+$0x8080] =	vst v8;
	s0 =	sshra.s32 s3, $0x2;
	s3 =	sadd.s32 $0x40, s3  }
0x15d: {  	_ =	sdelay $0x3  }
0x15e: {  	v8 =	vld.idx.msk [tilespmem:v7+s0+$0x0 ss:$0x1], $0xffff  }
0x15f: {  	s20 =	ssub.s32 $0x60000, s23  }
0x160: {  	s4 =	sshra.s32 s20, $0x1F  }
0x161: {  	s4 =	sshrl.u32 s4, $0xE  }
0x162: {  	s4 =	sadd.s32 s4, s20  }
0x163: {  	s19 =	simm.s32 $0x0;
	s3 =	rddreg [dreg:$0xb];
	s4 =	sand.u32 $0xFFFC0000, s4;
	[tilespmem:s0+$0x8080] =	vst v8  }
0x164: {  	[hbm4b:s3+s19] =	stream.linear.scatter [tilespmem:s16], [sflag:$0x1], $0x4000, $0x38;
	[tilespmem:$0xC080] =	vst v63  }
0x165: {  	s3 =	ssub.s32 s20, s4  }
0x166: {  	s4 =	sand.u32 $0x3FFF, s3  }
0x167: {  	s6 =	sshra.s32 s3, $0x1F;
	p0 =	slt.s32 s3, $0x1;
	p1 =	sne.s32 s4, $0x0  }
0x168: {  	s21 =	sshrl.u32 s6, $0x12;
	p0 =	por !p0, !p1  }
0x169: {  	s6 =	simm.s32 $0x1;
	s4 =	sadd.s32 s21, s3;
	p0 =	por !p0, !p0  }
0x16a: {  	s4 =	sshra.s32 s4, $0xE;
	s6 =	simm.s32 @!p0 $0x0  }
0x16b: {  	s6 =	ssub.s32 s4, s6  }
0x16c: {  	s9 =	sshll.u32 s6, $0xE  }
0x16d: {  	s6 =	sadd.s32 $0x4000, s9  }
0x16e: {  	_ =	swait.ge [sflag:s13], $0x4000;
	s10 =	sadd.s32 s5, s9;
	s8 =	sshra.s32 s6, $0x1F  }
0x16f: {  	[sflag:s13] =	ssyncset.done $0x0;
	s10 =	sshrl.u32 s10, $0x3;
	s8 =	sshrl.u32 s8, $0xE  }
0x170: {  	[sflag:s13] =	ssyncadd.s32 $0xFFFFC000;
	s22 =	sadd.s32 s1, s10;
	s8 =	sadd.s32 s8, s6  }
0x171: {  	[tilespmem:s14], [sflag:$0x1] =	stream.linear.gather [hbm4b:s22+s19], $0x4000, $0x38;
	[tilespmem:$0xC080] =	vst v63  }
0x172: {  	s8 =	sand.u32 $0xFFFC0000, s8  }
0x173: {  	_ =	swait.ge [sflag:s13], $0x4000;
	s8 =	ssub.s32 s6, s8  }
0x174: {  	[smem:$0x7ED] =	sst s8;
	s24 =	sadd.s32 s5, s8;
	s8 =	simm.s32 $0xFFFFFFFF  }
0x175: {  	s25 =	sshll.u32 s3, $0x2;
	s28 =	sshll.u32 s4, $0x10;
	s8 =	simm.s32 @!p0 $0x0  }
0x176: {  	s0 =	ssub.s32 s25, s28;
	s30 =	sshll.u32 s8, $0x10  }
0x177: {  	s0 =	ssub.s32 s0, s30  }
0x178: {  	s0 =	sshra.s32 s0, $0x2  }
0x179: {  	[sflag:s13] =	ssyncset.done $0x0;
	s6 =	sshrl.u32 s24, $0x3;
	s0 =	sadd.s32 $0x80, s0  }
0x17a: {  	[sflag:s13] =	ssyncadd.s32 $0xFFFFC000;
	s6 =	sadd.s32 s1, s6;
	v8 =	vmov s0  }
0x17b: {  	[tilespmem:s15], [sflag:$0x1] =	stream.linear.gather [hbm4b:s6+s19], $0x4000, $0x38;
	[tilespmem:$0xC080] =	vst v63  }
0x17c: {  	_ =	swait.ge [sflag:s13], $0x4000  }
0x17d: {  	[sflag:s13] =	ssyncset.done $0x0  }
0x17e: {  	s3 =	simm.s32 $0x40;
	[sflag:s13] =	ssyncadd.s32 $0xFFFFC000;
	s0 =	simm.s32 $0x0  }
.LBB2_18:
0x17f: {  	p0 =	sne.s32 s3, $0xFFC0;
	v9 =	vld.idx.msk [tilespmem:v8+s0+$0x0 ss:$0x1], $0xffff;
	_ =	sdelay $0x1  }
.Ltmp8:
0x180: {  	(pc) =	sbr.rel @p0 .LBB2_18-.Ltmp8, $2  }
0x181: {  	_ =	sdelay $0x2  }
0x182: {  	[tilespmem:s0+$0x8080] =	vst v9;
	s0 =	sshra.s32 s3, $0x2;
	s3 =	sadd.s32 $0x40, s3  }
0x183: {  	_ =	sdelay $0x3  }
0x184: {  	v9 =	vld.idx.msk [tilespmem:v8+s0+$0x0 ss:$0x1], $0xffff  }
0x185: {  	s20 =	ssub.s32 $0x64000, s23  }
0x186: {  	s4 =	sshra.s32 s20, $0x1F  }
0x187: {  	s4 =	sshrl.u32 s4, $0xE  }
0x188: {  	s4 =	sadd.s32 s4, s20  }
0x189: {  	s19 =	simm.s32 $0x0;
	s3 =	rddreg [dreg:$0xc];
	s4 =	sand.u32 $0xFFFC0000, s4;
	[tilespmem:s0+$0x8080] =	vst v9  }
0x18a: {  	[hbm4b:s3+s19] =	stream.linear.scatter [tilespmem:s16], [sflag:$0x1], $0x4000, $0x38;
	[tilespmem:$0xC080] =	vst v63  }
0x18b: {  	s3 =	ssub.s32 s20, s4  }
0x18c: {  	s4 =	sand.u32 $0x3FFF, s3  }
0x18d: {  	s6 =	sshra.s32 s3, $0x1F;
	p0 =	slt.s32 s3, $0x1;
	p1 =	sne.s32 s4, $0x0  }
0x18e: {  	s21 =	sshrl.u32 s6, $0x12;
	p0 =	por !p0, !p1  }
0x18f: {  	s6 =	simm.s32 $0x1;
	s4 =	sadd.s32 s21, s3;
	p0 =	por !p0, !p0  }
0x190: {  	s4 =	sshra.s32 s4, $0xE;
	s6 =	simm.s32 @!p0 $0x0  }
0x191: {  	s6 =	ssub.s32 s4, s6  }
0x192: {  	s11 =	sshll.u32 s6, $0xE  }
0x193: {  	s6 =	sadd.s32 $0x4000, s11  }
0x194: {  	_ =	swait.ge [sflag:s13], $0x4000;
	s10 =	sadd.s32 s5, s11;
	s8 =	sshra.s32 s6, $0x1F  }
0x195: {  	[sflag:s13] =	ssyncset.done $0x0;
	s10 =	sshrl.u32 s10, $0x3;
	s8 =	sshrl.u32 s8, $0xE  }
0x196: {  	[sflag:s13] =	ssyncadd.s32 $0xFFFFC000;
	s22 =	sadd.s32 s1, s10;
	s8 =	sadd.s32 s8, s6  }
0x197: {  	[tilespmem:s14], [sflag:$0x1] =	stream.linear.gather [hbm4b:s22+s19], $0x4000, $0x38;
	[tilespmem:$0xC080] =	vst v63  }
0x198: {  	s8 =	sand.u32 $0xFFFC0000, s8  }
0x199: {  	_ =	swait.ge [sflag:s13], $0x4000;
	s8 =	ssub.s32 s6, s8  }
0x19a: {  	[smem:$0x7EC] =	sst s8;
	s24 =	sadd.s32 s5, s8;
	s8 =	simm.s32 $0xFFFFFFFF  }
0x19b: {  	s25 =	sshll.u32 s3, $0x2;
	s28 =	sshll.u32 s4, $0x10;
	s8 =	simm.s32 @!p0 $0x0  }
0x19c: {  	s0 =	ssub.s32 s25, s28;
	s30 =	sshll.u32 s8, $0x10  }
0x19d: {  	s0 =	ssub.s32 s0, s30  }
0x19e: {  	s0 =	sshra.s32 s0, $0x2  }
0x19f: {  	[sflag:s13] =	ssyncset.done $0x0;
	s6 =	sshrl.u32 s24, $0x3;
	s0 =	sadd.s32 $0x80, s0  }
0x1a0: {  	[sflag:s13] =	ssyncadd.s32 $0xFFFFC000;
	s6 =	sadd.s32 s1, s6;
	v9 =	vmov s0  }
0x1a1: {  	[tilespmem:s15], [sflag:$0x1] =	stream.linear.gather [hbm4b:s6+s19], $0x4000, $0x38;
	[tilespmem:$0xC080] =	vst v63  }
0x1a2: {  	_ =	swait.ge [sflag:s13], $0x4000  }
0x1a3: {  	[sflag:s13] =	ssyncset.done $0x0  }
0x1a4: {  	s3 =	simm.s32 $0x40;
	[sflag:s13] =	ssyncadd.s32 $0xFFFFC000;
	s0 =	simm.s32 $0x0  }
.LBB2_20:
0x1a5: {  	p0 =	sne.s32 s3, $0xFFC0;
	v10 =	vld.idx.msk [tilespmem:v9+s0+$0x0 ss:$0x1], $0xffff;
	_ =	sdelay $0x1  }
.Ltmp9:
0x1a6: {  	(pc) =	sbr.rel @p0 .LBB2_20-.Ltmp9, $2  }
0x1a7: {  	_ =	sdelay $0x2  }
0x1a8: {  	[tilespmem:s0+$0x8080] =	vst v10;
	s0 =	sshra.s32 s3, $0x2;
	s3 =	sadd.s32 $0x40, s3  }
0x1a9: {  	_ =	sdelay $0x3  }
0x1aa: {  	v10 =	vld.idx.msk [tilespmem:v9+s0+$0x0 ss:$0x1], $0xffff;
	s20 =	ssub.s32 $0x68000, s23  }
0x1ab: {  	s4 =	sshra.s32 s20, $0x1F  }
0x1ac: {  	s4 =	sshrl.u32 s4, $0xE  }
0x1ad: {  	s4 =	sadd.s32 s4, s20  }
0x1ae: {  	s4 =	sand.u32 $0xFFFC0000, s4  }
0x1af: {  	s19 =	simm.s32 $0x0;
	s3 =	rddreg [dreg:$0xd];
	[tilespmem:s0+$0x8080] =	vst v10;
	s4 =	ssub.s32 s20, s4  }
0x1b0: {  	[hbm4b:s3+s19] =	stream.linear.scatter [tilespmem:s16], [sflag:$0x1], $0x4000, $0x38;
	[tilespmem:$0xC080] =	vst v63  }
0x1b1: {  	s3 =	sand.u32 $0x3FFF, s4  }
0x1b2: {  	s6 =	sshra.s32 s4, $0x1F;
	p0 =	slt.s32 s4, $0x1;
	p1 =	sne.s32 s3, $0x0  }
0x1b3: {  	s21 =	sshrl.u32 s6, $0x12;
	p0 =	por !p0, !p1  }
0x1b4: {  	s6 =	simm.s32 $0x1;
	s3 =	sadd.s32 s21, s4;
	p0 =	por !p0, !p0  }
0x1b5: {  	s8 =	sshra.s32 s3, $0xE;
	s6 =	simm.s32 @!p0 $0x0  }
0x1b6: {  	s3 =	ssub.s32 s8, s6  }
0x1b7: {  	s25 =	sshll.u32 s4, $0x2;
	_ =	swait.ge [sflag:s13], $0x4000;
	s6 =	sshll.u32 s3, $0xE  }
0x1b8: {  	[sflag:s13] =	ssyncset.done $0x0;
	s3 =	sadd.s32 $0x4000, s6;
	s12 =	sadd.s32 s5, s6  }
0x1b9: {  	[sflag:s13] =	ssyncadd.s32 $0xFFFFC000;
	s10 =	sshra.s32 s3, $0x1F;
	s12 =	sshrl.u32 s12, $0x3  }
0x1ba: {  	s10 =	sshrl.u32 s10, $0xE;
	s22 =	sadd.s32 s1, s12;
	s12 =	simm.s32 $0xFFFFFFFF  }
0x1bb: {  	[tilespmem:s14], [sflag:$0x1] =	stream.linear.gather [hbm4b:s22+s19], $0x4000, $0x38;
	[tilespmem:$0xC080] =	vst v63  }
0x1bc: {  	s28 =	sshll.u32 s8, $0x10;
	s10 =	sadd.s32 s10, s3;
	s12 =	simm.s32 @!p0 $0x0  }
0x1bd: {  	s0 =	ssub.s32 s25, s28;
	s10 =	sand.u32 $0xFFFC0000, s10;
	s30 =	sshll.u32 s12, $0x10  }
0x1be: {  	s3 =	ssub.s32 s3, s10;
	s0 =	ssub.s32 s0, s30  }
0x1bf: {  	_ =	swait.ge [sflag:s13], $0x4000;
	s24 =	sadd.s32 s5, s3;
	s0 =	sshra.s32 s0, $0x2  }
0x1c0: {  	[sflag:s13] =	ssyncset.done $0x0;
	s10 =	sshrl.u32 s24, $0x3;
	s0 =	sadd.s32 $0x80, s0  }
0x1c1: {  	[smem:$0x7EB] =	sst s3;
	[sflag:s13] =	ssyncadd.s32 $0xFFFFC000;
	s10 =	sadd.s32 s1, s10;
	v10 =	vmov s0  }
0x1c2: {  	[tilespmem:s15], [sflag:$0x1] =	stream.linear.gather [hbm4b:s10+s19], $0x4000, $0x38;
	[tilespmem:$0xC080] =	vst v63  }
0x1c3: {  	_ =	swait.ge [sflag:s13], $0x4000  }
0x1c4: {  	[sflag:s13] =	ssyncset.done $0x0  }
0x1c5: {  	s4 =	simm.s32 $0x40;
	s0 =	simm.s32 $0x0;
	[sflag:s13] =	ssyncadd.s32 $0xFFFFC000  }
.LBB2_22:
0x1c6: {  	p0 =	sne.s32 s4, $0xFFC0;
	v11 =	vld.idx.msk [tilespmem:v10+s0+$0x0 ss:$0x1], $0xffff;
	_ =	sdelay $0x1  }
.Ltmp10:
0x1c7: {  	(pc) =	sbr.rel @p0 .LBB2_22-.Ltmp10, $2  }
0x1c8: {  	_ =	sdelay $0x2  }
0x1c9: {  	[tilespmem:s0+$0x8080] =	vst v11;
	s0 =	sshra.s32 s4, $0x2;
	s4 =	sadd.s32 $0x40, s4  }
0x1ca: {  	_ =	sdelay $0x3  }
0x1cb: {  	v11 =	vld.idx.msk [tilespmem:v10+s0+$0x0 ss:$0x1], $0xffff;
	s4 =	ssub.s32 $0x6C000, s23  }
0x1cc: {  	s8 =	sshra.s32 s4, $0x1F  }
0x1cd: {  	s8 =	sshrl.u32 s8, $0xE  }
0x1ce: {  	s8 =	sadd.s32 s8, s4  }
0x1cf: {  	s8 =	sand.u32 $0xFFFC0000, s8  }
0x1d0: {  	s30 =	simm.s32 $0x0;
	s3 =	rddreg [dreg:$0xe];
	[tilespmem:s0+$0x8080] =	vst v11;
	s4 =	ssub.s32 s4, s8  }
0x1d1: {  	[hbm4b:s3+s30] =	stream.linear.scatter [tilespmem:s16], [sflag:$0x1], $0x4000, $0x38;
	[tilespmem:$0xC080] =	vst v63  }
0x1d2: {  	s8 =	sand.u32 $0x3FFF, s4  }
0x1d3: {  	s10 =	sshra.s32 s4, $0x1F;
	p0 =	slt.s32 s4, $0x1;
	p1 =	sne.s32 s8, $0x0  }
0x1d4: {  	s20 =	sshrl.u32 s10, $0x12;
	p0 =	por !p0, !p1  }
0x1d5: {  	s10 =	simm.s32 $0x1;
	s8 =	sadd.s32 s20, s4;
	p0 =	por !p0, !p0  }
0x1d6: {  	s8 =	sshra.s32 s8, $0xE;
	s10 =	simm.s32 @!p0 $0x0  }
0x1d7: {  	s10 =	ssub.s32 s8, s10  }
0x1d8: {  	s20 =	sshll.u32 s10, $0xE  }
0x1d9: {  	s10 =	sadd.s32 $0x4000, s20  }
0x1da: {  	_ =	swait.ge [sflag:s13], $0x4000;
	s19 =	sadd.s32 s5, s20;
	s12 =	sshra.s32 s10, $0x1F  }
0x1db: {  	[sflag:s13] =	ssyncset.done $0x0;
	s19 =	sshrl.u32 s19, $0x3;
	s12 =	sshrl.u32 s12, $0xE  }
0x1dc: {  	[sflag:s13] =	ssyncadd.s32 $0xFFFFC000;
	s21 =	sadd.s32 s1, s19;
	s12 =	sadd.s32 s12, s10  }
0x1dd: {  	[tilespmem:s14], [sflag:$0x1] =	stream.linear.gather [hbm4b:s21+s30], $0x4000, $0x38;
	[tilespmem:$0xC080] =	vst v63  }
0x1de: {  	s12 =	sand.u32 $0xFFFC0000, s12  }
0x1df: {  	s25 =	sshll.u32 s4, $0x2;
	s22 =	ssub.s32 s10, s12  }
0x1e0: {  	s28 =	sshll.u32 s8, $0x10;
	_ =	swait.ge [sflag:s13], $0x4000;
	s24 =	sadd.s32 s5, s22  }
0x1e1: {  	[sflag:s13] =	ssyncset.done $0x0;
	s12 =	simm.s32 $0xFFFFFFFF;
	s10 =	sshrl.u32 s24, $0x3  }
0x1e2: {  	[sflag:s13] =	ssyncadd.s32 $0xFFFFC000;
	s12 =	simm.s32 @!p0 $0x0;
	s10 =	sadd.s32 s1, s10  }
0x1e3: {  	[tilespmem:s15], [sflag:$0x1] =	stream.linear.gather [hbm4b:s10+s30], $0x4000, $0x38;
	[tilespmem:$0xC080] =	vst v63  }
0x1e4: {  	s0 =	ssub.s32 s25, s28;
	s30 =	sshll.u32 s12, $0x10  }
0x1e5: {  	s0 =	ssub.s32 s0, s30  }
0x1e6: {  	s0 =	sshra.s32 s0, $0x2  }
0x1e7: {  	s0 =	sadd.s32 $0x80, s0  }
0x1e8: {  	v11 =	vmov s0;
	_ =	sdelay $0x1  }
0x1e9: {  	_ =	swait.ge [sflag:s13], $0x4000  }
0x1ea: {  	[sflag:s13] =	ssyncset.done $0x0  }
0x1eb: {  	s4 =	simm.s32 $0x40;
	[sflag:s13] =	ssyncadd.s32 $0xFFFFC000;
	s0 =	simm.s32 $0x0  }
.LBB2_24:
0x1ec: {  	p0 =	sne.s32 s4, $0xFFC0;
	v12 =	vld.idx.msk [tilespmem:v11+s0+$0x0 ss:$0x1], $0xffff;
	_ =	sdelay $0x1  }
.Ltmp11:
0x1ed: {  	(pc) =	sbr.rel @p0 .LBB2_24-.Ltmp11, $2  }
0x1ee: {  	_ =	sdelay $0x2  }
0x1ef: {  	[tilespmem:s0+$0x8080] =	vst v12;
	s0 =	sshra.s32 s4, $0x2;
	s4 =	sadd.s32 $0x40, s4  }
0x1f0: {  	_ =	sdelay $0x3  }
0x1f1: {  	v12 =	vld.idx.msk [tilespmem:v11+s0+$0x0 ss:$0x1], $0xffff;
	s4 =	ssub.s32 $0x70000, s23  }
0x1f2: {  	s8 =	sshra.s32 s4, $0x1F  }
0x1f3: {  	s8 =	sshrl.u32 s8, $0xE  }
0x1f4: {  	s8 =	sadd.s32 s8, s4  }
0x1f5: {  	s8 =	sand.u32 $0xFFFC0000, s8  }
0x1f6: {  	s30 =	simm.s32 $0x0;
	s3 =	rddreg [dreg:$0xf];
	[tilespmem:s0+$0x8080] =	vst v12;
	s4 =	ssub.s32 s4, s8  }
0x1f7: {  	[hbm4b:s3+s30] =	stream.linear.scatter [tilespmem:s16], [sflag:$0x1], $0x4000, $0x38;
	[tilespmem:$0xC080] =	vst v63  }
0x1f8: {  	s8 =	sand.u32 $0x3FFF, s4  }
0x1f9: {  	s10 =	sshra.s32 s4, $0x1F;
	p0 =	slt.s32 s4, $0x1;
	p1 =	sne.s32 s8, $0x0  }
0x1fa: {  	s10 =	sshrl.u32 s10, $0x12;
	p0 =	por !p0, !p1  }
0x1fb: {  	s8 =	sadd.s32 s10, s4;
	s10 =	simm.s32 $0x1;
	p0 =	por !p0, !p0  }
0x1fc: {  	s8 =	sshra.s32 s8, $0xE;
	s10 =	simm.s32 @!p0 $0x0  }
0x1fd: {  	s10 =	ssub.s32 s8, s10  }
0x1fe: {  	s25 =	sshll.u32 s10, $0xE  }
0x1ff: {  	s10 =	sadd.s32 $0x4000, s25  }
0x200: {  	s12 =	sshra.s32 s10, $0x1F  }
0x201: {  	s21 =	sshll.u32 s4, $0x2;
	s12 =	sshrl.u32 s12, $0xE  }
0x202: {  	_ =	swait.ge [sflag:s13], $0x4000;
	s19 =	sadd.s32 s5, s25;
	s12 =	sadd.s32 s12, s10  }
0x203: {  	[sflag:s13] =	ssyncset.done $0x0;
	s19 =	sshrl.u32 s19, $0x3;
	s12 =	sand.u32 $0xFFFC0000, s12  }
0x204: {  	[sflag:s13] =	ssyncadd.s32 $0xFFFFC000;
	s28 =	ssub.s32 s10, s12;
	s12 =	sadd.s32 s1, s19  }
0x205: {  	[tilespmem:s14], [sflag:$0x1] =	stream.linear.gather [hbm4b:s12+s30], $0x4000, $0x38;
	[tilespmem:$0xC080] =	vst v63  }
0x206: {  	s24 =	sshll.u32 s8, $0x10;
	s19 =	sadd.s32 s5, s28;
	_ =	swait.ge [sflag:s13], $0x4000  }
0x207: {  	s12 =	simm.s32 $0xFFFFFFFF;
	s10 =	sshrl.u32 s19, $0x3;
	[sflag:s13] =	ssyncset.done $0x0  }
0x208: {  	s12 =	simm.s32 @!p0 $0x0;
	s10 =	sadd.s32 s1, s10;
	[sflag:s13] =	ssyncadd.s32 $0xFFFFC000  }
0x209: {  	[tilespmem:s15], [sflag:$0x1] =	stream.linear.gather [hbm4b:s10+s30], $0x4000, $0x38;
	[tilespmem:$0xC080] =	vst v63  }
0x20a: {  	s0 =	ssub.s32 s21, s24;
	s30 =	sshll.u32 s12, $0x10  }
0x20b: {  	s0 =	ssub.s32 s0, s30  }
0x20c: {  	s0 =	sshra.s32 s0, $0x2  }
0x20d: {  	s0 =	sadd.s32 $0x80, s0  }
0x20e: {  	v12 =	vmov s0;
	_ =	sdelay $0x1  }
0x20f: {  	_ =	swait.ge [sflag:s13], $0x4000  }
0x210: {  	[sflag:s13] =	ssyncset.done $0x0  }
0x211: {  	s4 =	simm.s32 $0x40;
	[sflag:s13] =	ssyncadd.s32 $0xFFFFC000;
	s0 =	simm.s32 $0x0  }
.LBB2_26:
0x212: {  	p0 =	sne.s32 s4, $0xFFC0;
	v13 =	vld.idx.msk [tilespmem:v12+s0+$0x0 ss:$0x1], $0xffff;
	_ =	sdelay $0x1  }
.Ltmp12:
0x213: {  	(pc) =	sbr.rel @p0 .LBB2_26-.Ltmp12, $2  }
0x214: {  	_ =	sdelay $0x2  }
0x215: {  	[tilespmem:s0+$0x8080] =	vst v13;
	s0 =	sshra.s32 s4, $0x2;
	s4 =	sadd.s32 $0x40, s4  }
0x216: {  	_ =	sdelay $0x3  }
0x217: {  	v13 =	vld.idx.msk [tilespmem:v12+s0+$0x0 ss:$0x1], $0xffff;
	s12 =	ssub.s32 $0x74000, s23  }
0x218: {  	s8 =	sshra.s32 s12, $0x1F  }
0x219: {  	s8 =	sshrl.u32 s8, $0xE  }
0x21a: {  	s8 =	sadd.s32 s8, s12  }
0x21b: {  	s8 =	sand.u32 $0xFFFC0000, s8  }
0x21c: {  	s4 =	simm.s32 $0x0;
	s10 =	rddreg [dreg:$0x10];
	[tilespmem:s0+$0x8080] =	vst v13;
	s8 =	ssub.s32 s12, s8  }
0x21d: {  	[hbm4b:s10+s4] =	stream.linear.scatter [tilespmem:s16], [sflag:$0x1], $0x4000, $0x38;
	[tilespmem:$0xC080] =	vst v63  }
0x21e: {  	s0 =	sand.u32 $0x3FFF, s8  }
0x21f: {  	s10 =	sshra.s32 s8, $0x1F;
	p0 =	slt.s32 s8, $0x1;
	p1 =	sne.s32 s0, $0x0  }
0x220: {  	s19 =	sshrl.u32 s10, $0x12;
	p0 =	por !p0, !p1  }
0x221: {  	s10 =	simm.s32 $0x1;
	s0 =	sadd.s32 s19, s8;
	p0 =	por !p0, !p0  }
0x222: {  	s12 =	sshra.s32 s0, $0xE;
	s10 =	simm.s32 @!p0 $0x0  }
0x223: {  	s0 =	ssub.s32 s12, s10  }
0x224: {  	s30 =	sshll.u32 s0, $0xE  }
0x225: {  	s0 =	sadd.s32 $0x4000, s30  }
0x226: {  	_ =	swait.ge [sflag:s13], $0x4000;
	s19 =	sadd.s32 s5, s30;
	s21 =	sshra.s32 s0, $0x1F  }
0x227: {  	[sflag:s13] =	ssyncset.done $0x0;
	s19 =	sshrl.u32 s19, $0x3;
	s10 =	sshrl.u32 s21, $0xE  }
0x228: {  	[sflag:s13] =	ssyncadd.s32 $0xFFFFC000;
	s24 =	sadd.s32 s1, s19;
	s10 =	sadd.s32 s10, s0  }
0x229: {  	[tilespmem:s14], [sflag:$0x1] =	stream.linear.gather [hbm4b:s24+s4], $0x4000, $0x38;
	[tilespmem:$0xC080] =	vst v63  }
0x22a: {  	s10 =	sand.u32 $0xFFFC0000, s10  }
0x22b: {  	s0 =	ssub.s32 s0, s10  }
0x22c: {  	_ =	swait.ge [sflag:s13], $0x4000;
	s3 =	sadd.s32 s5, s0  }
0x22d: {  	[sflag:s13] =	ssyncset.done $0x0;
	s10 =	sshrl.u32 s3, $0x3  }
0x22e: {  	s19 =	simm.s32 $0xFFFFFFFF;
	[sflag:s13] =	ssyncadd.s32 $0xFFFFC000;
	s10 =	sadd.s32 s1, s10  }
0x22f: {  	[tilespmem:s15], [sflag:$0x1] =	stream.linear.gather [hbm4b:s10+s4], $0x4000, $0x38;
	[tilespmem:$0xC080] =	vst v63  }
0x230: {  	s21 =	sshll.u32 s12, $0x10;
	s19 =	simm.s32 @!p0 $0x0;
	s10 =	sshll.u32 s8, $0x2  }
0x231: {  	s24 =	sshll.u32 s19, $0x10;
	s4 =	ssub.s32 s10, s21  }
0x232: {  	s4 =	ssub.s32 s4, s24  }
0x233: {  	s4 =	sshra.s32 s4, $0x2  }
0x234: {  	s4 =	sadd.s32 $0x80, s4  }
0x235: {  	v13 =	vmov s4;
	_ =	sdelay $0x1  }
0x236: {  	_ =	swait.ge [sflag:s13], $0x4000  }
0x237: {  	[sflag:s13] =	ssyncset.done $0x0  }
0x238: {  	s8 =	simm.s32 $0x40;
	[sflag:s13] =	ssyncadd.s32 $0xFFFFC000;
	s4 =	simm.s32 $0x0  }
.LBB2_28:
0x239: {  	p0 =	sne.s32 s8, $0xFFC0;
	v14 =	vld.idx.msk [tilespmem:v13+s4+$0x0 ss:$0x1], $0xffff;
	_ =	sdelay $0x1  }
.Ltmp13:
0x23a: {  	(pc) =	sbr.rel @p0 .LBB2_28-.Ltmp13, $2  }
0x23b: {  	_ =	sdelay $0x2  }
0x23c: {  	[tilespmem:s4+$0x8080] =	vst v14;
	s4 =	sshra.s32 s8, $0x2;
	s8 =	sadd.s32 $0x40, s8  }
0x23d: {  	_ =	sdelay $0x3  }
0x23e: {  	v14 =	vld.idx.msk [tilespmem:v13+s4+$0x0 ss:$0x1], $0xffff;
	s21 =	ssub.s32 $0x78000, s23  }
0x23f: {  	s8 =	sshra.s32 s21, $0x1F  }
0x240: {  	s8 =	sshrl.u32 s8, $0xE  }
0x241: {  	s8 =	sadd.s32 s8, s21  }
0x242: {  	s8 =	sand.u32 $0xFFFC0000, s8  }
0x243: {  	s10 =	simm.s32 $0x0;
	s3 =	rddreg [dreg:$0x11];
	[tilespmem:s4+$0x8080] =	vst v14;
	s12 =	ssub.s32 s21, s8  }
0x244: {  	[hbm4b:s3+s10] =	stream.linear.scatter [tilespmem:s16], [sflag:$0x1], $0x4000, $0x38;
	[tilespmem:$0xC080] =	vst v63  }
0x245: {  	s4 =	sand.u32 $0x3FFF, s12  }
0x246: {  	s8 =	sshra.s32 s12, $0x1F;
	p0 =	slt.s32 s12, $0x1;
	p1 =	sne.s32 s4, $0x0  }
0x247: {  	s24 =	sshrl.u32 s8, $0x12;
	p0 =	por !p0, !p1  }
0x248: {  	s8 =	simm.s32 $0x1;
	s4 =	sadd.s32 s24, s12;
	p0 =	por !p0, !p0  }
0x249: {  	s19 =	sshra.s32 s4, $0xE;
	s8 =	simm.s32 @!p0 $0x0  }
0x24a: {  	s4 =	ssub.s32 s19, s8  }
0x24b: {  	s4 =	sshll.u32 s4, $0xE  }
0x24c: {  	s3 =	sadd.s32 $0x4000, s4  }
0x24d: {  	_ =	swait.ge [sflag:s13], $0x4000;
	s24 =	sadd.s32 s5, s4;
	s21 =	sshra.s32 s3, $0x1F  }
0x24e: {  	[sflag:s13] =	ssyncset.done $0x0;
	s24 =	sshrl.u32 s24, $0x3;
	s21 =	sshrl.u32 s21, $0xE  }
0x24f: {  	[sflag:s13] =	ssyncadd.s32 $0xFFFFC000;
	s24 =	sadd.s32 s1, s24;
	s21 =	sadd.s32 s21, s3  }
0x250: {  	[tilespmem:s14], [sflag:$0x1] =	stream.linear.gather [hbm4b:s24+s10], $0x4000, $0x38;
	[tilespmem:$0xC080] =	vst v63  }
0x251: {  	s21 =	sand.u32 $0xFFFC0000, s21  }
0x252: {  	s8 =	ssub.s32 s3, s21  }
0x253: {  	_ =	swait.ge [sflag:s13], $0x4000;
	s3 =	sadd.s32 s5, s8  }
0x254: {  	[sflag:s13] =	ssyncset.done $0x0;
	s21 =	sshrl.u32 s3, $0x3  }
0x255: {  	s24 =	simm.s32 $0xFFFFFFFF;
	[sflag:s13] =	ssyncadd.s32 $0xFFFFC000;
	s21 =	sadd.s32 s1, s21  }
0x256: {  	[tilespmem:s15], [sflag:$0x1] =	stream.linear.gather [hbm4b:s21+s10], $0x4000, $0x38;
	[tilespmem:$0xC080] =	vst v63  }
0x257: {  	s12 =	sshll.u32 s12, $0x2;
	s24 =	simm.s32 @!p0 $0x0;
	s21 =	sshll.u32 s19, $0x10  }
0x258: {  	s24 =	sshll.u32 s24, $0x10;
	s10 =	ssub.s32 s12, s21  }
0x259: {  	s10 =	ssub.s32 s10, s24  }
0x25a: {  	s10 =	sshra.s32 s10, $0x2  }
0x25b: {  	s10 =	sadd.s32 $0x80, s10  }
0x25c: {  	v14 =	vmov s10;
	_ =	sdelay $0x1  }
0x25d: {  	_ =	swait.ge [sflag:s13], $0x4000  }
0x25e: {  	[sflag:s13] =	ssyncset.done $0x0  }
0x25f: {  	s19 =	simm.s32 $0x40;
	[sflag:s13] =	ssyncadd.s32 $0xFFFFC000;
	s10 =	simm.s32 $0x0  }
.LBB2_30:
0x260: {  	p0 =	sne.s32 s19, $0xFFC0;
	v15 =	vld.idx.msk [tilespmem:v14+s10+$0x0 ss:$0x1], $0xffff;
	_ =	sdelay $0x1  }
.Ltmp14:
0x261: {  	(pc) =	sbr.rel @p0 .LBB2_30-.Ltmp14, $2  }
0x262: {  	_ =	sdelay $0x2  }
0x263: {  	[tilespmem:s10+$0x8080] =	vst v15;
	s10 =	sshra.s32 s19, $0x2;
	s19 =	sadd.s32 $0x40, s19  }
0x264: {  	_ =	sdelay $0x3  }
0x265: {  	v15 =	vld.idx.msk [tilespmem:v14+s10+$0x0 ss:$0x1], $0xffff;
	s23 =	ssub.s32 $0x7C000, s23  }
0x266: {  	s19 =	sshra.s32 s23, $0x1F  }
0x267: {  	s19 =	sshrl.u32 s19, $0xE  }
0x268: {  	s19 =	sadd.s32 s19, s23  }
0x269: {  	s19 =	sand.u32 $0xFFFC0000, s19  }
0x26a: {  	s12 =	simm.s32 $0x0;
	s3 =	rddreg [dreg:$0x12];
	[tilespmem:s10+$0x8080] =	vst v15;
	s19 =	ssub.s32 s23, s19  }
0x26b: {  	[hbm4b:s3+s12] =	stream.linear.scatter [tilespmem:s16], [sflag:$0x1], $0x4000, $0x38;
	[tilespmem:$0xC080] =	vst v63  }
0x26c: {  	s10 =	sand.u32 $0x3FFF, s19  }
0x26d: {  	s21 =	sshra.s32 s19, $0x1F;
	p0 =	slt.s32 s19, $0x1;
	p1 =	sne.s32 s10, $0x0  }
0x26e: {  	s24 =	sshrl.u32 s21, $0x12;
	p0 =	por !p0, !p1  }
0x26f: {  	s21 =	simm.s32 $0x1;
	s10 =	sadd.s32 s24, s19;
	p0 =	por !p0, !p0  }
0x270: {  	s24 =	sshra.s32 s10, $0xE;
	s21 =	simm.s32 @!p0 $0x0  }
0x271: {  	s10 =	ssub.s32 s24, s21  }
0x272: {  	s23 =	sshll.u32 s10, $0xE  }
0x273: {  	s10 =	sadd.s32 $0x4000, s23  }
0x274: {  	s3 =	sshra.s32 s10, $0x1F  }
0x275: {  	s21 =	sshrl.u32 s3, $0xE  }
0x276: {  	_ =	swait.ge [sflag:s13], $0x4000;
	s3 =	sadd.s32 s5, s23;
	s21 =	sadd.s32 s21, s10  }
0x277: {  	[sflag:s13] =	ssyncset.done $0x0;
	s3 =	sshrl.u32 s3, $0x3;
	s21 =	sand.u32 $0xFFFC0000, s21  }
0x278: {  	[sflag:s13] =	ssyncadd.s32 $0xFFFFC000;
	s3 =	sadd.s32 s1, s3;
	s10 =	ssub.s32 s10, s21  }
0x279: {  	[tilespmem:s14], [sflag:$0x1] =	stream.linear.gather [hbm4b:s3+s12], $0x4000, $0x38;
	[tilespmem:$0xC080] =	vst v63  }
0x27a: {  	_ =	swait.ge [sflag:s13], $0x4000;
	s21 =	sadd.s32 s5, s10  }
0x27b: {  	[sflag:s13] =	ssyncset.done $0x0;
	s3 =	sshrl.u32 s21, $0x3  }
0x27c: {  	s21 =	simm.s32 $0xFFFFFFFF;
	[sflag:s13] =	ssyncadd.s32 $0xFFFFC000;
	s3 =	sadd.s32 s1, s3  }
0x27d: {  	[tilespmem:s15], [sflag:$0x1] =	stream.linear.gather [hbm4b:s3+s12], $0x4000, $0x38;
	[tilespmem:$0xC080] =	vst v63  }
0x27e: {  	s21 =	simm.s32 @!p0 $0x0;
	s12 =	sshll.u32 s19, $0x2;
	s19 =	sshll.u32 s24, $0x10  }
0x27f: {  	s24 =	sshll.u32 s21, $0x10;
	s3 =	ssub.s32 s12, s19  }
0x280: {  	s3 =	ssub.s32 s3, s24  }
0x281: {  	s3 =	sshra.s32 s3, $0x2  }
0x282: {  	s3 =	sadd.s32 $0x80, s3  }
0x283: {  	v15 =	vmov s3;
	_ =	sdelay $0x1  }
0x284: {  	_ =	swait.ge [sflag:s13], $0x4000  }
0x285: {  	[sflag:s13] =	ssyncset.done $0x0  }
0x286: {  	s19 =	simm.s32 $0x0;
	s12 =	simm.s32 $0x40;
	[sflag:s13] =	ssyncadd.s32 $0xFFFFC000  }
.LBB2_32:
0x287: {  	p0 =	sne.s32 s12, $0xFFC0;
	v16 =	vld.idx.msk [tilespmem:v15+s19+$0x0 ss:$0x1], $0xffff;
	_ =	sdelay $0x1  }
.Ltmp15:
0x288: {  	(pc) =	sbr.rel @p0 .LBB2_32-.Ltmp15, $2  }
0x289: {  	_ =	sdelay $0x2  }
0x28a: {  	[tilespmem:s19+$0x8080] =	vst v16;
	s19 =	sshra.s32 s12, $0x2;
	s12 =	sadd.s32 $0x40, s12  }
0x28b: {  	_ =	sdelay $0x3  }
0x28c: {  	v16 =	vld.idx.msk [tilespmem:v15+s19+$0x0 ss:$0x1], $0xffff;
	_ =	sdelay $0x4  }
0x28d: {  	s3 =	simm.s32 $0x0;
	s12 =	rddreg [dreg:$0x13];
	[tilespmem:s19+$0x8080] =	vst v16  }
0x28e: {  	[hbm4b:s12+s3] =	stream.linear.scatter [tilespmem:s16], [sflag:$0x1], $0x4000, $0x38;
	[tilespmem:$0xC080] =	vst v63  }
0x28f: {  	_ =	swait.ge [sflag:s13], $0x4000  }
0x290: {  	s21 =	sld [smem:$0x7F7];
	_ =	sdelay $0x2  }
0x291: {  	s12 =	sadd.s32 s18, s21  }
0x292: {  	[sflag:s13] =	ssyncset.done $0x0;
	s12 =	sshrl.u32 s12, $0x3  }
0x293: {  	[sflag:s13] =	ssyncadd.s32 $0xFFFFC000;
	s12 =	sadd.s32 s1, s12  }
0x294: {  	[tilespmem:s14], [sflag:$0x1] =	stream.linear.gather [hbm4b:s12+s3], $0x4000, $0x38;
	[tilespmem:$0xC080] =	vst v63  }
0x295: {  	_ =	swait.ge [sflag:s13], $0x4000  }
0x296: {  	s24 =	sld [smem:$0x7F8];
	_ =	sdelay $0x2  }
0x297: {  	s12 =	sadd.s32 s18, s24  }
0x298: {  	[sflag:s13] =	ssyncset.done $0x0;
	s12 =	sshrl.u32 s12, $0x3  }
0x299: {  	[sflag:s13] =	ssyncadd.s32 $0xFFFFC000;
	s12 =	sadd.s32 s1, s12  }
0x29a: {  	[tilespmem:s15], [sflag:$0x1] =	stream.linear.gather [hbm4b:s12+s3], $0x4000, $0x38;
	[tilespmem:$0xC080] =	vst v63  }
0x29b: {  	_ =	swait.ge [sflag:s13], $0x4000  }
0x29c: {  	[sflag:s13] =	ssyncset.done $0x0  }
0x29d: {  	s19 =	simm.s32 $0x0;
	s12 =	simm.s32 $0x40;
	[sflag:s13] =	ssyncadd.s32 $0xFFFFC000  }
.LBB2_34:
0x29e: {  	p0 =	sne.s32 s12, $0xFFC0;
	v16 =	vld.idx.msk [tilespmem:v0+s19+$0x0 ss:$0x1], $0xffff;
	_ =	sdelay $0x1  }
.Ltmp16:
0x29f: {  	(pc) =	sbr.rel @p0 .LBB2_34-.Ltmp16, $2  }
0x2a0: {  	_ =	sdelay $0x2  }
0x2a1: {  	[tilespmem:s19+$0x8080] =	vst v16;
	s19 =	sshra.s32 s12, $0x2;
	s12 =	sadd.s32 $0x40, s12  }
0x2a2: {  	_ =	sdelay $0x3  }
0x2a3: {  	v0 =	vld.idx.msk [tilespmem:v0+s19+$0x0 ss:$0x1], $0xffff;
	_ =	sdelay $0x4  }
0x2a4: {  	s3 =	simm.s32 $0x0;
	s12 =	rddreg [dreg:$0x14];
	[tilespmem:s19+$0x8080] =	vst v0  }
0x2a5: {  	[hbm4b:s12+s3] =	stream.linear.scatter [tilespmem:s16], [sflag:$0x1], $0x4000, $0x38;
	[tilespmem:$0xC080] =	vst v63  }
0x2a6: {  	_ =	swait.ge [sflag:s13], $0x4000  }
0x2a7: {  	s21 =	sld [smem:$0x7F5];
	_ =	sdelay $0x2  }
0x2a8: {  	s12 =	sadd.s32 s18, s21  }
0x2a9: {  	[sflag:s13] =	ssyncset.done $0x0;
	s12 =	sshrl.u32 s12, $0x3  }
0x2aa: {  	[sflag:s13] =	ssyncadd.s32 $0xFFFFC000;
	s12 =	sadd.s32 s1, s12  }
0x2ab: {  	[tilespmem:s14], [sflag:$0x1] =	stream.linear.gather [hbm4b:s12+s3], $0x4000, $0x38;
	[tilespmem:$0xC080] =	vst v63  }
0x2ac: {  	_ =	swait.ge [sflag:s13], $0x4000  }
0x2ad: {  	s24 =	sld [smem:$0x7F6];
	_ =	sdelay $0x2  }
0x2ae: {  	s12 =	sadd.s32 s18, s24  }
0x2af: {  	[sflag:s13] =	ssyncset.done $0x0;
	s12 =	sshrl.u32 s12, $0x3  }
0x2b0: {  	[sflag:s13] =	ssyncadd.s32 $0xFFFFC000;
	s12 =	sadd.s32 s1, s12  }
0x2b1: {  	[tilespmem:s15], [sflag:$0x1] =	stream.linear.gather [hbm4b:s12+s3], $0x4000, $0x38;
	[tilespmem:$0xC080] =	vst v63  }
0x2b2: {  	_ =	swait.ge [sflag:s13], $0x4000  }
0x2b3: {  	[sflag:s13] =	ssyncset.done $0x0  }
0x2b4: {  	s19 =	simm.s32 $0x0;
	s12 =	simm.s32 $0x40;
	[sflag:s13] =	ssyncadd.s32 $0xFFFFC000  }
.LBB2_36:
0x2b5: {  	p0 =	sne.s32 s12, $0xFFC0;
	v0 =	vld.idx.msk [tilespmem:v1+s19+$0x0 ss:$0x1], $0xffff;
	_ =	sdelay $0x1  }
.Ltmp17:
0x2b6: {  	(pc) =	sbr.rel @p0 .LBB2_36-.Ltmp17, $2  }
0x2b7: {  	_ =	sdelay $0x2  }
0x2b8: {  	[tilespmem:s19+$0x8080] =	vst v0;
	s19 =	sshra.s32 s12, $0x2;
	s12 =	sadd.s32 $0x40, s12  }
0x2b9: {  	_ =	sdelay $0x3  }
0x2ba: {  	v0 =	vld.idx.msk [tilespmem:v1+s19+$0x0 ss:$0x1], $0xffff;
	_ =	sdelay $0x4  }
0x2bb: {  	s3 =	simm.s32 $0x0;
	s12 =	rddreg [dreg:$0x15];
	[tilespmem:s19+$0x8080] =	vst v0  }
0x2bc: {  	[hbm4b:s12+s3] =	stream.linear.scatter [tilespmem:s16], [sflag:$0x1], $0x4000, $0x38;
	[tilespmem:$0xC080] =	vst v63  }
0x2bd: {  	_ =	swait.ge [sflag:s13], $0x4000  }
0x2be: {  	s21 =	sld [smem:$0x7F3];
	_ =	sdelay $0x2  }
0x2bf: {  	s12 =	sadd.s32 s18, s21  }
0x2c0: {  	[sflag:s13] =	ssyncset.done $0x0;
	s12 =	sshrl.u32 s12, $0x3  }
0x2c1: {  	[sflag:s13] =	ssyncadd.s32 $0xFFFFC000;
	s12 =	sadd.s32 s1, s12  }
0x2c2: {  	[tilespmem:s14], [sflag:$0x1] =	stream.linear.gather [hbm4b:s12+s3], $0x4000, $0x38;
	[tilespmem:$0xC080] =	vst v63  }
0x2c3: {  	_ =	swait.ge [sflag:s13], $0x4000  }
0x2c4: {  	s24 =	sld [smem:$0x7F4];
	_ =	sdelay $0x2  }
0x2c5: {  	s12 =	sadd.s32 s18, s24  }
0x2c6: {  	[sflag:s13] =	ssyncset.done $0x0;
	s12 =	sshrl.u32 s12, $0x3  }
0x2c7: {  	[sflag:s13] =	ssyncadd.s32 $0xFFFFC000;
	s12 =	sadd.s32 s1, s12  }
0x2c8: {  	[tilespmem:s15], [sflag:$0x1] =	stream.linear.gather [hbm4b:s12+s3], $0x4000, $0x38;
	[tilespmem:$0xC080] =	vst v63  }
0x2c9: {  	_ =	swait.ge [sflag:s13], $0x4000  }
0x2ca: {  	[sflag:s13] =	ssyncset.done $0x0  }
0x2cb: {  	s19 =	simm.s32 $0x0;
	s12 =	simm.s32 $0x40;
	[sflag:s13] =	ssyncadd.s32 $0xFFFFC000  }
.LBB2_38:
0x2cc: {  	p0 =	sne.s32 s12, $0xFFC0;
	v0 =	vld.idx.msk [tilespmem:v2+s19+$0x0 ss:$0x1], $0xffff;
	_ =	sdelay $0x1  }
.Ltmp18:
0x2cd: {  	(pc) =	sbr.rel @p0 .LBB2_38-.Ltmp18, $2  }
0x2ce: {  	_ =	sdelay $0x2  }
0x2cf: {  	[tilespmem:s19+$0x8080] =	vst v0;
	s19 =	sshra.s32 s12, $0x2;
	s12 =	sadd.s32 $0x40, s12  }
0x2d0: {  	_ =	sdelay $0x3  }
0x2d1: {  	v0 =	vld.idx.msk [tilespmem:v2+s19+$0x0 ss:$0x1], $0xffff;
	_ =	sdelay $0x4  }
0x2d2: {  	s3 =	simm.s32 $0x0;
	s12 =	rddreg [dreg:$0x17];
	[tilespmem:s19+$0x8080] =	vst v0  }
0x2d3: {  	[hbm4b:s12+s3] =	stream.linear.scatter [tilespmem:s16], [sflag:$0x1], $0x4000, $0x38;
	[tilespmem:$0xC080] =	vst v63  }
0x2d4: {  	s24 =	sadd.s32 s18, s26;
	_ =	swait.ge [sflag:s13], $0x4000  }
0x2d5: {  	s12 =	sshrl.u32 s24, $0x3;
	[sflag:s13] =	ssyncset.done $0x0  }
0x2d6: {  	s12 =	sadd.s32 s1, s12;
	[sflag:s13] =	ssyncadd.s32 $0xFFFFC000  }
0x2d7: {  	[tilespmem:s14], [sflag:$0x1] =	stream.linear.gather [hbm4b:s12+s3], $0x4000, $0x38;
	[tilespmem:$0xC080] =	vst v63  }
0x2d8: {  	_ =	swait.ge [sflag:s13], $0x4000  }
0x2d9: {  	s26 =	sld [smem:$0x7F2];
	_ =	sdelay $0x2  }
0x2da: {  	s12 =	sadd.s32 s18, s26  }
0x2db: {  	[sflag:s13] =	ssyncset.done $0x0;
	s12 =	sshrl.u32 s12, $0x3  }
0x2dc: {  	[sflag:s13] =	ssyncadd.s32 $0xFFFFC000;
	s12 =	sadd.s32 s1, s12  }
0x2dd: {  	[tilespmem:s15], [sflag:$0x1] =	stream.linear.gather [hbm4b:s12+s3], $0x4000, $0x38;
	[tilespmem:$0xC080] =	vst v63  }
0x2de: {  	_ =	swait.ge [sflag:s13], $0x4000  }
0x2df: {  	[sflag:s13] =	ssyncset.done $0x0  }
0x2e0: {  	s19 =	simm.s32 $0x0;
	s12 =	simm.s32 $0x40;
	[sflag:s13] =	ssyncadd.s32 $0xFFFFC000  }
.LBB2_40:
0x2e1: {  	p0 =	sne.s32 s12, $0xFFC0;
	v0 =	vld.idx.msk [tilespmem:v3+s19+$0x0 ss:$0x1], $0xffff;
	_ =	sdelay $0x1  }
.Ltmp19:
0x2e2: {  	(pc) =	sbr.rel @p0 .LBB2_40-.Ltmp19, $2  }
0x2e3: {  	_ =	sdelay $0x2  }
0x2e4: {  	[tilespmem:s19+$0x8080] =	vst v0;
	s19 =	sshra.s32 s12, $0x2;
	s12 =	sadd.s32 $0x40, s12  }
0x2e5: {  	_ =	sdelay $0x3  }
0x2e6: {  	v0 =	vld.idx.msk [tilespmem:v3+s19+$0x0 ss:$0x1], $0xffff;
	_ =	sdelay $0x4  }
0x2e7: {  	s3 =	simm.s32 $0x0;
	s12 =	rddreg [dreg:$0x18];
	[tilespmem:s19+$0x8080] =	vst v0  }
0x2e8: {  	[hbm4b:s12+s3] =	stream.linear.scatter [tilespmem:s16], [sflag:$0x1], $0x4000, $0x38;
	[tilespmem:$0xC080] =	vst v63  }
0x2e9: {  	s26 =	sadd.s32 s18, s29;
	_ =	swait.ge [sflag:s13], $0x4000  }
0x2ea: {  	s12 =	sshrl.u32 s26, $0x3;
	[sflag:s13] =	ssyncset.done $0x0  }
0x2eb: {  	s12 =	sadd.s32 s1, s12;
	[sflag:s13] =	ssyncadd.s32 $0xFFFFC000  }
0x2ec: {  	[tilespmem:s14], [sflag:$0x1] =	stream.linear.gather [hbm4b:s12+s3], $0x4000, $0x38;
	[tilespmem:$0xC080] =	vst v63  }
0x2ed: {  	_ =	swait.ge [sflag:s13], $0x4000  }
0x2ee: {  	s29 =	sld [smem:$0x7F1];
	_ =	sdelay $0x2  }
0x2ef: {  	s12 =	sadd.s32 s18, s29  }
0x2f0: {  	[sflag:s13] =	ssyncset.done $0x0;
	s12 =	sshrl.u32 s12, $0x3  }
0x2f1: {  	[sflag:s13] =	ssyncadd.s32 $0xFFFFC000;
	s12 =	sadd.s32 s1, s12  }
0x2f2: {  	[tilespmem:s15], [sflag:$0x1] =	stream.linear.gather [hbm4b:s12+s3], $0x4000, $0x38;
	[tilespmem:$0xC080] =	vst v63  }
0x2f3: {  	_ =	swait.ge [sflag:s13], $0x4000  }
0x2f4: {  	[sflag:s13] =	ssyncset.done $0x0  }
0x2f5: {  	s19 =	simm.s32 $0x0;
	s12 =	simm.s32 $0x40;
	[sflag:s13] =	ssyncadd.s32 $0xFFFFC000  }
.LBB2_42:
0x2f6: {  	p0 =	sne.s32 s12, $0xFFC0;
	v0 =	vld.idx.msk [tilespmem:v4+s19+$0x0 ss:$0x1], $0xffff;
	_ =	sdelay $0x1  }
.Ltmp20:
0x2f7: {  	(pc) =	sbr.rel @p0 .LBB2_42-.Ltmp20, $2  }
0x2f8: {  	_ =	sdelay $0x2  }
0x2f9: {  	[tilespmem:s19+$0x8080] =	vst v0;
	s19 =	sshra.s32 s12, $0x2;
	s12 =	sadd.s32 $0x40, s12  }
0x2fa: {  	_ =	sdelay $0x3  }
0x2fb: {  	v0 =	vld.idx.msk [tilespmem:v4+s19+$0x0 ss:$0x1], $0xffff;
	_ =	sdelay $0x4  }
0x2fc: {  	s3 =	simm.s32 $0x0;
	s12 =	rddreg [dreg:$0x19];
	[tilespmem:s19+$0x8080] =	vst v0  }
0x2fd: {  	[hbm4b:s12+s3] =	stream.linear.scatter [tilespmem:s16], [sflag:$0x1], $0x4000, $0x38;
	[tilespmem:$0xC080] =	vst v63  }
0x2fe: {  	s29 =	sadd.s32 s18, s31;
	_ =	swait.ge [sflag:s13], $0x4000  }
0x2ff: {  	s12 =	sshrl.u32 s29, $0x3;
	[sflag:s13] =	ssyncset.done $0x0  }
0x300: {  	s12 =	sadd.s32 s1, s12;
	[sflag:s13] =	ssyncadd.s32 $0xFFFFC000  }
0x301: {  	[tilespmem:s14], [sflag:$0x1] =	stream.linear.gather [hbm4b:s12+s3], $0x4000, $0x38;
	[tilespmem:$0xC080] =	vst v63  }
0x302: {  	_ =	swait.ge [sflag:s13], $0x4000  }
0x303: {  	s31 =	sld [smem:$0x7F0];
	_ =	sdelay $0x2  }
0x304: {  	s12 =	sadd.s32 s18, s31  }
0x305: {  	[sflag:s13] =	ssyncset.done $0x0;
	s12 =	sshrl.u32 s12, $0x3  }
0x306: {  	[sflag:s13] =	ssyncadd.s32 $0xFFFFC000;
	s12 =	sadd.s32 s1, s12  }
0x307: {  	[tilespmem:s15], [sflag:$0x1] =	stream.linear.gather [hbm4b:s12+s3], $0x4000, $0x38;
	[tilespmem:$0xC080] =	vst v63  }
0x308: {  	_ =	swait.ge [sflag:s13], $0x4000  }
0x309: {  	[sflag:s13] =	ssyncset.done $0x0  }
0x30a: {  	s19 =	simm.s32 $0x0;
	s12 =	simm.s32 $0x40;
	[sflag:s13] =	ssyncadd.s32 $0xFFFFC000  }
.LBB2_44:
0x30b: {  	p0 =	sne.s32 s12, $0xFFC0;
	v0 =	vld.idx.msk [tilespmem:v5+s19+$0x0 ss:$0x1], $0xffff;
	_ =	sdelay $0x1  }
.Ltmp21:
0x30c: {  	(pc) =	sbr.rel @p0 .LBB2_44-.Ltmp21, $2  }
0x30d: {  	_ =	sdelay $0x2  }
0x30e: {  	[tilespmem:s19+$0x8080] =	vst v0;
	s19 =	sshra.s32 s12, $0x2;
	s12 =	sadd.s32 $0x40, s12  }
0x30f: {  	_ =	sdelay $0x3  }
0x310: {  	v0 =	vld.idx.msk [tilespmem:v5+s19+$0x0 ss:$0x1], $0xffff;
	_ =	sdelay $0x4  }
0x311: {  	s3 =	simm.s32 $0x0;
	s12 =	rddreg [dreg:$0x1a];
	[tilespmem:s19+$0x8080] =	vst v0  }
0x312: {  	[hbm4b:s12+s3] =	stream.linear.scatter [tilespmem:s16], [sflag:$0x1], $0x4000, $0x38;
	[tilespmem:$0xC080] =	vst v63  }
0x313: {  	s2 =	sadd.s32 s18, s2;
	_ =	swait.ge [sflag:s13], $0x4000  }
0x314: {  	s2 =	sshrl.u32 s2, $0x3;
	[sflag:s13] =	ssyncset.done $0x0  }
0x315: {  	s2 =	sadd.s32 s1, s2;
	[sflag:s13] =	ssyncadd.s32 $0xFFFFC000  }
0x316: {  	[tilespmem:s14], [sflag:$0x1] =	stream.linear.gather [hbm4b:s2+s3], $0x4000, $0x38;
	[tilespmem:$0xC080] =	vst v63  }
0x317: {  	_ =	swait.ge [sflag:s13], $0x4000  }
0x318: {  	s31 =	sld [smem:$0x7EF];
	_ =	sdelay $0x2  }
0x319: {  	s2 =	sadd.s32 s18, s31  }
0x31a: {  	[sflag:s13] =	ssyncset.done $0x0;
	s2 =	sshrl.u32 s2, $0x3  }
0x31b: {  	[sflag:s13] =	ssyncadd.s32 $0xFFFFC000;
	s2 =	sadd.s32 s1, s2  }
0x31c: {  	[tilespmem:s15], [sflag:$0x1] =	stream.linear.gather [hbm4b:s2+s3], $0x4000, $0x38;
	[tilespmem:$0xC080] =	vst v63  }
0x31d: {  	_ =	swait.ge [sflag:s13], $0x4000  }
0x31e: {  	[sflag:s13] =	ssyncset.done $0x0  }
0x31f: {  	s12 =	simm.s32 $0x40;
	s2 =	simm.s32 $0x0;
	[sflag:s13] =	ssyncadd.s32 $0xFFFFC000  }
.LBB2_46:
0x320: {  	p0 =	sne.s32 s12, $0xFFC0;
	v0 =	vld.idx.msk [tilespmem:v6+s2+$0x0 ss:$0x1], $0xffff;
	_ =	sdelay $0x1  }
.Ltmp22:
0x321: {  	(pc) =	sbr.rel @p0 .LBB2_46-.Ltmp22, $2  }
0x322: {  	_ =	sdelay $0x2  }
0x323: {  	[tilespmem:s2+$0x8080] =	vst v0;
	s2 =	sshra.s32 s12, $0x2;
	s12 =	sadd.s32 $0x40, s12  }
0x324: {  	_ =	sdelay $0x3  }
0x325: {  	v0 =	vld.idx.msk [tilespmem:v6+s2+$0x0 ss:$0x1], $0xffff;
	_ =	sdelay $0x4  }
0x326: {  	s26 =	simm.s32 $0x0;
	s3 =	rddreg [dreg:$0x1b];
	[tilespmem:s2+$0x8080] =	vst v0  }
0x327: {  	[hbm4b:s3+s26] =	stream.linear.scatter [tilespmem:s16], [sflag:$0x1], $0x4000, $0x38;
	[tilespmem:$0xC080] =	vst v63  }
0x328: {  	s29 =	sadd.s32 s18, s7;
	_ =	swait.ge [sflag:s13], $0x4000  }
0x329: {  	s3 =	sshrl.u32 s29, $0x3;
	[sflag:s13] =	ssyncset.done $0x0  }
0x32a: {  	s3 =	sadd.s32 s1, s3;
	[sflag:s13] =	ssyncadd.s32 $0xFFFFC000  }
0x32b: {  	[tilespmem:s14], [sflag:$0x1] =	stream.linear.gather [hbm4b:s3+s26], $0x4000, $0x38;
	[tilespmem:$0xC080] =	vst v63  }
0x32c: {  	_ =	swait.ge [sflag:s13], $0x4000  }
0x32d: {  	s31 =	sld [smem:$0x7EE];
	_ =	sdelay $0x2  }
0x32e: {  	s3 =	sadd.s32 s18, s31  }
0x32f: {  	[sflag:s13] =	ssyncset.done $0x0;
	s3 =	sshrl.u32 s3, $0x3  }
0x330: {  	[sflag:s13] =	ssyncadd.s32 $0xFFFFC000;
	s3 =	sadd.s32 s1, s3  }
0x331: {  	[tilespmem:s15], [sflag:$0x1] =	stream.linear.gather [hbm4b:s3+s26], $0x4000, $0x38;
	[tilespmem:$0xC080] =	vst v63  }
0x332: {  	_ =	swait.ge [sflag:s13], $0x4000  }
0x333: {  	[sflag:s13] =	ssyncset.done $0x0  }
0x334: {  	s7 =	simm.s32 $0x40;
	s2 =	simm.s32 $0x0;
	[sflag:s13] =	ssyncadd.s32 $0xFFFFC000  }
.LBB2_48:
0x335: {  	p0 =	sne.s32 s7, $0xFFC0;
	v0 =	vld.idx.msk [tilespmem:v7+s2+$0x0 ss:$0x1], $0xffff;
	_ =	sdelay $0x1  }
.Ltmp23:
0x336: {  	(pc) =	sbr.rel @p0 .LBB2_48-.Ltmp23, $2  }
0x337: {  	_ =	sdelay $0x2  }
0x338: {  	[tilespmem:s2+$0x8080] =	vst v0;
	s2 =	sshra.s32 s7, $0x2;
	s7 =	sadd.s32 $0x40, s7  }
0x339: {  	_ =	sdelay $0x3  }
0x33a: {  	v0 =	vld.idx.msk [tilespmem:v7+s2+$0x0 ss:$0x1], $0xffff;
	_ =	sdelay $0x4  }
0x33b: {  	s26 =	simm.s32 $0x0;
	s3 =	rddreg [dreg:$0x1c];
	[tilespmem:s2+$0x8080] =	vst v0  }
0x33c: {  	[hbm4b:s3+s26] =	stream.linear.scatter [tilespmem:s16], [sflag:$0x1], $0x4000, $0x38;
	[tilespmem:$0xC080] =	vst v63  }
0x33d: {  	s29 =	sadd.s32 s18, s9;
	_ =	swait.ge [sflag:s13], $0x4000  }
0x33e: {  	s3 =	sshrl.u32 s29, $0x3;
	[sflag:s13] =	ssyncset.done $0x0  }
0x33f: {  	s3 =	sadd.s32 s1, s3;
	[sflag:s13] =	ssyncadd.s32 $0xFFFFC000  }
0x340: {  	[tilespmem:s14], [sflag:$0x1] =	stream.linear.gather [hbm4b:s3+s26], $0x4000, $0x38;
	[tilespmem:$0xC080] =	vst v63  }
0x341: {  	_ =	swait.ge [sflag:s13], $0x4000  }
0x342: {  	s31 =	sld [smem:$0x7ED];
	_ =	sdelay $0x2  }
0x343: {  	s3 =	sadd.s32 s18, s31  }
0x344: {  	[sflag:s13] =	ssyncset.done $0x0;
	s3 =	sshrl.u32 s3, $0x3  }
0x345: {  	[sflag:s13] =	ssyncadd.s32 $0xFFFFC000;
	s3 =	sadd.s32 s1, s3  }
0x346: {  	[tilespmem:s15], [sflag:$0x1] =	stream.linear.gather [hbm4b:s3+s26], $0x4000, $0x38;
	[tilespmem:$0xC080] =	vst v63  }
0x347: {  	_ =	swait.ge [sflag:s13], $0x4000  }
0x348: {  	[sflag:s13] =	ssyncset.done $0x0  }
0x349: {  	s7 =	simm.s32 $0x40;
	s2 =	simm.s32 $0x0;
	[sflag:s13] =	ssyncadd.s32 $0xFFFFC000  }
.LBB2_50:
0x34a: {  	p0 =	sne.s32 s7, $0xFFC0;
	v0 =	vld.idx.msk [tilespmem:v8+s2+$0x0 ss:$0x1], $0xffff;
	_ =	sdelay $0x1  }
.Ltmp24:
0x34b: {  	(pc) =	sbr.rel @p0 .LBB2_50-.Ltmp24, $2  }
0x34c: {  	_ =	sdelay $0x2  }
0x34d: {  	[tilespmem:s2+$0x8080] =	vst v0;
	s2 =	sshra.s32 s7, $0x2;
	s7 =	sadd.s32 $0x40, s7  }
0x34e: {  	_ =	sdelay $0x3  }
0x34f: {  	v0 =	vld.idx.msk [tilespmem:v8+s2+$0x0 ss:$0x1], $0xffff;
	_ =	sdelay $0x4  }
0x350: {  	s26 =	simm.s32 $0x0;
	s3 =	rddreg [dreg:$0x1d];
	[tilespmem:s2+$0x8080] =	vst v0  }
0x351: {  	[hbm4b:s3+s26] =	stream.linear.scatter [tilespmem:s16], [sflag:$0x1], $0x4000, $0x38;
	[tilespmem:$0xC080] =	vst v63  }
0x352: {  	s29 =	sadd.s32 s18, s11;
	_ =	swait.ge [sflag:s13], $0x4000  }
0x353: {  	s3 =	sshrl.u32 s29, $0x3;
	[sflag:s13] =	ssyncset.done $0x0  }
0x354: {  	s3 =	sadd.s32 s1, s3;
	[sflag:s13] =	ssyncadd.s32 $0xFFFFC000  }
0x355: {  	[tilespmem:s14], [sflag:$0x1] =	stream.linear.gather [hbm4b:s3+s26], $0x4000, $0x38;
	[tilespmem:$0xC080] =	vst v63  }
0x356: {  	_ =	swait.ge [sflag:s13], $0x4000  }
0x357: {  	s31 =	sld [smem:$0x7EC];
	_ =	sdelay $0x2  }
0x358: {  	s3 =	sadd.s32 s18, s31  }
0x359: {  	[sflag:s13] =	ssyncset.done $0x0;
	s3 =	sshrl.u32 s3, $0x3  }
0x35a: {  	[sflag:s13] =	ssyncadd.s32 $0xFFFFC000;
	s3 =	sadd.s32 s1, s3  }
0x35b: {  	[tilespmem:s15], [sflag:$0x1] =	stream.linear.gather [hbm4b:s3+s26], $0x4000, $0x38;
	[tilespmem:$0xC080] =	vst v63  }
0x35c: {  	_ =	swait.ge [sflag:s13], $0x4000  }
0x35d: {  	[sflag:s13] =	ssyncset.done $0x0  }
0x35e: {  	s7 =	simm.s32 $0x40;
	s2 =	simm.s32 $0x0;
	[sflag:s13] =	ssyncadd.s32 $0xFFFFC000  }
.LBB2_52:
0x35f: {  	p0 =	sne.s32 s7, $0xFFC0;
	v0 =	vld.idx.msk [tilespmem:v9+s2+$0x0 ss:$0x1], $0xffff;
	_ =	sdelay $0x1  }
.Ltmp25:
0x360: {  	(pc) =	sbr.rel @p0 .LBB2_52-.Ltmp25, $2  }
0x361: {  	_ =	sdelay $0x2  }
0x362: {  	[tilespmem:s2+$0x8080] =	vst v0;
	s2 =	sshra.s32 s7, $0x2;
	s7 =	sadd.s32 $0x40, s7  }
0x363: {  	_ =	sdelay $0x3  }
0x364: {  	v0 =	vld.idx.msk [tilespmem:v9+s2+$0x0 ss:$0x1], $0xffff;
	_ =	sdelay $0x4  }
0x365: {  	s26 =	simm.s32 $0x0;
	s3 =	rddreg [dreg:$0x1e];
	[tilespmem:s2+$0x8080] =	vst v0  }
0x366: {  	[hbm4b:s3+s26] =	stream.linear.scatter [tilespmem:s16], [sflag:$0x1], $0x4000, $0x38;
	[tilespmem:$0xC080] =	vst v63  }
0x367: {  	s29 =	sadd.s32 s18, s6;
	_ =	swait.ge [sflag:s13], $0x4000  }
0x368: {  	s3 =	sshrl.u32 s29, $0x3;
	[sflag:s13] =	ssyncset.done $0x0  }
0x369: {  	s3 =	sadd.s32 s1, s3;
	[sflag:s13] =	ssyncadd.s32 $0xFFFFC000  }
0x36a: {  	[tilespmem:s14], [sflag:$0x1] =	stream.linear.gather [hbm4b:s3+s26], $0x4000, $0x38;
	[tilespmem:$0xC080] =	vst v63  }
0x36b: {  	_ =	swait.ge [sflag:s13], $0x4000  }
0x36c: {  	s31 =	sld [smem:$0x7EB];
	_ =	sdelay $0x2  }
0x36d: {  	s3 =	sadd.s32 s18, s31  }
0x36e: {  	[sflag:s13] =	ssyncset.done $0x0;
	s3 =	sshrl.u32 s3, $0x3  }
0x36f: {  	[sflag:s13] =	ssyncadd.s32 $0xFFFFC000;
	s3 =	sadd.s32 s1, s3  }
0x370: {  	[tilespmem:s15], [sflag:$0x1] =	stream.linear.gather [hbm4b:s3+s26], $0x4000, $0x38;
	[tilespmem:$0xC080] =	vst v63  }
0x371: {  	_ =	swait.ge [sflag:s13], $0x4000  }
0x372: {  	[sflag:s13] =	ssyncset.done $0x0  }
0x373: {  	s2 =	simm.s32 $0x0;
	s3 =	simm.s32 $0x40;
	[sflag:s13] =	ssyncadd.s32 $0xFFFFC000  }
.LBB2_54:
0x374: {  	p0 =	sne.s32 s3, $0xFFC0;
	v0 =	vld.idx.msk [tilespmem:v10+s2+$0x0 ss:$0x1], $0xffff;
	_ =	sdelay $0x1  }
.Ltmp26:
0x375: {  	(pc) =	sbr.rel @p0 .LBB2_54-.Ltmp26, $2  }
0x376: {  	_ =	sdelay $0x2  }
0x377: {  	[tilespmem:s2+$0x8080] =	vst v0;
	s2 =	sshra.s32 s3, $0x2;
	s3 =	sadd.s32 $0x40, s3  }
0x378: {  	_ =	sdelay $0x3  }
0x379: {  	v0 =	vld.idx.msk [tilespmem:v10+s2+$0x0 ss:$0x1], $0xffff;
	_ =	sdelay $0x4  }
0x37a: {  	s26 =	simm.s32 $0x0;
	s3 =	rddreg [dreg:$0x1f];
	[tilespmem:s2+$0x8080] =	vst v0  }
0x37b: {  	[hbm4b:s3+s26] =	stream.linear.scatter [tilespmem:s16], [sflag:$0x1], $0x4000, $0x38;
	[tilespmem:$0xC080] =	vst v63  }
0x37c: {  	s29 =	sadd.s32 s18, s20;
	_ =	swait.ge [sflag:s13], $0x4000  }
0x37d: {  	s3 =	sshrl.u32 s29, $0x3;
	[sflag:s13] =	ssyncset.done $0x0  }
0x37e: {  	s3 =	sadd.s32 s1, s3;
	[sflag:s13] =	ssyncadd.s32 $0xFFFFC000  }
0x37f: {  	[tilespmem:s14], [sflag:$0x1] =	stream.linear.gather [hbm4b:s3+s26], $0x4000, $0x38;
	[tilespmem:$0xC080] =	vst v63  }
0x380: {  	s31 =	sadd.s32 s18, s22;
	_ =	swait.ge [sflag:s13], $0x4000  }
0x381: {  	s3 =	sshrl.u32 s31, $0x3;
	[sflag:s13] =	ssyncset.done $0x0  }
0x382: {  	s3 =	sadd.s32 s1, s3;
	[sflag:s13] =	ssyncadd.s32 $0xFFFFC000  }
0x383: {  	[tilespmem:s15], [sflag:$0x1] =	stream.linear.gather [hbm4b:s3+s26], $0x4000, $0x38;
	[tilespmem:$0xC080] =	vst v63  }
0x384: {  	_ =	swait.ge [sflag:s13], $0x4000  }
0x385: {  	s7 =	simm.s32 $0x0;
	[sflag:s13] =	ssyncset.done $0x0  }
0x386: {  	s2 =	simm.s32 $0x0;
	s3 =	simm.s32 $0x40;
	[sflag:s13] =	ssyncadd.s32 $0xFFFFC000  }
.LBB2_56:
0x387: {  	p0 =	sne.s32 s3, $0xFFC0;
	v0 =	vld.idx.msk [tilespmem:v11+s2+$0x0 ss:$0x1], $0xffff;
	_ =	sdelay $0x1  }
.Ltmp27:
0x388: {  	(pc) =	sbr.rel @p0 .LBB2_56-.Ltmp27, $2  }
0x389: {  	_ =	sdelay $0x2  }
0x38a: {  	[tilespmem:s2+$0x8080] =	vst v0;
	s2 =	sshra.s32 s3, $0x2;
	s3 =	sadd.s32 $0x40, s3  }
0x38b: {  	_ =	sdelay $0x3  }
0x38c: {  	v0 =	vld.idx.msk [tilespmem:v11+s2+$0x0 ss:$0x1], $0xffff;
	_ =	sdelay $0x2  }
0x38d: {  	s3 =	sld [smem:$0x7F9];
	_ =	sdelay $0x1  }
0x38e: {  	s26 =	simm.s32 $0x0;
	[tilespmem:s2+$0x8080] =	vst v0  }
0x38f: {  	[hbm4b:s3+s26] =	stream.linear.scatter [tilespmem:s16], [sflag:$0x1], $0x4000, $0x38;
	[tilespmem:$0xC080] =	vst v63  }
0x390: {  	s29 =	sadd.s32 s18, s25;
	_ =	swait.ge [sflag:s13], $0x4000  }
0x391: {  	s3 =	sshrl.u32 s29, $0x3;
	[sflag:s13] =	ssyncset.done $0x0  }
0x392: {  	s3 =	sadd.s32 s1, s3;
	[sflag:s13] =	ssyncadd.s32 $0xFFFFC000  }
0x393: {  	[tilespmem:s14], [sflag:$0x1] =	stream.linear.gather [hbm4b:s3+s26], $0x4000, $0x38;
	[tilespmem:$0xC080] =	vst v63  }
0x394: {  	s31 =	sadd.s32 s18, s28;
	_ =	swait.ge [sflag:s13], $0x4000  }
0x395: {  	s3 =	sshrl.u32 s31, $0x3;
	[sflag:s13] =	ssyncset.done $0x0  }
0x396: {  	s3 =	sadd.s32 s1, s3;
	[sflag:s13] =	ssyncadd.s32 $0xFFFFC000  }
0x397: {  	[tilespmem:s15], [sflag:$0x1] =	stream.linear.gather [hbm4b:s3+s26], $0x4000, $0x38;
	[tilespmem:$0xC080] =	vst v63  }
0x398: {  	_ =	swait.ge [sflag:s13], $0x4000  }
0x399: {  	[sflag:s13] =	ssyncset.done $0x0  }
0x39a: {  	s2 =	simm.s32 $0x0;
	s3 =	simm.s32 $0x40;
	[sflag:s13] =	ssyncadd.s32 $0xFFFFC000  }
.LBB2_58:
0x39b: {  	p0 =	sne.s32 s3, $0xFFC0;
	v0 =	vld.idx.msk [tilespmem:v12+s2+$0x0 ss:$0x1], $0xffff;
	_ =	sdelay $0x1  }
.Ltmp28:
0x39c: {  	(pc) =	sbr.rel @p0 .LBB2_58-.Ltmp28, $2  }
0x39d: {  	_ =	sdelay $0x2  }
0x39e: {  	[tilespmem:s2+$0x8080] =	vst v0;
	s2 =	sshra.s32 s3, $0x2;
	s3 =	sadd.s32 $0x40, s3  }
0x39f: {  	_ =	sdelay $0x3  }
0x3a0: {  	v0 =	vld.idx.msk [tilespmem:v12+s2+$0x0 ss:$0x1], $0xffff;
	_ =	sdelay $0x2  }
0x3a1: {  	s3 =	sld [smem:$0x7FA];
	_ =	sdelay $0x1  }
0x3a2: {  	s29 =	simm.s32 $0x0;
	[tilespmem:s2+$0x8080] =	vst v0  }
0x3a3: {  	[hbm4b:s3+s29] =	stream.linear.scatter [tilespmem:s16], [sflag:$0x1], $0x4000, $0x38;
	[tilespmem:$0xC080] =	vst v63  }
0x3a4: {  	s31 =	sadd.s32 s18, s30;
	_ =	swait.ge [sflag:s13], $0x4000  }
0x3a5: {  	s3 =	sshrl.u32 s31, $0x3;
	[sflag:s13] =	ssyncset.done $0x0  }
0x3a6: {  	s3 =	sadd.s32 s1, s3;
	[sflag:s13] =	ssyncadd.s32 $0xFFFFC000  }
0x3a7: {  	[tilespmem:s14], [sflag:$0x1] =	stream.linear.gather [hbm4b:s3+s29], $0x4000, $0x38;
	[tilespmem:$0xC080] =	vst v63  }
0x3a8: {  	s0 =	sadd.s32 s18, s0;
	_ =	swait.ge [sflag:s13], $0x4000  }
0x3a9: {  	s0 =	sshrl.u32 s0, $0x3;
	[sflag:s13] =	ssyncset.done $0x0  }
0x3aa: {  	s0 =	sadd.s32 s1, s0;
	[sflag:s13] =	ssyncadd.s32 $0xFFFFC000  }
0x3ab: {  	[tilespmem:s15], [sflag:$0x1] =	stream.linear.gather [hbm4b:s0+s29], $0x4000, $0x38;
	[tilespmem:$0xC080] =	vst v63  }
0x3ac: {  	_ =	swait.ge [sflag:s13], $0x4000  }
0x3ad: {  	[sflag:s13] =	ssyncset.done $0x0  }
0x3ae: {  	s2 =	simm.s32 $0x40;
	s0 =	simm.s32 $0x0;
	[sflag:s13] =	ssyncadd.s32 $0xFFFFC000  }
.LBB2_60:
0x3af: {  	p0 =	sne.s32 s2, $0xFFC0;
	v0 =	vld.idx.msk [tilespmem:v13+s0+$0x0 ss:$0x1], $0xffff;
	_ =	sdelay $0x1  }
.Ltmp29:
0x3b0: {  	(pc) =	sbr.rel @p0 .LBB2_60-.Ltmp29, $2  }
0x3b1: {  	_ =	sdelay $0x2  }
0x3b2: {  	[tilespmem:s0+$0x8080] =	vst v0;
	s0 =	sshra.s32 s2, $0x2;
	s2 =	sadd.s32 $0x40, s2  }
0x3b3: {  	_ =	sdelay $0x3  }
0x3b4: {  	v0 =	vld.idx.msk [tilespmem:v13+s0+$0x0 ss:$0x1], $0xffff;
	_ =	sdelay $0x2  }
0x3b5: {  	s2 =	sld [smem:$0x7FB];
	_ =	sdelay $0x1  }
0x3b6: {  	s29 =	simm.s32 $0x0;
	[tilespmem:s0+$0x8080] =	vst v0  }
0x3b7: {  	[hbm4b:s2+s29] =	stream.linear.scatter [tilespmem:s16], [sflag:$0x1], $0x4000, $0x38;
	[tilespmem:$0xC080] =	vst v63  }
0x3b8: {  	s30 =	sadd.s32 s18, s4;
	_ =	swait.ge [sflag:s13], $0x4000  }
0x3b9: {  	s2 =	sshrl.u32 s30, $0x3;
	[sflag:s13] =	ssyncset.done $0x0  }
0x3ba: {  	s2 =	sadd.s32 s1, s2;
	[sflag:s13] =	ssyncadd.s32 $0xFFFFC000  }
0x3bb: {  	[tilespmem:s14], [sflag:$0x1] =	stream.linear.gather [hbm4b:s2+s29], $0x4000, $0x38;
	[tilespmem:$0xC080] =	vst v63  }
0x3bc: {  	s31 =	sadd.s32 s18, s8;
	_ =	swait.ge [sflag:s13], $0x4000  }
0x3bd: {  	s2 =	sshrl.u32 s31, $0x3;
	[sflag:s13] =	ssyncset.done $0x0  }
0x3be: {  	s2 =	sadd.s32 s1, s2;
	[sflag:s13] =	ssyncadd.s32 $0xFFFFC000  }
0x3bf: {  	[tilespmem:s15], [sflag:$0x1] =	stream.linear.gather [hbm4b:s2+s29], $0x4000, $0x38;
	[tilespmem:$0xC080] =	vst v63  }
0x3c0: {  	_ =	swait.ge [sflag:s13], $0x4000  }
0x3c1: {  	[sflag:s13] =	ssyncset.done $0x0  }
0x3c2: {  	s0 =	simm.s32 $0x0;
	s2 =	simm.s32 $0x40;
	[sflag:s13] =	ssyncadd.s32 $0xFFFFC000  }
.LBB2_62:
0x3c3: {  	p0 =	sne.s32 s2, $0xFFC0;
	v0 =	vld.idx.msk [tilespmem:v14+s0+$0x0 ss:$0x1], $0xffff;
	_ =	sdelay $0x1  }
.Ltmp30:
0x3c4: {  	(pc) =	sbr.rel @p0 .LBB2_62-.Ltmp30, $2  }
0x3c5: {  	_ =	sdelay $0x2  }
0x3c6: {  	[tilespmem:s0+$0x8080] =	vst v0;
	s0 =	sshra.s32 s2, $0x2;
	s2 =	sadd.s32 $0x40, s2  }
0x3c7: {  	_ =	sdelay $0x3  }
0x3c8: {  	v0 =	vld.idx.msk [tilespmem:v14+s0+$0x0 ss:$0x1], $0xffff;
	_ =	sdelay $0x2  }
0x3c9: {  	s2 =	sld [smem:$0x7FC];
	_ =	sdelay $0x1  }
0x3ca: {  	s29 =	simm.s32 $0x0;
	[tilespmem:s0+$0x8080] =	vst v0  }
0x3cb: {  	[hbm4b:s2+s29] =	stream.linear.scatter [tilespmem:s16], [sflag:$0x1], $0x4000, $0x38;
	[tilespmem:$0xC080] =	vst v63  }
0x3cc: {  	s30 =	sadd.s32 s18, s23;
	_ =	swait.ge [sflag:s13], $0x4000  }
0x3cd: {  	s2 =	sshrl.u32 s30, $0x3;
	[sflag:s13] =	ssyncset.done $0x0  }
0x3ce: {  	s2 =	sadd.s32 s1, s2;
	[sflag:s13] =	ssyncadd.s32 $0xFFFFC000  }
0x3cf: {  	[tilespmem:s14], [sflag:$0x1] =	stream.linear.gather [hbm4b:s2+s29], $0x4000, $0x38;
	[tilespmem:$0xC080] =	vst v63  }
0x3d0: {  	s31 =	sadd.s32 s18, s10;
	_ =	swait.ge [sflag:s13], $0x4000  }
0x3d1: {  	s2 =	sshrl.u32 s31, $0x3;
	[sflag:s13] =	ssyncset.done $0x0  }
0x3d2: {  	s2 =	sadd.s32 s1, s2;
	[sflag:s13] =	ssyncadd.s32 $0xFFFFC000  }
0x3d3: {  	[tilespmem:s15], [sflag:$0x1] =	stream.linear.gather [hbm4b:s2+s29], $0x4000, $0x38;
	[tilespmem:$0xC080] =	vst v63  }
0x3d4: {  	_ =	swait.ge [sflag:s13], $0x4000  }
0x3d5: {  	[sflag:s13] =	ssyncset.done $0x0  }
0x3d6: {  	s0 =	simm.s32 $0x0;
	s2 =	simm.s32 $0x40;
	[sflag:s13] =	ssyncadd.s32 $0xFFFFC000  }
.LBB2_64:
0x3d7: {  	p0 =	sne.s32 s2, $0xFFC0;
	v0 =	vld.idx.msk [tilespmem:v15+s0+$0x0 ss:$0x1], $0xffff;
	_ =	sdelay $0x1  }
.Ltmp31:
0x3d8: {  	(pc) =	sbr.rel @p0 .LBB2_64-.Ltmp31, $2  }
0x3d9: {  	_ =	sdelay $0x2  }
0x3da: {  	[tilespmem:s0+$0x8080] =	vst v0;
	s0 =	sshra.s32 s2, $0x2;
	s2 =	sadd.s32 $0x40, s2  }
0x3db: {  	_ =	sdelay $0x3  }
0x3dc: {  	v0 =	vld.idx.msk [tilespmem:v15+s0+$0x0 ss:$0x1], $0xffff;
	_ =	sdelay $0x2  }
0x3dd: {  	s30 =	sld [smem:$0x7FD];
	_ =	sdelay $0x1  }
0x3de: {  	[tilespmem:s0+$0x8080] =	vst v0  }
0x3df: {  	[hbm4b:s30+s7] =	stream.linear.scatter [tilespmem:s16], [sflag:$0x1], $0x4000, $0x38;
	[tilespmem:$0xC080] =	vst v63  }
0x3e0: {  	_ =	swait.ge [sflag:s13], $0x4000  }
0x3e1: {  	s17 =	sadd.s32 $0x1, s17;
	s31 =	rddreg [dreg:$0x16]  }
0x3e2: {  	p0 =	sne.s32 s17, s31  }
.Ltmp32:
0x3e3: {  	_ = 	snop;
	(pc) =	sbr.rel @p0 .LBB2_1-.Ltmp32, $3  }
0x3e4: {  	_ =	sdelay $0x1  }
0x3e5: {  	[sflag:s13] =	ssyncset.done $0x0  }
0x3e6: {  	[sflag:s13] =	ssyncadd.s32 $0xFFFFC000  }
0x3e7: {  	_ =	sfence.sel $0x180000  }
0x3e8: {  	[bflag:$0x0] =	sbarrier.arrive $0xFFFF  }
0x3e9: {  	_ =	strace $0x9000004A  }
0x3ea: {  	s0 =	stileid.u32;
	[bflag:$0x2] =	sbarrier.arrive $0xFFFF  }
0x3eb: {  	p0 =	sne.s32 s0, $0x0;
	s0 =	rddreg [dreg:$0x2]  }
0x3ec: {  	s0 =	sadd.s32 @!p0 $0x100000, s0  }
0x3ed: {  	[sflag:s0] =	ssyncadd.tile.s32 @!p0 $0x1;
	_ =	shalt  }
.Lfunc_end2:
_tile_overlayer_lowered:
.L_overlay_start_2:
0x3ee: {  	(tag) =	ssettag $0x2  }
0x3ef: {  	s0 =	rddreg [dreg:$0x0];
	s2 =	stileid.u32  }
0x3f0: {  	s1 =	rddreg [dreg:$0x1];
	p0 =	sne.s32 s2, $0x0  }
0x3f1: {  	s3 =	rddreg [dreg:$0x2];
	[bflag:$0x3] =	sbarrier.arrive $0xFFFF;
	s2 =	simm.s32 @!p0 $0x1C01  }
0x3f2: {  	[timem:s3], [sflag:s2] =	dma.local @!p0 [hbm:s0], s1  }
0x3f3: {  	s0 =	simm.s32 @!p0 $0x1  }
0x3f4: {  	_ =	swait.ge @!p0 [sflag:s0], s1  }
0x3f5: {  	s1 =	ssub.s32 @!p0 $0x0, s1;
	[sflag:s0] =	ssyncset.done @!p0 $0x0  }
0x3f6: {  	[sflag:s0] =	ssyncadd.s32 @!p0 s1  }
0x3f7: {  	[bflag:$0x3] =	sbarrier.arrive $0xFFFF  }
0x3f8: {  	_ =	shalt  }

// kernel: sparse-core-data-format-call.cloned.1.call-start
scs
called_computation_lowered:
.L_overlay_start_0:
0x0: {  	s2 =	sld [smem:$0x3FD9]  }
0x1: {  	s3 =	sld [smem:$0x3FFE];
	_ =	sdelay $0x1  }
0x2: {  	s1 =	srdreg.scid  }
0x3: {  	s0 =	sand.u32 $0x1, s1  }
0x4: {  	s19 =	sshll.u32 s0, $0xA;
	s2 =	sadd.s32 s3, s2  }
0x5: {  	s2 =	sadd.s32 s2, s19  }
0x6: {  	[smem:$0x3FC5] =	sst s2  }
0x7: {  	_ = 	snop  }
0x8: {  	s2 =	sld [smem:$0x3FC9]  }
0x9: {  	s20 =	sld [smem:$0x3FD0];
	(tm) =	ssettm $0x1  }
0xa: {  	s4 =	sld [smem:$0x3FFB];
	_ =	sdelay $0x3  }
0xb: {  	_ =	strace s4  }
0xc: {  	s4 =	sld [smem:$0x3FFC];
	_ =	sdelay $0x3  }
0xd: {  	_ =	strace s4  }
0xe: {  	s4 =	sld [smem:$0x3FFD];
	_ =	sdelay $0x3  }
0xf: {  	_ =	strace s4  }
0x10: {  	_ =	strace $0x8FFFFFFF  }
0x11: {  	s21 =	sld [smem:$0x3FDB];
	_ =	sdelay $0x1  }
0x12: {  	s5 =	simm.s32 $_scs_section_size  }
0x13: {  	s6 =	simm.s32 $_size__tile_overlayer_lowered;
	s7 =	simm.s32 $_tile_overlayer_lowered  }
0x14: {  	s24 =	simm.s32 $0x1BFF;
	s23 =	sshll.u32 s7, $0x1;
	s4 =	sadd.s32 s5, s21  }
0x15: {  	s8 =	simm.s32 $0x0;
	s22 =	sshll.u32 s6, $0x1;
	s6 =	sadd.s32 s23, s4  }
0x16: {  	[timem:s8], [sflag:s24] =	dma.local [hbm:s6], s22  }
0x17: {  	_ =	swait.ge [sflag:s24], s22  }
0x18: {  	s5 =	ssub.s32 $0x0, s22;
	[sflag:s24] =	ssyncset.done $0x0  }
0x19: {  	[sflag:s24] =	ssyncadd.s32 s5;
	_ =	sdelay $0x1  }
0x1a: {  	s25 =	simm.s32 $0x1B8B  }
0x1b: {  	_ =	swait.ge [sflag:s25], $0x1  }
0x1c: {  	[sflag:s25] =	ssyncset.done $0x0  }
0x1d: {  	s26 =	simm.s32 $0x1B8E;
	[sflag:s25] =	ssyncadd.s32 $0xFFFFFFFF  }
0x1e: {  	s27 =	simm.s32 $execute0_lowered;
	[smem:$0x3FD2] =	sst s26  }
0x1f: {  	s5 =	sshll.u32 s27, $0x1;
	_ =	strace $0x80000046;
	[dreg:$0x1] =	wrdreg $0xFFFFFFFF  }
0x20: {  	s28 =	simm.s32 $_size_execute0_lowered;
	s4 =	sadd.s32 s4, s5;
	[dreg:$0x0] =	wrdreg $0x0  }
0x21: {  	s5 =	sshll.u32 s28, $0x1;
	[dreg:$0x2] =	wrdreg s4  }
0x22: {  	[dreg:$0x3] =	wrdreg s5  }
0x23: {  	[dreg:$0x4] =	wrdreg $0xC0  }
0x24: {  	_ =	task [dreg:s8], $0x5FFFF  }
0x25: {  	[dreg:$0x1] =	wrdreg $0xFFFFFFFF  }
0x26: {  	[dreg:$0x0] =	wrdreg $0x60  }
0x27: {  	[dreg:$0x2] =	wrdreg s2  }
0x28: {  	[dreg:$0x3] =	wrdreg s20  }
0x29: {  	[dreg:$0x4] =	wrdreg $0x9  }
0x2a: {  	_ =	task.clear_ibuf [dreg:s8], $0x5FFFF;
	_ =	strace $0x90000046  }
0x2b: {  	s29 =	simm.s32 $0x9;
	_ =	strace $0x80000048  }
0x2c: {  	_ =	swait.ge [sflag:s29], $0x1  }
0x2d: {  	[sflag:s29] =	ssyncadd.s32 $0xFFFFFFFF  }
0x2e: {  	_ =	strace $0x90000048  }
0x2f: {  	_ =	sfence  }
0x30: {  	s30 =	sld [smem:$0x0];
	_ =	sdelay $0x2  }
0x31: {  	s31 =	sshll.u32 s1, $0xD;
	s1 =	sshrl.u32 s1, $0x2  }
0x32: {  	s3 =	sand.u32 $0x4000, s31;
	s1 =	sadd.s32 s1, s30  }
0x33: {  	s0 =	sor.u32 s3, s0;
	s1 =	sshll.u32 s1, $0x11  }
0x34: {  	s0 =	sor.u32 s1, s0  }
0x35: {  	s0 =	sadd.s32 $0x8F2B, s0  }
0x36: {  	[sflag:s0] =	ssyncadd.remote.s32 $0x1  }
0x37: {  	_ =	sfence.sel $0xFFFF  }
0x38: {  	[dreg:$0x0] =	wrdreg $0xFFFFFFFF;
	(pc) =	sbr.abs _section_cstart, $3  }
0x39: {  	[dreg:$0x1] =	wrdreg $0xFFFFFFFF  }
0x3a: {  	_ =	task.clear_ibuf [dreg:s8], $0x2FFFF;
	_ =	strace $0x9FFFFFFF  }
0x3b: {  	(tm) =	ssettm $0x7FFFFFFF  }
tec
execute0_lowered:
.L_overlay_start_1:
0x0: {  	(tag) =	ssettag $0x1  }
0x1: {  	s0 =	srdreg.scid  }
0x2: {  	s1 =	sshll.u32 s0, $0x4  }
0x3: {  	s2 =	rddreg [dreg:$0x0];
	s0 =	stileid.u32;
	s1 =	sand.u32 $0x10, s1  }
0x4: {  	s4 =	rddreg [dreg:$0x1];
	s1 =	sor.u32 s0, s1  }
0x5: {  	s7 =	simm.s32 $0x1;
	s8 =	simm.s32 $0x2;
	s3 =	sshll.u32 s1, $0x2  }
0x6: {  	s9 =	simm.s32 $0x0;
	s12 =	simm.s32 $0x0;
	s6 =	ssub.s32 $0x1000, s3  }
.Ltmp0:
0x7: {  	s11 =	simm.s32 $0x0;
	s5 =	sand.u32 $0x7C, s6;
	(pc) =	sbr.rel .LBB1_1-.Ltmp0, $4  }
0x8: {  	s1 =	rddreg [dreg:$0x2];
	_ =	strace $0x80000047;
	p0 =	sne.s32 s5, $0x0  }
0x9: {  	s6 =	sshrl.u32 s6, $0x7;
	s5 =	simm.s32 $0x1;
	s7 =	simm.s32 @!p0 $0x0  }
0xa: {  	s10 =	smov.u32 s3;
	[sflag:s5] =	ssyncpa.u1 $0x0;
	s6 =	sadd.s32 s7, s6  }
0xb: {  	[sflag:s8] =	ssyncpa.u1 $0x0;
	s8 =	simm.s32 $0x0;
	s7 =	sadd.s32 $0x1, s6  }
.LBB1_9:
0xc: {  	s14 =	sadd.s32 $0x80, s10  }
0xd: {  	p1 =	sgt.s32 s14, $0xFFF  }
0xe: {  	s14 =	smov.u32 @p1 s3;
	p1 =	sne.s32 s11, s7  }
.Ltmp1:
0xf: {  	p0 =	slt.u32 s11, $0x2;
	(pc) =	sbr.rel @!p1 .LBB1_10-.Ltmp1, $4  }
0x10: {  	s13 =	simm.s32 @!p0 $0x2  }
0x11: {  	s15 =	sadd.s32 $0x1, s11;
	_ =	swait.ge @!p0 [sflag:s13], $0x4000  }
0x12: {  	s12 =	smov.u32 s10;
	s9 =	sadd.s32 $0x4000, s9;
	[sflag:s13] =	ssyncset.done @!p0 $0x0  }
0x13: {  	s11 =	smov.u32 s15;
	s10 =	smov.u32 s14;
	[sflag:s13] =	ssyncadd.s32 @!p0 $0xFFFFC000  }
.LBB1_1:
0x14: {  	p0 =	sge.u32 s11, s6  }
0x15: {  	s13 =	sxor.u32 @!p0 $0xFFFFFFFF, s11  }
0x16: {  	s31 =	sadd.s32 $0xFFFFFFFF, s11;
	s14 =	sshll.u32 @!p0 s10, $0x9;
	s13 =	sshll.u32 @!p0 s13, $0xE  }
0x17: {  	s15 =	simm.s32 @!p0 $0x0;
	s14 =	sadd.s32 @!p0 s2, s14;
	s13 =	sand.u32 @!p0 $0x4000, s13  }
0x18: {  	[tilespmem:s13], [sflag:$0x1] =	stream.linear.gather @!p0 [hbm4b:s14+s15], $0x4000, $0x38;
	[tilespmem:$0x10000] =	vst v63  }
0x19: {  	p0 =	sge.u32 s31, s6  }
.Ltmp2:
0x1a: {  	_ = 	snop;
	(pc) =	sbr.rel @p0 .LBB1_9-.Ltmp2, $1  }
0x1b: {  	_ =	sdelay $0x3  }
0x1c: {  	s14 =	sand.u32 $0x4000, s9  }
0x1d: {  	_ =	swait.ge [sflag:s5], $0x4000;
	s15 =	sshll.u32 s11, $0xE;
	s16 =	simm.s32 $0x0  }
0x1e: {  	s13 =	sor.u32 $0x40, s14;
	[sflag:s5] =	ssyncset.done $0x0;
	s15 =	sand.u32 $0x4000, s15  }
0x1f: {  	s14 =	sor.u32 $0x8040, s14;
	[sflag:s5] =	ssyncadd.s32 $0xFFFFC000;
	s15 =	sor.u32 $0x8000, s15  }
.LBB1_3:
0x20: {  	s17 =	smov.u32 s14;
	s18 =	smov.u32 s13;
	s19 =	simm.s32 $0x0  }
.LBB1_4:
0x21: {  	v0 =	vmov s17;
	v2 =	vld [tilespmem:s18+$0x30]  }
0x22: {  	v4 =	vld [tilespmem:s18+$0xFFFFFFD0]  }
0x23: {  	v6 =	vld [tilespmem:s18+$0xFFFFFFE0]  }
0x24: {  	v7 =	vld [tilespmem:s18+$0xFFFFFFF0]  }
0x25: {  	s20 =	simm.s32 $0x0;
	v1 =	vld [tilespmem:s18+$0x0]  }
0x26: {  	v3 =	vld [tilespmem:s18+$0x10];
	[tilespmem:v0+s20+$0x30 ss:$0x1] =	vst.idx.msk $0xffff, v2  }
0x27: {  	v5 =	vld [tilespmem:s18+$0x20];
	[tilespmem:v0+s20+$0xFFFFFFD0 ss:$0x1] =	vst.idx.msk $0xffff, v4  }
0x28: {  	s21 =	sadd.s32 $0x80, s18;
	v2 =	vld [tilespmem:s18+$0xFFFFFFC0];
	[tilespmem:v0+s20+$0xFFFFFFE0 ss:$0x1] =	vst.idx.msk $0xffff, v6  }
0x29: {  	s22 =	simm.s32 $0x800;
	s23 =	simm.s32 $0x1000;
	v4 =	vld [tilespmem:s21+$0x30];
	[tilespmem:v0+s20+$0xFFFFFFF0 ss:$0x1] =	vst.idx.msk $0xffff, v7  }
.LBB1_5:
0x2a: {  	p0 =	sne.s32 s23, $0x3800;
	v6 =	vld [tilespmem:s21+$0xFFFFFFD0];
	[tilespmem:v0+s20+$0x0 ss:$0x1] =	vst.idx.msk $0xffff, v1  }
0x2b: {  	v7 =	vld [tilespmem:s21+$0xFFFFFFE0];
	[tilespmem:v0+s20+$0x10 ss:$0x1] =	vst.idx.msk $0xffff, v3  }
0x2c: {  	v8 =	vld [tilespmem:s21+$0xFFFFFFF0];
	[tilespmem:v0+s20+$0x20 ss:$0x1] =	vst.idx.msk $0xffff, v5  }
.Ltmp3:
0x2d: {  	v1 =	vld [tilespmem:s21+$0x0];
	[tilespmem:v0+s20+$0xFFFFFFC0 ss:$0x1] =	vst.idx.msk $0xffff, v2;
	s20 =	sshra.s32 s22, $0x2;
	s22 =	smov.u32 s23;
	(pc) =	sbr.rel @p0 .LBB1_5-.Ltmp3, $4  }
0x2e: {  	v3 =	vld [tilespmem:s21+$0x10];
	[tilespmem:v0+s20+$0x30 ss:$0x1] =	vst.idx.msk $0xffff, v4  }
0x2f: {  	[tilespmem:v0+s20+$0xFFFFFFD0 ss:$0x1] =	vst.idx.msk $0xffff, v6;
	v5 =	vld [tilespmem:s21+$0x20]  }
0x30: {  	v2 =	vld [tilespmem:s21+$0xFFFFFFC0];
	[tilespmem:v0+s20+$0xFFFFFFE0 ss:$0x1] =	vst.idx.msk $0xffff, v7;
	s21 =	sadd.s32 $0x80, s21  }
0x31: {  	s23 =	sadd.s32 $0x800, s23;
	v4 =	vld [tilespmem:s21+$0x30];
	[tilespmem:v0+s20+$0xFFFFFFF0 ss:$0x1] =	vst.idx.msk $0xffff, v8  }
0x32: {  	_ =	sdelay $0x3  }
0x33: {  	v6 =	vld [tilespmem:s21+$0xFFFFFFD0];
	[tilespmem:v0+s20+$0x0 ss:$0x1] =	vst.idx.msk $0xffff, v1  }
0x34: {  	v58 =	vld [tilespmem:s21+$0xFFFFFFE0];
	[tilespmem:v0+s20+$0x10 ss:$0x1] =	vst.idx.msk $0xffff, v3  }
0x35: {  	v59 =	vld [tilespmem:s21+$0xFFFFFFF0];
	[tilespmem:v0+s20+$0x20 ss:$0x1] =	vst.idx.msk $0xffff, v5  }
0x36: {  	s22 =	sshra.s32 s22, $0x2;
	v60 =	vld [tilespmem:s21+$0x0];
	[tilespmem:v0+s20+$0xFFFFFFC0 ss:$0x1] =	vst.idx.msk $0xffff, v2  }
0x37: {  	v61 =	vld [tilespmem:s21+$0x10];
	[tilespmem:v0+s22+$0x30 ss:$0x1] =	vst.idx.msk $0xffff, v4  }
0x38: {  	v62 =	vld [tilespmem:s21+$0x20];
	s19 =	sadd.s32 $0x1, s19;
	[tilespmem:v0+s22+$0xFFFFFFD0 ss:$0x1] =	vst.idx.msk $0xffff, v6  }
0x39: {  	v63 =	vld [tilespmem:s21+$0xFFFFFFC0];
	p0 =	sne.s32 s19, $0x4;
	[tilespmem:v0+s22+$0xFFFFFFE0 ss:$0x1] =	vst.idx.msk $0xffff, v58  }
.Ltmp4:
0x3a: {  	[tilespmem:v0+s22+$0xFFFFFFF0 ss:$0x1] =	vst.idx.msk $0xffff, v59;
	(pc) =	sbr.rel @p0 .LBB1_4-.Ltmp4, $4  }
0x3b: {  	[tilespmem:v0+s22+$0x0 ss:$0x1] =	vst.idx.msk $0xffff, v60  }
0x3c: {  	[tilespmem:v0+s22+$0x10 ss:$0x1] =	vst.idx.msk $0xffff, v61  }
0x3d: {  	[tilespmem:v0+s22+$0x20 ss:$0x1] =	vst.idx.msk $0xffff, v62  }
0x3e: {  	s18 =	sadd.s32 $0x400, s18;
	s17 =	sadd.s32 $0x80, s17;
	[tilespmem:v0+s22+$0xFFFFFFC0 ss:$0x1] =	vst.idx.msk $0xffff, v63  }
0x3f: {  	s16 =	sadd.s32 $0x1, s16  }
0x40: {  	p0 =	sne.s32 s16, $0x4  }
.Ltmp5:
0x41: {  	_ = 	snop;
	(pc) =	sbr.rel @p0 .LBB1_3-.Ltmp5, $2  }
0x42: {  	_ =	sdelay $0x2  }
0x43: {  	s13 =	sadd.s32 $0x1000, s13;
	s14 =	sadd.s32 $0x1000, s14  }
.Ltmp6:
0x44: {  	(pc) =	sbr.rel .LBB1_9-.Ltmp6, $4  }
0x45: {  	_ = 	snop  }
0x46: {  	s12 =	sshll.u32 s12, $0x9  }
0x47: {  	s12 =	sadd.s32 s4, s12  }
0x48: {  	[hbm4b:s12+s8] =	stream.linear.scatter [tilespmem:s15], [sflag:$0x2], $0x4000, $0x38;
	[tilespmem:$0x10000] =	vst v63  }
.LBB1_10:
0x49: {  	_ =	sfence.sel $0x180000  }
0x4a: {  	s2 =	simm.s32 $0x1;
	[bflag:$0x0] =	sbarrier.arrive $0xFFFF  }
0x4b: {  	s31 =	simm.s32 $0x2;
	[sflag:s2] =	ssyncpa.u1 $0x1  }
0x4c: {  	[sflag:s31] =	ssyncpa.u1 $0x1  }
0x4d: {  	p0 =	sne.s32 s0, $0x0;
	_ =	strace $0x90000047  }
0x4e: {  	s0 =	sadd.s32 @!p0 $0x100000, s1;
	[bflag:$0x2] =	sbarrier.arrive $0xFFFF  }
0x4f: {  	[sflag:s0] =	ssyncadd.tile.s32 @!p0 $0x1;
	_ =	shalt  }
.Lfunc_end1:
_tile_overlayer_lowered:
.L_overlay_start_2:
0x50: {  	(tag) =	ssettag $0x2  }
0x51: {  	s0 =	rddreg [dreg:$0x0];
	s2 =	stileid.u32  }
0x52: {  	s1 =	rddreg [dreg:$0x1];
	p0 =	sne.s32 s2, $0x0  }
0x53: {  	s3 =	rddreg [dreg:$0x2];
	[bflag:$0x3] =	sbarrier.arrive $0xFFFF;
	s2 =	simm.s32 @!p0 $0x1C01  }
0x54: {  	[timem:s3], [sflag:s2] =	dma.local @!p0 [hbm:s0], s1  }
0x55: {  	s0 =	simm.s32 @!p0 $0x1  }
0x56: {  	_ =	swait.ge @!p0 [sflag:s0], s1  }
0x57: {  	s1 =	ssub.s32 @!p0 $0x0, s1;
	[sflag:s0] =	ssyncset.done @!p0 $0x0  }
0x58: {  	[sflag:s0] =	ssyncadd.s32 @!p0 s1  }
0x59: {  	[bflag:$0x3] =	sbarrier.arrive $0xFFFF  }
0x5a: {  	_ =	shalt  }

</sc_bundles>
